<compile_context>
chip_gen: v7x
topology: tpu7x:2x2x1
jax: 0.10.2.dev20260603
libtpu: 0.0.44.dev20260713+nightly
codegen_flags: <defaults>
</compile_context>

<pallas_src>
import functools

import jax
import jax.numpy as jnp
from jax import lax
from jax.experimental import pallas as pl
from jax.experimental.pallas import tpu as pltpu
from jax.experimental.pallas import tpu_sc as plsc

B, T, H = 4, 2048, 1024
I = 1024
E = 64
K = 2
NT = B * T
M = NT * K

TB = 512
NB = NT // TB

BM = 288
U = M // BM + E - 1
NUM_TILES_PAD = M // BM + E
M_PAD = NUM_TILES_PAD * BM
DUMP_TILE = NUM_TILES_PAD - 1

NC, NS = 2, 16
NW = NC * NS
TPW = NT // NW
CS = 32



def _router_body(x_ref, wg_ref, idx_ref, r_ref, vals_ref, counts_ref,
                 imp_ref, aux_ref):
    b = pl.program_id(0)

    @pl.when(b == 0)
    def _():
        counts_ref[...] = jnp.zeros_like(counts_ref)
        imp_ref[...] = jnp.zeros_like(imp_ref)

    x = x_ref[...]
    logits = lax.dot_general(x, wg_ref[...], (((1,), (1,)), ((), ())),
                             preferred_element_type=jnp.float32)
    mx = jnp.max(logits, axis=-1, keepdims=True)
    ex = jnp.exp(logits - mx)
    probs = ex / jnp.sum(ex, axis=-1, keepdims=True)

    col = lax.broadcasted_iota(jnp.int32, (TB, E), 1)
    i1 = jnp.argmax(probs, axis=-1).astype(jnp.int32)
    v1 = jnp.max(probs, axis=-1)
    oh1 = col == i1[:, None]
    masked = jnp.where(oh1, -jnp.inf, probs)
    i2 = jnp.argmax(masked, axis=-1).astype(jnp.int32)
    v2 = jnp.max(masked, axis=-1)
    oh2 = col == i2[:, None]

    o0 = oh1.astype(jnp.float32)
    o1 = oh2.astype(jnp.float32)
    s = o0 + o1

    ri = lax.broadcasted_iota(jnp.int32, (TB, TB), 0)
    ci = lax.broadcasted_iota(jnp.int32, (TB, TB), 1)
    lstrict = (ci < ri).astype(jnp.float32)
    cum = lax.dot_general(lstrict, s, (((1,), (0,)), ((), ())),
                          preferred_element_type=jnp.float32)

    running = counts_ref[0, :]
    base = cum + running[None, :]
    r0 = jnp.sum(base * o0, axis=-1)
    r1 = jnp.sum(base * o1, axis=-1)

    counts_ref[0, :] = running + jnp.sum(s, axis=0)
    imp_ref[0, :] = imp_ref[0, :] + jnp.sum(probs, axis=0)

    idx_ref[0, :] = i1
    idx_ref[1, :] = i2
    r_ref[0, :] = r0.astype(jnp.int32)
    r_ref[1, :] = r1.astype(jnp.int32)
    vals_ref[0, :] = v1
    vals_ref[1, :] = v2

    @pl.when(b == NB - 1)
    def _():
        imp = imp_ref[0, :] * (1.0 / NT)
        load = counts_ref[0, :] * (1.0 / M)
        aux_ref[...] = jnp.reshape(jnp.sum(imp * load) * E, (1, 1))


def _router(x_flat, Wg):
    return pl.pallas_call(
        _router_body,
        grid=(NB,),
        in_specs=[
            pl.BlockSpec((TB, H), lambda b: (b, 0)),
            pl.BlockSpec((E, H), lambda b: (0, 0)),
        ],
        out_specs=[
            pl.BlockSpec((2, TB), lambda b: (0, b)),
            pl.BlockSpec((2, TB), lambda b: (0, b)),
            pl.BlockSpec((2, TB), lambda b: (0, b)),
            pl.BlockSpec((1, E), lambda b: (0, 0)),
            pl.BlockSpec((1, E), lambda b: (0, 0)),
            pl.BlockSpec((1, 1), lambda b: (0, 0)),
        ],
        out_shape=[
            jax.ShapeDtypeStruct((2, NT), jnp.int32),
            jax.ShapeDtypeStruct((2, NT), jnp.int32),
            jax.ShapeDtypeStruct((2, NT), jnp.float32),
            jax.ShapeDtypeStruct((1, E), jnp.float32),
            jax.ShapeDtypeStruct((1, E), jnp.float32),
            jax.ShapeDtypeStruct((1, 1), jnp.float32),
        ],
    )(x_flat, Wg)



def _group_metadata(counts_f32):
    c = counts_f32[0].astype(jnp.int32)
    tiles = (c + BM - 1) // BM
    cpad = tiles * BM
    offs_pad = jnp.cumsum(cpad) - cpad
    tcum = jnp.cumsum(tiles)
    tcum_excl = tcum - tiles
    total = tcum[E - 1]

    u = jnp.arange(U, dtype=jnp.int32)
    gid = jnp.searchsorted(tcum, u, side="right").astype(jnp.int32)
    gid = jnp.minimum(gid, E - 1)
    real = u < total
    tile = offs_pad[gid] // BM + (u - tcum_excl[gid])
    tile = jnp.where(real, tile, DUMP_TILE).astype(jnp.int32)
    valid = real.astype(jnp.int32)
    return gid, tile, valid, offs_pad.astype(jnp.int32)



def _dispatch_body(x_hbm, idx_hbm, r_hbm, vals_hbm, offs_hbm,
                   sortedx_hbm, wsorted_hbm, pt_hbm,
                   offs_v,
                   ea0_v, ea1_v, ra0_v, ra1_v, pa0_v, pa1_v, wa0_v, wa1_v,
                   xa_v,
                   eb0_v, eb1_v, rb0_v, rb1_v, pb0_v, pb1_v, wb0_v, wb1_v,
                   xb_v,
                   semi, sems):
    wid = lax.axis_index("s") * NC + lax.axis_index("c")
    base = wid * TPW
    pltpu.sync_copy(offs_hbm, offs_v)

    def issue_loads(t0, e0_v, e1_v, r0_v, r1_v, w0_v, w1_v, x_v):
        sl_t = pl.ds(t0, CS)
        return [
            pltpu.async_copy(idx_hbm.at[0, sl_t], e0_v, semi),
            pltpu.async_copy(idx_hbm.at[1, sl_t], e1_v, semi),
            pltpu.async_copy(r_hbm.at[0, sl_t], r0_v, semi),
            pltpu.async_copy(r_hbm.at[1, sl_t], r1_v, semi),
            pltpu.async_copy(vals_hbm.at[0, sl_t], w0_v, semi),
            pltpu.async_copy(vals_hbm.at[1, sl_t], w1_v, semi),
            pltpu.async_copy(x_hbm.at[sl_t], x_v, semi),
        ]

    def compute_p(e0_v, e1_v, r0_v, r1_v, p0_v, p1_v):
        for e_v, r_v, p_v in ((e0_v, r0_v, p0_v), (e1_v, r1_v, p1_v)):
            for v in range(CS // 16):
                sl = pl.ds(v * 16, 16)
                g = plsc.load_gather(offs_v, [e_v[sl]])
                p_v[sl] = g + r_v[sl]

    def issue_stores(t0, p0_v, p1_v, w0_v, w1_v, x_v):
        sl_t = pl.ds(t0, CS)
        return [
            pltpu.async_copy(p0_v, pt_hbm.at[0, sl_t], sems),
            pltpu.async_copy(p1_v, pt_hbm.at[1, sl_t], sems),
            pltpu.async_copy(w0_v, wsorted_hbm.at[p0_v], sems),
            pltpu.async_copy(w1_v, wsorted_hbm.at[p1_v], sems),
            pltpu.async_copy(x_v, sortedx_hbm.at[p0_v], sems),
            pltpu.async_copy(x_v, sortedx_hbm.at[p1_v], sems),
        ]

    def pair(t, _):
        ta = base + (2 * t) * CS
        tb = ta + CS
        la = issue_loads(ta, ea0_v, ea1_v, ra0_v, ra1_v, wa0_v, wa1_v, xa_v)
        lb = issue_loads(tb, eb0_v, eb1_v, rb0_v, rb1_v, wb0_v, wb1_v, xb_v)
        for d in la:
            d.wait()
        compute_p(ea0_v, ea1_v, ra0_v, ra1_v, pa0_v, pa1_v)
        sa = issue_stores(ta, pa0_v, pa1_v, wa0_v, wa1_v, xa_v)
        for d in lb:
            d.wait()
        compute_p(eb0_v, eb1_v, rb0_v, rb1_v, pb0_v, pb1_v)
        sb = issue_stores(tb, pb0_v, pb1_v, wb0_v, wb1_v, xb_v)
        for d in sa:
            d.wait()
        for d in sb:
            d.wait()
        return 0

    lax.fori_loop(0, TPW // (2 * CS), pair, 0)


def _dispatch(x_flat, idx_t, r_t, vals_t, offsets):
    mesh = plsc.VectorSubcoreMesh(core_axis_name="c", subcore_axis_name="s", num_cores=NC, num_subcores=NS)
    f = pl.kernel(
        _dispatch_body,
        out_type=[
            jax.ShapeDtypeStruct((M_PAD, H), jnp.float32),
            jax.ShapeDtypeStruct((M_PAD,), jnp.float32),
            jax.ShapeDtypeStruct((2, NT), jnp.int32),
        ],
        mesh=mesh,
        compiler_params=pltpu.CompilerParams(needs_layout_passes=False),
        scratch_types=(
            [pltpu.VMEM((E,), jnp.int32)]
            + 2 * ([pltpu.VMEM((CS,), jnp.int32)] * 6
                   + [pltpu.VMEM((CS,), jnp.float32)] * 2
                   + [pltpu.VMEM((CS, H), jnp.float32)])
            + [pltpu.SemaphoreType.DMA, pltpu.SemaphoreType.DMA]
        ),
    )
    return f(x_flat, idx_t, r_t, vals_t, offsets)



def _gmm_body(gid_ref, tile_ref, valid_ref, xs_ref, w1_ref, w2_ref, ws_ref,
              out_ref):
    u = pl.program_id(0)

    @pl.when(valid_ref[u] == 1)
    def _():
        x = xs_ref[...]
        h = lax.dot_general(x.astype(jnp.bfloat16),
                            w1_ref[0].astype(jnp.bfloat16),
                            (((1,), (1,)), ((), ())),
                            preferred_element_type=jnp.float32)
        h = h * jax.nn.sigmoid(h)
        h = h * ws_ref[0, 0, :][:, None]
        out_ref[...] = lax.dot_general(h.astype(jnp.bfloat16),
                                       w2_ref[0].astype(jnp.bfloat16),
                                       (((1,), (1,)), ((), ())),
                                       preferred_element_type=jnp.float32)


def _gmm(sorted_x, w_sorted, W1, W2, gid, tile, valid):
    ws3 = w_sorted.reshape(NUM_TILES_PAD, 1, BM)
    grid_spec = pltpu.PrefetchScalarGridSpec(
        num_scalar_prefetch=3,
        grid=(U,),
        in_specs=[
            pl.BlockSpec((BM, H), lambda u, g, t, v: (t[u], 0)),
            pl.BlockSpec((1, I, H), lambda u, g, t, v: (g[u], 0, 0)),
            pl.BlockSpec((1, H, I), lambda u, g, t, v: (g[u], 0, 0)),
            pl.BlockSpec((1, 1, BM), lambda u, g, t, v: (t[u], 0, 0)),
        ],
        out_specs=pl.BlockSpec((BM, H), lambda u, g, t, v: (t[u], 0)),
    )
    return pl.pallas_call(
        _gmm_body,
        grid_spec=grid_spec,
        out_shape=jax.ShapeDtypeStruct((M_PAD, H), jnp.float32),
    )(gid, tile, valid, sorted_x, W1, W2, ws3)



CSC = 16


def _combine_body(outs_hbm, pt_hbm, y_hbm,
                  pa0_v, pa1_v, pb0_v, pb1_v, a0_v, a1_v, b0_v, b1_v,
                  semi, semg, sems):
    wid = lax.axis_index("s") * NC + lax.axis_index("c")
    base = wid * TPW

    def adds(lo_v, hi_v):
        def row(i, _):
            for v in range(H // 16):
                sl = pl.ds(v * 16, 16)
                lo_v[i, sl] = lo_v[i, sl] + hi_v[i, sl]
            return 0
        lax.fori_loop(0, CSC, row, 0)

    def pair(t, _):
        ta = base + (2 * t) * CSC
        tb = ta + CSC
        la0 = pltpu.async_copy(pt_hbm.at[0, pl.ds(ta, CSC)], pa0_v, semi)
        la1 = pltpu.async_copy(pt_hbm.at[1, pl.ds(ta, CSC)], pa1_v, semi)
        lb0 = pltpu.async_copy(pt_hbm.at[0, pl.ds(tb, CSC)], pb0_v, semi)
        lb1 = pltpu.async_copy(pt_hbm.at[1, pl.ds(tb, CSC)], pb1_v, semi)
        la0.wait()
        la1.wait()
        ga0 = pltpu.async_copy(outs_hbm.at[pa0_v], a0_v, semg)
        ga1 = pltpu.async_copy(outs_hbm.at[pa1_v], a1_v, semg)
        lb0.wait()
        lb1.wait()
        gb0 = pltpu.async_copy(outs_hbm.at[pb0_v], b0_v, semg)
        gb1 = pltpu.async_copy(outs_hbm.at[pb1_v], b1_v, semg)
        ga0.wait()
        ga1.wait()
        adds(a0_v, a1_v)
        sa = pltpu.async_copy(a0_v, y_hbm.at[pl.ds(ta, CSC)], sems)
        gb0.wait()
        gb1.wait()
        adds(b0_v, b1_v)
        sb = pltpu.async_copy(b0_v, y_hbm.at[pl.ds(tb, CSC)], sems)
        sa.wait()
        sb.wait()
        return 0

    lax.fori_loop(0, TPW // (2 * CSC), pair, 0)


def _combine(out_s, p_t):
    mesh = plsc.VectorSubcoreMesh(core_axis_name="c", subcore_axis_name="s", num_cores=NC, num_subcores=NS)
    f = pl.kernel(
        _combine_body,
        out_type=jax.ShapeDtypeStruct((NT, H), jnp.float32),
        mesh=mesh,
        compiler_params=pltpu.CompilerParams(needs_layout_passes=False),
        scratch_types=[
            pltpu.VMEM((CSC,), jnp.int32),
            pltpu.VMEM((CSC,), jnp.int32),
            pltpu.VMEM((CSC,), jnp.int32),
            pltpu.VMEM((CSC,), jnp.int32),
            pltpu.VMEM((CSC, H), jnp.float32),
            pltpu.VMEM((CSC, H), jnp.float32),
            pltpu.VMEM((CSC, H), jnp.float32),
            pltpu.VMEM((CSC, H), jnp.float32),
            pltpu.SemaphoreType.DMA,
            pltpu.SemaphoreType.DMA,
            pltpu.SemaphoreType.DMA,
        ],
    )
    return f(out_s, p_t)



def kernel(x, Wg, W1, W2):
    x_flat = x.reshape(NT, H)
    idx_t, r_t, vals_t, counts, imp, aux = _router(x_flat, Wg)
    del imp
    gid, tile, valid, offsets = _group_metadata(counts)
    sorted_x, w_sorted, p_t = _dispatch(x_flat, idx_t, r_t, vals_t, offsets)
    out_s = _gmm(sorted_x, w_sorted, W1, W2, gid, tile, valid)
    y_flat = _combine(out_s, p_t)
    return y_flat.reshape(B, T, H), aux[0, 0]

# --- scband reference (transcript-rebuilt; emitter-appended) ---
"""Pipeline reference for scband-qwen3-omni-moe-mlp-24867860643890 (READ-ONLY COPY).

The authoritative reference and input builder live on the scoring server;
editing this copy changes nothing except your own understanding.
"""

import jax, jax.numpy as jnp
import numpy as np

B, T, H = 4, 2048, 1024
I = 1024
E = 64
K = 2


def setup_inputs(seed: int = 0) -> dict:
    key = jax.random.key(seed)
    k1, k2, k3, k4 = jax.random.split(key, 4)
    x = jax.random.normal(k1, (B, T, H), dtype=jnp.float32)
    Wg = jax.random.normal(k2, (E, H), dtype=jnp.float32) * 0.02
    W1 = jax.random.normal(k3, (E, I, H), dtype=jnp.float32) * 0.02
    W2 = jax.random.normal(k4, (E, H, I), dtype=jnp.float32) * 0.02
    return {"x": x, "Wg": Wg, "W1": W1, "W2": W2}


def reference(x, Wg, W1, W2):
    Bb, Tt, Hh = x.shape
    Ee = Wg.shape[0]
    nt = Bb * Tt
    x_flat = x.reshape(nt, Hh)
    gate_logits = x_flat @ Wg.T
    gate_probs = jax.nn.softmax(gate_logits, axis=-1)
    topk_vals, topk_idx = jax.lax.top_k(gate_probs, K)
    scores_flat = topk_vals.reshape(-1)
    expert_idx_flat = topk_idx.reshape(-1)
    token_idx_flat = jnp.repeat(jnp.arange(nt), K)
    importance = gate_probs.mean(axis=0)
    load = jnp.bincount(expert_idx_flat, length=Ee).astype(gate_probs.dtype) / expert_idx_flat.shape[0]
    aux_loss = (importance * load).sum() * Ee
    y_flat = jnp.zeros_like(x_flat)
    del scores_flat, token_idx_flat
    for e in range(Ee):
        w_e = jnp.sum(jnp.where(topk_idx == e, topk_vals, jnp.zeros_like(topk_vals)), axis=1)
        h = jax.nn.silu(x_flat @ W1[e].T)
        out_e = h @ W2[e].T
        y_flat = y_flat + out_e * w_e[:, None]
    return y_flat.reshape(Bb, Tt, Hh), aux_loss

if __name__ == "__main__":
    import jax
    _d = setup_inputs()
    print(jax.jit(kernel)(*tuple(_d.values())))

</pallas_src>

<mosaic_0001>
#map = affine_map<(d0, d1) -> (0, 0)>
#map1 = affine_map<(d0, d1) -> (0)>
module attributes {stable_mosaic.version = 14 : i64} {
  func.func @_dispatch_body(%arg0: i32, %arg1: i32, %arg2: memref<8192x1024xf32, #tpu.memory_space<hbm>>, %arg3: memref<2x8192xi32, #tpu.memory_space<hbm>>, %arg4: memref<2x8192xi32, #tpu.memory_space<hbm>>, %arg5: memref<2x8192xf32, #tpu.memory_space<hbm>>, %arg6: memref<64xi32, #tpu.memory_space<hbm>>, %arg7: memref<34560x1024xf32, #tpu.memory_space<hbm>>, %arg8: memref<34560xf32, #tpu.memory_space<hbm>>, %arg9: memref<2x8192xi32, #tpu.memory_space<hbm>>, %arg10: memref<64xi32, #tpu.memory_space<vmem>>, %arg11: memref<32xi32, #tpu.memory_space<vmem>>, %arg12: memref<32xi32, #tpu.memory_space<vmem>>, %arg13: memref<32xi32, #tpu.memory_space<vmem>>, %arg14: memref<32xi32, #tpu.memory_space<vmem>>, %arg15: memref<32xi32, #tpu.memory_space<vmem>>, %arg16: memref<32xi32, #tpu.memory_space<vmem>>, %arg17: memref<32xf32, #tpu.memory_space<vmem>>, %arg18: memref<32xf32, #tpu.memory_space<vmem>>, %arg19: memref<32x1024xf32, #tpu.memory_space<vmem>>, %arg20: memref<32xi32, #tpu.memory_space<vmem>>, %arg21: memref<32xi32, #tpu.memory_space<vmem>>, %arg22: memref<32xi32, #tpu.memory_space<vmem>>, %arg23: memref<32xi32, #tpu.memory_space<vmem>>, %arg24: memref<32xi32, #tpu.memory_space<vmem>>, %arg25: memref<32xi32, #tpu.memory_space<vmem>>, %arg26: memref<32xf32, #tpu.memory_space<vmem>>, %arg27: memref<32xf32, #tpu.memory_space<vmem>>, %arg28: memref<32x1024xf32, #tpu.memory_space<vmem>>, %arg29: memref<!tpu.dma_semaphore, #tpu.memory_space<semaphore_mem>>, %arg30: memref<!tpu.dma_semaphore, #tpu.memory_space<semaphore_mem>>) attributes {dimension_semantics = [#tpu.dimension_semantics<core_parallel>, #tpu.dimension_semantics<subcore_parallel>], iteration_bounds = array<i64: 2, 16>, scalar_prefetch = 0 : i64, scratch_operands = 21 : i64, tpu.core_type = #tpu.core_type<sc_vector_subcore>, window_params = [{transform_indices = #map}, {transform_indices = #map}, {transform_indices = #map}, {transform_indices = #map}, {transform_indices = #map1}, {transform_indices = #map}, {transform_indices = #map1}, {transform_indices = #map}]} {
    %mul3A = arith.constant 2 : i32
    %mul3A_0 = arith.muli %arg1, %mul3A : i32
    %add3A = arith.addi %mul3A_0, %arg0 : i32
    %mul3A_1 = arith.constant 256 : i32
    %mul3A_2 = arith.muli %add3A, %mul3A_1 : i32
    "tpu.region"() ({
      %run_scoped3A = tpu.sem_alloc : memref<!tpu.dma_semaphore, #tpu.memory_space<semaphore_mem>>
      tpu.enqueue_dma source(%arg6 : memref<64xi32, #tpu.memory_space<hbm>>) target(%arg10 : memref<64xi32, #tpu.memory_space<vmem>>) target_semaphore(%run_scoped3A : memref<!tpu.dma_semaphore, #tpu.memory_space<semaphore_mem>>)
      tpu.wait_dma2 semaphore(%run_scoped3A : memref<!tpu.dma_semaphore, #tpu.memory_space<semaphore_mem>>) src(%arg6 : memref<64xi32, #tpu.memory_space<hbm>>) dst(%arg10 : memref<64xi32, #tpu.memory_space<vmem>>)
      tpu.yield
    }) : () -> ()
    %scan3A = arith.constant 0 : i32
    %scan3A_3 = arith.constant 0 : i32
    %scan3A_4 = arith.constant 4 : i32
    %scan3A_5 = arith.addi %scan3A_3, %scan3A_4 : i32
    %scan3A_6 = arith.constant 1 : i32
    %scan3A_7 = scf.for %scan3A_9 = %scan3A_3 to %scan3A_5 step %scan3A_6 iter_args(%scan3A_10 = %scan3A) -> (i32)  : i32 {
      %mul3A_11 = arith.constant 2 : i32
      %mul3A_12 = arith.muli %mul3A_11, %scan3A_9 : i32
      %mul3A_13 = arith.constant 32 : i32
      %mul3A_14 = arith.muli %mul3A_12, %mul3A_13 : i32
      %add3A_15 = arith.addi %mul3A_2, %mul3A_14 : i32
      %add3A_16 = arith.constant 32 : i32
      %add3A_17 = arith.addi %add3A_15, %add3A_16 : i32
      %dma_start3A = arith.constant 0 : i32
      %dma_start3A_18 = tpu.memref_slice %arg3[%dma_start3A, %add3A_15] : memref<2x8192xi32, #tpu.memory_space<hbm>> -> memref<1x32xi32, #tpu.memory_space<hbm>>
      %dma_start3A_19 = tpu.memref_squeeze %dma_start3A_18 : memref<1x32xi32, #tpu.memory_space<hbm>> -> memref<32xi32, #tpu.memory_space<hbm>>
      %dma_start3A_20 = tpu.memref_slice %arg3[%dma_start3A, %add3A_15] : memref<2x8192xi32, #tpu.memory_space<hbm>> -> memref<1x32xi32, #tpu.memory_space<hbm>>
      %dma_start3A_21 = tpu.memref_squeeze %dma_start3A_20 : memref<1x32xi32, #tpu.memory_space<hbm>> -> memref<32xi32, #tpu.memory_space<hbm>>
      tpu.enqueue_dma source(%dma_start3A_21 : memref<32xi32, #tpu.memory_space<hbm>>) target(%arg11 : memref<32xi32, #tpu.memory_space<vmem>>) target_semaphore(%arg29 : memref<!tpu.dma_semaphore, #tpu.memory_space<semaphore_mem>>)
      %dma_start3A_22 = arith.constant 1 : i32
      %dma_start3A_23 = tpu.memref_slice %arg3[%dma_start3A_22, %add3A_15] : memref<2x8192xi32, #tpu.memory_space<hbm>> -> memref<1x32xi32, #tpu.memory_space<hbm>>
      %dma_start3A_24 = tpu.memref_squeeze %dma_start3A_23 : memref<1x32xi32, #tpu.memory_space<hbm>> -> memref<32xi32, #tpu.memory_space<hbm>>
      %dma_start3A_25 = tpu.memref_slice %arg3[%dma_start3A_22, %add3A_15] : memref<2x8192xi32, #tpu.memory_space<hbm>> -> memref<1x32xi32, #tpu.memory_space<hbm>>
      %dma_start3A_26 = tpu.memref_squeeze %dma_start3A_25 : memref<1x32xi32, #tpu.memory_space<hbm>> -> memref<32xi32, #tpu.memory_space<hbm>>
      tpu.enqueue_dma source(%dma_start3A_26 : memref<32xi32, #tpu.memory_space<hbm>>) target(%arg12 : memref<32xi32, #tpu.memory_space<vmem>>) target_semaphore(%arg29 : memref<!tpu.dma_semaphore, #tpu.memory_space<semaphore_mem>>)
      %dma_start3A_27 = arith.constant 0 : i32
      %dma_start3A_28 = tpu.memref_slice %arg4[%dma_start3A_27, %add3A_15] : memref<2x8192xi32, #tpu.memory_space<hbm>> -> memref<1x32xi32, #tpu.memory_space<hbm>>
      %dma_start3A_29 = tpu.memref_squeeze %dma_start3A_28 : memref<1x32xi32, #tpu.memory_space<hbm>> -> memref<32xi32, #tpu.memory_space<hbm>>
      %dma_start3A_30 = tpu.memref_slice %arg4[%dma_start3A_27, %add3A_15] : memref<2x8192xi32, #tpu.memory_space<hbm>> -> memref<1x32xi32, #tpu.memory_space<hbm>>
      %dma_start3A_31 = tpu.memref_squeeze %dma_start3A_30 : memref<1x32xi32, #tpu.memory_space<hbm>> -> memref<32xi32, #tpu.memory_space<hbm>>
      tpu.enqueue_dma source(%dma_start3A_31 : memref<32xi32, #tpu.memory_space<hbm>>) target(%arg13 : memref<32xi32, #tpu.memory_space<vmem>>) target_semaphore(%arg29 : memref<!tpu.dma_semaphore, #tpu.memory_space<semaphore_mem>>)
      %dma_start3A_32 = arith.constant 1 : i32
      %dma_start3A_33 = tpu.memref_slice %arg4[%dma_start3A_32, %add3A_15] : memref<2x8192xi32, #tpu.memory_space<hbm>> -> memref<1x32xi32, #tpu.memory_space<hbm>>
      %dma_start3A_34 = tpu.memref_squeeze %dma_start3A_33 : memref<1x32xi32, #tpu.memory_space<hbm>> -> memref<32xi32, #tpu.memory_space<hbm>>
      %dma_start3A_35 = tpu.memref_slice %arg4[%dma_start3A_32, %add3A_15] : memref<2x8192xi32, #tpu.memory_space<hbm>> -> memref<1x32xi32, #tpu.memory_space<hbm>>
      %dma_start3A_36 = tpu.memref_squeeze %dma_start3A_35 : memref<1x32xi32, #tpu.memory_space<hbm>> -> memref<32xi32, #tpu.memory_space<hbm>>
      tpu.enqueue_dma source(%dma_start3A_36 : memref<32xi32, #tpu.memory_space<hbm>>) target(%arg14 : memref<32xi32, #tpu.memory_space<vmem>>) target_semaphore(%arg29 : memref<!tpu.dma_semaphore, #tpu.memory_space<semaphore_mem>>)
      %dma_start3A_37 = arith.constant 0 : i32
      %dma_start3A_38 = tpu.memref_slice %arg5[%dma_start3A_37, %add3A_15] : memref<2x8192xf32, #tpu.memory_space<hbm>> -> memref<1x32xf32, #tpu.memory_space<hbm>>
      %dma_start3A_39 = tpu.memref_squeeze %dma_start3A_38 : memref<1x32xf32, #tpu.memory_space<hbm>> -> memref<32xf32, #tpu.memory_space<hbm>>
      %dma_start3A_40 = tpu.memref_slice %arg5[%dma_start3A_37, %add3A_15] : memref<2x8192xf32, #tpu.memory_space<hbm>> -> memref<1x32xf32, #tpu.memory_space<hbm>>
      %dma_start3A_41 = tpu.memref_squeeze %dma_start3A_40 : memref<1x32xf32, #tpu.memory_space<hbm>> -> memref<32xf32, #tpu.memory_space<hbm>>
      tpu.enqueue_dma source(%dma_start3A_41 : memref<32xf32, #tpu.memory_space<hbm>>) target(%arg17 : memref<32xf32, #tpu.memory_space<vmem>>) target_semaphore(%arg29 : memref<!tpu.dma_semaphore, #tpu.memory_space<semaphore_mem>>)
      %dma_start3A_42 = arith.constant 1 : i32
      %dma_start3A_43 = tpu.memref_slice %arg5[%dma_start3A_42, %add3A_15] : memref<2x8192xf32, #tpu.memory_space<hbm>> -> memref<1x32xf32, #tpu.memory_space<hbm>>
      %dma_start3A_44 = tpu.memref_squeeze %dma_start3A_43 : memref<1x32xf32, #tpu.memory_space<hbm>> -> memref<32xf32, #tpu.memory_space<hbm>>
      %dma_start3A_45 = tpu.memref_slice %arg5[%dma_start3A_42, %add3A_15] : memref<2x8192xf32, #tpu.memory_space<hbm>> -> memref<1x32xf32, #tpu.memory_space<hbm>>
      %dma_start3A_46 = tpu.memref_squeeze %dma_start3A_45 : memref<1x32xf32, #tpu.memory_space<hbm>> -> memref<32xf32, #tpu.memory_space<hbm>>
      tpu.enqueue_dma source(%dma_start3A_46 : memref<32xf32, #tpu.memory_space<hbm>>) target(%arg18 : memref<32xf32, #tpu.memory_space<vmem>>) target_semaphore(%arg29 : memref<!tpu.dma_semaphore, #tpu.memory_space<semaphore_mem>>)
      %dma_start3A_47 = arith.constant 0 : i32
      %dma_start3A_48 = tpu.memref_slice %arg2[%add3A_15, %dma_start3A_47] : memref<8192x1024xf32, #tpu.memory_space<hbm>> -> memref<32x1024xf32, #tpu.memory_space<hbm>>
      %dma_start3A_49 = arith.constant 0 : i32
      %dma_start3A_50 = tpu.memref_slice %arg2[%add3A_15, %dma_start3A_49] : memref<8192x1024xf32, #tpu.memory_space<hbm>> -> memref<32x1024xf32, #tpu.memory_space<hbm>>
      tpu.enqueue_dma source(%dma_start3A_50 : memref<32x1024xf32, #tpu.memory_space<hbm>>) target(%arg19 : memref<32x1024xf32, #tpu.memory_space<vmem>>) target_semaphore(%arg29 : memref<!tpu.dma_semaphore, #tpu.memory_space<semaphore_mem>>)
      %dma_start3A_51 = arith.constant 0 : i32
      %dma_start3A_52 = tpu.memref_slice %arg3[%dma_start3A_51, %add3A_17] : memref<2x8192xi32, #tpu.memory_space<hbm>> -> memref<1x32xi32, #tpu.memory_space<hbm>>
      %dma_start3A_53 = tpu.memref_squeeze %dma_start3A_52 : memref<1x32xi32, #tpu.memory_space<hbm>> -> memref<32xi32, #tpu.memory_space<hbm>>
      %dma_start3A_54 = tpu.memref_slice %arg3[%dma_start3A_51, %add3A_17] : memref<2x8192xi32, #tpu.memory_space<hbm>> -> memref<1x32xi32, #tpu.memory_space<hbm>>
      %dma_start3A_55 = tpu.memref_squeeze %dma_start3A_54 : memref<1x32xi32, #tpu.memory_space<hbm>> -> memref<32xi32, #tpu.memory_space<hbm>>
      tpu.enqueue_dma source(%dma_start3A_55 : memref<32xi32, #tpu.memory_space<hbm>>) target(%arg20 : memref<32xi32, #tpu.memory_space<vmem>>) target_semaphore(%arg29 : memref<!tpu.dma_semaphore, #tpu.memory_space<semaphore_mem>>)
      %dma_start3A_56 = arith.constant 1 : i32
      %dma_start3A_57 = tpu.memref_slice %arg3[%dma_start3A_56, %add3A_17] : memref<2x8192xi32, #tpu.memory_space<hbm>> -> memref<1x32xi32, #tpu.memory_space<hbm>>
      %dma_start3A_58 = tpu.memref_squeeze %dma_start3A_57 : memref<1x32xi32, #tpu.memory_space<hbm>> -> memref<32xi32, #tpu.memory_space<hbm>>
      %dma_start3A_59 = tpu.memref_slice %arg3[%dma_start3A_56, %add3A_17] : memref<2x8192xi32, #tpu.memory_space<hbm>> -> memref<1x32xi32, #tpu.memory_space<hbm>>
      %dma_start3A_60 = tpu.memref_squeeze %dma_start3A_59 : memref<1x32xi32, #tpu.memory_space<hbm>> -> memref<32xi32, #tpu.memory_space<hbm>>
      tpu.enqueue_dma source(%dma_start3A_60 : memref<32xi32, #tpu.memory_space<hbm>>) target(%arg21 : memref<32xi32, #tpu.memory_space<vmem>>) target_semaphore(%arg29 : memref<!tpu.dma_semaphore, #tpu.memory_space<semaphore_mem>>)
      %dma_start3A_61 = arith.constant 0 : i32
      %dma_start3A_62 = tpu.memref_slice %arg4[%dma_start3A_61, %add3A_17] : memref<2x8192xi32, #tpu.memory_space<hbm>> -> memref<1x32xi32, #tpu.memory_space<hbm>>
      %dma_start3A_63 = tpu.memref_squeeze %dma_start3A_62 : memref<1x32xi32, #tpu.memory_space<hbm>> -> memref<32xi32, #tpu.memory_space<hbm>>
      %dma_start3A_64 = tpu.memref_slice %arg4[%dma_start3A_61, %add3A_17] : memref<2x8192xi32, #tpu.memory_space<hbm>> -> memref<1x32xi32, #tpu.memory_space<hbm>>
      %dma_start3A_65 = tpu.memref_squeeze %dma_start3A_64 : memref<1x32xi32, #tpu.memory_space<hbm>> -> memref<32xi32, #tpu.memory_space<hbm>>
      tpu.enqueue_dma source(%dma_start3A_65 : memref<32xi32, #tpu.memory_space<hbm>>) target(%arg22 : memref<32xi32, #tpu.memory_space<vmem>>) target_semaphore(%arg29 : memref<!tpu.dma_semaphore, #tpu.memory_space<semaphore_mem>>)
      %dma_start3A_66 = arith.constant 1 : i32
      %dma_start3A_67 = tpu.memref_slice %arg4[%dma_start3A_66, %add3A_17] : memref<2x8192xi32, #tpu.memory_space<hbm>> -> memref<1x32xi32, #tpu.memory_space<hbm>>
      %dma_start3A_68 = tpu.memref_squeeze %dma_start3A_67 : memref<1x32xi32, #tpu.memory_space<hbm>> -> memref<32xi32, #tpu.memory_space<hbm>>
      %dma_start3A_69 = tpu.memref_slice %arg4[%dma_start3A_66, %add3A_17] : memref<2x8192xi32, #tpu.memory_space<hbm>> -> memref<1x32xi32, #tpu.memory_space<hbm>>
      %dma_start3A_70 = tpu.memref_squeeze %dma_start3A_69 : memref<1x32xi32, #tpu.memory_space<hbm>> -> memref<32xi32, #tpu.memory_space<hbm>>
      tpu.enqueue_dma source(%dma_start3A_70 : memref<32xi32, #tpu.memory_space<hbm>>) target(%arg23 : memref<32xi32, #tpu.memory_space<vmem>>) target_semaphore(%arg29 : memref<!tpu.dma_semaphore, #tpu.memory_space<semaphore_mem>>)
      %dma_start3A_71 = arith.constant 0 : i32
      %dma_start3A_72 = tpu.memref_slice %arg5[%dma_start3A_71, %add3A_17] : memref<2x8192xf32, #tpu.memory_space<hbm>> -> memref<1x32xf32, #tpu.memory_space<hbm>>
      %dma_start3A_73 = tpu.memref_squeeze %dma_start3A_72 : memref<1x32xf32, #tpu.memory_space<hbm>> -> memref<32xf32, #tpu.memory_space<hbm>>
      %dma_start3A_74 = tpu.memref_slice %arg5[%dma_start3A_71, %add3A_17] : memref<2x8192xf32, #tpu.memory_space<hbm>> -> memref<1x32xf32, #tpu.memory_space<hbm>>
      %dma_start3A_75 = tpu.memref_squeeze %dma_start3A_74 : memref<1x32xf32, #tpu.memory_space<hbm>> -> memref<32xf32, #tpu.memory_space<hbm>>
      tpu.enqueue_dma source(%dma_start3A_75 : memref<32xf32, #tpu.memory_space<hbm>>) target(%arg26 : memref<32xf32, #tpu.memory_space<vmem>>) target_semaphore(%arg29 : memref<!tpu.dma_semaphore, #tpu.memory_space<semaphore_mem>>)
      %dma_start3A_76 = arith.constant 1 : i32
      %dma_start3A_77 = tpu.memref_slice %arg5[%dma_start3A_76, %add3A_17] : memref<2x8192xf32, #tpu.memory_space<hbm>> -> memref<1x32xf32, #tpu.memory_space<hbm>>
      %dma_start3A_78 = tpu.memref_squeeze %dma_start3A_77 : memref<1x32xf32, #tpu.memory_space<hbm>> -> memref<32xf32, #tpu.memory_space<hbm>>
      %dma_start3A_79 = tpu.memref_slice %arg5[%dma_start3A_76, %add3A_17] : memref<2x8192xf32, #tpu.memory_space<hbm>> -> memref<1x32xf32, #tpu.memory_space<hbm>>
      %dma_start3A_80 = tpu.memref_squeeze %dma_start3A_79 : memref<1x32xf32, #tpu.memory_space<hbm>> -> memref<32xf32, #tpu.memory_space<hbm>>
      tpu.enqueue_dma source(%dma_start3A_80 : memref<32xf32, #tpu.memory_space<hbm>>) target(%arg27 : memref<32xf32, #tpu.memory_space<vmem>>) target_semaphore(%arg29 : memref<!tpu.dma_semaphore, #tpu.memory_space<semaphore_mem>>)
      %dma_start3A_81 = arith.constant 0 : i32
      %dma_start3A_82 = tpu.memref_slice %arg2[%add3A_17, %dma_start3A_81] : memref<8192x1024xf32, #tpu.memory_space<hbm>> -> memref<32x1024xf32, #tpu.memory_space<hbm>>
      %dma_start3A_83 = arith.constant 0 : i32
      %dma_start3A_84 = tpu.memref_slice %arg2[%add3A_17, %dma_start3A_83] : memref<8192x1024xf32, #tpu.memory_space<hbm>> -> memref<32x1024xf32, #tpu.memory_space<hbm>>
      tpu.enqueue_dma source(%dma_start3A_84 : memref<32x1024xf32, #tpu.memory_space<hbm>>) target(%arg28 : memref<32x1024xf32, #tpu.memory_space<vmem>>) target_semaphore(%arg29 : memref<!tpu.dma_semaphore, #tpu.memory_space<semaphore_mem>>)
      %dma_wait3A = arith.constant 0 : i32
      %dma_wait3A_85 = tpu.memref_slice %arg3[%dma_wait3A, %add3A_15] : memref<2x8192xi32, #tpu.memory_space<hbm>> -> memref<1x32xi32, #tpu.memory_space<hbm>>
      %dma_wait3A_86 = tpu.memref_squeeze %dma_wait3A_85 : memref<1x32xi32, #tpu.memory_space<hbm>> -> memref<32xi32, #tpu.memory_space<hbm>>
      %dma_wait3A_87 = tpu.memref_slice %arg3[%dma_wait3A, %add3A_15] : memref<2x8192xi32, #tpu.memory_space<hbm>> -> memref<1x32xi32, #tpu.memory_space<hbm>>
      %dma_wait3A_88 = tpu.memref_squeeze %dma_wait3A_87 : memref<1x32xi32, #tpu.memory_space<hbm>> -> memref<32xi32, #tpu.memory_space<hbm>>
      tpu.wait_dma2 semaphore(%arg29 : memref<!tpu.dma_semaphore, #tpu.memory_space<semaphore_mem>>) src(%dma_wait3A_88 : memref<32xi32, #tpu.memory_space<hbm>>) dst(%arg11 : memref<32xi32, #tpu.memory_space<vmem>>)
      %dma_wait3A_89 = arith.constant 1 : i32
      %dma_wait3A_90 = tpu.memref_slice %arg3[%dma_wait3A_89, %add3A_15] : memref<2x8192xi32, #tpu.memory_space<hbm>> -> memref<1x32xi32, #tpu.memory_space<hbm>>
      %dma_wait3A_91 = tpu.memref_squeeze %dma_wait3A_90 : memref<1x32xi32, #tpu.memory_space<hbm>> -> memref<32xi32, #tpu.memory_space<hbm>>
      %dma_wait3A_92 = tpu.memref_slice %arg3[%dma_wait3A_89, %add3A_15] : memref<2x8192xi32, #tpu.memory_space<hbm>> -> memref<1x32xi32, #tpu.memory_space<hbm>>
      %dma_wait3A_93 = tpu.memref_squeeze %dma_wait3A_92 : memref<1x32xi32, #tpu.memory_space<hbm>> -> memref<32xi32, #tpu.memory_space<hbm>>
      tpu.wait_dma2 semaphore(%arg29 : memref<!tpu.dma_semaphore, #tpu.memory_space<semaphore_mem>>) src(%dma_wait3A_93 : memref<32xi32, #tpu.memory_space<hbm>>) dst(%arg12 : memref<32xi32, #tpu.memory_space<vmem>>)
      %dma_wait3A_94 = arith.constant 0 : i32
      %dma_wait3A_95 = tpu.memref_slice %arg4[%dma_wait3A_94, %add3A_15] : memref<2x8192xi32, #tpu.memory_space<hbm>> -> memref<1x32xi32, #tpu.memory_space<hbm>>
      %dma_wait3A_96 = tpu.memref_squeeze %dma_wait3A_95 : memref<1x32xi32, #tpu.memory_space<hbm>> -> memref<32xi32, #tpu.memory_space<hbm>>
      %dma_wait3A_97 = tpu.memref_slice %arg4[%dma_wait3A_94, %add3A_15] : memref<2x8192xi32, #tpu.memory_space<hbm>> -> memref<1x32xi32, #tpu.memory_space<hbm>>
      %dma_wait3A_98 = tpu.memref_squeeze %dma_wait3A_97 : memref<1x32xi32, #tpu.memory_space<hbm>> -> memref<32xi32, #tpu.memory_space<hbm>>
      tpu.wait_dma2 semaphore(%arg29 : memref<!tpu.dma_semaphore, #tpu.memory_space<semaphore_mem>>) src(%dma_wait3A_98 : memref<32xi32, #tpu.memory_space<hbm>>) dst(%arg13 : memref<32xi32, #tpu.memory_space<vmem>>)
      %dma_wait3A_99 = arith.constant 1 : i32
      %dma_wait3A_100 = tpu.memref_slice %arg4[%dma_wait3A_99, %add3A_15] : memref<2x8192xi32, #tpu.memory_space<hbm>> -> memref<1x32xi32, #tpu.memory_space<hbm>>
      %dma_wait3A_101 = tpu.memref_squeeze %dma_wait3A_100 : memref<1x32xi32, #tpu.memory_space<hbm>> -> memref<32xi32, #tpu.memory_space<hbm>>
      %dma_wait3A_102 = tpu.memref_slice %arg4[%dma_wait3A_99, %add3A_15] : memref<2x8192xi32, #tpu.memory_space<hbm>> -> memref<1x32xi32, #tpu.memory_space<hbm>>
      %dma_wait3A_103 = tpu.memref_squeeze %dma_wait3A_102 : memref<1x32xi32, #tpu.memory_space<hbm>> -> memref<32xi32, #tpu.memory_space<hbm>>
      tpu.wait_dma2 semaphore(%arg29 : memref<!tpu.dma_semaphore, #tpu.memory_space<semaphore_mem>>) src(%dma_wait3A_103 : memref<32xi32, #tpu.memory_space<hbm>>) dst(%arg14 : memref<32xi32, #tpu.memory_space<vmem>>)
      %dma_wait3A_104 = arith.constant 0 : i32
      %dma_wait3A_105 = tpu.memref_slice %arg5[%dma_wait3A_104, %add3A_15] : memref<2x8192xf32, #tpu.memory_space<hbm>> -> memref<1x32xf32, #tpu.memory_space<hbm>>
      %dma_wait3A_106 = tpu.memref_squeeze %dma_wait3A_105 : memref<1x32xf32, #tpu.memory_space<hbm>> -> memref<32xf32, #tpu.memory_space<hbm>>
      %dma_wait3A_107 = tpu.memref_slice %arg5[%dma_wait3A_104, %add3A_15] : memref<2x8192xf32, #tpu.memory_space<hbm>> -> memref<1x32xf32, #tpu.memory_space<hbm>>
      %dma_wait3A_108 = tpu.memref_squeeze %dma_wait3A_107 : memref<1x32xf32, #tpu.memory_space<hbm>> -> memref<32xf32, #tpu.memory_space<hbm>>
      tpu.wait_dma2 semaphore(%arg29 : memref<!tpu.dma_semaphore, #tpu.memory_space<semaphore_mem>>) src(%dma_wait3A_108 : memref<32xf32, #tpu.memory_space<hbm>>) dst(%arg17 : memref<32xf32, #tpu.memory_space<vmem>>)
      %dma_wait3A_109 = arith.constant 1 : i32
      %dma_wait3A_110 = tpu.memref_slice %arg5[%dma_wait3A_109, %add3A_15] : memref<2x8192xf32, #tpu.memory_space<hbm>> -> memref<1x32xf32, #tpu.memory_space<hbm>>
      %dma_wait3A_111 = tpu.memref_squeeze %dma_wait3A_110 : memref<1x32xf32, #tpu.memory_space<hbm>> -> memref<32xf32, #tpu.memory_space<hbm>>
      %dma_wait3A_112 = tpu.memref_slice %arg5[%dma_wait3A_109, %add3A_15] : memref<2x8192xf32, #tpu.memory_space<hbm>> -> memref<1x32xf32, #tpu.memory_space<hbm>>
      %dma_wait3A_113 = tpu.memref_squeeze %dma_wait3A_112 : memref<1x32xf32, #tpu.memory_space<hbm>> -> memref<32xf32, #tpu.memory_space<hbm>>
      tpu.wait_dma2 semaphore(%arg29 : memref<!tpu.dma_semaphore, #tpu.memory_space<semaphore_mem>>) src(%dma_wait3A_113 : memref<32xf32, #tpu.memory_space<hbm>>) dst(%arg18 : memref<32xf32, #tpu.memory_space<vmem>>)
      %dma_wait3A_114 = arith.constant 0 : i32
      %dma_wait3A_115 = tpu.memref_slice %arg2[%add3A_15, %dma_wait3A_114] : memref<8192x1024xf32, #tpu.memory_space<hbm>> -> memref<32x1024xf32, #tpu.memory_space<hbm>>
      %dma_wait3A_116 = arith.constant 0 : i32
      %dma_wait3A_117 = tpu.memref_slice %arg2[%add3A_15, %dma_wait3A_116] : memref<8192x1024xf32, #tpu.memory_space<hbm>> -> memref<32x1024xf32, #tpu.memory_space<hbm>>
      tpu.wait_dma2 semaphore(%arg29 : memref<!tpu.dma_semaphore, #tpu.memory_space<semaphore_mem>>) src(%dma_wait3A_117 : memref<32x1024xf32, #tpu.memory_space<hbm>>) dst(%arg19 : memref<32x1024xf32, #tpu.memory_space<vmem>>)
      %get3A = arith.constant 0 : index
      %get3A_118 = tpu.vector_load %arg11[%get3A] {strides = array<i32>} : memref<32xi32, #tpu.memory_space<vmem>>, vector<16xi32>,
      %gather3A = tpu.vector_load_idx %arg10[%get3A_118] : memref<64xi32, #tpu.memory_space<vmem>>[vector<16xi32>], vector<16xi32>,
      %get3A_119 = arith.constant 0 : index
      %get3A_120 = tpu.vector_load %arg13[%get3A_119] {strides = array<i32>} : memref<32xi32, #tpu.memory_space<vmem>>, vector<16xi32>,
      %add3A_121 = arith.addi %gather3A, %get3A_120 : vector<16xi32>
      %swap3A = arith.constant 0 : index
      %swap3A_122 = tpu.vector_load %arg15[%swap3A] {strides = array<i32>} : memref<32xi32, #tpu.memory_space<vmem>>, vector<16xi32>,
      tpu.vector_store %arg15[%swap3A], %add3A_121 {strides = array<i32>} : memref<32xi32, #tpu.memory_space<vmem>>, vector<16xi32>,
      %get3A_123 = arith.constant 16 : index
      %get3A_124 = tpu.vector_load %arg11[%get3A_123] {strides = array<i32>} : memref<32xi32, #tpu.memory_space<vmem>>, vector<16xi32>,
      %gather3A_125 = tpu.vector_load_idx %arg10[%get3A_124] : memref<64xi32, #tpu.memory_space<vmem>>[vector<16xi32>], vector<16xi32>,
      %get3A_126 = arith.constant 16 : index
      %get3A_127 = tpu.vector_load %arg13[%get3A_126] {strides = array<i32>} : memref<32xi32, #tpu.memory_space<vmem>>, vector<16xi32>,
      %add3A_128 = arith.addi %gather3A_125, %get3A_127 : vector<16xi32>
      %swap3A_129 = arith.constant 16 : index
      %swap3A_130 = tpu.vector_load %arg15[%swap3A_129] {strides = array<i32>} : memref<32xi32, #tpu.memory_space<vmem>>, vector<16xi32>,
      tpu.vector_store %arg15[%swap3A_129], %add3A_128 {strides = array<i32>} : memref<32xi32, #tpu.memory_space<vmem>>, vector<16xi32>,
      %get3A_131 = arith.constant 0 : index
      %get3A_132 = tpu.vector_load %arg12[%get3A_131] {strides = array<i32>} : memref<32xi32, #tpu.memory_space<vmem>>, vector<16xi32>,
      %gather3A_133 = tpu.vector_load_idx %arg10[%get3A_132] : memref<64xi32, #tpu.memory_space<vmem>>[vector<16xi32>], vector<16xi32>,
      %get3A_134 = arith.constant 0 : index
      %get3A_135 = tpu.vector_load %arg14[%get3A_134] {strides = array<i32>} : memref<32xi32, #tpu.memory_space<vmem>>, vector<16xi32>,
      %add3A_136 = arith.addi %gather3A_133, %get3A_135 : vector<16xi32>
      %swap3A_137 = arith.constant 0 : index
      %swap3A_138 = tpu.vector_load %arg16[%swap3A_137] {strides = array<i32>} : memref<32xi32, #tpu.memory_space<vmem>>, vector<16xi32>,
      tpu.vector_store %arg16[%swap3A_137], %add3A_136 {strides = array<i32>} : memref<32xi32, #tpu.memory_space<vmem>>, vector<16xi32>,
      %get3A_139 = arith.constant 16 : index
      %get3A_140 = tpu.vector_load %arg12[%get3A_139] {strides = array<i32>} : memref<32xi32, #tpu.memory_space<vmem>>, vector<16xi32>,
      %gather3A_141 = tpu.vector_load_idx %arg10[%get3A_140] : memref<64xi32, #tpu.memory_space<vmem>>[vector<16xi32>], vector<16xi32>,
      %get3A_142 = arith.constant 16 : index
      %get3A_143 = tpu.vector_load %arg14[%get3A_142] {strides = array<i32>} : memref<32xi32, #tpu.memory_space<vmem>>, vector<16xi32>,
      %add3A_144 = arith.addi %gather3A_141, %get3A_143 : vector<16xi32>
      %swap3A_145 = arith.constant 16 : index
      %swap3A_146 = tpu.vector_load %arg16[%swap3A_145] {strides = array<i32>} : memref<32xi32, #tpu.memory_space<vmem>>, vector<16xi32>,
      tpu.vector_store %arg16[%swap3A_145], %add3A_144 {strides = array<i32>} : memref<32xi32, #tpu.memory_space<vmem>>, vector<16xi32>,
      %dma_start3A_147 = arith.constant 0 : i32
      %dma_start3A_148 = tpu.memref_slice %arg9[%dma_start3A_147, %add3A_15] : memref<2x8192xi32, #tpu.memory_space<hbm>> -> memref<1x32xi32, #tpu.memory_space<hbm>>
      %dma_start3A_149 = tpu.memref_squeeze %dma_start3A_148 : memref<1x32xi32, #tpu.memory_space<hbm>> -> memref<32xi32, #tpu.memory_space<hbm>>
      %dma_start3A_150 = tpu.memref_slice %arg9[%dma_start3A_147, %add3A_15] : memref<2x8192xi32, #tpu.memory_space<hbm>> -> memref<1x32xi32, #tpu.memory_space<hbm>>
      %dma_start3A_151 = tpu.memref_squeeze %dma_start3A_150 : memref<1x32xi32, #tpu.memory_space<hbm>> -> memref<32xi32, #tpu.memory_space<hbm>>
      tpu.enqueue_dma source(%arg15 : memref<32xi32, #tpu.memory_space<vmem>>) target(%dma_start3A_151 : memref<32xi32, #tpu.memory_space<hbm>>) target_semaphore(%arg30 : memref<!tpu.dma_semaphore, #tpu.memory_space<semaphore_mem>>)
      %dma_start3A_152 = arith.constant 1 : i32
      %dma_start3A_153 = tpu.memref_slice %arg9[%dma_start3A_152, %add3A_15] : memref<2x8192xi32, #tpu.memory_space<hbm>> -> memref<1x32xi32, #tpu.memory_space<hbm>>
      %dma_start3A_154 = tpu.memref_squeeze %dma_start3A_153 : memref<1x32xi32, #tpu.memory_space<hbm>> -> memref<32xi32, #tpu.memory_space<hbm>>
      %dma_start3A_155 = tpu.memref_slice %arg9[%dma_start3A_152, %add3A_15] : memref<2x8192xi32, #tpu.memory_space<hbm>> -> memref<1x32xi32, #tpu.memory_space<hbm>>
      %dma_start3A_156 = tpu.memref_squeeze %dma_start3A_155 : memref<1x32xi32, #tpu.memory_space<hbm>> -> memref<32xi32, #tpu.memory_space<hbm>>
      tpu.enqueue_dma source(%arg16 : memref<32xi32, #tpu.memory_space<vmem>>) target(%dma_start3A_156 : memref<32xi32, #tpu.memory_space<hbm>>) target_semaphore(%arg30 : memref<!tpu.dma_semaphore, #tpu.memory_space<semaphore_mem>>)
      %dma_start3A_157 = arith.constant 0 : i32
      %dma_start3A_158 = tpu.memref_slice %arg8[%dma_start3A_157] : memref<34560xf32, #tpu.memory_space<hbm>> -> memref<34560xf32, #tpu.memory_space<hbm>>
      tpu.enqueue_indirect_dma source(%arg17 : memref<32xf32, #tpu.memory_space<vmem>>) target(%dma_start3A_158 : memref<34560xf32, #tpu.memory_space<hbm>>) offsets(%arg15 : memref<32xi32, #tpu.memory_space<vmem>>) semaphore(%arg30 : memref<!tpu.dma_semaphore, #tpu.memory_space<semaphore_mem>>)
      %dma_start3A_159 = arith.constant 0 : i32
      %dma_start3A_160 = tpu.memref_slice %arg8[%dma_start3A_159] : memref<34560xf32, #tpu.memory_space<hbm>> -> memref<34560xf32, #tpu.memory_space<hbm>>
      tpu.enqueue_indirect_dma source(%arg18 : memref<32xf32, #tpu.memory_space<vmem>>) target(%dma_start3A_160 : memref<34560xf32, #tpu.memory_space<hbm>>) offsets(%arg16 : memref<32xi32, #tpu.memory_space<vmem>>) semaphore(%arg30 : memref<!tpu.dma_semaphore, #tpu.memory_space<semaphore_mem>>)
      %dma_start3A_161 = arith.constant 0 : i32
      %dma_start3A_162 = arith.constant 0 : i32
      %dma_start3A_163 = tpu.memref_slice %arg7[%dma_start3A_161, %dma_start3A_162] : memref<34560x1024xf32, #tpu.memory_space<hbm>> -> memref<34560x1024xf32, #tpu.memory_space<hbm>>
      tpu.enqueue_indirect_dma source(%arg19 : memref<32x1024xf32, #tpu.memory_space<vmem>>) target(%dma_start3A_163 : memref<34560x1024xf32, #tpu.memory_space<hbm>>) offsets(%arg15 : memref<32xi32, #tpu.memory_space<vmem>>) semaphore(%arg30 : memref<!tpu.dma_semaphore, #tpu.memory_space<semaphore_mem>>)
      %dma_start3A_164 = arith.constant 0 : i32
      %dma_start3A_165 = arith.constant 0 : i32
      %dma_start3A_166 = tpu.memref_slice %arg7[%dma_start3A_164, %dma_start3A_165] : memref<34560x1024xf32, #tpu.memory_space<hbm>> -> memref<34560x1024xf32, #tpu.memory_space<hbm>>
      tpu.enqueue_indirect_dma source(%arg19 : memref<32x1024xf32, #tpu.memory_space<vmem>>) target(%dma_start3A_166 : memref<34560x1024xf32, #tpu.memory_space<hbm>>) offsets(%arg16 : memref<32xi32, #tpu.memory_space<vmem>>) semaphore(%arg30 : memref<!tpu.dma_semaphore, #tpu.memory_space<semaphore_mem>>)
      %dma_wait3A_167 = arith.constant 0 : i32
      %dma_wait3A_168 = tpu.memref_slice %arg3[%dma_wait3A_167, %add3A_17] : memref<2x8192xi32, #tpu.memory_space<hbm>> -> memref<1x32xi32, #tpu.memory_space<hbm>>
      %dma_wait3A_169 = tpu.memref_squeeze %dma_wait3A_168 : memref<1x32xi32, #tpu.memory_space<hbm>> -> memref<32xi32, #tpu.memory_space<hbm>>
      %dma_wait3A_170 = tpu.memref_slice %arg3[%dma_wait3A_167, %add3A_17] : memref<2x8192xi32, #tpu.memory_space<hbm>> -> memref<1x32xi32, #tpu.memory_space<hbm>>
      %dma_wait3A_171 = tpu.memref_squeeze %dma_wait3A_170 : memref<1x32xi32, #tpu.memory_space<hbm>> -> memref<32xi32, #tpu.memory_space<hbm>>
      tpu.wait_dma2 semaphore(%arg29 : memref<!tpu.dma_semaphore, #tpu.memory_space<semaphore_mem>>) src(%dma_wait3A_171 : memref<32xi32, #tpu.memory_space<hbm>>) dst(%arg20 : memref<32xi32, #tpu.memory_space<vmem>>)
      %dma_wait3A_172 = arith.constant 1 : i32
      %dma_wait3A_173 = tpu.memref_slice %arg3[%dma_wait3A_172, %add3A_17] : memref<2x8192xi32, #tpu.memory_space<hbm>> -> memref<1x32xi32, #tpu.memory_space<hbm>>
      %dma_wait3A_174 = tpu.memref_squeeze %dma_wait3A_173 : memref<1x32xi32, #tpu.memory_space<hbm>> -> memref<32xi32, #tpu.memory_space<hbm>>
      %dma_wait3A_175 = tpu.memref_slice %arg3[%dma_wait3A_172, %add3A_17] : memref<2x8192xi32, #tpu.memory_space<hbm>> -> memref<1x32xi32, #tpu.memory_space<hbm>>
      %dma_wait3A_176 = tpu.memref_squeeze %dma_wait3A_175 : memref<1x32xi32, #tpu.memory_space<hbm>> -> memref<32xi32, #tpu.memory_space<hbm>>
      tpu.wait_dma2 semaphore(%arg29 : memref<!tpu.dma_semaphore, #tpu.memory_space<semaphore_mem>>) src(%dma_wait3A_176 : memref<32xi32, #tpu.memory_space<hbm>>) dst(%arg21 : memref<32xi32, #tpu.memory_space<vmem>>)
      %dma_wait3A_177 = arith.constant 0 : i32
      %dma_wait3A_178 = tpu.memref_slice %arg4[%dma_wait3A_177, %add3A_17] : memref<2x8192xi32, #tpu.memory_space<hbm>> -> memref<1x32xi32, #tpu.memory_space<hbm>>
      %dma_wait3A_179 = tpu.memref_squeeze %dma_wait3A_178 : memref<1x32xi32, #tpu.memory_space<hbm>> -> memref<32xi32, #tpu.memory_space<hbm>>
      %dma_wait3A_180 = tpu.memref_slice %arg4[%dma_wait3A_177, %add3A_17] : memref<2x8192xi32, #tpu.memory_space<hbm>> -> memref<1x32xi32, #tpu.memory_space<hbm>>
      %dma_wait3A_181 = tpu.memref_squeeze %dma_wait3A_180 : memref<1x32xi32, #tpu.memory_space<hbm>> -> memref<32xi32, #tpu.memory_space<hbm>>
      tpu.wait_dma2 semaphore(%arg29 : memref<!tpu.dma_semaphore, #tpu.memory_space<semaphore_mem>>) src(%dma_wait3A_181 : memref<32xi32, #tpu.memory_space<hbm>>) dst(%arg22 : memref<32xi32, #tpu.memory_space<vmem>>)
      %dma_wait3A_182 = arith.constant 1 : i32
      %dma_wait3A_183 = tpu.memref_slice %arg4[%dma_wait3A_182, %add3A_17] : memref<2x8192xi32, #tpu.memory_space<hbm>> -> memref<1x32xi32, #tpu.memory_space<hbm>>
      %dma_wait3A_184 = tpu.memref_squeeze %dma_wait3A_183 : memref<1x32xi32, #tpu.memory_space<hbm>> -> memref<32xi32, #tpu.memory_space<hbm>>
      %dma_wait3A_185 = tpu.memref_slice %arg4[%dma_wait3A_182, %add3A_17] : memref<2x8192xi32, #tpu.memory_space<hbm>> -> memref<1x32xi32, #tpu.memory_space<hbm>>
      %dma_wait3A_186 = tpu.memref_squeeze %dma_wait3A_185 : memref<1x32xi32, #tpu.memory_space<hbm>> -> memref<32xi32, #tpu.memory_space<hbm>>
      tpu.wait_dma2 semaphore(%arg29 : memref<!tpu.dma_semaphore, #tpu.memory_space<semaphore_mem>>) src(%dma_wait3A_186 : memref<32xi32, #tpu.memory_space<hbm>>) dst(%arg23 : memref<32xi32, #tpu.memory_space<vmem>>)
      %dma_wait3A_187 = arith.constant 0 : i32
      %dma_wait3A_188 = tpu.memref_slice %arg5[%dma_wait3A_187, %add3A_17] : memref<2x8192xf32, #tpu.memory_space<hbm>> -> memref<1x32xf32, #tpu.memory_space<hbm>>
      %dma_wait3A_189 = tpu.memref_squeeze %dma_wait3A_188 : memref<1x32xf32, #tpu.memory_space<hbm>> -> memref<32xf32, #tpu.memory_space<hbm>>
      %dma_wait3A_190 = tpu.memref_slice %arg5[%dma_wait3A_187, %add3A_17] : memref<2x8192xf32, #tpu.memory_space<hbm>> -> memref<1x32xf32, #tpu.memory_space<hbm>>
      %dma_wait3A_191 = tpu.memref_squeeze %dma_wait3A_190 : memref<1x32xf32, #tpu.memory_space<hbm>> -> memref<32xf32, #tpu.memory_space<hbm>>
      tpu.wait_dma2 semaphore(%arg29 : memref<!tpu.dma_semaphore, #tpu.memory_space<semaphore_mem>>) src(%dma_wait3A_191 : memref<32xf32, #tpu.memory_space<hbm>>) dst(%arg26 : memref<32xf32, #tpu.memory_space<vmem>>)
      %dma_wait3A_192 = arith.constant 1 : i32
      %dma_wait3A_193 = tpu.memref_slice %arg5[%dma_wait3A_192, %add3A_17] : memref<2x8192xf32, #tpu.memory_space<hbm>> -> memref<1x32xf32, #tpu.memory_space<hbm>>
      %dma_wait3A_194 = tpu.memref_squeeze %dma_wait3A_193 : memref<1x32xf32, #tpu.memory_space<hbm>> -> memref<32xf32, #tpu.memory_space<hbm>>
      %dma_wait3A_195 = tpu.memref_slice %arg5[%dma_wait3A_192, %add3A_17] : memref<2x8192xf32, #tpu.memory_space<hbm>> -> memref<1x32xf32, #tpu.memory_space<hbm>>
      %dma_wait3A_196 = tpu.memref_squeeze %dma_wait3A_195 : memref<1x32xf32, #tpu.memory_space<hbm>> -> memref<32xf32, #tpu.memory_space<hbm>>
      tpu.wait_dma2 semaphore(%arg29 : memref<!tpu.dma_semaphore, #tpu.memory_space<semaphore_mem>>) src(%dma_wait3A_196 : memref<32xf32, #tpu.memory_space<hbm>>) dst(%arg27 : memref<32xf32, #tpu.memory_space<vmem>>)
      %dma_wait3A_197 = arith.constant 0 : i32
      %dma_wait3A_198 = tpu.memref_slice %arg2[%add3A_17, %dma_wait3A_197] : memref<8192x1024xf32, #tpu.memory_space<hbm>> -> memref<32x1024xf32, #tpu.memory_space<hbm>>
      %dma_wait3A_199 = arith.constant 0 : i32
      %dma_wait3A_200 = tpu.memref_slice %arg2[%add3A_17, %dma_wait3A_199] : memref<8192x1024xf32, #tpu.memory_space<hbm>> -> memref<32x1024xf32, #tpu.memory_space<hbm>>
      tpu.wait_dma2 semaphore(%arg29 : memref<!tpu.dma_semaphore, #tpu.memory_space<semaphore_mem>>) src(%dma_wait3A_200 : memref<32x1024xf32, #tpu.memory_space<hbm>>) dst(%arg28 : memref<32x1024xf32, #tpu.memory_space<vmem>>)
      %get3A_201 = arith.constant 0 : index
      %get3A_202 = tpu.vector_load %arg20[%get3A_201] {strides = array<i32>} : memref<32xi32, #tpu.memory_space<vmem>>, vector<16xi32>,
      %gather3A_203 = tpu.vector_load_idx %arg10[%get3A_202] : memref<64xi32, #tpu.memory_space<vmem>>[vector<16xi32>], vector<16xi32>,
      %get3A_204 = arith.constant 0 : index
      %get3A_205 = tpu.vector_load %arg22[%get3A_204] {strides = array<i32>} : memref<32xi32, #tpu.memory_space<vmem>>, vector<16xi32>,
      %add3A_206 = arith.addi %gather3A_203, %get3A_205 : vector<16xi32>
      %swap3A_207 = arith.constant 0 : index
      %swap3A_208 = tpu.vector_load %arg24[%swap3A_207] {strides = array<i32>} : memref<32xi32, #tpu.memory_space<vmem>>, vector<16xi32>,
      tpu.vector_store %arg24[%swap3A_207], %add3A_206 {strides = array<i32>} : memref<32xi32, #tpu.memory_space<vmem>>, vector<16xi32>,
      %get3A_209 = arith.constant 16 : index
      %get3A_210 = tpu.vector_load %arg20[%get3A_209] {strides = array<i32>} : memref<32xi32, #tpu.memory_space<vmem>>, vector<16xi32>,
      %gather3A_211 = tpu.vector_load_idx %arg10[%get3A_210] : memref<64xi32, #tpu.memory_space<vmem>>[vector<16xi32>], vector<16xi32>,
      %get3A_212 = arith.constant 16 : index
      %get3A_213 = tpu.vector_load %arg22[%get3A_212] {strides = array<i32>} : memref<32xi32, #tpu.memory_space<vmem>>, vector<16xi32>,
      %add3A_214 = arith.addi %gather3A_211, %get3A_213 : vector<16xi32>
      %swap3A_215 = arith.constant 16 : index
      %swap3A_216 = tpu.vector_load %arg24[%swap3A_215] {strides = array<i32>} : memref<32xi32, #tpu.memory_space<vmem>>, vector<16xi32>,
      tpu.vector_store %arg24[%swap3A_215], %add3A_214 {strides = array<i32>} : memref<32xi32, #tpu.memory_space<vmem>>, vector<16xi32>,
      %get3A_217 = arith.constant 0 : index
      %get3A_218 = tpu.vector_load %arg21[%get3A_217] {strides = array<i32>} : memref<32xi32, #tpu.memory_space<vmem>>, vector<16xi32>,
      %gather3A_219 = tpu.vector_load_idx %arg10[%get3A_218] : memref<64xi32, #tpu.memory_space<vmem>>[vector<16xi32>], vector<16xi32>,
      %get3A_220 = arith.constant 0 : index
      %get3A_221 = tpu.vector_load %arg23[%get3A_220] {strides = array<i32>} : memref<32xi32, #tpu.memory_space<vmem>>, vector<16xi32>,
      %add3A_222 = arith.addi %gather3A_219, %get3A_221 : vector<16xi32>
      %swap3A_223 = arith.constant 0 : index
      %swap3A_224 = tpu.vector_load %arg25[%swap3A_223] {strides = array<i32>} : memref<32xi32, #tpu.memory_space<vmem>>, vector<16xi32>,
      tpu.vector_store %arg25[%swap3A_223], %add3A_222 {strides = array<i32>} : memref<32xi32, #tpu.memory_space<vmem>>, vector<16xi32>,
      %get3A_225 = arith.constant 16 : index
      %get3A_226 = tpu.vector_load %arg21[%get3A_225] {strides = array<i32>} : memref<32xi32, #tpu.memory_space<vmem>>, vector<16xi32>,
      %gather3A_227 = tpu.vector_load_idx %arg10[%get3A_226] : memref<64xi32, #tpu.memory_space<vmem>>[vector<16xi32>], vector<16xi32>,
      %get3A_228 = arith.constant 16 : index
      %get3A_229 = tpu.vector_load %arg23[%get3A_228] {strides = array<i32>} : memref<32xi32, #tpu.memory_space<vmem>>, vector<16xi32>,
      %add3A_230 = arith.addi %gather3A_227, %get3A_229 : vector<16xi32>
      %swap3A_231 = arith.constant 16 : index
      %swap3A_232 = tpu.vector_load %arg25[%swap3A_231] {strides = array<i32>} : memref<32xi32, #tpu.memory_space<vmem>>, vector<16xi32>,
      tpu.vector_store %arg25[%swap3A_231], %add3A_230 {strides = array<i32>} : memref<32xi32, #tpu.memory_space<vmem>>, vector<16xi32>,
      %dma_start3A_233 = arith.constant 0 : i32
      %dma_start3A_234 = tpu.memref_slice %arg9[%dma_start3A_233, %add3A_17] : memref<2x8192xi32, #tpu.memory_space<hbm>> -> memref<1x32xi32, #tpu.memory_space<hbm>>
      %dma_start3A_235 = tpu.memref_squeeze %dma_start3A_234 : memref<1x32xi32, #tpu.memory_space<hbm>> -> memref<32xi32, #tpu.memory_space<hbm>>
      %dma_start3A_236 = tpu.memref_slice %arg9[%dma_start3A_233, %add3A_17] : memref<2x8192xi32, #tpu.memory_space<hbm>> -> memref<1x32xi32, #tpu.memory_space<hbm>>
      %dma_start3A_237 = tpu.memref_squeeze %dma_start3A_236 : memref<1x32xi32, #tpu.memory_space<hbm>> -> memref<32xi32, #tpu.memory_space<hbm>>
      tpu.enqueue_dma source(%arg24 : memref<32xi32, #tpu.memory_space<vmem>>) target(%dma_start3A_237 : memref<32xi32, #tpu.memory_space<hbm>>) target_semaphore(%arg30 : memref<!tpu.dma_semaphore, #tpu.memory_space<semaphore_mem>>)
      %dma_start3A_238 = arith.constant 1 : i32
      %dma_start3A_239 = tpu.memref_slice %arg9[%dma_start3A_238, %add3A_17] : memref<2x8192xi32, #tpu.memory_space<hbm>> -> memref<1x32xi32, #tpu.memory_space<hbm>>
      %dma_start3A_240 = tpu.memref_squeeze %dma_start3A_239 : memref<1x32xi32, #tpu.memory_space<hbm>> -> memref<32xi32, #tpu.memory_space<hbm>>
      %dma_start3A_241 = tpu.memref_slice %arg9[%dma_start3A_238, %add3A_17] : memref<2x8192xi32, #tpu.memory_space<hbm>> -> memref<1x32xi32, #tpu.memory_space<hbm>>
      %dma_start3A_242 = tpu.memref_squeeze %dma_start3A_241 : memref<1x32xi32, #tpu.memory_space<hbm>> -> memref<32xi32, #tpu.memory_space<hbm>>
      tpu.enqueue_dma source(%arg25 : memref<32xi32, #tpu.memory_space<vmem>>) target(%dma_start3A_242 : memref<32xi32, #tpu.memory_space<hbm>>) target_semaphore(%arg30 : memref<!tpu.dma_semaphore, #tpu.memory_space<semaphore_mem>>)
      %dma_start3A_243 = arith.constant 0 : i32
      %dma_start3A_244 = tpu.memref_slice %arg8[%dma_start3A_243] : memref<34560xf32, #tpu.memory_space<hbm>> -> memref<34560xf32, #tpu.memory_space<hbm>>
      tpu.enqueue_indirect_dma source(%arg26 : memref<32xf32, #tpu.memory_space<vmem>>) target(%dma_start3A_244 : memref<34560xf32, #tpu.memory_space<hbm>>) offsets(%arg24 : memref<32xi32, #tpu.memory_space<vmem>>) semaphore(%arg30 : memref<!tpu.dma_semaphore, #tpu.memory_space<semaphore_mem>>)
      %dma_start3A_245 = arith.constant 0 : i32
      %dma_start3A_246 = tpu.memref_slice %arg8[%dma_start3A_245] : memref<34560xf32, #tpu.memory_space<hbm>> -> memref<34560xf32, #tpu.memory_space<hbm>>
      tpu.enqueue_indirect_dma source(%arg27 : memref<32xf32, #tpu.memory_space<vmem>>) target(%dma_start3A_246 : memref<34560xf32, #tpu.memory_space<hbm>>) offsets(%arg25 : memref<32xi32, #tpu.memory_space<vmem>>) semaphore(%arg30 : memref<!tpu.dma_semaphore, #tpu.memory_space<semaphore_mem>>)
      %dma_start3A_247 = arith.constant 0 : i32
      %dma_start3A_248 = arith.constant 0 : i32
      %dma_start3A_249 = tpu.memref_slice %arg7[%dma_start3A_247, %dma_start3A_248] : memref<34560x1024xf32, #tpu.memory_space<hbm>> -> memref<34560x1024xf32, #tpu.memory_space<hbm>>
      tpu.enqueue_indirect_dma source(%arg28 : memref<32x1024xf32, #tpu.memory_space<vmem>>) target(%dma_start3A_249 : memref<34560x1024xf32, #tpu.memory_space<hbm>>) offsets(%arg24 : memref<32xi32, #tpu.memory_space<vmem>>) semaphore(%arg30 : memref<!tpu.dma_semaphore, #tpu.memory_space<semaphore_mem>>)
      %dma_start3A_250 = arith.constant 0 : i32
      %dma_start3A_251 = arith.constant 0 : i32
      %dma_start3A_252 = tpu.memref_slice %arg7[%dma_start3A_250, %dma_start3A_251] : memref<34560x1024xf32, #tpu.memory_space<hbm>> -> memref<34560x1024xf32, #tpu.memory_space<hbm>>
      tpu.enqueue_indirect_dma source(%arg28 : memref<32x1024xf32, #tpu.memory_space<vmem>>) target(%dma_start3A_252 : memref<34560x1024xf32, #tpu.memory_space<hbm>>) offsets(%arg25 : memref<32xi32, #tpu.memory_space<vmem>>) semaphore(%arg30 : memref<!tpu.dma_semaphore, #tpu.memory_space<semaphore_mem>>)
      %dma_wait3A_253 = arith.constant 0 : i32
      %dma_wait3A_254 = tpu.memref_slice %arg9[%dma_wait3A_253, %add3A_15] : memref<2x8192xi32, #tpu.memory_space<hbm>> -> memref<1x32xi32, #tpu.memory_space<hbm>>
      %dma_wait3A_255 = tpu.memref_squeeze %dma_wait3A_254 : memref<1x32xi32, #tpu.memory_space<hbm>> -> memref<32xi32, #tpu.memory_space<hbm>>
      %dma_wait3A_256 = tpu.memref_slice %arg9[%dma_wait3A_253, %add3A_15] : memref<2x8192xi32, #tpu.memory_space<hbm>> -> memref<1x32xi32, #tpu.memory_space<hbm>>
      %dma_wait3A_257 = tpu.memref_squeeze %dma_wait3A_256 : memref<1x32xi32, #tpu.memory_space<hbm>> -> memref<32xi32, #tpu.memory_space<hbm>>
      tpu.wait_dma2 semaphore(%arg30 : memref<!tpu.dma_semaphore, #tpu.memory_space<semaphore_mem>>) src(%arg15 : memref<32xi32, #tpu.memory_space<vmem>>) dst(%dma_wait3A_257 : memref<32xi32, #tpu.memory_space<hbm>>)
      %dma_wait3A_258 = arith.constant 1 : i32
      %dma_wait3A_259 = tpu.memref_slice %arg9[%dma_wait3A_258, %add3A_15] : memref<2x8192xi32, #tpu.memory_space<hbm>> -> memref<1x32xi32, #tpu.memory_space<hbm>>
      %dma_wait3A_260 = tpu.memref_squeeze %dma_wait3A_259 : memref<1x32xi32, #tpu.memory_space<hbm>> -> memref<32xi32, #tpu.memory_space<hbm>>
      %dma_wait3A_261 = tpu.memref_slice %arg9[%dma_wait3A_258, %add3A_15] : memref<2x8192xi32, #tpu.memory_space<hbm>> -> memref<1x32xi32, #tpu.memory_space<hbm>>
      %dma_wait3A_262 = tpu.memref_squeeze %dma_wait3A_261 : memref<1x32xi32, #tpu.memory_space<hbm>> -> memref<32xi32, #tpu.memory_space<hbm>>
      tpu.wait_dma2 semaphore(%arg30 : memref<!tpu.dma_semaphore, #tpu.memory_space<semaphore_mem>>) src(%arg16 : memref<32xi32, #tpu.memory_space<vmem>>) dst(%dma_wait3A_262 : memref<32xi32, #tpu.memory_space<hbm>>)
      %dma_wait3A_263 = arith.constant 0 : i32
      %dma_wait3A_264 = tpu.memref_slice %arg8[%dma_wait3A_263] : memref<34560xf32, #tpu.memory_space<hbm>> -> memref<34560xf32, #tpu.memory_space<hbm>>
      tpu.wait_indirect_dma semaphore(%arg30 : memref<!tpu.dma_semaphore, #tpu.memory_space<semaphore_mem>>) src(%arg17 : memref<32xf32, #tpu.memory_space<vmem>>) dst(%dma_wait3A_264 : memref<34560xf32, #tpu.memory_space<hbm>>)
      %dma_wait3A_265 = arith.constant 0 : i32
      %dma_wait3A_266 = tpu.memref_slice %arg8[%dma_wait3A_265] : memref<34560xf32, #tpu.memory_space<hbm>> -> memref<34560xf32, #tpu.memory_space<hbm>>
      tpu.wait_indirect_dma semaphore(%arg30 : memref<!tpu.dma_semaphore, #tpu.memory_space<semaphore_mem>>) src(%arg18 : memref<32xf32, #tpu.memory_space<vmem>>) dst(%dma_wait3A_266 : memref<34560xf32, #tpu.memory_space<hbm>>)
      %dma_wait3A_267 = arith.constant 0 : i32
      %dma_wait3A_268 = arith.constant 0 : i32
      %dma_wait3A_269 = tpu.memref_slice %arg7[%dma_wait3A_267, %dma_wait3A_268] : memref<34560x1024xf32, #tpu.memory_space<hbm>> -> memref<34560x1024xf32, #tpu.memory_space<hbm>>
      tpu.wait_indirect_dma semaphore(%arg30 : memref<!tpu.dma_semaphore, #tpu.memory_space<semaphore_mem>>) src(%arg19 : memref<32x1024xf32, #tpu.memory_space<vmem>>) dst(%dma_wait3A_269 : memref<34560x1024xf32, #tpu.memory_space<hbm>>)
      %dma_wait3A_270 = arith.constant 0 : i32
      %dma_wait3A_271 = arith.constant 0 : i32
      %dma_wait3A_272 = tpu.memref_slice %arg7[%dma_wait3A_270, %dma_wait3A_271] : memref<34560x1024xf32, #tpu.memory_space<hbm>> -> memref<34560x1024xf32, #tpu.memory_space<hbm>>
      tpu.wait_indirect_dma semaphore(%arg30 : memref<!tpu.dma_semaphore, #tpu.memory_space<semaphore_mem>>) src(%arg19 : memref<32x1024xf32, #tpu.memory_space<vmem>>) dst(%dma_wait3A_272 : memref<34560x1024xf32, #tpu.memory_space<hbm>>)
      %dma_wait3A_273 = arith.constant 0 : i32
      %dma_wait3A_274 = tpu.memref_slice %arg9[%dma_wait3A_273, %add3A_17] : memref<2x8192xi32, #tpu.memory_space<hbm>> -> memref<1x32xi32, #tpu.memory_space<hbm>>
      %dma_wait3A_275 = tpu.memref_squeeze %dma_wait3A_274 : memref<1x32xi32, #tpu.memory_space<hbm>> -> memref<32xi32, #tpu.memory_space<hbm>>
      %dma_wait3A_276 = tpu.memref_slice %arg9[%dma_wait3A_273, %add3A_17] : memref<2x8192xi32, #tpu.memory_space<hbm>> -> memref<1x32xi32, #tpu.memory_space<hbm>>
      %dma_wait3A_277 = tpu.memref_squeeze %dma_wait3A_276 : memref<1x32xi32, #tpu.memory_space<hbm>> -> memref<32xi32, #tpu.memory_space<hbm>>
      tpu.wait_dma2 semaphore(%arg30 : memref<!tpu.dma_semaphore, #tpu.memory_space<semaphore_mem>>) src(%arg24 : memref<32xi32, #tpu.memory_space<vmem>>) dst(%dma_wait3A_277 : memref<32xi32, #tpu.memory_space<hbm>>)
      %dma_wait3A_278 = arith.constant 1 : i32
      %dma_wait3A_279 = tpu.memref_slice %arg9[%dma_wait3A_278, %add3A_17] : memref<2x8192xi32, #tpu.memory_space<hbm>> -> memref<1x32xi32, #tpu.memory_space<hbm>>
      %dma_wait3A_280 = tpu.memref_squeeze %dma_wait3A_279 : memref<1x32xi32, #tpu.memory_space<hbm>> -> memref<32xi32, #tpu.memory_space<hbm>>
      %dma_wait3A_281 = tpu.memref_slice %arg9[%dma_wait3A_278, %add3A_17] : memref<2x8192xi32, #tpu.memory_space<hbm>> -> memref<1x32xi32, #tpu.memory_space<hbm>>
      %dma_wait3A_282 = tpu.memref_squeeze %dma_wait3A_281 : memref<1x32xi32, #tpu.memory_space<hbm>> -> memref<32xi32, #tpu.memory_space<hbm>>
      tpu.wait_dma2 semaphore(%arg30 : memref<!tpu.dma_semaphore, #tpu.memory_space<semaphore_mem>>) src(%arg25 : memref<32xi32, #tpu.memory_space<vmem>>) dst(%dma_wait3A_282 : memref<32xi32, #tpu.memory_space<hbm>>)
      %dma_wait3A_283 = arith.constant 0 : i32
      %dma_wait3A_284 = tpu.memref_slice %arg8[%dma_wait3A_283] : memref<34560xf32, #tpu.memory_space<hbm>> -> memref<34560xf32, #tpu.memory_space<hbm>>
      tpu.wait_indirect_dma semaphore(%arg30 : memref<!tpu.dma_semaphore, #tpu.memory_space<semaphore_mem>>) src(%arg26 : memref<32xf32, #tpu.memory_space<vmem>>) dst(%dma_wait3A_284 : memref<34560xf32, #tpu.memory_space<hbm>>)
      %dma_wait3A_285 = arith.constant 0 : i32
      %dma_wait3A_286 = tpu.memref_slice %arg8[%dma_wait3A_285] : memref<34560xf32, #tpu.memory_space<hbm>> -> memref<34560xf32, #tpu.memory_space<hbm>>
      tpu.wait_indirect_dma semaphore(%arg30 : memref<!tpu.dma_semaphore, #tpu.memory_space<semaphore_mem>>) src(%arg27 : memref<32xf32, #tpu.memory_space<vmem>>) dst(%dma_wait3A_286 : memref<34560xf32, #tpu.memory_space<hbm>>)
      %dma_wait3A_287 = arith.constant 0 : i32
      %dma_wait3A_288 = arith.constant 0 : i32
      %dma_wait3A_289 = tpu.memref_slice %arg7[%dma_wait3A_287, %dma_wait3A_288] : memref<34560x1024xf32, #tpu.memory_space<hbm>> -> memref<34560x1024xf32, #tpu.memory_space<hbm>>
      tpu.wait_indirect_dma semaphore(%arg30 : memref<!tpu.dma_semaphore, #tpu.memory_space<semaphore_mem>>) src(%arg28 : memref<32x1024xf32, #tpu.memory_space<vmem>>) dst(%dma_wait3A_289 : memref<34560x1024xf32, #tpu.memory_space<hbm>>)
      %dma_wait3A_290 = arith.constant 0 : i32
      %dma_wait3A_291 = arith.constant 0 : i32
      %dma_wait3A_292 = tpu.memref_slice %arg7[%dma_wait3A_290, %dma_wait3A_291] : memref<34560x1024xf32, #tpu.memory_space<hbm>> -> memref<34560x1024xf32, #tpu.memory_space<hbm>>
      tpu.wait_indirect_dma semaphore(%arg30 : memref<!tpu.dma_semaphore, #tpu.memory_space<semaphore_mem>>) src(%arg28 : memref<32x1024xf32, #tpu.memory_space<vmem>>) dst(%dma_wait3A_292 : memref<34560x1024xf32, #tpu.memory_space<hbm>>)
      %scan3A_293 = arith.constant 0 : i32
      scf.yield %scan3A_293 : i32
    }
    %scan3A_8 = arith.constant 4 : i32
    return
  }
}

#map = affine_map<(d0, d1) -> (0, 0)>
module attributes {stable_mosaic.version = 14 : i64} {
  func.func @_combine_body(%arg0: i32, %arg1: i32, %arg2: memref<34560x1024xf32, #tpu.memory_space<hbm>>, %arg3: memref<2x8192xi32, #tpu.memory_space<hbm>>, %arg4: memref<8192x1024xf32, #tpu.memory_space<hbm>>, %arg5: memref<16xi32, #tpu.memory_space<vmem>>, %arg6: memref<16xi32, #tpu.memory_space<vmem>>, %arg7: memref<16xi32, #tpu.memory_space<vmem>>, %arg8: memref<16xi32, #tpu.memory_space<vmem>>, %arg9: memref<16x1024xf32, #tpu.memory_space<vmem>>, %arg10: memref<16x1024xf32, #tpu.memory_space<vmem>>, %arg11: memref<16x1024xf32, #tpu.memory_space<vmem>>, %arg12: memref<16x1024xf32, #tpu.memory_space<vmem>>, %arg13: memref<!tpu.dma_semaphore, #tpu.memory_space<semaphore_mem>>, %arg14: memref<!tpu.dma_semaphore, #tpu.memory_space<semaphore_mem>>, %arg15: memref<!tpu.dma_semaphore, #tpu.memory_space<semaphore_mem>>) attributes {dimension_semantics = [#tpu.dimension_semantics<core_parallel>, #tpu.dimension_semantics<subcore_parallel>], iteration_bounds = array<i64: 2, 16>, scalar_prefetch = 0 : i64, scratch_operands = 11 : i64, tpu.core_type = #tpu.core_type<sc_vector_subcore>, window_params = [{transform_indices = #map}, {transform_indices = #map}, {transform_indices = #map}]} {
    %mul3A = arith.constant 2 : i32
    %mul3A_0 = arith.muli %arg1, %mul3A : i32
    %add3A = arith.addi %mul3A_0, %arg0 : i32
    %mul3A_1 = arith.constant 256 : i32
    %mul3A_2 = arith.muli %add3A, %mul3A_1 : i32
    %scan3A = arith.constant 0 : i32
    %scan3A_3 = arith.constant 0 : i32
    %scan3A_4 = arith.constant 8 : i32
    %scan3A_5 = arith.addi %scan3A_3, %scan3A_4 : i32
    %scan3A_6 = arith.constant 1 : i32
    %scan3A_7 = scf.for %scan3A_9 = %scan3A_3 to %scan3A_5 step %scan3A_6 iter_args(%scan3A_10 = %scan3A) -> (i32)  : i32 {
      %mul3A_11 = arith.constant 2 : i32
      %mul3A_12 = arith.muli %mul3A_11, %scan3A_9 : i32
      %mul3A_13 = arith.constant 16 : i32
      %mul3A_14 = arith.muli %mul3A_12, %mul3A_13 : i32
      %add3A_15 = arith.addi %mul3A_2, %mul3A_14 : i32
      %add3A_16 = arith.constant 16 : i32
      %add3A_17 = arith.addi %add3A_15, %add3A_16 : i32
      %dma_start3A = arith.constant 0 : i32
      %dma_start3A_18 = tpu.memref_slice %arg3[%dma_start3A, %add3A_15] : memref<2x8192xi32, #tpu.memory_space<hbm>> -> memref<1x16xi32, #tpu.memory_space<hbm>>
      %dma_start3A_19 = tpu.memref_squeeze %dma_start3A_18 : memref<1x16xi32, #tpu.memory_space<hbm>> -> memref<16xi32, #tpu.memory_space<hbm>>
      %dma_start3A_20 = tpu.memref_slice %arg3[%dma_start3A, %add3A_15] : memref<2x8192xi32, #tpu.memory_space<hbm>> -> memref<1x16xi32, #tpu.memory_space<hbm>>
      %dma_start3A_21 = tpu.memref_squeeze %dma_start3A_20 : memref<1x16xi32, #tpu.memory_space<hbm>> -> memref<16xi32, #tpu.memory_space<hbm>>
      tpu.enqueue_dma source(%dma_start3A_21 : memref<16xi32, #tpu.memory_space<hbm>>) target(%arg5 : memref<16xi32, #tpu.memory_space<vmem>>) target_semaphore(%arg13 : memref<!tpu.dma_semaphore, #tpu.memory_space<semaphore_mem>>)
      %dma_start3A_22 = arith.constant 1 : i32
      %dma_start3A_23 = tpu.memref_slice %arg3[%dma_start3A_22, %add3A_15] : memref<2x8192xi32, #tpu.memory_space<hbm>> -> memref<1x16xi32, #tpu.memory_space<hbm>>
      %dma_start3A_24 = tpu.memref_squeeze %dma_start3A_23 : memref<1x16xi32, #tpu.memory_space<hbm>> -> memref<16xi32, #tpu.memory_space<hbm>>
      %dma_start3A_25 = tpu.memref_slice %arg3[%dma_start3A_22, %add3A_15] : memref<2x8192xi32, #tpu.memory_space<hbm>> -> memref<1x16xi32, #tpu.memory_space<hbm>>
      %dma_start3A_26 = tpu.memref_squeeze %dma_start3A_25 : memref<1x16xi32, #tpu.memory_space<hbm>> -> memref<16xi32, #tpu.memory_space<hbm>>
      tpu.enqueue_dma source(%dma_start3A_26 : memref<16xi32, #tpu.memory_space<hbm>>) target(%arg6 : memref<16xi32, #tpu.memory_space<vmem>>) target_semaphore(%arg13 : memref<!tpu.dma_semaphore, #tpu.memory_space<semaphore_mem>>)
      %dma_start3A_27 = arith.constant 0 : i32
      %dma_start3A_28 = tpu.memref_slice %arg3[%dma_start3A_27, %add3A_17] : memref<2x8192xi32, #tpu.memory_space<hbm>> -> memref<1x16xi32, #tpu.memory_space<hbm>>
      %dma_start3A_29 = tpu.memref_squeeze %dma_start3A_28 : memref<1x16xi32, #tpu.memory_space<hbm>> -> memref<16xi32, #tpu.memory_space<hbm>>
      %dma_start3A_30 = tpu.memref_slice %arg3[%dma_start3A_27, %add3A_17] : memref<2x8192xi32, #tpu.memory_space<hbm>> -> memref<1x16xi32, #tpu.memory_space<hbm>>
      %dma_start3A_31 = tpu.memref_squeeze %dma_start3A_30 : memref<1x16xi32, #tpu.memory_space<hbm>> -> memref<16xi32, #tpu.memory_space<hbm>>
      tpu.enqueue_dma source(%dma_start3A_31 : memref<16xi32, #tpu.memory_space<hbm>>) target(%arg7 : memref<16xi32, #tpu.memory_space<vmem>>) target_semaphore(%arg13 : memref<!tpu.dma_semaphore, #tpu.memory_space<semaphore_mem>>)
      %dma_start3A_32 = arith.constant 1 : i32
      %dma_start3A_33 = tpu.memref_slice %arg3[%dma_start3A_32, %add3A_17] : memref<2x8192xi32, #tpu.memory_space<hbm>> -> memref<1x16xi32, #tpu.memory_space<hbm>>
      %dma_start3A_34 = tpu.memref_squeeze %dma_start3A_33 : memref<1x16xi32, #tpu.memory_space<hbm>> -> memref<16xi32, #tpu.memory_space<hbm>>
      %dma_start3A_35 = tpu.memref_slice %arg3[%dma_start3A_32, %add3A_17] : memref<2x8192xi32, #tpu.memory_space<hbm>> -> memref<1x16xi32, #tpu.memory_space<hbm>>
      %dma_start3A_36 = tpu.memref_squeeze %dma_start3A_35 : memref<1x16xi32, #tpu.memory_space<hbm>> -> memref<16xi32, #tpu.memory_space<hbm>>
      tpu.enqueue_dma source(%dma_start3A_36 : memref<16xi32, #tpu.memory_space<hbm>>) target(%arg8 : memref<16xi32, #tpu.memory_space<vmem>>) target_semaphore(%arg13 : memref<!tpu.dma_semaphore, #tpu.memory_space<semaphore_mem>>)
      %dma_wait3A = arith.constant 0 : i32
      %dma_wait3A_37 = tpu.memref_slice %arg3[%dma_wait3A, %add3A_15] : memref<2x8192xi32, #tpu.memory_space<hbm>> -> memref<1x16xi32, #tpu.memory_space<hbm>>
      %dma_wait3A_38 = tpu.memref_squeeze %dma_wait3A_37 : memref<1x16xi32, #tpu.memory_space<hbm>> -> memref<16xi32, #tpu.memory_space<hbm>>
      %dma_wait3A_39 = tpu.memref_slice %arg3[%dma_wait3A, %add3A_15] : memref<2x8192xi32, #tpu.memory_space<hbm>> -> memref<1x16xi32, #tpu.memory_space<hbm>>
      %dma_wait3A_40 = tpu.memref_squeeze %dma_wait3A_39 : memref<1x16xi32, #tpu.memory_space<hbm>> -> memref<16xi32, #tpu.memory_space<hbm>>
      tpu.wait_dma2 semaphore(%arg13 : memref<!tpu.dma_semaphore, #tpu.memory_space<semaphore_mem>>) src(%dma_wait3A_40 : memref<16xi32, #tpu.memory_space<hbm>>) dst(%arg5 : memref<16xi32, #tpu.memory_space<vmem>>)
      %dma_wait3A_41 = arith.constant 1 : i32
      %dma_wait3A_42 = tpu.memref_slice %arg3[%dma_wait3A_41, %add3A_15] : memref<2x8192xi32, #tpu.memory_space<hbm>> -> memref<1x16xi32, #tpu.memory_space<hbm>>
      %dma_wait3A_43 = tpu.memref_squeeze %dma_wait3A_42 : memref<1x16xi32, #tpu.memory_space<hbm>> -> memref<16xi32, #tpu.memory_space<hbm>>
      %dma_wait3A_44 = tpu.memref_slice %arg3[%dma_wait3A_41, %add3A_15] : memref<2x8192xi32, #tpu.memory_space<hbm>> -> memref<1x16xi32, #tpu.memory_space<hbm>>
      %dma_wait3A_45 = tpu.memref_squeeze %dma_wait3A_44 : memref<1x16xi32, #tpu.memory_space<hbm>> -> memref<16xi32, #tpu.memory_space<hbm>>
      tpu.wait_dma2 semaphore(%arg13 : memref<!tpu.dma_semaphore, #tpu.memory_space<semaphore_mem>>) src(%dma_wait3A_45 : memref<16xi32, #tpu.memory_space<hbm>>) dst(%arg6 : memref<16xi32, #tpu.memory_space<vmem>>)
      %dma_start3A_46 = arith.constant 0 : i32
      %dma_start3A_47 = arith.constant 0 : i32
      %dma_start3A_48 = tpu.memref_slice %arg2[%dma_start3A_46, %dma_start3A_47] : memref<34560x1024xf32, #tpu.memory_space<hbm>> -> memref<34560x1024xf32, #tpu.memory_space<hbm>>
      tpu.enqueue_indirect_dma source(%dma_start3A_48 : memref<34560x1024xf32, #tpu.memory_space<hbm>>) target(%arg9 : memref<16x1024xf32, #tpu.memory_space<vmem>>) offsets(%arg5 : memref<16xi32, #tpu.memory_space<vmem>>) semaphore(%arg14 : memref<!tpu.dma_semaphore, #tpu.memory_space<semaphore_mem>>)
      %dma_start3A_49 = arith.constant 0 : i32
      %dma_start3A_50 = arith.constant 0 : i32
      %dma_start3A_51 = tpu.memref_slice %arg2[%dma_start3A_49, %dma_start3A_50] : memref<34560x1024xf32, #tpu.memory_space<hbm>> -> memref<34560x1024xf32, #tpu.memory_space<hbm>>
      tpu.enqueue_indirect_dma source(%dma_start3A_51 : memref<34560x1024xf32, #tpu.memory_space<hbm>>) target(%arg10 : memref<16x1024xf32, #tpu.memory_space<vmem>>) offsets(%arg6 : memref<16xi32, #tpu.memory_space<vmem>>) semaphore(%arg14 : memref<!tpu.dma_semaphore, #tpu.memory_space<semaphore_mem>>)
      %dma_wait3A_52 = arith.constant 0 : i32
      %dma_wait3A_53 = tpu.memref_slice %arg3[%dma_wait3A_52, %add3A_17] : memref<2x8192xi32, #tpu.memory_space<hbm>> -> memref<1x16xi32, #tpu.memory_space<hbm>>
      %dma_wait3A_54 = tpu.memref_squeeze %dma_wait3A_53 : memref<1x16xi32, #tpu.memory_space<hbm>> -> memref<16xi32, #tpu.memory_space<hbm>>
      %dma_wait3A_55 = tpu.memref_slice %arg3[%dma_wait3A_52, %add3A_17] : memref<2x8192xi32, #tpu.memory_space<hbm>> -> memref<1x16xi32, #tpu.memory_space<hbm>>
      %dma_wait3A_56 = tpu.memref_squeeze %dma_wait3A_55 : memref<1x16xi32, #tpu.memory_space<hbm>> -> memref<16xi32, #tpu.memory_space<hbm>>
      tpu.wait_dma2 semaphore(%arg13 : memref<!tpu.dma_semaphore, #tpu.memory_space<semaphore_mem>>) src(%dma_wait3A_56 : memref<16xi32, #tpu.memory_space<hbm>>) dst(%arg7 : memref<16xi32, #tpu.memory_space<vmem>>)
      %dma_wait3A_57 = arith.constant 1 : i32
      %dma_wait3A_58 = tpu.memref_slice %arg3[%dma_wait3A_57, %add3A_17] : memref<2x8192xi32, #tpu.memory_space<hbm>> -> memref<1x16xi32, #tpu.memory_space<hbm>>
      %dma_wait3A_59 = tpu.memref_squeeze %dma_wait3A_58 : memref<1x16xi32, #tpu.memory_space<hbm>> -> memref<16xi32, #tpu.memory_space<hbm>>
      %dma_wait3A_60 = tpu.memref_slice %arg3[%dma_wait3A_57, %add3A_17] : memref<2x8192xi32, #tpu.memory_space<hbm>> -> memref<1x16xi32, #tpu.memory_space<hbm>>
      %dma_wait3A_61 = tpu.memref_squeeze %dma_wait3A_60 : memref<1x16xi32, #tpu.memory_space<hbm>> -> memref<16xi32, #tpu.memory_space<hbm>>
      tpu.wait_dma2 semaphore(%arg13 : memref<!tpu.dma_semaphore, #tpu.memory_space<semaphore_mem>>) src(%dma_wait3A_61 : memref<16xi32, #tpu.memory_space<hbm>>) dst(%arg8 : memref<16xi32, #tpu.memory_space<vmem>>)
      %dma_start3A_62 = arith.constant 0 : i32
      %dma_start3A_63 = arith.constant 0 : i32
      %dma_start3A_64 = tpu.memref_slice %arg2[%dma_start3A_62, %dma_start3A_63] : memref<34560x1024xf32, #tpu.memory_space<hbm>> -> memref<34560x1024xf32, #tpu.memory_space<hbm>>
      tpu.enqueue_indirect_dma source(%dma_start3A_64 : memref<34560x1024xf32, #tpu.memory_space<hbm>>) target(%arg11 : memref<16x1024xf32, #tpu.memory_space<vmem>>) offsets(%arg7 : memref<16xi32, #tpu.memory_space<vmem>>) semaphore(%arg14 : memref<!tpu.dma_semaphore, #tpu.memory_space<semaphore_mem>>)
      %dma_start3A_65 = arith.constant 0 : i32
      %dma_start3A_66 = arith.constant 0 : i32
      %dma_start3A_67 = tpu.memref_slice %arg2[%dma_start3A_65, %dma_start3A_66] : memref<34560x1024xf32, #tpu.memory_space<hbm>> -> memref<34560x1024xf32, #tpu.memory_space<hbm>>
      tpu.enqueue_indirect_dma source(%dma_start3A_67 : memref<34560x1024xf32, #tpu.memory_space<hbm>>) target(%arg12 : memref<16x1024xf32, #tpu.memory_space<vmem>>) offsets(%arg8 : memref<16xi32, #tpu.memory_space<vmem>>) semaphore(%arg14 : memref<!tpu.dma_semaphore, #tpu.memory_space<semaphore_mem>>)
      %dma_wait3A_68 = arith.constant 0 : i32
      %dma_wait3A_69 = arith.constant 0 : i32
      %dma_wait3A_70 = tpu.memref_slice %arg2[%dma_wait3A_68, %dma_wait3A_69] : memref<34560x1024xf32, #tpu.memory_space<hbm>> -> memref<34560x1024xf32, #tpu.memory_space<hbm>>
      tpu.wait_indirect_dma semaphore(%arg14 : memref<!tpu.dma_semaphore, #tpu.memory_space<semaphore_mem>>) src(%dma_wait3A_70 : memref<34560x1024xf32, #tpu.memory_space<hbm>>) dst(%arg9 : memref<16x1024xf32, #tpu.memory_space<vmem>>)
      %dma_wait3A_71 = arith.constant 0 : i32
      %dma_wait3A_72 = arith.constant 0 : i32
      %dma_wait3A_73 = tpu.memref_slice %arg2[%dma_wait3A_71, %dma_wait3A_72] : memref<34560x1024xf32, #tpu.memory_space<hbm>> -> memref<34560x1024xf32, #tpu.memory_space<hbm>>
      tpu.wait_indirect_dma semaphore(%arg14 : memref<!tpu.dma_semaphore, #tpu.memory_space<semaphore_mem>>) src(%dma_wait3A_73 : memref<34560x1024xf32, #tpu.memory_space<hbm>>) dst(%arg10 : memref<16x1024xf32, #tpu.memory_space<vmem>>)
      %scan3A_74 = arith.constant 0 : i32
      %scan3A_75 = arith.constant 0 : i32
      %scan3A_76 = arith.constant 16 : i32
      %scan3A_77 = arith.addi %scan3A_75, %scan3A_76 : i32
      %scan3A_78 = arith.constant 1 : i32
      %scan3A_79 = scf.for %scan3A_111 = %scan3A_75 to %scan3A_77 step %scan3A_78 iter_args(%scan3A_112 = %scan3A_74) -> (i32)  : i32 {
        %get3A = arith.index_cast %scan3A_111 : i32 to index
        %get3A_113 = arith.constant 0 : index
        %get3A_114 = tpu.vector_load %arg9[%get3A, %get3A_113] {strides = array<i32>} : memref<16x1024xf32, #tpu.memory_space<vmem>>, vector<16xf32>,
        %get3A_115 = arith.index_cast %scan3A_111 : i32 to index
        %get3A_116 = arith.constant 0 : index
        %get3A_117 = tpu.vector_load %arg10[%get3A_115, %get3A_116] {strides = array<i32>} : memref<16x1024xf32, #tpu.memory_space<vmem>>, vector<16xf32>,
        %add3A_118 = arith.addf %get3A_114, %get3A_117 : vector<16xf32>
        %swap3A = arith.index_cast %scan3A_111 : i32 to index
        %swap3A_119 = arith.constant 0 : index
        %swap3A_120 = tpu.vector_load %arg9[%swap3A, %swap3A_119] {strides = array<i32>} : memref<16x1024xf32, #tpu.memory_space<vmem>>, vector<16xf32>,
        tpu.vector_store %arg9[%swap3A, %swap3A_119], %add3A_118 {strides = array<i32>} : memref<16x1024xf32, #tpu.memory_space<vmem>>, vector<16xf32>,
        %get3A_121 = arith.index_cast %scan3A_111 : i32 to index
        %get3A_122 = arith.constant 16 : index
        %get3A_123 = tpu.vector_load %arg9[%get3A_121, %get3A_122] {strides = array<i32>} : memref<16x1024xf32, #tpu.memory_space<vmem>>, vector<16xf32>,
        %get3A_124 = arith.index_cast %scan3A_111 : i32 to index
        %get3A_125 = arith.constant 16 : index
        %get3A_126 = tpu.vector_load %arg10[%get3A_124, %get3A_125] {strides = array<i32>} : memref<16x1024xf32, #tpu.memory_space<vmem>>, vector<16xf32>,
        %add3A_127 = arith.addf %get3A_123, %get3A_126 : vector<16xf32>
        %swap3A_128 = arith.index_cast %scan3A_111 : i32 to index
        %swap3A_129 = arith.constant 16 : index
        %swap3A_130 = tpu.vector_load %arg9[%swap3A_128, %swap3A_129] {strides = array<i32>} : memref<16x1024xf32, #tpu.memory_space<vmem>>, vector<16xf32>,
        tpu.vector_store %arg9[%swap3A_128, %swap3A_129], %add3A_127 {strides = array<i32>} : memref<16x1024xf32, #tpu.memory_space<vmem>>, vector<16xf32>,
        %get3A_131 = arith.index_cast %scan3A_111 : i32 to index
        %get3A_132 = arith.constant 32 : index
        %get3A_133 = tpu.vector_load %arg9[%get3A_131, %get3A_132] {strides = array<i32>} : memref<16x1024xf32, #tpu.memory_space<vmem>>, vector<16xf32>,
        %get3A_134 = arith.index_cast %scan3A_111 : i32 to index
        %get3A_135 = arith.constant 32 : index
        %get3A_136 = tpu.vector_load %arg10[%get3A_134, %get3A_135] {strides = array<i32>} : memref<16x1024xf32, #tpu.memory_space<vmem>>, vector<16xf32>,
        %add3A_137 = arith.addf %get3A_133, %get3A_136 : vector<16xf32>
        %swap3A_138 = arith.index_cast %scan3A_111 : i32 to index
        %swap3A_139 = arith.constant 32 : index
        %swap3A_140 = tpu.vector_load %arg9[%swap3A_138, %swap3A_139] {strides = array<i32>} : memref<16x1024xf32, #tpu.memory_space<vmem>>, vector<16xf32>,
        tpu.vector_store %arg9[%swap3A_138, %swap3A_139], %add3A_137 {strides = array<i32>} : memref<16x1024xf32, #tpu.memory_space<vmem>>, vector<16xf32>,
        %get3A_141 = arith.index_cast %scan3A_111 : i32 to index
        %get3A_142 = arith.constant 48 : index
        %get3A_143 = tpu.vector_load %arg9[%get3A_141, %get3A_142] {strides = array<i32>} : memref<16x1024xf32, #tpu.memory_space<vmem>>, vector<16xf32>,
        %get3A_144 = arith.index_cast %scan3A_111 : i32 to index
        %get3A_145 = arith.constant 48 : index
        %get3A_146 = tpu.vector_load %arg10[%get3A_144, %get3A_145] {strides = array<i32>} : memref<16x1024xf32, #tpu.memory_space<vmem>>, vector<16xf32>,
        %add3A_147 = arith.addf %get3A_143, %get3A_146 : vector<16xf32>
        %swap3A_148 = arith.index_cast %scan3A_111 : i32 to index
        %swap3A_149 = arith.constant 48 : index
        %swap3A_150 = tpu.vector_load %arg9[%swap3A_148, %swap3A_149] {strides = array<i32>} : memref<16x1024xf32, #tpu.memory_space<vmem>>, vector<16xf32>,
        tpu.vector_store %arg9[%swap3A_148, %swap3A_149], %add3A_147 {strides = array<i32>} : memref<16x1024xf32, #tpu.memory_space<vmem>>, vector<16xf32>,
        %get3A_151 = arith.index_cast %scan3A_111 : i32 to index
        %get3A_152 = arith.constant 64 : index
        %get3A_153 = tpu.vector_load %arg9[%get3A_151, %get3A_152] {strides = array<i32>} : memref<16x1024xf32, #tpu.memory_space<vmem>>, vector<16xf32>,
        %get3A_154 = arith.index_cast %scan3A_111 : i32 to index
        %get3A_155 = arith.constant 64 : index
        %get3A_156 = tpu.vector_load %arg10[%get3A_154, %get3A_155] {strides = array<i32>} : memref<16x1024xf32, #tpu.memory_space<vmem>>, vector<16xf32>,
        %add3A_157 = arith.addf %get3A_153, %get3A_156 : vector<16xf32>
        %swap3A_158 = arith.index_cast %scan3A_111 : i32 to index
        %swap3A_159 = arith.constant 64 : index
        %swap3A_160 = tpu.vector_load %arg9[%swap3A_158, %swap3A_159] {strides = array<i32>} : memref<16x1024xf32, #tpu.memory_space<vmem>>, vector<16xf32>,
        tpu.vector_store %arg9[%swap3A_158, %swap3A_159], %add3A_157 {strides = array<i32>} : memref<16x1024xf32, #tpu.memory_space<vmem>>, vector<16xf32>,
        %get3A_161 = arith.index_cast %scan3A_111 : i32 to index
        %get3A_162 = arith.constant 80 : index
        %get3A_163 = tpu.vector_load %arg9[%get3A_161, %get3A_162] {strides = array<i32>} : memref<16x1024xf32, #tpu.memory_space<vmem>>, vector<16xf32>,
        %get3A_164 = arith.index_cast %scan3A_111 : i32 to index
        %get3A_165 = arith.constant 80 : index
        %get3A_166 = tpu.vector_load %arg10[%get3A_164, %get3A_165] {strides = array<i32>} : memref<16x1024xf32, #tpu.memory_space<vmem>>, vector<16xf32>,
        %add3A_167 = arith.addf %get3A_163, %get3A_166 : vector<16xf32>
        %swap3A_168 = arith.index_cast %scan3A_111 : i32 to index
        %swap3A_169 = arith.constant 80 : index
        %swap3A_170 = tpu.vector_load %arg9[%swap3A_168, %swap3A_169] {strides = array<i32>} : memref<16x1024xf32, #tpu.memory_space<vmem>>, vector<16xf32>,
        tpu.vector_store %arg9[%swap3A_168, %swap3A_169], %add3A_167 {strides = array<i32>} : memref<16x1024xf32, #tpu.memory_space<vmem>>, vector<16xf32>,
        %get3A_171 = arith.index_cast %scan3A_111 : i32 to index
        %get3A_172 = arith.constant 96 : index
        %get3A_173 = tpu.vector_load %arg9[%get3A_171, %get3A_172] {strides = array<i32>} : memref<16x1024xf32, #tpu.memory_space<vmem>>, vector<16xf32>,
        %get3A_174 = arith.index_cast %scan3A_111 : i32 to index
        %get3A_175 = arith.constant 96 : index
        %get3A_176 = tpu.vector_load %arg10[%get3A_174, %get3A_175] {strides = array<i32>} : memref<16x1024xf32, #tpu.memory_space<vmem>>, vector<16xf32>,
        %add3A_177 = arith.addf %get3A_173, %get3A_176 : vector<16xf32>
        %swap3A_178 = arith.index_cast %scan3A_111 : i32 to index
        %swap3A_179 = arith.constant 96 : index
        %swap3A_180 = tpu.vector_load %arg9[%swap3A_178, %swap3A_179] {strides = array<i32>} : memref<16x1024xf32, #tpu.memory_space<vmem>>, vector<16xf32>,
        tpu.vector_store %arg9[%swap3A_178, %swap3A_179], %add3A_177 {strides = array<i32>} : memref<16x1024xf32, #tpu.memory_space<vmem>>, vector<16xf32>,
        %get3A_181 = arith.index_cast %scan3A_111 : i32 to index
        %get3A_182 = arith.constant 112 : index
        %get3A_183 = tpu.vector_load %arg9[%get3A_181, %get3A_182] {strides = array<i32>} : memref<16x1024xf32, #tpu.memory_space<vmem>>, vector<16xf32>,
        %get3A_184 = arith.index_cast %scan3A_111 : i32 to index
        %get3A_185 = arith.constant 112 : index
        %get3A_186 = tpu.vector_load %arg10[%get3A_184, %get3A_185] {strides = array<i32>} : memref<16x1024xf32, #tpu.memory_space<vmem>>, vector<16xf32>,
        %add3A_187 = arith.addf %get3A_183, %get3A_186 : vector<16xf32>
        %swap3A_188 = arith.index_cast %scan3A_111 : i32 to index
        %swap3A_189 = arith.constant 112 : index
        %swap3A_190 = tpu.vector_load %arg9[%swap3A_188, %swap3A_189] {strides = array<i32>} : memref<16x1024xf32, #tpu.memory_space<vmem>>, vector<16xf32>,
        tpu.vector_store %arg9[%swap3A_188, %swap3A_189], %add3A_187 {strides = array<i32>} : memref<16x1024xf32, #tpu.memory_space<vmem>>, vector<16xf32>,
        %get3A_191 = arith.index_cast %scan3A_111 : i32 to index
        %get3A_192 = arith.constant 128 : index
        %get3A_193 = tpu.vector_load %arg9[%get3A_191, %get3A_192] {strides = array<i32>} : memref<16x1024xf32, #tpu.memory_space<vmem>>, vector<16xf32>,
        %get3A_194 = arith.index_cast %scan3A_111 : i32 to index
        %get3A_195 = arith.constant 128 : index
        %get3A_196 = tpu.vector_load %arg10[%get3A_194, %get3A_195] {strides = array<i32>} : memref<16x1024xf32, #tpu.memory_space<vmem>>, vector<16xf32>,
        %add3A_197 = arith.addf %get3A_193, %get3A_196 : vector<16xf32>
        %swap3A_198 = arith.index_cast %scan3A_111 : i32 to index
        %swap3A_199 = arith.constant 128 : index
        %swap3A_200 = tpu.vector_load %arg9[%swap3A_198, %swap3A_199] {strides = array<i32>} : memref<16x1024xf32, #tpu.memory_space<vmem>>, vector<16xf32>,
        tpu.vector_store %arg9[%swap3A_198, %swap3A_199], %add3A_197 {strides = array<i32>} : memref<16x1024xf32, #tpu.memory_space<vmem>>, vector<16xf32>,
        %get3A_201 = arith.index_cast %scan3A_111 : i32 to index
        %get3A_202 = arith.constant 144 : index
        %get3A_203 = tpu.vector_load %arg9[%get3A_201, %get3A_202] {strides = array<i32>} : memref<16x1024xf32, #tpu.memory_space<vmem>>, vector<16xf32>,
        %get3A_204 = arith.index_cast %scan3A_111 : i32 to index
        %get3A_205 = arith.constant 144 : index
        %get3A_206 = tpu.vector_load %arg10[%get3A_204, %get3A_205] {strides = array<i32>} : memref<16x1024xf32, #tpu.memory_space<vmem>>, vector<16xf32>,
        %add3A_207 = arith.addf %get3A_203, %get3A_206 : vector<16xf32>
        %swap3A_208 = arith.index_cast %scan3A_111 : i32 to index
        %swap3A_209 = arith.constant 144 : index
        %swap3A_210 = tpu.vector_load %arg9[%swap3A_208, %swap3A_209] {strides = array<i32>} : memref<16x1024xf32, #tpu.memory_space<vmem>>, vector<16xf32>,
        tpu.vector_store %arg9[%swap3A_208, %swap3A_209], %add3A_207 {strides = array<i32>} : memref<16x1024xf32, #tpu.memory_space<vmem>>, vector<16xf32>,
        %get3A_211 = arith.index_cast %scan3A_111 : i32 to index
        %get3A_212 = arith.constant 160 : index
        %get3A_213 = tpu.vector_load %arg9[%get3A_211, %get3A_212] {strides = array<i32>} : memref<16x1024xf32, #tpu.memory_space<vmem>>, vector<16xf32>,
        %get3A_214 = arith.index_cast %scan3A_111 : i32 to index
        %get3A_215 = arith.constant 160 : index
        %get3A_216 = tpu.vector_load %arg10[%get3A_214, %get3A_215] {strides = array<i32>} : memref<16x1024xf32, #tpu.memory_space<vmem>>, vector<16xf32>,
        %add3A_217 = arith.addf %get3A_213, %get3A_216 : vector<16xf32>
        %swap3A_218 = arith.index_cast %scan3A_111 : i32 to index
        %swap3A_219 = arith.constant 160 : index
        %swap3A_220 = tpu.vector_load %arg9[%swap3A_218, %swap3A_219] {strides = array<i32>} : memref<16x1024xf32, #tpu.memory_space<vmem>>, vector<16xf32>,
        tpu.vector_store %arg9[%swap3A_218, %swap3A_219], %add3A_217 {strides = array<i32>} : memref<16x1024xf32, #tpu.memory_space<vmem>>, vector<16xf32>,
        %get3A_221 = arith.index_cast %scan3A_111 : i32 to index
        %get3A_222 = arith.constant 176 : index
        %get3A_223 = tpu.vector_load %arg9[%get3A_221, %get3A_222] {strides = array<i32>} : memref<16x1024xf32, #tpu.memory_space<vmem>>, vector<16xf32>,
        %get3A_224 = arith.index_cast %scan3A_111 : i32 to index
        %get3A_225 = arith.constant 176 : index
        %get3A_226 = tpu.vector_load %arg10[%get3A_224, %get3A_225] {strides = array<i32>} : memref<16x1024xf32, #tpu.memory_space<vmem>>, vector<16xf32>,
        %add3A_227 = arith.addf %get3A_223, %get3A_226 : vector<16xf32>
        %swap3A_228 = arith.index_cast %scan3A_111 : i32 to index
        %swap3A_229 = arith.constant 176 : index
        %swap3A_230 = tpu.vector_load %arg9[%swap3A_228, %swap3A_229] {strides = array<i32>} : memref<16x1024xf32, #tpu.memory_space<vmem>>, vector<16xf32>,
        tpu.vector_store %arg9[%swap3A_228, %swap3A_229], %add3A_227 {strides = array<i32>} : memref<16x1024xf32, #tpu.memory_space<vmem>>, vector<16xf32>,
        %get3A_231 = arith.index_cast %scan3A_111 : i32 to index
        %get3A_232 = arith.constant 192 : index
        %get3A_233 = tpu.vector_load %arg9[%get3A_231, %get3A_232] {strides = array<i32>} : memref<16x1024xf32, #tpu.memory_space<vmem>>, vector<16xf32>,
        %get3A_234 = arith.index_cast %scan3A_111 : i32 to index
        %get3A_235 = arith.constant 192 : index
        %get3A_236 = tpu.vector_load %arg10[%get3A_234, %get3A_235] {strides = array<i32>} : memref<16x1024xf32, #tpu.memory_space<vmem>>, vector<16xf32>,
        %add3A_237 = arith.addf %get3A_233, %get3A_236 : vector<16xf32>
        %swap3A_238 = arith.index_cast %scan3A_111 : i32 to index
        %swap3A_239 = arith.constant 192 : index
        %swap3A_240 = tpu.vector_load %arg9[%swap3A_238, %swap3A_239] {strides = array<i32>} : memref<16x1024xf32, #tpu.memory_space<vmem>>, vector<16xf32>,
        tpu.vector_store %arg9[%swap3A_238, %swap3A_239], %add3A_237 {strides = array<i32>} : memref<16x1024xf32, #tpu.memory_space<vmem>>, vector<16xf32>,
        %get3A_241 = arith.index_cast %scan3A_111 : i32 to index
        %get3A_242 = arith.constant 208 : index
        %get3A_243 = tpu.vector_load %arg9[%get3A_241, %get3A_242] {strides = array<i32>} : memref<16x1024xf32, #tpu.memory_space<vmem>>, vector<16xf32>,
        %get3A_244 = arith.index_cast %scan3A_111 : i32 to index
        %get3A_245 = arith.constant 208 : index
        %get3A_246 = tpu.vector_load %arg10[%get3A_244, %get3A_245] {strides = array<i32>} : memref<16x1024xf32, #tpu.memory_space<vmem>>, vector<16xf32>,
        %add3A_247 = arith.addf %get3A_243, %get3A_246 : vector<16xf32>
        %swap3A_248 = arith.index_cast %scan3A_111 : i32 to index
        %swap3A_249 = arith.constant 208 : index
        %swap3A_250 = tpu.vector_load %arg9[%swap3A_248, %swap3A_249] {strides = array<i32>} : memref<16x1024xf32, #tpu.memory_space<vmem>>, vector<16xf32>,
        tpu.vector_store %arg9[%swap3A_248, %swap3A_249], %add3A_247 {strides = array<i32>} : memref<16x1024xf32, #tpu.memory_space<vmem>>, vector<16xf32>,
        %get3A_251 = arith.index_cast %scan3A_111 : i32 to index
        %get3A_252 = arith.constant 224 : index
        %get3A_253 = tpu.vector_load %arg9[%get3A_251, %get3A_252] {strides = array<i32>} : memref<16x1024xf32, #tpu.memory_space<vmem>>, vector<16xf32>,
        %get3A_254 = arith.index_cast %scan3A_111 : i32 to index
        %get3A_255 = arith.constant 224 : index
        %get3A_256 = tpu.vector_load %arg10[%get3A_254, %get3A_255] {strides = array<i32>} : memref<16x1024xf32, #tpu.memory_space<vmem>>, vector<16xf32>,
        %add3A_257 = arith.addf %get3A_253, %get3A_256 : vector<16xf32>
        %swap3A_258 = arith.index_cast %scan3A_111 : i32 to index
        %swap3A_259 = arith.constant 224 : index
        %swap3A_260 = tpu.vector_load %arg9[%swap3A_258, %swap3A_259] {strides = array<i32>} : memref<16x1024xf32, #tpu.memory_space<vmem>>, vector<16xf32>,
        tpu.vector_store %arg9[%swap3A_258, %swap3A_259], %add3A_257 {strides = array<i32>} : memref<16x1024xf32, #tpu.memory_space<vmem>>, vector<16xf32>,
        %get3A_261 = arith.index_cast %scan3A_111 : i32 to index
        %get3A_262 = arith.constant 240 : index
        %get3A_263 = tpu.vector_load %arg9[%get3A_261, %get3A_262] {strides = array<i32>} : memref<16x1024xf32, #tpu.memory_space<vmem>>, vector<16xf32>,
        %get3A_264 = arith.index_cast %scan3A_111 : i32 to index
        %get3A_265 = arith.constant 240 : index
        %get3A_266 = tpu.vector_load %arg10[%get3A_264, %get3A_265] {strides = array<i32>} : memref<16x1024xf32, #tpu.memory_space<vmem>>, vector<16xf32>,
        %add3A_267 = arith.addf %get3A_263, %get3A_266 : vector<16xf32>
        %swap3A_268 = arith.index_cast %scan3A_111 : i32 to index
        %swap3A_269 = arith.constant 240 : index
        %swap3A_270 = tpu.vector_load %arg9[%swap3A_268, %swap3A_269] {strides = array<i32>} : memref<16x1024xf32, #tpu.memory_space<vmem>>, vector<16xf32>,
        tpu.vector_store %arg9[%swap3A_268, %swap3A_269], %add3A_267 {strides = array<i32>} : memref<16x1024xf32, #tpu.memory_space<vmem>>, vector<16xf32>,
        %get3A_271 = arith.index_cast %scan3A_111 : i32 to index
        %get3A_272 = arith.constant 256 : index
        %get3A_273 = tpu.vector_load %arg9[%get3A_271, %get3A_272] {strides = array<i32>} : memref<16x1024xf32, #tpu.memory_space<vmem>>, vector<16xf32>,
        %get3A_274 = arith.index_cast %scan3A_111 : i32 to index
        %get3A_275 = arith.constant 256 : index
        %get3A_276 = tpu.vector_load %arg10[%get3A_274, %get3A_275] {strides = array<i32>} : memref<16x1024xf32, #tpu.memory_space<vmem>>, vector<16xf32>,
        %add3A_277 = arith.addf %get3A_273, %get3A_276 : vector<16xf32>
        %swap3A_278 = arith.index_cast %scan3A_111 : i32 to index
        %swap3A_279 = arith.constant 256 : index
        %swap3A_280 = tpu.vector_load %arg9[%swap3A_278, %swap3A_279] {strides = array<i32>} : memref<16x1024xf32, #tpu.memory_space<vmem>>, vector<16xf32>,
        tpu.vector_store %arg9[%swap3A_278, %swap3A_279], %add3A_277 {strides = array<i32>} : memref<16x1024xf32, #tpu.memory_space<vmem>>, vector<16xf32>,
        %get3A_281 = arith.index_cast %scan3A_111 : i32 to index
        %get3A_282 = arith.constant 272 : index
        %get3A_283 = tpu.vector_load %arg9[%get3A_281, %get3A_282] {strides = array<i32>} : memref<16x1024xf32, #tpu.memory_space<vmem>>, vector<16xf32>,
        %get3A_284 = arith.index_cast %scan3A_111 : i32 to index
        %get3A_285 = arith.constant 272 : index
        %get3A_286 = tpu.vector_load %arg10[%get3A_284, %get3A_285] {strides = array<i32>} : memref<16x1024xf32, #tpu.memory_space<vmem>>, vector<16xf32>,
        %add3A_287 = arith.addf %get3A_283, %get3A_286 : vector<16xf32>
        %swap3A_288 = arith.index_cast %scan3A_111 : i32 to index
        %swap3A_289 = arith.constant 272 : index
        %swap3A_290 = tpu.vector_load %arg9[%swap3A_288, %swap3A_289] {strides = array<i32>} : memref<16x1024xf32, #tpu.memory_space<vmem>>, vector<16xf32>,
        tpu.vector_store %arg9[%swap3A_288, %swap3A_289], %add3A_287 {strides = array<i32>} : memref<16x1024xf32, #tpu.memory_space<vmem>>, vector<16xf32>,
        %get3A_291 = arith.index_cast %scan3A_111 : i32 to index
        %get3A_292 = arith.constant 288 : index
        %get3A_293 = tpu.vector_load %arg9[%get3A_291, %get3A_292] {strides = array<i32>} : memref<16x1024xf32, #tpu.memory_space<vmem>>, vector<16xf32>,
        %get3A_294 = arith.index_cast %scan3A_111 : i32 to index
        %get3A_295 = arith.constant 288 : index
        %get3A_296 = tpu.vector_load %arg10[%get3A_294, %get3A_295] {strides = array<i32>} : memref<16x1024xf32, #tpu.memory_space<vmem>>, vector<16xf32>,
        %add3A_297 = arith.addf %get3A_293, %get3A_296 : vector<16xf32>
        %swap3A_298 = arith.index_cast %scan3A_111 : i32 to index
        %swap3A_299 = arith.constant 288 : index
        %swap3A_300 = tpu.vector_load %arg9[%swap3A_298, %swap3A_299] {strides = array<i32>} : memref<16x1024xf32, #tpu.memory_space<vmem>>, vector<16xf32>,
        tpu.vector_store %arg9[%swap3A_298, %swap3A_299], %add3A_297 {strides = array<i32>} : memref<16x1024xf32, #tpu.memory_space<vmem>>, vector<16xf32>,
        %get3A_301 = arith.index_cast %scan3A_111 : i32 to index
        %get3A_302 = arith.constant 304 : index
        %get3A_303 = tpu.vector_load %arg9[%get3A_301, %get3A_302] {strides = array<i32>} : memref<16x1024xf32, #tpu.memory_space<vmem>>, vector<16xf32>,
        %get3A_304 = arith.index_cast %scan3A_111 : i32 to index
        %get3A_305 = arith.constant 304 : index
        %get3A_306 = tpu.vector_load %arg10[%get3A_304, %get3A_305] {strides = array<i32>} : memref<16x1024xf32, #tpu.memory_space<vmem>>, vector<16xf32>,
        %add3A_307 = arith.addf %get3A_303, %get3A_306 : vector<16xf32>
        %swap3A_308 = arith.index_cast %scan3A_111 : i32 to index
        %swap3A_309 = arith.constant 304 : index
        %swap3A_310 = tpu.vector_load %arg9[%swap3A_308, %swap3A_309] {strides = array<i32>} : memref<16x1024xf32, #tpu.memory_space<vmem>>, vector<16xf32>,
        tpu.vector_store %arg9[%swap3A_308, %swap3A_309], %add3A_307 {strides = array<i32>} : memref<16x1024xf32, #tpu.memory_space<vmem>>, vector<16xf32>,
        %get3A_311 = arith.index_cast %scan3A_111 : i32 to index
        %get3A_312 = arith.constant 320 : index
        %get3A_313 = tpu.vector_load %arg9[%get3A_311, %get3A_312] {strides = array<i32>} : memref<16x1024xf32, #tpu.memory_space<vmem>>, vector<16xf32>,
        %get3A_314 = arith.index_cast %scan3A_111 : i32 to index
        %get3A_315 = arith.constant 320 : index
        %get3A_316 = tpu.vector_load %arg10[%get3A_314, %get3A_315] {strides = array<i32>} : memref<16x1024xf32, #tpu.memory_space<vmem>>, vector<16xf32>,
        %add3A_317 = arith.addf %get3A_313, %get3A_316 : vector<16xf32>
        %swap3A_318 = arith.index_cast %scan3A_111 : i32 to index
        %swap3A_319 = arith.constant 320 : index
        %swap3A_320 = tpu.vector_load %arg9[%swap3A_318, %swap3A_319] {strides = array<i32>} : memref<16x1024xf32, #tpu.memory_space<vmem>>, vector<16xf32>,
        tpu.vector_store %arg9[%swap3A_318, %swap3A_319], %add3A_317 {strides = array<i32>} : memref<16x1024xf32, #tpu.memory_space<vmem>>, vector<16xf32>,
        %get3A_321 = arith.index_cast %scan3A_111 : i32 to index
        %get3A_322 = arith.constant 336 : index
        %get3A_323 = tpu.vector_load %arg9[%get3A_321, %get3A_322] {strides = array<i32>} : memref<16x1024xf32, #tpu.memory_space<vmem>>, vector<16xf32>,
        %get3A_324 = arith.index_cast %scan3A_111 : i32 to index
        %get3A_325 = arith.constant 336 : index
        %get3A_326 = tpu.vector_load %arg10[%get3A_324, %get3A_325] {strides = array<i32>} : memref<16x1024xf32, #tpu.memory_space<vmem>>, vector<16xf32>,
        %add3A_327 = arith.addf %get3A_323, %get3A_326 : vector<16xf32>
        %swap3A_328 = arith.index_cast %scan3A_111 : i32 to index
        %swap3A_329 = arith.constant 336 : index
        %swap3A_330 = tpu.vector_load %arg9[%swap3A_328, %swap3A_329] {strides = array<i32>} : memref<16x1024xf32, #tpu.memory_space<vmem>>, vector<16xf32>,
        tpu.vector_store %arg9[%swap3A_328, %swap3A_329], %add3A_327 {strides = array<i32>} : memref<16x1024xf32, #tpu.memory_space<vmem>>, vector<16xf32>,
        %get3A_331 = arith.index_cast %scan3A_111 : i32 to index
        %get3A_332 = arith.constant 352 : index
        %get3A_333 = tpu.vector_load %arg9[%get3A_331, %get3A_332] {strides = array<i32>} : memref<16x1024xf32, #tpu.memory_space<vmem>>, vector<16xf32>,
        %get3A_334 = arith.index_cast %scan3A_111 : i32 to index
        %get3A_335 = arith.constant 352 : index
        %get3A_336 = tpu.vector_load %arg10[%get3A_334, %get3A_335] {strides = array<i32>} : memref<16x1024xf32, #tpu.memory_space<vmem>>, vector<16xf32>,
        %add3A_337 = arith.addf %get3A_333, %get3A_336 : vector<16xf32>
        %swap3A_338 = arith.index_cast %scan3A_111 : i32 to index
        %swap3A_339 = arith.constant 352 : index
        %swap3A_340 = tpu.vector_load %arg9[%swap3A_338, %swap3A_339] {strides = array<i32>} : memref<16x1024xf32, #tpu.memory_space<vmem>>, vector<16xf32>,
        tpu.vector_store %arg9[%swap3A_338, %swap3A_339], %add3A_337 {strides = array<i32>} : memref<16x1024xf32, #tpu.memory_space<vmem>>, vector<16xf32>,
        %get3A_341 = arith.index_cast %scan3A_111 : i32 to index
        %get3A_342 = arith.constant 368 : index
        %get3A_343 = tpu.vector_load %arg9[%get3A_341, %get3A_342] {strides = array<i32>} : memref<16x1024xf32, #tpu.memory_space<vmem>>, vector<16xf32>,
        %get3A_344 = arith.index_cast %scan3A_111 : i32 to index
        %get3A_345 = arith.constant 368 : index
        %get3A_346 = tpu.vector_load %arg10[%get3A_344, %get3A_345] {strides = array<i32>} : memref<16x1024xf32, #tpu.memory_space<vmem>>, vector<16xf32>,
        %add3A_347 = arith.addf %get3A_343, %get3A_346 : vector<16xf32>
        %swap3A_348 = arith.index_cast %scan3A_111 : i32 to index
        %swap3A_349 = arith.constant 368 : index
        %swap3A_350 = tpu.vector_load %arg9[%swap3A_348, %swap3A_349] {strides = array<i32>} : memref<16x1024xf32, #tpu.memory_space<vmem>>, vector<16xf32>,
        tpu.vector_store %arg9[%swap3A_348, %swap3A_349], %add3A_347 {strides = array<i32>} : memref<16x1024xf32, #tpu.memory_space<vmem>>, vector<16xf32>,
        %get3A_351 = arith.index_cast %scan3A_111 : i32 to index
        %get3A_352 = arith.constant 384 : index
        %get3A_353 = tpu.vector_load %arg9[%get3A_351, %get3A_352] {strides = array<i32>} : memref<16x1024xf32, #tpu.memory_space<vmem>>, vector<16xf32>,
        %get3A_354 = arith.index_cast %scan3A_111 : i32 to index
        %get3A_355 = arith.constant 384 : index
        %get3A_356 = tpu.vector_load %arg10[%get3A_354, %get3A_355] {strides = array<i32>} : memref<16x1024xf32, #tpu.memory_space<vmem>>, vector<16xf32>,
        %add3A_357 = arith.addf %get3A_353, %get3A_356 : vector<16xf32>
        %swap3A_358 = arith.index_cast %scan3A_111 : i32 to index
        %swap3A_359 = arith.constant 384 : index
        %swap3A_360 = tpu.vector_load %arg9[%swap3A_358, %swap3A_359] {strides = array<i32>} : memref<16x1024xf32, #tpu.memory_space<vmem>>, vector<16xf32>,
        tpu.vector_store %arg9[%swap3A_358, %swap3A_359], %add3A_357 {strides = array<i32>} : memref<16x1024xf32, #tpu.memory_space<vmem>>, vector<16xf32>,
        %get3A_361 = arith.index_cast %scan3A_111 : i32 to index
        %get3A_362 = arith.constant 400 : index
        %get3A_363 = tpu.vector_load %arg9[%get3A_361, %get3A_362] {strides = array<i32>} : memref<16x1024xf32, #tpu.memory_space<vmem>>, vector<16xf32>,
        %get3A_364 = arith.index_cast %scan3A_111 : i32 to index
        %get3A_365 = arith.constant 400 : index
        %get3A_366 = tpu.vector_load %arg10[%get3A_364, %get3A_365] {strides = array<i32>} : memref<16x1024xf32, #tpu.memory_space<vmem>>, vector<16xf32>,
        %add3A_367 = arith.addf %get3A_363, %get3A_366 : vector<16xf32>
        %swap3A_368 = arith.index_cast %scan3A_111 : i32 to index
        %swap3A_369 = arith.constant 400 : index
        %swap3A_370 = tpu.vector_load %arg9[%swap3A_368, %swap3A_369] {strides = array<i32>} : memref<16x1024xf32, #tpu.memory_space<vmem>>, vector<16xf32>,
        tpu.vector_store %arg9[%swap3A_368, %swap3A_369], %add3A_367 {strides = array<i32>} : memref<16x1024xf32, #tpu.memory_space<vmem>>, vector<16xf32>,
        %get3A_371 = arith.index_cast %scan3A_111 : i32 to index
        %get3A_372 = arith.constant 416 : index
        %get3A_373 = tpu.vector_load %arg9[%get3A_371, %get3A_372] {strides = array<i32>} : memref<16x1024xf32, #tpu.memory_space<vmem>>, vector<16xf32>,
        %get3A_374 = arith.index_cast %scan3A_111 : i32 to index
        %get3A_375 = arith.constant 416 : index
        %get3A_376 = tpu.vector_load %arg10[%get3A_374, %get3A_375] {strides = array<i32>} : memref<16x1024xf32, #tpu.memory_space<vmem>>, vector<16xf32>,
        %add3A_377 = arith.addf %get3A_373, %get3A_376 : vector<16xf32>
        %swap3A_378 = arith.index_cast %scan3A_111 : i32 to index
        %swap3A_379 = arith.constant 416 : index
        %swap3A_380 = tpu.vector_load %arg9[%swap3A_378, %swap3A_379] {strides = array<i32>} : memref<16x1024xf32, #tpu.memory_space<vmem>>, vector<16xf32>,
        tpu.vector_store %arg9[%swap3A_378, %swap3A_379], %add3A_377 {strides = array<i32>} : memref<16x1024xf32, #tpu.memory_space<vmem>>, vector<16xf32>,
        %get3A_381 = arith.index_cast %scan3A_111 : i32 to index
        %get3A_382 = arith.constant 432 : index
        %get3A_383 = tpu.vector_load %arg9[%get3A_381, %get3A_382] {strides = array<i32>} : memref<16x1024xf32, #tpu.memory_space<vmem>>, vector<16xf32>,
        %get3A_384 = arith.index_cast %scan3A_111 : i32 to index
        %get3A_385 = arith.constant 432 : index
        %get3A_386 = tpu.vector_load %arg10[%get3A_384, %get3A_385] {strides = array<i32>} : memref<16x1024xf32, #tpu.memory_space<vmem>>, vector<16xf32>,
        %add3A_387 = arith.addf %get3A_383, %get3A_386 : vector<16xf32>
        %swap3A_388 = arith.index_cast %scan3A_111 : i32 to index
        %swap3A_389 = arith.constant 432 : index
        %swap3A_390 = tpu.vector_load %arg9[%swap3A_388, %swap3A_389] {strides = array<i32>} : memref<16x1024xf32, #tpu.memory_space<vmem>>, vector<16xf32>,
        tpu.vector_store %arg9[%swap3A_388, %swap3A_389], %add3A_387 {strides = array<i32>} : memref<16x1024xf32, #tpu.memory_space<vmem>>, vector<16xf32>,
        %get3A_391 = arith.index_cast %scan3A_111 : i32 to index
        %get3A_392 = arith.constant 448 : index
        %get3A_393 = tpu.vector_load %arg9[%get3A_391, %get3A_392] {strides = array<i32>} : memref<16x1024xf32, #tpu.memory_space<vmem>>, vector<16xf32>,
        %get3A_394 = arith.index_cast %scan3A_111 : i32 to index
        %get3A_395 = arith.constant 448 : index
        %get3A_396 = tpu.vector_load %arg10[%get3A_394, %get3A_395] {strides = array<i32>} : memref<16x1024xf32, #tpu.memory_space<vmem>>, vector<16xf32>,
        %add3A_397 = arith.addf %get3A_393, %get3A_396 : vector<16xf32>
        %swap3A_398 = arith.index_cast %scan3A_111 : i32 to index
        %swap3A_399 = arith.constant 448 : index
        %swap3A_400 = tpu.vector_load %arg9[%swap3A_398, %swap3A_399] {strides = array<i32>} : memref<16x1024xf32, #tpu.memory_space<vmem>>, vector<16xf32>,
        tpu.vector_store %arg9[%swap3A_398, %swap3A_399], %add3A_397 {strides = array<i32>} : memref<16x1024xf32, #tpu.memory_space<vmem>>, vector<16xf32>,
        %get3A_401 = arith.index_cast %scan3A_111 : i32 to index
        %get3A_402 = arith.constant 464 : index
        %get3A_403 = tpu.vector_load %arg9[%get3A_401, %get3A_402] {strides = array<i32>} : memref<16x1024xf32, #tpu.memory_space<vmem>>, vector<16xf32>,
        %get3A_404 = arith.index_cast %scan3A_111 : i32 to index
        %get3A_405 = arith.constant 464 : index
        %get3A_406 = tpu.vector_load %arg10[%get3A_404, %get3A_405] {strides = array<i32>} : memref<16x1024xf32, #tpu.memory_space<vmem>>, vector<16xf32>,
        %add3A_407 = arith.addf %get3A_403, %get3A_406 : vector<16xf32>
        %swap3A_408 = arith.index_cast %scan3A_111 : i32 to index
        %swap3A_409 = arith.constant 464 : index
        %swap3A_410 = tpu.vector_load %arg9[%swap3A_408, %swap3A_409] {strides = array<i32>} : memref<16x1024xf32, #tpu.memory_space<vmem>>, vector<16xf32>,
        tpu.vector_store %arg9[%swap3A_408, %swap3A_409], %add3A_407 {strides = array<i32>} : memref<16x1024xf32, #tpu.memory_space<vmem>>, vector<16xf32>,
        %get3A_411 = arith.index_cast %scan3A_111 : i32 to index
        %get3A_412 = arith.constant 480 : index
        %get3A_413 = tpu.vector_load %arg9[%get3A_411, %get3A_412] {strides = array<i32>} : memref<16x1024xf32, #tpu.memory_space<vmem>>, vector<16xf32>,
        %get3A_414 = arith.index_cast %scan3A_111 : i32 to index
        %get3A_415 = arith.constant 480 : index
        %get3A_416 = tpu.vector_load %arg10[%get3A_414, %get3A_415] {strides = array<i32>} : memref<16x1024xf32, #tpu.memory_space<vmem>>, vector<16xf32>,
        %add3A_417 = arith.addf %get3A_413, %get3A_416 : vector<16xf32>
        %swap3A_418 = arith.index_cast %scan3A_111 : i32 to index
        %swap3A_419 = arith.constant 480 : index
        %swap3A_420 = tpu.vector_load %arg9[%swap3A_418, %swap3A_419] {strides = array<i32>} : memref<16x1024xf32, #tpu.memory_space<vmem>>, vector<16xf32>,
        tpu.vector_store %arg9[%swap3A_418, %swap3A_419], %add3A_417 {strides = array<i32>} : memref<16x1024xf32, #tpu.memory_space<vmem>>, vector<16xf32>,
        %get3A_421 = arith.index_cast %scan3A_111 : i32 to index
        %get3A_422 = arith.constant 496 : index
        %get3A_423 = tpu.vector_load %arg9[%get3A_421, %get3A_422] {strides = array<i32>} : memref<16x1024xf32, #tpu.memory_space<vmem>>, vector<16xf32>,
        %get3A_424 = arith.index_cast %scan3A_111 : i32 to index
        %get3A_425 = arith.constant 496 : index
        %get3A_426 = tpu.vector_load %arg10[%get3A_424, %get3A_425] {strides = array<i32>} : memref<16x1024xf32, #tpu.memory_space<vmem>>, vector<16xf32>,
        %add3A_427 = arith.addf %get3A_423, %get3A_426 : vector<16xf32>
        %swap3A_428 = arith.index_cast %scan3A_111 : i32 to index
        %swap3A_429 = arith.constant 496 : index
        %swap3A_430 = tpu.vector_load %arg9[%swap3A_428, %swap3A_429] {strides = array<i32>} : memref<16x1024xf32, #tpu.memory_space<vmem>>, vector<16xf32>,
        tpu.vector_store %arg9[%swap3A_428, %swap3A_429], %add3A_427 {strides = array<i32>} : memref<16x1024xf32, #tpu.memory_space<vmem>>, vector<16xf32>,
        %get3A_431 = arith.index_cast %scan3A_111 : i32 to index
        %get3A_432 = arith.constant 512 : index
        %get3A_433 = tpu.vector_load %arg9[%get3A_431, %get3A_432] {strides = array<i32>} : memref<16x1024xf32, #tpu.memory_space<vmem>>, vector<16xf32>,
        %get3A_434 = arith.index_cast %scan3A_111 : i32 to index
        %get3A_435 = arith.constant 512 : index
        %get3A_436 = tpu.vector_load %arg10[%get3A_434, %get3A_435] {strides = array<i32>} : memref<16x1024xf32, #tpu.memory_space<vmem>>, vector<16xf32>,
        %add3A_437 = arith.addf %get3A_433, %get3A_436 : vector<16xf32>
        %swap3A_438 = arith.index_cast %scan3A_111 : i32 to index
        %swap3A_439 = arith.constant 512 : index
        %swap3A_440 = tpu.vector_load %arg9[%swap3A_438, %swap3A_439] {strides = array<i32>} : memref<16x1024xf32, #tpu.memory_space<vmem>>, vector<16xf32>,
        tpu.vector_store %arg9[%swap3A_438, %swap3A_439], %add3A_437 {strides = array<i32>} : memref<16x1024xf32, #tpu.memory_space<vmem>>, vector<16xf32>,
        %get3A_441 = arith.index_cast %scan3A_111 : i32 to index
        %get3A_442 = arith.constant 528 : index
        %get3A_443 = tpu.vector_load %arg9[%get3A_441, %get3A_442] {strides = array<i32>} : memref<16x1024xf32, #tpu.memory_space<vmem>>, vector<16xf32>,
        %get3A_444 = arith.index_cast %scan3A_111 : i32 to index
        %get3A_445 = arith.constant 528 : index
        %get3A_446 = tpu.vector_load %arg10[%get3A_444, %get3A_445] {strides = array<i32>} : memref<16x1024xf32, #tpu.memory_space<vmem>>, vector<16xf32>,
        %add3A_447 = arith.addf %get3A_443, %get3A_446 : vector<16xf32>
        %swap3A_448 = arith.index_cast %scan3A_111 : i32 to index
        %swap3A_449 = arith.constant 528 : index
        %swap3A_450 = tpu.vector_load %arg9[%swap3A_448, %swap3A_449] {strides = array<i32>} : memref<16x1024xf32, #tpu.memory_space<vmem>>, vector<16xf32>,
        tpu.vector_store %arg9[%swap3A_448, %swap3A_449], %add3A_447 {strides = array<i32>} : memref<16x1024xf32, #tpu.memory_space<vmem>>, vector<16xf32>,
        %get3A_451 = arith.index_cast %scan3A_111 : i32 to index
        %get3A_452 = arith.constant 544 : index
        %get3A_453 = tpu.vector_load %arg9[%get3A_451, %get3A_452] {strides = array<i32>} : memref<16x1024xf32, #tpu.memory_space<vmem>>, vector<16xf32>,
        %get3A_454 = arith.index_cast %scan3A_111 : i32 to index
        %get3A_455 = arith.constant 544 : index
        %get3A_456 = tpu.vector_load %arg10[%get3A_454, %get3A_455] {strides = array<i32>} : memref<16x1024xf32, #tpu.memory_space<vmem>>, vector<16xf32>,
        %add3A_457 = arith.addf %get3A_453, %get3A_456 : vector<16xf32>
        %swap3A_458 = arith.index_cast %scan3A_111 : i32 to index
        %swap3A_459 = arith.constant 544 : index
        %swap3A_460 = tpu.vector_load %arg9[%swap3A_458, %swap3A_459] {strides = array<i32>} : memref<16x1024xf32, #tpu.memory_space<vmem>>, vector<16xf32>,
        tpu.vector_store %arg9[%swap3A_458, %swap3A_459], %add3A_457 {strides = array<i32>} : memref<16x1024xf32, #tpu.memory_space<vmem>>, vector<16xf32>,
        %get3A_461 = arith.index_cast %scan3A_111 : i32 to index
        %get3A_462 = arith.constant 560 : index
        %get3A_463 = tpu.vector_load %arg9[%get3A_461, %get3A_462] {strides = array<i32>} : memref<16x1024xf32, #tpu.memory_space<vmem>>, vector<16xf32>,
        %get3A_464 = arith.index_cast %scan3A_111 : i32 to index
        %get3A_465 = arith.constant 560 : index
        %get3A_466 = tpu.vector_load %arg10[%get3A_464, %get3A_465] {strides = array<i32>} : memref<16x1024xf32, #tpu.memory_space<vmem>>, vector<16xf32>,
        %add3A_467 = arith.addf %get3A_463, %get3A_466 : vector<16xf32>
        %swap3A_468 = arith.index_cast %scan3A_111 : i32 to index
        %swap3A_469 = arith.constant 560 : index
        %swap3A_470 = tpu.vector_load %arg9[%swap3A_468, %swap3A_469] {strides = array<i32>} : memref<16x1024xf32, #tpu.memory_space<vmem>>, vector<16xf32>,
        tpu.vector_store %arg9[%swap3A_468, %swap3A_469], %add3A_467 {strides = array<i32>} : memref<16x1024xf32, #tpu.memory_space<vmem>>, vector<16xf32>,
        %get3A_471 = arith.index_cast %scan3A_111 : i32 to index
        %get3A_472 = arith.constant 576 : index
        %get3A_473 = tpu.vector_load %arg9[%get3A_471, %get3A_472] {strides = array<i32>} : memref<16x1024xf32, #tpu.memory_space<vmem>>, vector<16xf32>,
        %get3A_474 = arith.index_cast %scan3A_111 : i32 to index
        %get3A_475 = arith.constant 576 : index
        %get3A_476 = tpu.vector_load %arg10[%get3A_474, %get3A_475] {strides = array<i32>} : memref<16x1024xf32, #tpu.memory_space<vmem>>, vector<16xf32>,
        %add3A_477 = arith.addf %get3A_473, %get3A_476 : vector<16xf32>
        %swap3A_478 = arith.index_cast %scan3A_111 : i32 to index
        %swap3A_479 = arith.constant 576 : index
        %swap3A_480 = tpu.vector_load %arg9[%swap3A_478, %swap3A_479] {strides = array<i32>} : memref<16x1024xf32, #tpu.memory_space<vmem>>, vector<16xf32>,
        tpu.vector_store %arg9[%swap3A_478, %swap3A_479], %add3A_477 {strides = array<i32>} : memref<16x1024xf32, #tpu.memory_space<vmem>>, vector<16xf32>,
        %get3A_481 = arith.index_cast %scan3A_111 : i32 to index
        %get3A_482 = arith.constant 592 : index
        %get3A_483 = tpu.vector_load %arg9[%get3A_481, %get3A_482] {strides = array<i32>} : memref<16x1024xf32, #tpu.memory_space<vmem>>, vector<16xf32>,
        %get3A_484 = arith.index_cast %scan3A_111 : i32 to index
        %get3A_485 = arith.constant 592 : index
        %get3A_486 = tpu.vector_load %arg10[%get3A_484, %get3A_485] {strides = array<i32>} : memref<16x1024xf32, #tpu.memory_space<vmem>>, vector<16xf32>,
        %add3A_487 = arith.addf %get3A_483, %get3A_486 : vector<16xf32>
        %swap3A_488 = arith.index_cast %scan3A_111 : i32 to index
        %swap3A_489 = arith.constant 592 : index
        %swap3A_490 = tpu.vector_load %arg9[%swap3A_488, %swap3A_489] {strides = array<i32>} : memref<16x1024xf32, #tpu.memory_space<vmem>>, vector<16xf32>,
        tpu.vector_store %arg9[%swap3A_488, %swap3A_489], %add3A_487 {strides = array<i32>} : memref<16x1024xf32, #tpu.memory_space<vmem>>, vector<16xf32>,
        %get3A_491 = arith.index_cast %scan3A_111 : i32 to index
        %get3A_492 = arith.constant 608 : index
        %get3A_493 = tpu.vector_load %arg9[%get3A_491, %get3A_492] {strides = array<i32>} : memref<16x1024xf32, #tpu.memory_space<vmem>>, vector<16xf32>,
        %get3A_494 = arith.index_cast %scan3A_111 : i32 to index
        %get3A_495 = arith.constant 608 : index
        %get3A_496 = tpu.vector_load %arg10[%get3A_494, %get3A_495] {strides = array<i32>} : memref<16x1024xf32, #tpu.memory_space<vmem>>, vector<16xf32>,
        %add3A_497 = arith.addf %get3A_493, %get3A_496 : vector<16xf32>
        %swap3A_498 = arith.index_cast %scan3A_111 : i32 to index
        %swap3A_499 = arith.constant 608 : index
        %swap3A_500 = tpu.vector_load %arg9[%swap3A_498, %swap3A_499] {strides = array<i32>} : memref<16x1024xf32, #tpu.memory_space<vmem>>, vector<16xf32>,
        tpu.vector_store %arg9[%swap3A_498, %swap3A_499], %add3A_497 {strides = array<i32>} : memref<16x1024xf32, #tpu.memory_space<vmem>>, vector<16xf32>,
        %get3A_501 = arith.index_cast %scan3A_111 : i32 to index
        %get3A_502 = arith.constant 624 : index
        %get3A_503 = tpu.vector_load %arg9[%get3A_501, %get3A_502] {strides = array<i32>} : memref<16x1024xf32, #tpu.memory_space<vmem>>, vector<16xf32>,
        %get3A_504 = arith.index_cast %scan3A_111 : i32 to index
        %get3A_505 = arith.constant 624 : index
        %get3A_506 = tpu.vector_load %arg10[%get3A_504, %get3A_505] {strides = array<i32>} : memref<16x1024xf32, #tpu.memory_space<vmem>>, vector<16xf32>,
        %add3A_507 = arith.addf %get3A_503, %get3A_506 : vector<16xf32>
        %swap3A_508 = arith.index_cast %scan3A_111 : i32 to index
        %swap3A_509 = arith.constant 624 : index
        %swap3A_510 = tpu.vector_load %arg9[%swap3A_508, %swap3A_509] {strides = array<i32>} : memref<16x1024xf32, #tpu.memory_space<vmem>>, vector<16xf32>,
        tpu.vector_store %arg9[%swap3A_508, %swap3A_509], %add3A_507 {strides = array<i32>} : memref<16x1024xf32, #tpu.memory_space<vmem>>, vector<16xf32>,
        %get3A_511 = arith.index_cast %scan3A_111 : i32 to index
        %get3A_512 = arith.constant 640 : index
        %get3A_513 = tpu.vector_load %arg9[%get3A_511, %get3A_512] {strides = array<i32>} : memref<16x1024xf32, #tpu.memory_space<vmem>>, vector<16xf32>,
        %get3A_514 = arith.index_cast %scan3A_111 : i32 to index
        %get3A_515 = arith.constant 640 : index
        %get3A_516 = tpu.vector_load %arg10[%get3A_514, %get3A_515] {strides = array<i32>} : memref<16x1024xf32, #tpu.memory_space<vmem>>, vector<16xf32>,
        %add3A_517 = arith.addf %get3A_513, %get3A_516 : vector<16xf32>
        %swap3A_518 = arith.index_cast %scan3A_111 : i32 to index
        %swap3A_519 = arith.constant 640 : index
        %swap3A_520 = tpu.vector_load %arg9[%swap3A_518, %swap3A_519] {strides = array<i32>} : memref<16x1024xf32, #tpu.memory_space<vmem>>, vector<16xf32>,
        tpu.vector_store %arg9[%swap3A_518, %swap3A_519], %add3A_517 {strides = array<i32>} : memref<16x1024xf32, #tpu.memory_space<vmem>>, vector<16xf32>,
        %get3A_521 = arith.index_cast %scan3A_111 : i32 to index
        %get3A_522 = arith.constant 656 : index
        %get3A_523 = tpu.vector_load %arg9[%get3A_521, %get3A_522] {strides = array<i32>} : memref<16x1024xf32, #tpu.memory_space<vmem>>, vector<16xf32>,
        %get3A_524 = arith.index_cast %scan3A_111 : i32 to index
        %get3A_525 = arith.constant 656 : index
        %get3A_526 = tpu.vector_load %arg10[%get3A_524, %get3A_525] {strides = array<i32>} : memref<16x1024xf32, #tpu.memory_space<vmem>>, vector<16xf32>,
        %add3A_527 = arith.addf %get3A_523, %get3A_526 : vector<16xf32>
        %swap3A_528 = arith.index_cast %scan3A_111 : i32 to index
        %swap3A_529 = arith.constant 656 : index
        %swap3A_530 = tpu.vector_load %arg9[%swap3A_528, %swap3A_529] {strides = array<i32>} : memref<16x1024xf32, #tpu.memory_space<vmem>>, vector<16xf32>,
        tpu.vector_store %arg9[%swap3A_528, %swap3A_529], %add3A_527 {strides = array<i32>} : memref<16x1024xf32, #tpu.memory_space<vmem>>, vector<16xf32>,
        %get3A_531 = arith.index_cast %scan3A_111 : i32 to index
        %get3A_532 = arith.constant 672 : index
        %get3A_533 = tpu.vector_load %arg9[%get3A_531, %get3A_532] {strides = array<i32>} : memref<16x1024xf32, #tpu.memory_space<vmem>>, vector<16xf32>,
        %get3A_534 = arith.index_cast %scan3A_111 : i32 to index
        %get3A_535 = arith.constant 672 : index
        %get3A_536 = tpu.vector_load %arg10[%get3A_534, %get3A_535] {strides = array<i32>} : memref<16x1024xf32, #tpu.memory_space<vmem>>, vector<16xf32>,
        %add3A_537 = arith.addf %get3A_533, %get3A_536 : vector<16xf32>
        %swap3A_538 = arith.index_cast %scan3A_111 : i32 to index
        %swap3A_539 = arith.constant 672 : index
        %swap3A_540 = tpu.vector_load %arg9[%swap3A_538, %swap3A_539] {strides = array<i32>} : memref<16x1024xf32, #tpu.memory_space<vmem>>, vector<16xf32>,
        tpu.vector_store %arg9[%swap3A_538, %swap3A_539], %add3A_537 {strides = array<i32>} : memref<16x1024xf32, #tpu.memory_space<vmem>>, vector<16xf32>,
        %get3A_541 = arith.index_cast %scan3A_111 : i32 to index
        %get3A_542 = arith.constant 688 : index
        %get3A_543 = tpu.vector_load %arg9[%get3A_541, %get3A_542] {strides = array<i32>} : memref<16x1024xf32, #tpu.memory_space<vmem>>, vector<16xf32>,
        %get3A_544 = arith.index_cast %scan3A_111 : i32 to index
        %get3A_545 = arith.constant 688 : index
        %get3A_546 = tpu.vector_load %arg10[%get3A_544, %get3A_545] {strides = array<i32>} : memref<16x1024xf32, #tpu.memory_space<vmem>>, vector<16xf32>,
        %add3A_547 = arith.addf %get3A_543, %get3A_546 : vector<16xf32>
        %swap3A_548 = arith.index_cast %scan3A_111 : i32 to index
        %swap3A_549 = arith.constant 688 : index
        %swap3A_550 = tpu.vector_load %arg9[%swap3A_548, %swap3A_549] {strides = array<i32>} : memref<16x1024xf32, #tpu.memory_space<vmem>>, vector<16xf32>,
        tpu.vector_store %arg9[%swap3A_548, %swap3A_549], %add3A_547 {strides = array<i32>} : memref<16x1024xf32, #tpu.memory_space<vmem>>, vector<16xf32>,
        %get3A_551 = arith.index_cast %scan3A_111 : i32 to index
        %get3A_552 = arith.constant 704 : index
        %get3A_553 = tpu.vector_load %arg9[%get3A_551, %get3A_552] {strides = array<i32>} : memref<16x1024xf32, #tpu.memory_space<vmem>>, vector<16xf32>,
        %get3A_554 = arith.index_cast %scan3A_111 : i32 to index
        %get3A_555 = arith.constant 704 : index
        %get3A_556 = tpu.vector_load %arg10[%get3A_554, %get3A_555] {strides = array<i32>} : memref<16x1024xf32, #tpu.memory_space<vmem>>, vector<16xf32>,
        %add3A_557 = arith.addf %get3A_553, %get3A_556 : vector<16xf32>
        %swap3A_558 = arith.index_cast %scan3A_111 : i32 to index
        %swap3A_559 = arith.constant 704 : index
        %swap3A_560 = tpu.vector_load %arg9[%swap3A_558, %swap3A_559] {strides = array<i32>} : memref<16x1024xf32, #tpu.memory_space<vmem>>, vector<16xf32>,
        tpu.vector_store %arg9[%swap3A_558, %swap3A_559], %add3A_557 {strides = array<i32>} : memref<16x1024xf32, #tpu.memory_space<vmem>>, vector<16xf32>,
        %get3A_561 = arith.index_cast %scan3A_111 : i32 to index
        %get3A_562 = arith.constant 720 : index
        %get3A_563 = tpu.vector_load %arg9[%get3A_561, %get3A_562] {strides = array<i32>} : memref<16x1024xf32, #tpu.memory_space<vmem>>, vector<16xf32>,
        %get3A_564 = arith.index_cast %scan3A_111 : i32 to index
        %get3A_565 = arith.constant 720 : index
        %get3A_566 = tpu.vector_load %arg10[%get3A_564, %get3A_565] {strides = array<i32>} : memref<16x1024xf32, #tpu.memory_space<vmem>>, vector<16xf32>,
        %add3A_567 = arith.addf %get3A_563, %get3A_566 : vector<16xf32>
        %swap3A_568 = arith.index_cast %scan3A_111 : i32 to index
        %swap3A_569 = arith.constant 720 : index
        %swap3A_570 = tpu.vector_load %arg9[%swap3A_568, %swap3A_569] {strides = array<i32>} : memref<16x1024xf32, #tpu.memory_space<vmem>>, vector<16xf32>,
        tpu.vector_store %arg9[%swap3A_568, %swap3A_569], %add3A_567 {strides = array<i32>} : memref<16x1024xf32, #tpu.memory_space<vmem>>, vector<16xf32>,
        %get3A_571 = arith.index_cast %scan3A_111 : i32 to index
        %get3A_572 = arith.constant 736 : index
        %get3A_573 = tpu.vector_load %arg9[%get3A_571, %get3A_572] {strides = array<i32>} : memref<16x1024xf32, #tpu.memory_space<vmem>>, vector<16xf32>,
        %get3A_574 = arith.index_cast %scan3A_111 : i32 to index
        %get3A_575 = arith.constant 736 : index
        %get3A_576 = tpu.vector_load %arg10[%get3A_574, %get3A_575] {strides = array<i32>} : memref<16x1024xf32, #tpu.memory_space<vmem>>, vector<16xf32>,
        %add3A_577 = arith.addf %get3A_573, %get3A_576 : vector<16xf32>
        %swap3A_578 = arith.index_cast %scan3A_111 : i32 to index
        %swap3A_579 = arith.constant 736 : index
        %swap3A_580 = tpu.vector_load %arg9[%swap3A_578, %swap3A_579] {strides = array<i32>} : memref<16x1024xf32, #tpu.memory_space<vmem>>, vector<16xf32>,
        tpu.vector_store %arg9[%swap3A_578, %swap3A_579], %add3A_577 {strides = array<i32>} : memref<16x1024xf32, #tpu.memory_space<vmem>>, vector<16xf32>,
        %get3A_581 = arith.index_cast %scan3A_111 : i32 to index
        %get3A_582 = arith.constant 752 : index
        %get3A_583 = tpu.vector_load %arg9[%get3A_581, %get3A_582] {strides = array<i32>} : memref<16x1024xf32, #tpu.memory_space<vmem>>, vector<16xf32>,
        %get3A_584 = arith.index_cast %scan3A_111 : i32 to index
        %get3A_585 = arith.constant 752 : index
        %get3A_586 = tpu.vector_load %arg10[%get3A_584, %get3A_585] {strides = array<i32>} : memref<16x1024xf32, #tpu.memory_space<vmem>>, vector<16xf32>,
        %add3A_587 = arith.addf %get3A_583, %get3A_586 : vector<16xf32>
        %swap3A_588 = arith.index_cast %scan3A_111 : i32 to index
        %swap3A_589 = arith.constant 752 : index
        %swap3A_590 = tpu.vector_load %arg9[%swap3A_588, %swap3A_589] {strides = array<i32>} : memref<16x1024xf32, #tpu.memory_space<vmem>>, vector<16xf32>,
        tpu.vector_store %arg9[%swap3A_588, %swap3A_589], %add3A_587 {strides = array<i32>} : memref<16x1024xf32, #tpu.memory_space<vmem>>, vector<16xf32>,
        %get3A_591 = arith.index_cast %scan3A_111 : i32 to index
        %get3A_592 = arith.constant 768 : index
        %get3A_593 = tpu.vector_load %arg9[%get3A_591, %get3A_592] {strides = array<i32>} : memref<16x1024xf32, #tpu.memory_space<vmem>>, vector<16xf32>,
        %get3A_594 = arith.index_cast %scan3A_111 : i32 to index
        %get3A_595 = arith.constant 768 : index
        %get3A_596 = tpu.vector_load %arg10[%get3A_594, %get3A_595] {strides = array<i32>} : memref<16x1024xf32, #tpu.memory_space<vmem>>, vector<16xf32>,
        %add3A_597 = arith.addf %get3A_593, %get3A_596 : vector<16xf32>
        %swap3A_598 = arith.index_cast %scan3A_111 : i32 to index
        %swap3A_599 = arith.constant 768 : index
        %swap3A_600 = tpu.vector_load %arg9[%swap3A_598, %swap3A_599] {strides = array<i32>} : memref<16x1024xf32, #tpu.memory_space<vmem>>, vector<16xf32>,
        tpu.vector_store %arg9[%swap3A_598, %swap3A_599], %add3A_597 {strides = array<i32>} : memref<16x1024xf32, #tpu.memory_space<vmem>>, vector<16xf32>,
        %get3A_601 = arith.index_cast %scan3A_111 : i32 to index
        %get3A_602 = arith.constant 784 : index
        %get3A_603 = tpu.vector_load %arg9[%get3A_601, %get3A_602] {strides = array<i32>} : memref<16x1024xf32, #tpu.memory_space<vmem>>, vector<16xf32>,
        %get3A_604 = arith.index_cast %scan3A_111 : i32 to index
        %get3A_605 = arith.constant 784 : index
        %get3A_606 = tpu.vector_load %arg10[%get3A_604, %get3A_605] {strides = array<i32>} : memref<16x1024xf32, #tpu.memory_space<vmem>>, vector<16xf32>,
        %add3A_607 = arith.addf %get3A_603, %get3A_606 : vector<16xf32>
        %swap3A_608 = arith.index_cast %scan3A_111 : i32 to index
        %swap3A_609 = arith.constant 784 : index
        %swap3A_610 = tpu.vector_load %arg9[%swap3A_608, %swap3A_609] {strides = array<i32>} : memref<16x1024xf32, #tpu.memory_space<vmem>>, vector<16xf32>,
        tpu.vector_store %arg9[%swap3A_608, %swap3A_609], %add3A_607 {strides = array<i32>} : memref<16x1024xf32, #tpu.memory_space<vmem>>, vector<16xf32>,
        %get3A_611 = arith.index_cast %scan3A_111 : i32 to index
        %get3A_612 = arith.constant 800 : index
        %get3A_613 = tpu.vector_load %arg9[%get3A_611, %get3A_612] {strides = array<i32>} : memref<16x1024xf32, #tpu.memory_space<vmem>>, vector<16xf32>,
        %get3A_614 = arith.index_cast %scan3A_111 : i32 to index
        %get3A_615 = arith.constant 800 : index
        %get3A_616 = tpu.vector_load %arg10[%get3A_614, %get3A_615] {strides = array<i32>} : memref<16x1024xf32, #tpu.memory_space<vmem>>, vector<16xf32>,
        %add3A_617 = arith.addf %get3A_613, %get3A_616 : vector<16xf32>
        %swap3A_618 = arith.index_cast %scan3A_111 : i32 to index
        %swap3A_619 = arith.constant 800 : index
        %swap3A_620 = tpu.vector_load %arg9[%swap3A_618, %swap3A_619] {strides = array<i32>} : memref<16x1024xf32, #tpu.memory_space<vmem>>, vector<16xf32>,
        tpu.vector_store %arg9[%swap3A_618, %swap3A_619], %add3A_617 {strides = array<i32>} : memref<16x1024xf32, #tpu.memory_space<vmem>>, vector<16xf32>,
        %get3A_621 = arith.index_cast %scan3A_111 : i32 to index
        %get3A_622 = arith.constant 816 : index
        %get3A_623 = tpu.vector_load %arg9[%get3A_621, %get3A_622] {strides = array<i32>} : memref<16x1024xf32, #tpu.memory_space<vmem>>, vector<16xf32>,
        %get3A_624 = arith.index_cast %scan3A_111 : i32 to index
        %get3A_625 = arith.constant 816 : index
        %get3A_626 = tpu.vector_load %arg10[%get3A_624, %get3A_625] {strides = array<i32>} : memref<16x1024xf32, #tpu.memory_space<vmem>>, vector<16xf32>,
        %add3A_627 = arith.addf %get3A_623, %get3A_626 : vector<16xf32>
        %swap3A_628 = arith.index_cast %scan3A_111 : i32 to index
        %swap3A_629 = arith.constant 816 : index
        %swap3A_630 = tpu.vector_load %arg9[%swap3A_628, %swap3A_629] {strides = array<i32>} : memref<16x1024xf32, #tpu.memory_space<vmem>>, vector<16xf32>,
        tpu.vector_store %arg9[%swap3A_628, %swap3A_629], %add3A_627 {strides = array<i32>} : memref<16x1024xf32, #tpu.memory_space<vmem>>, vector<16xf32>,
        %get3A_631 = arith.index_cast %scan3A_111 : i32 to index
        %get3A_632 = arith.constant 832 : index
        %get3A_633 = tpu.vector_load %arg9[%get3A_631, %get3A_632] {strides = array<i32>} : memref<16x1024xf32, #tpu.memory_space<vmem>>, vector<16xf32>,
        %get3A_634 = arith.index_cast %scan3A_111 : i32 to index
        %get3A_635 = arith.constant 832 : index
        %get3A_636 = tpu.vector_load %arg10[%get3A_634, %get3A_635] {strides = array<i32>} : memref<16x1024xf32, #tpu.memory_space<vmem>>, vector<16xf32>,
        %add3A_637 = arith.addf %get3A_633, %get3A_636 : vector<16xf32>
        %swap3A_638 = arith.index_cast %scan3A_111 : i32 to index
        %swap3A_639 = arith.constant 832 : index
        %swap3A_640 = tpu.vector_load %arg9[%swap3A_638, %swap3A_639] {strides = array<i32>} : memref<16x1024xf32, #tpu.memory_space<vmem>>, vector<16xf32>,
        tpu.vector_store %arg9[%swap3A_638, %swap3A_639], %add3A_637 {strides = array<i32>} : memref<16x1024xf32, #tpu.memory_space<vmem>>, vector<16xf32>,
        %get3A_641 = arith.index_cast %scan3A_111 : i32 to index
        %get3A_642 = arith.constant 848 : index
        %get3A_643 = tpu.vector_load %arg9[%get3A_641, %get3A_642] {strides = array<i32>} : memref<16x1024xf32, #tpu.memory_space<vmem>>, vector<16xf32>,
        %get3A_644 = arith.index_cast %scan3A_111 : i32 to index
        %get3A_645 = arith.constant 848 : index
        %get3A_646 = tpu.vector_load %arg10[%get3A_644, %get3A_645] {strides = array<i32>} : memref<16x1024xf32, #tpu.memory_space<vmem>>, vector<16xf32>,
        %add3A_647 = arith.addf %get3A_643, %get3A_646 : vector<16xf32>
        %swap3A_648 = arith.index_cast %scan3A_111 : i32 to index
        %swap3A_649 = arith.constant 848 : index
        %swap3A_650 = tpu.vector_load %arg9[%swap3A_648, %swap3A_649] {strides = array<i32>} : memref<16x1024xf32, #tpu.memory_space<vmem>>, vector<16xf32>,
        tpu.vector_store %arg9[%swap3A_648, %swap3A_649], %add3A_647 {strides = array<i32>} : memref<16x1024xf32, #tpu.memory_space<vmem>>, vector<16xf32>,
        %get3A_651 = arith.index_cast %scan3A_111 : i32 to index
        %get3A_652 = arith.constant 864 : index
        %get3A_653 = tpu.vector_load %arg9[%get3A_651, %get3A_652] {strides = array<i32>} : memref<16x1024xf32, #tpu.memory_space<vmem>>, vector<16xf32>,
        %get3A_654 = arith.index_cast %scan3A_111 : i32 to index
        %get3A_655 = arith.constant 864 : index
        %get3A_656 = tpu.vector_load %arg10[%get3A_654, %get3A_655] {strides = array<i32>} : memref<16x1024xf32, #tpu.memory_space<vmem>>, vector<16xf32>,
        %add3A_657 = arith.addf %get3A_653, %get3A_656 : vector<16xf32>
        %swap3A_658 = arith.index_cast %scan3A_111 : i32 to index
        %swap3A_659 = arith.constant 864 : index
        %swap3A_660 = tpu.vector_load %arg9[%swap3A_658, %swap3A_659] {strides = array<i32>} : memref<16x1024xf32, #tpu.memory_space<vmem>>, vector<16xf32>,
        tpu.vector_store %arg9[%swap3A_658, %swap3A_659], %add3A_657 {strides = array<i32>} : memref<16x1024xf32, #tpu.memory_space<vmem>>, vector<16xf32>,
        %get3A_661 = arith.index_cast %scan3A_111 : i32 to index
        %get3A_662 = arith.constant 880 : index
        %get3A_663 = tpu.vector_load %arg9[%get3A_661, %get3A_662] {strides = array<i32>} : memref<16x1024xf32, #tpu.memory_space<vmem>>, vector<16xf32>,
        %get3A_664 = arith.index_cast %scan3A_111 : i32 to index
        %get3A_665 = arith.constant 880 : index
        %get3A_666 = tpu.vector_load %arg10[%get3A_664, %get3A_665] {strides = array<i32>} : memref<16x1024xf32, #tpu.memory_space<vmem>>, vector<16xf32>,
        %add3A_667 = arith.addf %get3A_663, %get3A_666 : vector<16xf32>
        %swap3A_668 = arith.index_cast %scan3A_111 : i32 to index
        %swap3A_669 = arith.constant 880 : index
        %swap3A_670 = tpu.vector_load %arg9[%swap3A_668, %swap3A_669] {strides = array<i32>} : memref<16x1024xf32, #tpu.memory_space<vmem>>, vector<16xf32>,
        tpu.vector_store %arg9[%swap3A_668, %swap3A_669], %add3A_667 {strides = array<i32>} : memref<16x1024xf32, #tpu.memory_space<vmem>>, vector<16xf32>,
        %get3A_671 = arith.index_cast %scan3A_111 : i32 to index
        %get3A_672 = arith.constant 896 : index
        %get3A_673 = tpu.vector_load %arg9[%get3A_671, %get3A_672] {strides = array<i32>} : memref<16x1024xf32, #tpu.memory_space<vmem>>, vector<16xf32>,
        %get3A_674 = arith.index_cast %scan3A_111 : i32 to index
        %get3A_675 = arith.constant 896 : index
        %get3A_676 = tpu.vector_load %arg10[%get3A_674, %get3A_675] {strides = array<i32>} : memref<16x1024xf32, #tpu.memory_space<vmem>>, vector<16xf32>,
        %add3A_677 = arith.addf %get3A_673, %get3A_676 : vector<16xf32>
        %swap3A_678 = arith.index_cast %scan3A_111 : i32 to index
        %swap3A_679 = arith.constant 896 : index
        %swap3A_680 = tpu.vector_load %arg9[%swap3A_678, %swap3A_679] {strides = array<i32>} : memref<16x1024xf32, #tpu.memory_space<vmem>>, vector<16xf32>,
        tpu.vector_store %arg9[%swap3A_678, %swap3A_679], %add3A_677 {strides = array<i32>} : memref<16x1024xf32, #tpu.memory_space<vmem>>, vector<16xf32>,
        %get3A_681 = arith.index_cast %scan3A_111 : i32 to index
        %get3A_682 = arith.constant 912 : index
        %get3A_683 = tpu.vector_load %arg9[%get3A_681, %get3A_682] {strides = array<i32>} : memref<16x1024xf32, #tpu.memory_space<vmem>>, vector<16xf32>,
        %get3A_684 = arith.index_cast %scan3A_111 : i32 to index
        %get3A_685 = arith.constant 912 : index
        %get3A_686 = tpu.vector_load %arg10[%get3A_684, %get3A_685] {strides = array<i32>} : memref<16x1024xf32, #tpu.memory_space<vmem>>, vector<16xf32>,
        %add3A_687 = arith.addf %get3A_683, %get3A_686 : vector<16xf32>
        %swap3A_688 = arith.index_cast %scan3A_111 : i32 to index
        %swap3A_689 = arith.constant 912 : index
        %swap3A_690 = tpu.vector_load %arg9[%swap3A_688, %swap3A_689] {strides = array<i32>} : memref<16x1024xf32, #tpu.memory_space<vmem>>, vector<16xf32>,
        tpu.vector_store %arg9[%swap3A_688, %swap3A_689], %add3A_687 {strides = array<i32>} : memref<16x1024xf32, #tpu.memory_space<vmem>>, vector<16xf32>,
        %get3A_691 = arith.index_cast %scan3A_111 : i32 to index
        %get3A_692 = arith.constant 928 : index
        %get3A_693 = tpu.vector_load %arg9[%get3A_691, %get3A_692] {strides = array<i32>} : memref<16x1024xf32, #tpu.memory_space<vmem>>, vector<16xf32>,
        %get3A_694 = arith.index_cast %scan3A_111 : i32 to index
        %get3A_695 = arith.constant 928 : index
        %get3A_696 = tpu.vector_load %arg10[%get3A_694, %get3A_695] {strides = array<i32>} : memref<16x1024xf32, #tpu.memory_space<vmem>>, vector<16xf32>,
        %add3A_697 = arith.addf %get3A_693, %get3A_696 : vector<16xf32>
        %swap3A_698 = arith.index_cast %scan3A_111 : i32 to index
        %swap3A_699 = arith.constant 928 : index
        %swap3A_700 = tpu.vector_load %arg9[%swap3A_698, %swap3A_699] {strides = array<i32>} : memref<16x1024xf32, #tpu.memory_space<vmem>>, vector<16xf32>,
        tpu.vector_store %arg9[%swap3A_698, %swap3A_699], %add3A_697 {strides = array<i32>} : memref<16x1024xf32, #tpu.memory_space<vmem>>, vector<16xf32>,
        %get3A_701 = arith.index_cast %scan3A_111 : i32 to index
        %get3A_702 = arith.constant 944 : index
        %get3A_703 = tpu.vector_load %arg9[%get3A_701, %get3A_702] {strides = array<i32>} : memref<16x1024xf32, #tpu.memory_space<vmem>>, vector<16xf32>,
        %get3A_704 = arith.index_cast %scan3A_111 : i32 to index
        %get3A_705 = arith.constant 944 : index
        %get3A_706 = tpu.vector_load %arg10[%get3A_704, %get3A_705] {strides = array<i32>} : memref<16x1024xf32, #tpu.memory_space<vmem>>, vector<16xf32>,
        %add3A_707 = arith.addf %get3A_703, %get3A_706 : vector<16xf32>
        %swap3A_708 = arith.index_cast %scan3A_111 : i32 to index
        %swap3A_709 = arith.constant 944 : index
        %swap3A_710 = tpu.vector_load %arg9[%swap3A_708, %swap3A_709] {strides = array<i32>} : memref<16x1024xf32, #tpu.memory_space<vmem>>, vector<16xf32>,
        tpu.vector_store %arg9[%swap3A_708, %swap3A_709], %add3A_707 {strides = array<i32>} : memref<16x1024xf32, #tpu.memory_space<vmem>>, vector<16xf32>,
        %get3A_711 = arith.index_cast %scan3A_111 : i32 to index
        %get3A_712 = arith.constant 960 : index
        %get3A_713 = tpu.vector_load %arg9[%get3A_711, %get3A_712] {strides = array<i32>} : memref<16x1024xf32, #tpu.memory_space<vmem>>, vector<16xf32>,
        %get3A_714 = arith.index_cast %scan3A_111 : i32 to index
        %get3A_715 = arith.constant 960 : index
        %get3A_716 = tpu.vector_load %arg10[%get3A_714, %get3A_715] {strides = array<i32>} : memref<16x1024xf32, #tpu.memory_space<vmem>>, vector<16xf32>,
        %add3A_717 = arith.addf %get3A_713, %get3A_716 : vector<16xf32>
        %swap3A_718 = arith.index_cast %scan3A_111 : i32 to index
        %swap3A_719 = arith.constant 960 : index
        %swap3A_720 = tpu.vector_load %arg9[%swap3A_718, %swap3A_719] {strides = array<i32>} : memref<16x1024xf32, #tpu.memory_space<vmem>>, vector<16xf32>,
        tpu.vector_store %arg9[%swap3A_718, %swap3A_719], %add3A_717 {strides = array<i32>} : memref<16x1024xf32, #tpu.memory_space<vmem>>, vector<16xf32>,
        %get3A_721 = arith.index_cast %scan3A_111 : i32 to index
        %get3A_722 = arith.constant 976 : index
        %get3A_723 = tpu.vector_load %arg9[%get3A_721, %get3A_722] {strides = array<i32>} : memref<16x1024xf32, #tpu.memory_space<vmem>>, vector<16xf32>,
        %get3A_724 = arith.index_cast %scan3A_111 : i32 to index
        %get3A_725 = arith.constant 976 : index
        %get3A_726 = tpu.vector_load %arg10[%get3A_724, %get3A_725] {strides = array<i32>} : memref<16x1024xf32, #tpu.memory_space<vmem>>, vector<16xf32>,
        %add3A_727 = arith.addf %get3A_723, %get3A_726 : vector<16xf32>
        %swap3A_728 = arith.index_cast %scan3A_111 : i32 to index
        %swap3A_729 = arith.constant 976 : index
        %swap3A_730 = tpu.vector_load %arg9[%swap3A_728, %swap3A_729] {strides = array<i32>} : memref<16x1024xf32, #tpu.memory_space<vmem>>, vector<16xf32>,
        tpu.vector_store %arg9[%swap3A_728, %swap3A_729], %add3A_727 {strides = array<i32>} : memref<16x1024xf32, #tpu.memory_space<vmem>>, vector<16xf32>,
        %get3A_731 = arith.index_cast %scan3A_111 : i32 to index
        %get3A_732 = arith.constant 992 : index
        %get3A_733 = tpu.vector_load %arg9[%get3A_731, %get3A_732] {strides = array<i32>} : memref<16x1024xf32, #tpu.memory_space<vmem>>, vector<16xf32>,
        %get3A_734 = arith.index_cast %scan3A_111 : i32 to index
        %get3A_735 = arith.constant 992 : index
        %get3A_736 = tpu.vector_load %arg10[%get3A_734, %get3A_735] {strides = array<i32>} : memref<16x1024xf32, #tpu.memory_space<vmem>>, vector<16xf32>,
        %add3A_737 = arith.addf %get3A_733, %get3A_736 : vector<16xf32>
        %swap3A_738 = arith.index_cast %scan3A_111 : i32 to index
        %swap3A_739 = arith.constant 992 : index
        %swap3A_740 = tpu.vector_load %arg9[%swap3A_738, %swap3A_739] {strides = array<i32>} : memref<16x1024xf32, #tpu.memory_space<vmem>>, vector<16xf32>,
        tpu.vector_store %arg9[%swap3A_738, %swap3A_739], %add3A_737 {strides = array<i32>} : memref<16x1024xf32, #tpu.memory_space<vmem>>, vector<16xf32>,
        %get3A_741 = arith.index_cast %scan3A_111 : i32 to index
        %get3A_742 = arith.constant 1008 : index
        %get3A_743 = tpu.vector_load %arg9[%get3A_741, %get3A_742] {strides = array<i32>} : memref<16x1024xf32, #tpu.memory_space<vmem>>, vector<16xf32>,
        %get3A_744 = arith.index_cast %scan3A_111 : i32 to index
        %get3A_745 = arith.constant 1008 : index
        %get3A_746 = tpu.vector_load %arg10[%get3A_744, %get3A_745] {strides = array<i32>} : memref<16x1024xf32, #tpu.memory_space<vmem>>, vector<16xf32>,
        %add3A_747 = arith.addf %get3A_743, %get3A_746 : vector<16xf32>
        %swap3A_748 = arith.index_cast %scan3A_111 : i32 to index
        %swap3A_749 = arith.constant 1008 : index
        %swap3A_750 = tpu.vector_load %arg9[%swap3A_748, %swap3A_749] {strides = array<i32>} : memref<16x1024xf32, #tpu.memory_space<vmem>>, vector<16xf32>,
        tpu.vector_store %arg9[%swap3A_748, %swap3A_749], %add3A_747 {strides = array<i32>} : memref<16x1024xf32, #tpu.memory_space<vmem>>, vector<16xf32>,
        %scan3A_751 = arith.constant 0 : i32
        scf.yield %scan3A_751 : i32
      }
      %scan3A_80 = arith.constant 16 : i32
      %dma_start3A_81 = arith.constant 0 : i32
      %dma_start3A_82 = tpu.memref_slice %arg4[%add3A_15, %dma_start3A_81] : memref<8192x1024xf32, #tpu.memory_space<hbm>> -> memref<16x1024xf32, #tpu.memory_space<hbm>>
      %dma_start3A_83 = arith.constant 0 : i32
      %dma_start3A_84 = tpu.memref_slice %arg4[%add3A_15, %dma_start3A_83] : memref<8192x1024xf32, #tpu.memory_space<hbm>> -> memref<16x1024xf32, #tpu.memory_space<hbm>>
      tpu.enqueue_dma source(%arg9 : memref<16x1024xf32, #tpu.memory_space<vmem>>) target(%dma_start3A_84 : memref<16x1024xf32, #tpu.memory_space<hbm>>) target_semaphore(%arg15 : memref<!tpu.dma_semaphore, #tpu.memory_space<semaphore_mem>>)
      %dma_wait3A_85 = arith.constant 0 : i32
      %dma_wait3A_86 = arith.constant 0 : i32
      %dma_wait3A_87 = tpu.memref_slice %arg2[%dma_wait3A_85, %dma_wait3A_86] : memref<34560x1024xf32, #tpu.memory_space<hbm>> -> memref<34560x1024xf32, #tpu.memory_space<hbm>>
      tpu.wait_indirect_dma semaphore(%arg14 : memref<!tpu.dma_semaphore, #tpu.memory_space<semaphore_mem>>) src(%dma_wait3A_87 : memref<34560x1024xf32, #tpu.memory_space<hbm>>) dst(%arg11 : memref<16x1024xf32, #tpu.memory_space<vmem>>)
      %dma_wait3A_88 = arith.constant 0 : i32
      %dma_wait3A_89 = arith.constant 0 : i32
      %dma_wait3A_90 = tpu.memref_slice %arg2[%dma_wait3A_88, %dma_wait3A_89] : memref<34560x1024xf32, #tpu.memory_space<hbm>> -> memref<34560x1024xf32, #tpu.memory_space<hbm>>
      tpu.wait_indirect_dma semaphore(%arg14 : memref<!tpu.dma_semaphore, #tpu.memory_space<semaphore_mem>>) src(%dma_wait3A_90 : memref<34560x1024xf32, #tpu.memory_space<hbm>>) dst(%arg12 : memref<16x1024xf32, #tpu.memory_space<vmem>>)
      %scan3A_91 = arith.constant 0 : i32
      %scan3A_92 = arith.constant 0 : i32
      %scan3A_93 = arith.constant 16 : i32
      %scan3A_94 = arith.addi %scan3A_92, %scan3A_93 : i32
      %scan3A_95 = arith.constant 1 : i32
      %scan3A_96 = scf.for %scan3A_111 = %scan3A_92 to %scan3A_94 step %scan3A_95 iter_args(%scan3A_112 = %scan3A_91) -> (i32)  : i32 {
        %get3A = arith.index_cast %scan3A_111 : i32 to index
        %get3A_113 = arith.constant 0 : index
        %get3A_114 = tpu.vector_load %arg11[%get3A, %get3A_113] {strides = array<i32>} : memref<16x1024xf32, #tpu.memory_space<vmem>>, vector<16xf32>,
        %get3A_115 = arith.index_cast %scan3A_111 : i32 to index
        %get3A_116 = arith.constant 0 : index
        %get3A_117 = tpu.vector_load %arg12[%get3A_115, %get3A_116] {strides = array<i32>} : memref<16x1024xf32, #tpu.memory_space<vmem>>, vector<16xf32>,
        %add3A_118 = arith.addf %get3A_114, %get3A_117 : vector<16xf32>
        %swap3A = arith.index_cast %scan3A_111 : i32 to index
        %swap3A_119 = arith.constant 0 : index
        %swap3A_120 = tpu.vector_load %arg11[%swap3A, %swap3A_119] {strides = array<i32>} : memref<16x1024xf32, #tpu.memory_space<vmem>>, vector<16xf32>,
        tpu.vector_store %arg11[%swap3A, %swap3A_119], %add3A_118 {strides = array<i32>} : memref<16x1024xf32, #tpu.memory_space<vmem>>, vector<16xf32>,
        %get3A_121 = arith.index_cast %scan3A_111 : i32 to index
        %get3A_122 = arith.constant 16 : index
        %get3A_123 = tpu.vector_load %arg11[%get3A_121, %get3A_122] {strides = array<i32>} : memref<16x1024xf32, #tpu.memory_space<vmem>>, vector<16xf32>,
        %get3A_124 = arith.index_cast %scan3A_111 : i32 to index
        %get3A_125 = arith.constant 16 : index
        %get3A_126 = tpu.vector_load %arg12[%get3A_124, %get3A_125] {strides = array<i32>} : memref<16x1024xf32, #tpu.memory_space<vmem>>, vector<16xf32>,
        %add3A_127 = arith.addf %get3A_123, %get3A_126 : vector<16xf32>
        %swap3A_128 = arith.index_cast %scan3A_111 : i32 to index
        %swap3A_129 = arith.constant 16 : index
        %swap3A_130 = tpu.vector_load %arg11[%swap3A_128, %swap3A_129] {strides = array<i32>} : memref<16x1024xf32, #tpu.memory_space<vmem>>, vector<16xf32>,
        tpu.vector_store %arg11[%swap3A_128, %swap3A_129], %add3A_127 {strides = array<i32>} : memref<16x1024xf32, #tpu.memory_space<vmem>>, vector<16xf32>,
        %get3A_131 = arith.index_cast %scan3A_111 : i32 to index
        %get3A_132 = arith.constant 32 : index
        %get3A_133 = tpu.vector_load %arg11[%get3A_131, %get3A_132] {strides = array<i32>} : memref<16x1024xf32, #tpu.memory_space<vmem>>, vector<16xf32>,
        %get3A_134 = arith.index_cast %scan3A_111 : i32 to index
        %get3A_135 = arith.constant 32 : index
        %get3A_136 = tpu.vector_load %arg12[%get3A_134, %get3A_135] {strides = array<i32>} : memref<16x1024xf32, #tpu.memory_space<vmem>>, vector<16xf32>,
        %add3A_137 = arith.addf %get3A_133, %get3A_136 : vector<16xf32>
        %swap3A_138 = arith.index_cast %scan3A_111 : i32 to index
        %swap3A_139 = arith.constant 32 : index
        %swap3A_140 = tpu.vector_load %arg11[%swap3A_138, %swap3A_139] {strides = array<i32>} : memref<16x1024xf32, #tpu.memory_space<vmem>>, vector<16xf32>,
        tpu.vector_store %arg11[%swap3A_138, %swap3A_139], %add3A_137 {strides = array<i32>} : memref<16x1024xf32, #tpu.memory_space<vmem>>, vector<16xf32>,
        %get3A_141 = arith.index_cast %scan3A_111 : i32 to index
        %get3A_142 = arith.constant 48 : index
        %get3A_143 = tpu.vector_load %arg11[%get3A_141, %get3A_142] {strides = array<i32>} : memref<16x1024xf32, #tpu.memory_space<vmem>>, vector<16xf32>,
        %get3A_144 = arith.index_cast %scan3A_111 : i32 to index
        %get3A_145 = arith.constant 48 : index
        %get3A_146 = tpu.vector_load %arg12[%get3A_144, %get3A_145] {strides = array<i32>} : memref<16x1024xf32, #tpu.memory_space<vmem>>, vector<16xf32>,
        %add3A_147 = arith.addf %get3A_143, %get3A_146 : vector<16xf32>
        %swap3A_148 = arith.index_cast %scan3A_111 : i32 to index
        %swap3A_149 = arith.constant 48 : index
        %swap3A_150 = tpu.vector_load %arg11[%swap3A_148, %swap3A_149] {strides = array<i32>} : memref<16x1024xf32, #tpu.memory_space<vmem>>, vector<16xf32>,
        tpu.vector_store %arg11[%swap3A_148, %swap3A_149], %add3A_147 {strides = array<i32>} : memref<16x1024xf32, #tpu.memory_space<vmem>>, vector<16xf32>,
        %get3A_151 = arith.index_cast %scan3A_111 : i32 to index
        %get3A_152 = arith.constant 64 : index
        %get3A_153 = tpu.vector_load %arg11[%get3A_151, %get3A_152] {strides = array<i32>} : memref<16x1024xf32, #tpu.memory_space<vmem>>, vector<16xf32>,
        %get3A_154 = arith.index_cast %scan3A_111 : i32 to index
        %get3A_155 = arith.constant 64 : index
        %get3A_156 = tpu.vector_load %arg12[%get3A_154, %get3A_155] {strides = array<i32>} : memref<16x1024xf32, #tpu.memory_space<vmem>>, vector<16xf32>,
        %add3A_157 = arith.addf %get3A_153, %get3A_156 : vector<16xf32>
        %swap3A_158 = arith.index_cast %scan3A_111 : i32 to index
        %swap3A_159 = arith.constant 64 : index
        %swap3A_160 = tpu.vector_load %arg11[%swap3A_158, %swap3A_159] {strides = array<i32>} : memref<16x1024xf32, #tpu.memory_space<vmem>>, vector<16xf32>,
        tpu.vector_store %arg11[%swap3A_158, %swap3A_159], %add3A_157 {strides = array<i32>} : memref<16x1024xf32, #tpu.memory_space<vmem>>, vector<16xf32>,
        %get3A_161 = arith.index_cast %scan3A_111 : i32 to index
        %get3A_162 = arith.constant 80 : index
        %get3A_163 = tpu.vector_load %arg11[%get3A_161, %get3A_162] {strides = array<i32>} : memref<16x1024xf32, #tpu.memory_space<vmem>>, vector<16xf32>,
        %get3A_164 = arith.index_cast %scan3A_111 : i32 to index
        %get3A_165 = arith.constant 80 : index
        %get3A_166 = tpu.vector_load %arg12[%get3A_164, %get3A_165] {strides = array<i32>} : memref<16x1024xf32, #tpu.memory_space<vmem>>, vector<16xf32>,
        %add3A_167 = arith.addf %get3A_163, %get3A_166 : vector<16xf32>
        %swap3A_168 = arith.index_cast %scan3A_111 : i32 to index
        %swap3A_169 = arith.constant 80 : index
        %swap3A_170 = tpu.vector_load %arg11[%swap3A_168, %swap3A_169] {strides = array<i32>} : memref<16x1024xf32, #tpu.memory_space<vmem>>, vector<16xf32>,
        tpu.vector_store %arg11[%swap3A_168, %swap3A_169], %add3A_167 {strides = array<i32>} : memref<16x1024xf32, #tpu.memory_space<vmem>>, vector<16xf32>,
        %get3A_171 = arith.index_cast %scan3A_111 : i32 to index
        %get3A_172 = arith.constant 96 : index
        %get3A_173 = tpu.vector_load %arg11[%get3A_171, %get3A_172] {strides = array<i32>} : memref<16x1024xf32, #tpu.memory_space<vmem>>, vector<16xf32>,
        %get3A_174 = arith.index_cast %scan3A_111 : i32 to index
        %get3A_175 = arith.constant 96 : index
        %get3A_176 = tpu.vector_load %arg12[%get3A_174, %get3A_175] {strides = array<i32>} : memref<16x1024xf32, #tpu.memory_space<vmem>>, vector<16xf32>,
        %add3A_177 = arith.addf %get3A_173, %get3A_176 : vector<16xf32>
        %swap3A_178 = arith.index_cast %scan3A_111 : i32 to index
        %swap3A_179 = arith.constant 96 : index
        %swap3A_180 = tpu.vector_load %arg11[%swap3A_178, %swap3A_179] {strides = array<i32>} : memref<16x1024xf32, #tpu.memory_space<vmem>>, vector<16xf32>,
        tpu.vector_store %arg11[%swap3A_178, %swap3A_179], %add3A_177 {strides = array<i32>} : memref<16x1024xf32, #tpu.memory_space<vmem>>, vector<16xf32>,
        %get3A_181 = arith.index_cast %scan3A_111 : i32 to index
        %get3A_182 = arith.constant 112 : index
        %get3A_183 = tpu.vector_load %arg11[%get3A_181, %get3A_182] {strides = array<i32>} : memref<16x1024xf32, #tpu.memory_space<vmem>>, vector<16xf32>,
        %get3A_184 = arith.index_cast %scan3A_111 : i32 to index
        %get3A_185 = arith.constant 112 : index
        %get3A_186 = tpu.vector_load %arg12[%get3A_184, %get3A_185] {strides = array<i32>} : memref<16x1024xf32, #tpu.memory_space<vmem>>, vector<16xf32>,
        %add3A_187 = arith.addf %get3A_183, %get3A_186 : vector<16xf32>
        %swap3A_188 = arith.index_cast %scan3A_111 : i32 to index
        %swap3A_189 = arith.constant 112 : index
        %swap3A_190 = tpu.vector_load %arg11[%swap3A_188, %swap3A_189] {strides = array<i32>} : memref<16x1024xf32, #tpu.memory_space<vmem>>, vector<16xf32>,
        tpu.vector_store %arg11[%swap3A_188, %swap3A_189], %add3A_187 {strides = array<i32>} : memref<16x1024xf32, #tpu.memory_space<vmem>>, vector<16xf32>,
        %get3A_191 = arith.index_cast %scan3A_111 : i32 to index
        %get3A_192 = arith.constant 128 : index
        %get3A_193 = tpu.vector_load %arg11[%get3A_191, %get3A_192] {strides = array<i32>} : memref<16x1024xf32, #tpu.memory_space<vmem>>, vector<16xf32>,
        %get3A_194 = arith.index_cast %scan3A_111 : i32 to index
        %get3A_195 = arith.constant 128 : index
        %get3A_196 = tpu.vector_load %arg12[%get3A_194, %get3A_195] {strides = array<i32>} : memref<16x1024xf32, #tpu.memory_space<vmem>>, vector<16xf32>,
        %add3A_197 = arith.addf %get3A_193, %get3A_196 : vector<16xf32>
        %swap3A_198 = arith.index_cast %scan3A_111 : i32 to index
        %swap3A_199 = arith.constant 128 : index
        %swap3A_200 = tpu.vector_load %arg11[%swap3A_198, %swap3A_199] {strides = array<i32>} : memref<16x1024xf32, #tpu.memory_space<vmem>>, vector<16xf32>,
        tpu.vector_store %arg11[%swap3A_198, %swap3A_199], %add3A_197 {strides = array<i32>} : memref<16x1024xf32, #tpu.memory_space<vmem>>, vector<16xf32>,
        %get3A_201 = arith.index_cast %scan3A_111 : i32 to index
        %get3A_202 = arith.constant 144 : index
        %get3A_203 = tpu.vector_load %arg11[%get3A_201, %get3A_202] {strides = array<i32>} : memref<16x1024xf32, #tpu.memory_space<vmem>>, vector<16xf32>,
        %get3A_204 = arith.index_cast %scan3A_111 : i32 to index
        %get3A_205 = arith.constant 144 : index
        %get3A_206 = tpu.vector_load %arg12[%get3A_204, %get3A_205] {strides = array<i32>} : memref<16x1024xf32, #tpu.memory_space<vmem>>, vector<16xf32>,
        %add3A_207 = arith.addf %get3A_203, %get3A_206 : vector<16xf32>
        %swap3A_208 = arith.index_cast %scan3A_111 : i32 to index
        %swap3A_209 = arith.constant 144 : index
        %swap3A_210 = tpu.vector_load %arg11[%swap3A_208, %swap3A_209] {strides = array<i32>} : memref<16x1024xf32, #tpu.memory_space<vmem>>, vector<16xf32>,
        tpu.vector_store %arg11[%swap3A_208, %swap3A_209], %add3A_207 {strides = array<i32>} : memref<16x1024xf32, #tpu.memory_space<vmem>>, vector<16xf32>,
        %get3A_211 = arith.index_cast %scan3A_111 : i32 to index
        %get3A_212 = arith.constant 160 : index
        %get3A_213 = tpu.vector_load %arg11[%get3A_211, %get3A_212] {strides = array<i32>} : memref<16x1024xf32, #tpu.memory_space<vmem>>, vector<16xf32>,
        %get3A_214 = arith.index_cast %scan3A_111 : i32 to index
        %get3A_215 = arith.constant 160 : index
        %get3A_216 = tpu.vector_load %arg12[%get3A_214, %get3A_215] {strides = array<i32>} : memref<16x1024xf32, #tpu.memory_space<vmem>>, vector<16xf32>,
        %add3A_217 = arith.addf %get3A_213, %get3A_216 : vector<16xf32>
        %swap3A_218 = arith.index_cast %scan3A_111 : i32 to index
        %swap3A_219 = arith.constant 160 : index
        %swap3A_220 = tpu.vector_load %arg11[%swap3A_218, %swap3A_219] {strides = array<i32>} : memref<16x1024xf32, #tpu.memory_space<vmem>>, vector<16xf32>,
        tpu.vector_store %arg11[%swap3A_218, %swap3A_219], %add3A_217 {strides = array<i32>} : memref<16x1024xf32, #tpu.memory_space<vmem>>, vector<16xf32>,
        %get3A_221 = arith.index_cast %scan3A_111 : i32 to index
        %get3A_222 = arith.constant 176 : index
        %get3A_223 = tpu.vector_load %arg11[%get3A_221, %get3A_222] {strides = array<i32>} : memref<16x1024xf32, #tpu.memory_space<vmem>>, vector<16xf32>,
        %get3A_224 = arith.index_cast %scan3A_111 : i32 to index
        %get3A_225 = arith.constant 176 : index
        %get3A_226 = tpu.vector_load %arg12[%get3A_224, %get3A_225] {strides = array<i32>} : memref<16x1024xf32, #tpu.memory_space<vmem>>, vector<16xf32>,
        %add3A_227 = arith.addf %get3A_223, %get3A_226 : vector<16xf32>
        %swap3A_228 = arith.index_cast %scan3A_111 : i32 to index
        %swap3A_229 = arith.constant 176 : index
        %swap3A_230 = tpu.vector_load %arg11[%swap3A_228, %swap3A_229] {strides = array<i32>} : memref<16x1024xf32, #tpu.memory_space<vmem>>, vector<16xf32>,
        tpu.vector_store %arg11[%swap3A_228, %swap3A_229], %add3A_227 {strides = array<i32>} : memref<16x1024xf32, #tpu.memory_space<vmem>>, vector<16xf32>,
        %get3A_231 = arith.index_cast %scan3A_111 : i32 to index
        %get3A_232 = arith.constant 192 : index
        %get3A_233 = tpu.vector_load %arg11[%get3A_231, %get3A_232] {strides = array<i32>} : memref<16x1024xf32, #tpu.memory_space<vmem>>, vector<16xf32>,
        %get3A_234 = arith.index_cast %scan3A_111 : i32 to index
        %get3A_235 = arith.constant 192 : index
        %get3A_236 = tpu.vector_load %arg12[%get3A_234, %get3A_235] {strides = array<i32>} : memref<16x1024xf32, #tpu.memory_space<vmem>>, vector<16xf32>,
        %add3A_237 = arith.addf %get3A_233, %get3A_236 : vector<16xf32>
        %swap3A_238 = arith.index_cast %scan3A_111 : i32 to index
        %swap3A_239 = arith.constant 192 : index
        %swap3A_240 = tpu.vector_load %arg11[%swap3A_238, %swap3A_239] {strides = array<i32>} : memref<16x1024xf32, #tpu.memory_space<vmem>>, vector<16xf32>,
        tpu.vector_store %arg11[%swap3A_238, %swap3A_239], %add3A_237 {strides = array<i32>} : memref<16x1024xf32, #tpu.memory_space<vmem>>, vector<16xf32>,
        %get3A_241 = arith.index_cast %scan3A_111 : i32 to index
        %get3A_242 = arith.constant 208 : index
        %get3A_243 = tpu.vector_load %arg11[%get3A_241, %get3A_242] {strides = array<i32>} : memref<16x1024xf32, #tpu.memory_space<vmem>>, vector<16xf32>,
        %get3A_244 = arith.index_cast %scan3A_111 : i32 to index
        %get3A_245 = arith.constant 208 : index
        %get3A_246 = tpu.vector_load %arg12[%get3A_244, %get3A_245] {strides = array<i32>} : memref<16x1024xf32, #tpu.memory_space<vmem>>, vector<16xf32>,
        %add3A_247 = arith.addf %get3A_243, %get3A_246 : vector<16xf32>
        %swap3A_248 = arith.index_cast %scan3A_111 : i32 to index
        %swap3A_249 = arith.constant 208 : index
        %swap3A_250 = tpu.vector_load %arg11[%swap3A_248, %swap3A_249] {strides = array<i32>} : memref<16x1024xf32, #tpu.memory_space<vmem>>, vector<16xf32>,
        tpu.vector_store %arg11[%swap3A_248, %swap3A_249], %add3A_247 {strides = array<i32>} : memref<16x1024xf32, #tpu.memory_space<vmem>>, vector<16xf32>,
        %get3A_251 = arith.index_cast %scan3A_111 : i32 to index
        %get3A_252 = arith.constant 224 : index
        %get3A_253 = tpu.vector_load %arg11[%get3A_251, %get3A_252] {strides = array<i32>} : memref<16x1024xf32, #tpu.memory_space<vmem>>, vector<16xf32>,
        %get3A_254 = arith.index_cast %scan3A_111 : i32 to index
        %get3A_255 = arith.constant 224 : index
        %get3A_256 = tpu.vector_load %arg12[%get3A_254, %get3A_255] {strides = array<i32>} : memref<16x1024xf32, #tpu.memory_space<vmem>>, vector<16xf32>,
        %add3A_257 = arith.addf %get3A_253, %get3A_256 : vector<16xf32>
        %swap3A_258 = arith.index_cast %scan3A_111 : i32 to index
        %swap3A_259 = arith.constant 224 : index
        %swap3A_260 = tpu.vector_load %arg11[%swap3A_258, %swap3A_259] {strides = array<i32>} : memref<16x1024xf32, #tpu.memory_space<vmem>>, vector<16xf32>,
        tpu.vector_store %arg11[%swap3A_258, %swap3A_259], %add3A_257 {strides = array<i32>} : memref<16x1024xf32, #tpu.memory_space<vmem>>, vector<16xf32>,
        %get3A_261 = arith.index_cast %scan3A_111 : i32 to index
        %get3A_262 = arith.constant 240 : index
        %get3A_263 = tpu.vector_load %arg11[%get3A_261, %get3A_262] {strides = array<i32>} : memref<16x1024xf32, #tpu.memory_space<vmem>>, vector<16xf32>,
        %get3A_264 = arith.index_cast %scan3A_111 : i32 to index
        %get3A_265 = arith.constant 240 : index
        %get3A_266 = tpu.vector_load %arg12[%get3A_264, %get3A_265] {strides = array<i32>} : memref<16x1024xf32, #tpu.memory_space<vmem>>, vector<16xf32>,
        %add3A_267 = arith.addf %get3A_263, %get3A_266 : vector<16xf32>
        %swap3A_268 = arith.index_cast %scan3A_111 : i32 to index
        %swap3A_269 = arith.constant 240 : index
        %swap3A_270 = tpu.vector_load %arg11[%swap3A_268, %swap3A_269] {strides = array<i32>} : memref<16x1024xf32, #tpu.memory_space<vmem>>, vector<16xf32>,
        tpu.vector_store %arg11[%swap3A_268, %swap3A_269], %add3A_267 {strides = array<i32>} : memref<16x1024xf32, #tpu.memory_space<vmem>>, vector<16xf32>,
        %get3A_271 = arith.index_cast %scan3A_111 : i32 to index
        %get3A_272 = arith.constant 256 : index
        %get3A_273 = tpu.vector_load %arg11[%get3A_271, %get3A_272] {strides = array<i32>} : memref<16x1024xf32, #tpu.memory_space<vmem>>, vector<16xf32>,
        %get3A_274 = arith.index_cast %scan3A_111 : i32 to index
        %get3A_275 = arith.constant 256 : index
        %get3A_276 = tpu.vector_load %arg12[%get3A_274, %get3A_275] {strides = array<i32>} : memref<16x1024xf32, #tpu.memory_space<vmem>>, vector<16xf32>,
        %add3A_277 = arith.addf %get3A_273, %get3A_276 : vector<16xf32>
        %swap3A_278 = arith.index_cast %scan3A_111 : i32 to index
        %swap3A_279 = arith.constant 256 : index
        %swap3A_280 = tpu.vector_load %arg11[%swap3A_278, %swap3A_279] {strides = array<i32>} : memref<16x1024xf32, #tpu.memory_space<vmem>>, vector<16xf32>,
        tpu.vector_store %arg11[%swap3A_278, %swap3A_279], %add3A_277 {strides = array<i32>} : memref<16x1024xf32, #tpu.memory_space<vmem>>, vector<16xf32>,
        %get3A_281 = arith.index_cast %scan3A_111 : i32 to index
        %get3A_282 = arith.constant 272 : index
        %get3A_283 = tpu.vector_load %arg11[%get3A_281, %get3A_282] {strides = array<i32>} : memref<16x1024xf32, #tpu.memory_space<vmem>>, vector<16xf32>,
        %get3A_284 = arith.index_cast %scan3A_111 : i32 to index
        %get3A_285 = arith.constant 272 : index
        %get3A_286 = tpu.vector_load %arg12[%get3A_284, %get3A_285] {strides = array<i32>} : memref<16x1024xf32, #tpu.memory_space<vmem>>, vector<16xf32>,
        %add3A_287 = arith.addf %get3A_283, %get3A_286 : vector<16xf32>
        %swap3A_288 = arith.index_cast %scan3A_111 : i32 to index
        %swap3A_289 = arith.constant 272 : index
        %swap3A_290 = tpu.vector_load %arg11[%swap3A_288, %swap3A_289] {strides = array<i32>} : memref<16x1024xf32, #tpu.memory_space<vmem>>, vector<16xf32>,
        tpu.vector_store %arg11[%swap3A_288, %swap3A_289], %add3A_287 {strides = array<i32>} : memref<16x1024xf32, #tpu.memory_space<vmem>>, vector<16xf32>,
        %get3A_291 = arith.index_cast %scan3A_111 : i32 to index
        %get3A_292 = arith.constant 288 : index
        %get3A_293 = tpu.vector_load %arg11[%get3A_291, %get3A_292] {strides = array<i32>} : memref<16x1024xf32, #tpu.memory_space<vmem>>, vector<16xf32>,
        %get3A_294 = arith.index_cast %scan3A_111 : i32 to index
        %get3A_295 = arith.constant 288 : index
        %get3A_296 = tpu.vector_load %arg12[%get3A_294, %get3A_295] {strides = array<i32>} : memref<16x1024xf32, #tpu.memory_space<vmem>>, vector<16xf32>,
        %add3A_297 = arith.addf %get3A_293, %get3A_296 : vector<16xf32>
        %swap3A_298 = arith.index_cast %scan3A_111 : i32 to index
        %swap3A_299 = arith.constant 288 : index
        %swap3A_300 = tpu.vector_load %arg11[%swap3A_298, %swap3A_299] {strides = array<i32>} : memref<16x1024xf32, #tpu.memory_space<vmem>>, vector<16xf32>,
        tpu.vector_store %arg11[%swap3A_298, %swap3A_299], %add3A_297 {strides = array<i32>} : memref<16x1024xf32, #tpu.memory_space<vmem>>, vector<16xf32>,
        %get3A_301 = arith.index_cast %scan3A_111 : i32 to index
        %get3A_302 = arith.constant 304 : index
        %get3A_303 = tpu.vector_load %arg11[%get3A_301, %get3A_302] {strides = array<i32>} : memref<16x1024xf32, #tpu.memory_space<vmem>>, vector<16xf32>,
        %get3A_304 = arith.index_cast %scan3A_111 : i32 to index
        %get3A_305 = arith.constant 304 : index
        %get3A_306 = tpu.vector_load %arg12[%get3A_304, %get3A_305] {strides = array<i32>} : memref<16x1024xf32, #tpu.memory_space<vmem>>, vector<16xf32>,
        %add3A_307 = arith.addf %get3A_303, %get3A_306 : vector<16xf32>
        %swap3A_308 = arith.index_cast %scan3A_111 : i32 to index
        %swap3A_309 = arith.constant 304 : index
        %swap3A_310 = tpu.vector_load %arg11[%swap3A_308, %swap3A_309] {strides = array<i32>} : memref<16x1024xf32, #tpu.memory_space<vmem>>, vector<16xf32>,
        tpu.vector_store %arg11[%swap3A_308, %swap3A_309], %add3A_307 {strides = array<i32>} : memref<16x1024xf32, #tpu.memory_space<vmem>>, vector<16xf32>,
        %get3A_311 = arith.index_cast %scan3A_111 : i32 to index
        %get3A_312 = arith.constant 320 : index
        %get3A_313 = tpu.vector_load %arg11[%get3A_311, %get3A_312] {strides = array<i32>} : memref<16x1024xf32, #tpu.memory_space<vmem>>, vector<16xf32>,
        %get3A_314 = arith.index_cast %scan3A_111 : i32 to index
        %get3A_315 = arith.constant 320 : index
        %get3A_316 = tpu.vector_load %arg12[%get3A_314, %get3A_315] {strides = array<i32>} : memref<16x1024xf32, #tpu.memory_space<vmem>>, vector<16xf32>,
        %add3A_317 = arith.addf %get3A_313, %get3A_316 : vector<16xf32>
        %swap3A_318 = arith.index_cast %scan3A_111 : i32 to index
        %swap3A_319 = arith.constant 320 : index
        %swap3A_320 = tpu.vector_load %arg11[%swap3A_318, %swap3A_319] {strides = array<i32>} : memref<16x1024xf32, #tpu.memory_space<vmem>>, vector<16xf32>,
        tpu.vector_store %arg11[%swap3A_318, %swap3A_319], %add3A_317 {strides = array<i32>} : memref<16x1024xf32, #tpu.memory_space<vmem>>, vector<16xf32>,
        %get3A_321 = arith.index_cast %scan3A_111 : i32 to index
        %get3A_322 = arith.constant 336 : index
        %get3A_323 = tpu.vector_load %arg11[%get3A_321, %get3A_322] {strides = array<i32>} : memref<16x1024xf32, #tpu.memory_space<vmem>>, vector<16xf32>,
        %get3A_324 = arith.index_cast %scan3A_111 : i32 to index
        %get3A_325 = arith.constant 336 : index
        %get3A_326 = tpu.vector_load %arg12[%get3A_324, %get3A_325] {strides = array<i32>} : memref<16x1024xf32, #tpu.memory_space<vmem>>, vector<16xf32>,
        %add3A_327 = arith.addf %get3A_323, %get3A_326 : vector<16xf32>
        %swap3A_328 = arith.index_cast %scan3A_111 : i32 to index
        %swap3A_329 = arith.constant 336 : index
        %swap3A_330 = tpu.vector_load %arg11[%swap3A_328, %swap3A_329] {strides = array<i32>} : memref<16x1024xf32, #tpu.memory_space<vmem>>, vector<16xf32>,
        tpu.vector_store %arg11[%swap3A_328, %swap3A_329], %add3A_327 {strides = array<i32>} : memref<16x1024xf32, #tpu.memory_space<vmem>>, vector<16xf32>,
        %get3A_331 = arith.index_cast %scan3A_111 : i32 to index
        %get3A_332 = arith.constant 352 : index
        %get3A_333 = tpu.vector_load %arg11[%get3A_331, %get3A_332] {strides = array<i32>} : memref<16x1024xf32, #tpu.memory_space<vmem>>, vector<16xf32>,
        %get3A_334 = arith.index_cast %scan3A_111 : i32 to index
        %get3A_335 = arith.constant 352 : index
        %get3A_336 = tpu.vector_load %arg12[%get3A_334, %get3A_335] {strides = array<i32>} : memref<16x1024xf32, #tpu.memory_space<vmem>>, vector<16xf32>,
        %add3A_337 = arith.addf %get3A_333, %get3A_336 : vector<16xf32>
        %swap3A_338 = arith.index_cast %scan3A_111 : i32 to index
        %swap3A_339 = arith.constant 352 : index
        %swap3A_340 = tpu.vector_load %arg11[%swap3A_338, %swap3A_339] {strides = array<i32>} : memref<16x1024xf32, #tpu.memory_space<vmem>>, vector<16xf32>,
        tpu.vector_store %arg11[%swap3A_338, %swap3A_339], %add3A_337 {strides = array<i32>} : memref<16x1024xf32, #tpu.memory_space<vmem>>, vector<16xf32>,
        %get3A_341 = arith.index_cast %scan3A_111 : i32 to index
        %get3A_342 = arith.constant 368 : index
        %get3A_343 = tpu.vector_load %arg11[%get3A_341, %get3A_342] {strides = array<i32>} : memref<16x1024xf32, #tpu.memory_space<vmem>>, vector<16xf32>,
        %get3A_344 = arith.index_cast %scan3A_111 : i32 to index
        %get3A_345 = arith.constant 368 : index
        %get3A_346 = tpu.vector_load %arg12[%get3A_344, %get3A_345] {strides = array<i32>} : memref<16x1024xf32, #tpu.memory_space<vmem>>, vector<16xf32>,
        %add3A_347 = arith.addf %get3A_343, %get3A_346 : vector<16xf32>
        %swap3A_348 = arith.index_cast %scan3A_111 : i32 to index
        %swap3A_349 = arith.constant 368 : index
        %swap3A_350 = tpu.vector_load %arg11[%swap3A_348, %swap3A_349] {strides = array<i32>} : memref<16x1024xf32, #tpu.memory_space<vmem>>, vector<16xf32>,
        tpu.vector_store %arg11[%swap3A_348, %swap3A_349], %add3A_347 {strides = array<i32>} : memref<16x1024xf32, #tpu.memory_space<vmem>>, vector<16xf32>,
        %get3A_351 = arith.index_cast %scan3A_111 : i32 to index
        %get3A_352 = arith.constant 384 : index
        %get3A_353 = tpu.vector_load %arg11[%get3A_351, %get3A_352] {strides = array<i32>} : memref<16x1024xf32, #tpu.memory_space<vmem>>, vector<16xf32>,
        %get3A_354 = arith.index_cast %scan3A_111 : i32 to index
        %get3A_355 = arith.constant 384 : index
        %get3A_356 = tpu.vector_load %arg12[%get3A_354, %get3A_355] {strides = array<i32>} : memref<16x1024xf32, #tpu.memory_space<vmem>>, vector<16xf32>,
        %add3A_357 = arith.addf %get3A_353, %get3A_356 : vector<16xf32>
        %swap3A_358 = arith.index_cast %scan3A_111 : i32 to index
        %swap3A_359 = arith.constant 384 : index
        %swap3A_360 = tpu.vector_load %arg11[%swap3A_358, %swap3A_359] {strides = array<i32>} : memref<16x1024xf32, #tpu.memory_space<vmem>>, vector<16xf32>,
        tpu.vector_store %arg11[%swap3A_358, %swap3A_359], %add3A_357 {strides = array<i32>} : memref<16x1024xf32, #tpu.memory_space<vmem>>, vector<16xf32>,
        %get3A_361 = arith.index_cast %scan3A_111 : i32 to index
        %get3A_362 = arith.constant 400 : index
        %get3A_363 = tpu.vector_load %arg11[%get3A_361, %get3A_362] {strides = array<i32>} : memref<16x1024xf32, #tpu.memory_space<vmem>>, vector<16xf32>,
        %get3A_364 = arith.index_cast %scan3A_111 : i32 to index
        %get3A_365 = arith.constant 400 : index
        %get3A_366 = tpu.vector_load %arg12[%get3A_364, %get3A_365] {strides = array<i32>} : memref<16x1024xf32, #tpu.memory_space<vmem>>, vector<16xf32>,
        %add3A_367 = arith.addf %get3A_363, %get3A_366 : vector<16xf32>
        %swap3A_368 = arith.index_cast %scan3A_111 : i32 to index
        %swap3A_369 = arith.constant 400 : index
        %swap3A_370 = tpu.vector_load %arg11[%swap3A_368, %swap3A_369] {strides = array<i32>} : memref<16x1024xf32, #tpu.memory_space<vmem>>, vector<16xf32>,
        tpu.vector_store %arg11[%swap3A_368, %swap3A_369], %add3A_367 {strides = array<i32>} : memref<16x1024xf32, #tpu.memory_space<vmem>>, vector<16xf32>,
        %get3A_371 = arith.index_cast %scan3A_111 : i32 to index
        %get3A_372 = arith.constant 416 : index
        %get3A_373 = tpu.vector_load %arg11[%get3A_371, %get3A_372] {strides = array<i32>} : memref<16x1024xf32, #tpu.memory_space<vmem>>, vector<16xf32>,
        %get3A_374 = arith.index_cast %scan3A_111 : i32 to index
        %get3A_375 = arith.constant 416 : index
        %get3A_376 = tpu.vector_load %arg12[%get3A_374, %get3A_375] {strides = array<i32>} : memref<16x1024xf32, #tpu.memory_space<vmem>>, vector<16xf32>,
        %add3A_377 = arith.addf %get3A_373, %get3A_376 : vector<16xf32>
        %swap3A_378 = arith.index_cast %scan3A_111 : i32 to index
        %swap3A_379 = arith.constant 416 : index
        %swap3A_380 = tpu.vector_load %arg11[%swap3A_378, %swap3A_379] {strides = array<i32>} : memref<16x1024xf32, #tpu.memory_space<vmem>>, vector<16xf32>,
        tpu.vector_store %arg11[%swap3A_378, %swap3A_379], %add3A_377 {strides = array<i32>} : memref<16x1024xf32, #tpu.memory_space<vmem>>, vector<16xf32>,
        %get3A_381 = arith.index_cast %scan3A_111 : i32 to index
        %get3A_382 = arith.constant 432 : index
        %get3A_383 = tpu.vector_load %arg11[%get3A_381, %get3A_382] {strides = array<i32>} : memref<16x1024xf32, #tpu.memory_space<vmem>>, vector<16xf32>,
        %get3A_384 = arith.index_cast %scan3A_111 : i32 to index
        %get3A_385 = arith.constant 432 : index
        %get3A_386 = tpu.vector_load %arg12[%get3A_384, %get3A_385] {strides = array<i32>} : memref<16x1024xf32, #tpu.memory_space<vmem>>, vector<16xf32>,
        %add3A_387 = arith.addf %get3A_383, %get3A_386 : vector<16xf32>
        %swap3A_388 = arith.index_cast %scan3A_111 : i32 to index
        %swap3A_389 = arith.constant 432 : index
        %swap3A_390 = tpu.vector_load %arg11[%swap3A_388, %swap3A_389] {strides = array<i32>} : memref<16x1024xf32, #tpu.memory_space<vmem>>, vector<16xf32>,
        tpu.vector_store %arg11[%swap3A_388, %swap3A_389], %add3A_387 {strides = array<i32>} : memref<16x1024xf32, #tpu.memory_space<vmem>>, vector<16xf32>,
        %get3A_391 = arith.index_cast %scan3A_111 : i32 to index
        %get3A_392 = arith.constant 448 : index
        %get3A_393 = tpu.vector_load %arg11[%get3A_391, %get3A_392] {strides = array<i32>} : memref<16x1024xf32, #tpu.memory_space<vmem>>, vector<16xf32>,
        %get3A_394 = arith.index_cast %scan3A_111 : i32 to index
        %get3A_395 = arith.constant 448 : index
        %get3A_396 = tpu.vector_load %arg12[%get3A_394, %get3A_395] {strides = array<i32>} : memref<16x1024xf32, #tpu.memory_space<vmem>>, vector<16xf32>,
        %add3A_397 = arith.addf %get3A_393, %get3A_396 : vector<16xf32>
        %swap3A_398 = arith.index_cast %scan3A_111 : i32 to index
        %swap3A_399 = arith.constant 448 : index
        %swap3A_400 = tpu.vector_load %arg11[%swap3A_398, %swap3A_399] {strides = array<i32>} : memref<16x1024xf32, #tpu.memory_space<vmem>>, vector<16xf32>,
        tpu.vector_store %arg11[%swap3A_398, %swap3A_399], %add3A_397 {strides = array<i32>} : memref<16x1024xf32, #tpu.memory_space<vmem>>, vector<16xf32>,
        %get3A_401 = arith.index_cast %scan3A_111 : i32 to index
        %get3A_402 = arith.constant 464 : index
        %get3A_403 = tpu.vector_load %arg11[%get3A_401, %get3A_402] {strides = array<i32>} : memref<16x1024xf32, #tpu.memory_space<vmem>>, vector<16xf32>,
        %get3A_404 = arith.index_cast %scan3A_111 : i32 to index
        %get3A_405 = arith.constant 464 : index
        %get3A_406 = tpu.vector_load %arg12[%get3A_404, %get3A_405] {strides = array<i32>} : memref<16x1024xf32, #tpu.memory_space<vmem>>, vector<16xf32>,
        %add3A_407 = arith.addf %get3A_403, %get3A_406 : vector<16xf32>
        %swap3A_408 = arith.index_cast %scan3A_111 : i32 to index
        %swap3A_409 = arith.constant 464 : index
        %swap3A_410 = tpu.vector_load %arg11[%swap3A_408, %swap3A_409] {strides = array<i32>} : memref<16x1024xf32, #tpu.memory_space<vmem>>, vector<16xf32>,
        tpu.vector_store %arg11[%swap3A_408, %swap3A_409], %add3A_407 {strides = array<i32>} : memref<16x1024xf32, #tpu.memory_space<vmem>>, vector<16xf32>,
        %get3A_411 = arith.index_cast %scan3A_111 : i32 to index
        %get3A_412 = arith.constant 480 : index
        %get3A_413 = tpu.vector_load %arg11[%get3A_411, %get3A_412] {strides = array<i32>} : memref<16x1024xf32, #tpu.memory_space<vmem>>, vector<16xf32>,
        %get3A_414 = arith.index_cast %scan3A_111 : i32 to index
        %get3A_415 = arith.constant 480 : index
        %get3A_416 = tpu.vector_load %arg12[%get3A_414, %get3A_415] {strides = array<i32>} : memref<16x1024xf32, #tpu.memory_space<vmem>>, vector<16xf32>,
        %add3A_417 = arith.addf %get3A_413, %get3A_416 : vector<16xf32>
        %swap3A_418 = arith.index_cast %scan3A_111 : i32 to index
        %swap3A_419 = arith.constant 480 : index
        %swap3A_420 = tpu.vector_load %arg11[%swap3A_418, %swap3A_419] {strides = array<i32>} : memref<16x1024xf32, #tpu.memory_space<vmem>>, vector<16xf32>,
        tpu.vector_store %arg11[%swap3A_418, %swap3A_419], %add3A_417 {strides = array<i32>} : memref<16x1024xf32, #tpu.memory_space<vmem>>, vector<16xf32>,
        %get3A_421 = arith.index_cast %scan3A_111 : i32 to index
        %get3A_422 = arith.constant 496 : index
        %get3A_423 = tpu.vector_load %arg11[%get3A_421, %get3A_422] {strides = array<i32>} : memref<16x1024xf32, #tpu.memory_space<vmem>>, vector<16xf32>,
        %get3A_424 = arith.index_cast %scan3A_111 : i32 to index
        %get3A_425 = arith.constant 496 : index
        %get3A_426 = tpu.vector_load %arg12[%get3A_424, %get3A_425] {strides = array<i32>} : memref<16x1024xf32, #tpu.memory_space<vmem>>, vector<16xf32>,
        %add3A_427 = arith.addf %get3A_423, %get3A_426 : vector<16xf32>
        %swap3A_428 = arith.index_cast %scan3A_111 : i32 to index
        %swap3A_429 = arith.constant 496 : index
        %swap3A_430 = tpu.vector_load %arg11[%swap3A_428, %swap3A_429] {strides = array<i32>} : memref<16x1024xf32, #tpu.memory_space<vmem>>, vector<16xf32>,
        tpu.vector_store %arg11[%swap3A_428, %swap3A_429], %add3A_427 {strides = array<i32>} : memref<16x1024xf32, #tpu.memory_space<vmem>>, vector<16xf32>,
        %get3A_431 = arith.index_cast %scan3A_111 : i32 to index
        %get3A_432 = arith.constant 512 : index
        %get3A_433 = tpu.vector_load %arg11[%get3A_431, %get3A_432] {strides = array<i32>} : memref<16x1024xf32, #tpu.memory_space<vmem>>, vector<16xf32>,
        %get3A_434 = arith.index_cast %scan3A_111 : i32 to index
        %get3A_435 = arith.constant 512 : index
        %get3A_436 = tpu.vector_load %arg12[%get3A_434, %get3A_435] {strides = array<i32>} : memref<16x1024xf32, #tpu.memory_space<vmem>>, vector<16xf32>,
        %add3A_437 = arith.addf %get3A_433, %get3A_436 : vector<16xf32>
        %swap3A_438 = arith.index_cast %scan3A_111 : i32 to index
        %swap3A_439 = arith.constant 512 : index
        %swap3A_440 = tpu.vector_load %arg11[%swap3A_438, %swap3A_439] {strides = array<i32>} : memref<16x1024xf32, #tpu.memory_space<vmem>>, vector<16xf32>,
        tpu.vector_store %arg11[%swap3A_438, %swap3A_439], %add3A_437 {strides = array<i32>} : memref<16x1024xf32, #tpu.memory_space<vmem>>, vector<16xf32>,
        %get3A_441 = arith.index_cast %scan3A_111 : i32 to index
        %get3A_442 = arith.constant 528 : index
        %get3A_443 = tpu.vector_load %arg11[%get3A_441, %get3A_442] {strides = array<i32>} : memref<16x1024xf32, #tpu.memory_space<vmem>>, vector<16xf32>,
        %get3A_444 = arith.index_cast %scan3A_111 : i32 to index
        %get3A_445 = arith.constant 528 : index
        %get3A_446 = tpu.vector_load %arg12[%get3A_444, %get3A_445] {strides = array<i32>} : memref<16x1024xf32, #tpu.memory_space<vmem>>, vector<16xf32>,
        %add3A_447 = arith.addf %get3A_443, %get3A_446 : vector<16xf32>
        %swap3A_448 = arith.index_cast %scan3A_111 : i32 to index
        %swap3A_449 = arith.constant 528 : index
        %swap3A_450 = tpu.vector_load %arg11[%swap3A_448, %swap3A_449] {strides = array<i32>} : memref<16x1024xf32, #tpu.memory_space<vmem>>, vector<16xf32>,
        tpu.vector_store %arg11[%swap3A_448, %swap3A_449], %add3A_447 {strides = array<i32>} : memref<16x1024xf32, #tpu.memory_space<vmem>>, vector<16xf32>,
        %get3A_451 = arith.index_cast %scan3A_111 : i32 to index
        %get3A_452 = arith.constant 544 : index
        %get3A_453 = tpu.vector_load %arg11[%get3A_451, %get3A_452] {strides = array<i32>} : memref<16x1024xf32, #tpu.memory_space<vmem>>, vector<16xf32>,
        %get3A_454 = arith.index_cast %scan3A_111 : i32 to index
        %get3A_455 = arith.constant 544 : index
        %get3A_456 = tpu.vector_load %arg12[%get3A_454, %get3A_455] {strides = array<i32>} : memref<16x1024xf32, #tpu.memory_space<vmem>>, vector<16xf32>,
        %add3A_457 = arith.addf %get3A_453, %get3A_456 : vector<16xf32>
        %swap3A_458 = arith.index_cast %scan3A_111 : i32 to index
        %swap3A_459 = arith.constant 544 : index
        %swap3A_460 = tpu.vector_load %arg11[%swap3A_458, %swap3A_459] {strides = array<i32>} : memref<16x1024xf32, #tpu.memory_space<vmem>>, vector<16xf32>,
        tpu.vector_store %arg11[%swap3A_458, %swap3A_459], %add3A_457 {strides = array<i32>} : memref<16x1024xf32, #tpu.memory_space<vmem>>, vector<16xf32>,
        %get3A_461 = arith.index_cast %scan3A_111 : i32 to index
        %get3A_462 = arith.constant 560 : index
        %get3A_463 = tpu.vector_load %arg11[%get3A_461, %get3A_462] {strides = array<i32>} : memref<16x1024xf32, #tpu.memory_space<vmem>>, vector<16xf32>,
        %get3A_464 = arith.index_cast %scan3A_111 : i32 to index
        %get3A_465 = arith.constant 560 : index
        %get3A_466 = tpu.vector_load %arg12[%get3A_464, %get3A_465] {strides = array<i32>} : memref<16x1024xf32, #tpu.memory_space<vmem>>, vector<16xf32>,
        %add3A_467 = arith.addf %get3A_463, %get3A_466 : vector<16xf32>
        %swap3A_468 = arith.index_cast %scan3A_111 : i32 to index
        %swap3A_469 = arith.constant 560 : index
        %swap3A_470 = tpu.vector_load %arg11[%swap3A_468, %swap3A_469] {strides = array<i32>} : memref<16x1024xf32, #tpu.memory_space<vmem>>, vector<16xf32>,
        tpu.vector_store %arg11[%swap3A_468, %swap3A_469], %add3A_467 {strides = array<i32>} : memref<16x1024xf32, #tpu.memory_space<vmem>>, vector<16xf32>,
        %get3A_471 = arith.index_cast %scan3A_111 : i32 to index
        %get3A_472 = arith.constant 576 : index
        %get3A_473 = tpu.vector_load %arg11[%get3A_471, %get3A_472] {strides = array<i32>} : memref<16x1024xf32, #tpu.memory_space<vmem>>, vector<16xf32>,
        %get3A_474 = arith.index_cast %scan3A_111 : i32 to index
        %get3A_475 = arith.constant 576 : index
        %get3A_476 = tpu.vector_load %arg12[%get3A_474, %get3A_475] {strides = array<i32>} : memref<16x1024xf32, #tpu.memory_space<vmem>>, vector<16xf32>,
        %add3A_477 = arith.addf %get3A_473, %get3A_476 : vector<16xf32>
        %swap3A_478 = arith.index_cast %scan3A_111 : i32 to index
        %swap3A_479 = arith.constant 576 : index
        %swap3A_480 = tpu.vector_load %arg11[%swap3A_478, %swap3A_479] {strides = array<i32>} : memref<16x1024xf32, #tpu.memory_space<vmem>>, vector<16xf32>,
        tpu.vector_store %arg11[%swap3A_478, %swap3A_479], %add3A_477 {strides = array<i32>} : memref<16x1024xf32, #tpu.memory_space<vmem>>, vector<16xf32>,
        %get3A_481 = arith.index_cast %scan3A_111 : i32 to index
        %get3A_482 = arith.constant 592 : index
        %get3A_483 = tpu.vector_load %arg11[%get3A_481, %get3A_482] {strides = array<i32>} : memref<16x1024xf32, #tpu.memory_space<vmem>>, vector<16xf32>,
        %get3A_484 = arith.index_cast %scan3A_111 : i32 to index
        %get3A_485 = arith.constant 592 : index
        %get3A_486 = tpu.vector_load %arg12[%get3A_484, %get3A_485] {strides = array<i32>} : memref<16x1024xf32, #tpu.memory_space<vmem>>, vector<16xf32>,
        %add3A_487 = arith.addf %get3A_483, %get3A_486 : vector<16xf32>
        %swap3A_488 = arith.index_cast %scan3A_111 : i32 to index
        %swap3A_489 = arith.constant 592 : index
        %swap3A_490 = tpu.vector_load %arg11[%swap3A_488, %swap3A_489] {strides = array<i32>} : memref<16x1024xf32, #tpu.memory_space<vmem>>, vector<16xf32>,
        tpu.vector_store %arg11[%swap3A_488, %swap3A_489], %add3A_487 {strides = array<i32>} : memref<16x1024xf32, #tpu.memory_space<vmem>>, vector<16xf32>,
        %get3A_491 = arith.index_cast %scan3A_111 : i32 to index
        %get3A_492 = arith.constant 608 : index
        %get3A_493 = tpu.vector_load %arg11[%get3A_491, %get3A_492] {strides = array<i32>} : memref<16x1024xf32, #tpu.memory_space<vmem>>, vector<16xf32>,
        %get3A_494 = arith.index_cast %scan3A_111 : i32 to index
        %get3A_495 = arith.constant 608 : index
        %get3A_496 = tpu.vector_load %arg12[%get3A_494, %get3A_495] {strides = array<i32>} : memref<16x1024xf32, #tpu.memory_space<vmem>>, vector<16xf32>,
        %add3A_497 = arith.addf %get3A_493, %get3A_496 : vector<16xf32>
        %swap3A_498 = arith.index_cast %scan3A_111 : i32 to index
        %swap3A_499 = arith.constant 608 : index
        %swap3A_500 = tpu.vector_load %arg11[%swap3A_498, %swap3A_499] {strides = array<i32>} : memref<16x1024xf32, #tpu.memory_space<vmem>>, vector<16xf32>,
        tpu.vector_store %arg11[%swap3A_498, %swap3A_499], %add3A_497 {strides = array<i32>} : memref<16x1024xf32, #tpu.memory_space<vmem>>, vector<16xf32>,
        %get3A_501 = arith.index_cast %scan3A_111 : i32 to index
        %get3A_502 = arith.constant 624 : index
        %get3A_503 = tpu.vector_load %arg11[%get3A_501, %get3A_502] {strides = array<i32>} : memref<16x1024xf32, #tpu.memory_space<vmem>>, vector<16xf32>,
        %get3A_504 = arith.index_cast %scan3A_111 : i32 to index
        %get3A_505 = arith.constant 624 : index
        %get3A_506 = tpu.vector_load %arg12[%get3A_504, %get3A_505] {strides = array<i32>} : memref<16x1024xf32, #tpu.memory_space<vmem>>, vector<16xf32>,
        %add3A_507 = arith.addf %get3A_503, %get3A_506 : vector<16xf32>
        %swap3A_508 = arith.index_cast %scan3A_111 : i32 to index
        %swap3A_509 = arith.constant 624 : index
        %swap3A_510 = tpu.vector_load %arg11[%swap3A_508, %swap3A_509] {strides = array<i32>} : memref<16x1024xf32, #tpu.memory_space<vmem>>, vector<16xf32>,
        tpu.vector_store %arg11[%swap3A_508, %swap3A_509], %add3A_507 {strides = array<i32>} : memref<16x1024xf32, #tpu.memory_space<vmem>>, vector<16xf32>,
        %get3A_511 = arith.index_cast %scan3A_111 : i32 to index
        %get3A_512 = arith.constant 640 : index
        %get3A_513 = tpu.vector_load %arg11[%get3A_511, %get3A_512] {strides = array<i32>} : memref<16x1024xf32, #tpu.memory_space<vmem>>, vector<16xf32>,
        %get3A_514 = arith.index_cast %scan3A_111 : i32 to index
        %get3A_515 = arith.constant 640 : index
        %get3A_516 = tpu.vector_load %arg12[%get3A_514, %get3A_515] {strides = array<i32>} : memref<16x1024xf32, #tpu.memory_space<vmem>>, vector<16xf32>,
        %add3A_517 = arith.addf %get3A_513, %get3A_516 : vector<16xf32>
        %swap3A_518 = arith.index_cast %scan3A_111 : i32 to index
        %swap3A_519 = arith.constant 640 : index
        %swap3A_520 = tpu.vector_load %arg11[%swap3A_518, %swap3A_519] {strides = array<i32>} : memref<16x1024xf32, #tpu.memory_space<vmem>>, vector<16xf32>,
        tpu.vector_store %arg11[%swap3A_518, %swap3A_519], %add3A_517 {strides = array<i32>} : memref<16x1024xf32, #tpu.memory_space<vmem>>, vector<16xf32>,
        %get3A_521 = arith.index_cast %scan3A_111 : i32 to index
        %get3A_522 = arith.constant 656 : index
        %get3A_523 = tpu.vector_load %arg11[%get3A_521, %get3A_522] {strides = array<i32>} : memref<16x1024xf32, #tpu.memory_space<vmem>>, vector<16xf32>,
        %get3A_524 = arith.index_cast %scan3A_111 : i32 to index
        %get3A_525 = arith.constant 656 : index
        %get3A_526 = tpu.vector_load %arg12[%get3A_524, %get3A_525] {strides = array<i32>} : memref<16x1024xf32, #tpu.memory_space<vmem>>, vector<16xf32>,
        %add3A_527 = arith.addf %get3A_523, %get3A_526 : vector<16xf32>
        %swap3A_528 = arith.index_cast %scan3A_111 : i32 to index
        %swap3A_529 = arith.constant 656 : index
        %swap3A_530 = tpu.vector_load %arg11[%swap3A_528, %swap3A_529] {strides = array<i32>} : memref<16x1024xf32, #tpu.memory_space<vmem>>, vector<16xf32>,
        tpu.vector_store %arg11[%swap3A_528, %swap3A_529], %add3A_527 {strides = array<i32>} : memref<16x1024xf32, #tpu.memory_space<vmem>>, vector<16xf32>,
        %get3A_531 = arith.index_cast %scan3A_111 : i32 to index
        %get3A_532 = arith.constant 672 : index
        %get3A_533 = tpu.vector_load %arg11[%get3A_531, %get3A_532] {strides = array<i32>} : memref<16x1024xf32, #tpu.memory_space<vmem>>, vector<16xf32>,
        %get3A_534 = arith.index_cast %scan3A_111 : i32 to index
        %get3A_535 = arith.constant 672 : index
        %get3A_536 = tpu.vector_load %arg12[%get3A_534, %get3A_535] {strides = array<i32>} : memref<16x1024xf32, #tpu.memory_space<vmem>>, vector<16xf32>,
        %add3A_537 = arith.addf %get3A_533, %get3A_536 : vector<16xf32>
        %swap3A_538 = arith.index_cast %scan3A_111 : i32 to index
        %swap3A_539 = arith.constant 672 : index
        %swap3A_540 = tpu.vector_load %arg11[%swap3A_538, %swap3A_539] {strides = array<i32>} : memref<16x1024xf32, #tpu.memory_space<vmem>>, vector<16xf32>,
        tpu.vector_store %arg11[%swap3A_538, %swap3A_539], %add3A_537 {strides = array<i32>} : memref<16x1024xf32, #tpu.memory_space<vmem>>, vector<16xf32>,
        %get3A_541 = arith.index_cast %scan3A_111 : i32 to index
        %get3A_542 = arith.constant 688 : index
        %get3A_543 = tpu.vector_load %arg11[%get3A_541, %get3A_542] {strides = array<i32>} : memref<16x1024xf32, #tpu.memory_space<vmem>>, vector<16xf32>,
        %get3A_544 = arith.index_cast %scan3A_111 : i32 to index
        %get3A_545 = arith.constant 688 : index
        %get3A_546 = tpu.vector_load %arg12[%get3A_544, %get3A_545] {strides = array<i32>} : memref<16x1024xf32, #tpu.memory_space<vmem>>, vector<16xf32>,
        %add3A_547 = arith.addf %get3A_543, %get3A_546 : vector<16xf32>
        %swap3A_548 = arith.index_cast %scan3A_111 : i32 to index
        %swap3A_549 = arith.constant 688 : index
        %swap3A_550 = tpu.vector_load %arg11[%swap3A_548, %swap3A_549] {strides = array<i32>} : memref<16x1024xf32, #tpu.memory_space<vmem>>, vector<16xf32>,
        tpu.vector_store %arg11[%swap3A_548, %swap3A_549], %add3A_547 {strides = array<i32>} : memref<16x1024xf32, #tpu.memory_space<vmem>>, vector<16xf32>,
        %get3A_551 = arith.index_cast %scan3A_111 : i32 to index
        %get3A_552 = arith.constant 704 : index
        %get3A_553 = tpu.vector_load %arg11[%get3A_551, %get3A_552] {strides = array<i32>} : memref<16x1024xf32, #tpu.memory_space<vmem>>, vector<16xf32>,
        %get3A_554 = arith.index_cast %scan3A_111 : i32 to index
        %get3A_555 = arith.constant 704 : index
        %get3A_556 = tpu.vector_load %arg12[%get3A_554, %get3A_555] {strides = array<i32>} : memref<16x1024xf32, #tpu.memory_space<vmem>>, vector<16xf32>,
        %add3A_557 = arith.addf %get3A_553, %get3A_556 : vector<16xf32>
        %swap3A_558 = arith.index_cast %scan3A_111 : i32 to index
        %swap3A_559 = arith.constant 704 : index
        %swap3A_560 = tpu.vector_load %arg11[%swap3A_558, %swap3A_559] {strides = array<i32>} : memref<16x1024xf32, #tpu.memory_space<vmem>>, vector<16xf32>,
        tpu.vector_store %arg11[%swap3A_558, %swap3A_559], %add3A_557 {strides = array<i32>} : memref<16x1024xf32, #tpu.memory_space<vmem>>, vector<16xf32>,
        %get3A_561 = arith.index_cast %scan3A_111 : i32 to index
        %get3A_562 = arith.constant 720 : index
        %get3A_563 = tpu.vector_load %arg11[%get3A_561, %get3A_562] {strides = array<i32>} : memref<16x1024xf32, #tpu.memory_space<vmem>>, vector<16xf32>,
        %get3A_564 = arith.index_cast %scan3A_111 : i32 to index
        %get3A_565 = arith.constant 720 : index
        %get3A_566 = tpu.vector_load %arg12[%get3A_564, %get3A_565] {strides = array<i32>} : memref<16x1024xf32, #tpu.memory_space<vmem>>, vector<16xf32>,
        %add3A_567 = arith.addf %get3A_563, %get3A_566 : vector<16xf32>
        %swap3A_568 = arith.index_cast %scan3A_111 : i32 to index
        %swap3A_569 = arith.constant 720 : index
        %swap3A_570 = tpu.vector_load %arg11[%swap3A_568, %swap3A_569] {strides = array<i32>} : memref<16x1024xf32, #tpu.memory_space<vmem>>, vector<16xf32>,
        tpu.vector_store %arg11[%swap3A_568, %swap3A_569], %add3A_567 {strides = array<i32>} : memref<16x1024xf32, #tpu.memory_space<vmem>>, vector<16xf32>,
        %get3A_571 = arith.index_cast %scan3A_111 : i32 to index
        %get3A_572 = arith.constant 736 : index
        %get3A_573 = tpu.vector_load %arg11[%get3A_571, %get3A_572] {strides = array<i32>} : memref<16x1024xf32, #tpu.memory_space<vmem>>, vector<16xf32>,
        %get3A_574 = arith.index_cast %scan3A_111 : i32 to index
        %get3A_575 = arith.constant 736 : index
        %get3A_576 = tpu.vector_load %arg12[%get3A_574, %get3A_575] {strides = array<i32>} : memref<16x1024xf32, #tpu.memory_space<vmem>>, vector<16xf32>,
        %add3A_577 = arith.addf %get3A_573, %get3A_576 : vector<16xf32>
        %swap3A_578 = arith.index_cast %scan3A_111 : i32 to index
        %swap3A_579 = arith.constant 736 : index
        %swap3A_580 = tpu.vector_load %arg11[%swap3A_578, %swap3A_579] {strides = array<i32>} : memref<16x1024xf32, #tpu.memory_space<vmem>>, vector<16xf32>,
        tpu.vector_store %arg11[%swap3A_578, %swap3A_579], %add3A_577 {strides = array<i32>} : memref<16x1024xf32, #tpu.memory_space<vmem>>, vector<16xf32>,
        %get3A_581 = arith.index_cast %scan3A_111 : i32 to index
        %get3A_582 = arith.constant 752 : index
        %get3A_583 = tpu.vector_load %arg11[%get3A_581, %get3A_582] {strides = array<i32>} : memref<16x1024xf32, #tpu.memory_space<vmem>>, vector<16xf32>,
        %get3A_584 = arith.index_cast %scan3A_111 : i32 to index
        %get3A_585 = arith.constant 752 : index
        %get3A_586 = tpu.vector_load %arg12[%get3A_584, %get3A_585] {strides = array<i32>} : memref<16x1024xf32, #tpu.memory_space<vmem>>, vector<16xf32>,
        %add3A_587 = arith.addf %get3A_583, %get3A_586 : vector<16xf32>
        %swap3A_588 = arith.index_cast %scan3A_111 : i32 to index
        %swap3A_589 = arith.constant 752 : index
        %swap3A_590 = tpu.vector_load %arg11[%swap3A_588, %swap3A_589] {strides = array<i32>} : memref<16x1024xf32, #tpu.memory_space<vmem>>, vector<16xf32>,
        tpu.vector_store %arg11[%swap3A_588, %swap3A_589], %add3A_587 {strides = array<i32>} : memref<16x1024xf32, #tpu.memory_space<vmem>>, vector<16xf32>,
        %get3A_591 = arith.index_cast %scan3A_111 : i32 to index
        %get3A_592 = arith.constant 768 : index
        %get3A_593 = tpu.vector_load %arg11[%get3A_591, %get3A_592] {strides = array<i32>} : memref<16x1024xf32, #tpu.memory_space<vmem>>, vector<16xf32>,
        %get3A_594 = arith.index_cast %scan3A_111 : i32 to index
        %get3A_595 = arith.constant 768 : index
        %get3A_596 = tpu.vector_load %arg12[%get3A_594, %get3A_595] {strides = array<i32>} : memref<16x1024xf32, #tpu.memory_space<vmem>>, vector<16xf32>,
        %add3A_597 = arith.addf %get3A_593, %get3A_596 : vector<16xf32>
        %swap3A_598 = arith.index_cast %scan3A_111 : i32 to index
        %swap3A_599 = arith.constant 768 : index
        %swap3A_600 = tpu.vector_load %arg11[%swap3A_598, %swap3A_599] {strides = array<i32>} : memref<16x1024xf32, #tpu.memory_space<vmem>>, vector<16xf32>,
        tpu.vector_store %arg11[%swap3A_598, %swap3A_599], %add3A_597 {strides = array<i32>} : memref<16x1024xf32, #tpu.memory_space<vmem>>, vector<16xf32>,
        %get3A_601 = arith.index_cast %scan3A_111 : i32 to index
        %get3A_602 = arith.constant 784 : index
        %get3A_603 = tpu.vector_load %arg11[%get3A_601, %get3A_602] {strides = array<i32>} : memref<16x1024xf32, #tpu.memory_space<vmem>>, vector<16xf32>,
        %get3A_604 = arith.index_cast %scan3A_111 : i32 to index
        %get3A_605 = arith.constant 784 : index
        %get3A_606 = tpu.vector_load %arg12[%get3A_604, %get3A_605] {strides = array<i32>} : memref<16x1024xf32, #tpu.memory_space<vmem>>, vector<16xf32>,
        %add3A_607 = arith.addf %get3A_603, %get3A_606 : vector<16xf32>
        %swap3A_608 = arith.index_cast %scan3A_111 : i32 to index
        %swap3A_609 = arith.constant 784 : index
        %swap3A_610 = tpu.vector_load %arg11[%swap3A_608, %swap3A_609] {strides = array<i32>} : memref<16x1024xf32, #tpu.memory_space<vmem>>, vector<16xf32>,
        tpu.vector_store %arg11[%swap3A_608, %swap3A_609], %add3A_607 {strides = array<i32>} : memref<16x1024xf32, #tpu.memory_space<vmem>>, vector<16xf32>,
        %get3A_611 = arith.index_cast %scan3A_111 : i32 to index
        %get3A_612 = arith.constant 800 : index
        %get3A_613 = tpu.vector_load %arg11[%get3A_611, %get3A_612] {strides = array<i32>} : memref<16x1024xf32, #tpu.memory_space<vmem>>, vector<16xf32>,
        %get3A_614 = arith.index_cast %scan3A_111 : i32 to index
        %get3A_615 = arith.constant 800 : index
        %get3A_616 = tpu.vector_load %arg12[%get3A_614, %get3A_615] {strides = array<i32>} : memref<16x1024xf32, #tpu.memory_space<vmem>>, vector<16xf32>,
        %add3A_617 = arith.addf %get3A_613, %get3A_616 : vector<16xf32>
        %swap3A_618 = arith.index_cast %scan3A_111 : i32 to index
        %swap3A_619 = arith.constant 800 : index
        %swap3A_620 = tpu.vector_load %arg11[%swap3A_618, %swap3A_619] {strides = array<i32>} : memref<16x1024xf32, #tpu.memory_space<vmem>>, vector<16xf32>,
        tpu.vector_store %arg11[%swap3A_618, %swap3A_619], %add3A_617 {strides = array<i32>} : memref<16x1024xf32, #tpu.memory_space<vmem>>, vector<16xf32>,
        %get3A_621 = arith.index_cast %scan3A_111 : i32 to index
        %get3A_622 = arith.constant 816 : index
        %get3A_623 = tpu.vector_load %arg11[%get3A_621, %get3A_622] {strides = array<i32>} : memref<16x1024xf32, #tpu.memory_space<vmem>>, vector<16xf32>,
        %get3A_624 = arith.index_cast %scan3A_111 : i32 to index
        %get3A_625 = arith.constant 816 : index
        %get3A_626 = tpu.vector_load %arg12[%get3A_624, %get3A_625] {strides = array<i32>} : memref<16x1024xf32, #tpu.memory_space<vmem>>, vector<16xf32>,
        %add3A_627 = arith.addf %get3A_623, %get3A_626 : vector<16xf32>
        %swap3A_628 = arith.index_cast %scan3A_111 : i32 to index
        %swap3A_629 = arith.constant 816 : index
        %swap3A_630 = tpu.vector_load %arg11[%swap3A_628, %swap3A_629] {strides = array<i32>} : memref<16x1024xf32, #tpu.memory_space<vmem>>, vector<16xf32>,
        tpu.vector_store %arg11[%swap3A_628, %swap3A_629], %add3A_627 {strides = array<i32>} : memref<16x1024xf32, #tpu.memory_space<vmem>>, vector<16xf32>,
        %get3A_631 = arith.index_cast %scan3A_111 : i32 to index
        %get3A_632 = arith.constant 832 : index
        %get3A_633 = tpu.vector_load %arg11[%get3A_631, %get3A_632] {strides = array<i32>} : memref<16x1024xf32, #tpu.memory_space<vmem>>, vector<16xf32>,
        %get3A_634 = arith.index_cast %scan3A_111 : i32 to index
        %get3A_635 = arith.constant 832 : index
        %get3A_636 = tpu.vector_load %arg12[%get3A_634, %get3A_635] {strides = array<i32>} : memref<16x1024xf32, #tpu.memory_space<vmem>>, vector<16xf32>,
        %add3A_637 = arith.addf %get3A_633, %get3A_636 : vector<16xf32>
        %swap3A_638 = arith.index_cast %scan3A_111 : i32 to index
        %swap3A_639 = arith.constant 832 : index
        %swap3A_640 = tpu.vector_load %arg11[%swap3A_638, %swap3A_639] {strides = array<i32>} : memref<16x1024xf32, #tpu.memory_space<vmem>>, vector<16xf32>,
        tpu.vector_store %arg11[%swap3A_638, %swap3A_639], %add3A_637 {strides = array<i32>} : memref<16x1024xf32, #tpu.memory_space<vmem>>, vector<16xf32>,
        %get3A_641 = arith.index_cast %scan3A_111 : i32 to index
        %get3A_642 = arith.constant 848 : index
        %get3A_643 = tpu.vector_load %arg11[%get3A_641, %get3A_642] {strides = array<i32>} : memref<16x1024xf32, #tpu.memory_space<vmem>>, vector<16xf32>,
        %get3A_644 = arith.index_cast %scan3A_111 : i32 to index
        %get3A_645 = arith.constant 848 : index
        %get3A_646 = tpu.vector_load %arg12[%get3A_644, %get3A_645] {strides = array<i32>} : memref<16x1024xf32, #tpu.memory_space<vmem>>, vector<16xf32>,
        %add3A_647 = arith.addf %get3A_643, %get3A_646 : vector<16xf32>
        %swap3A_648 = arith.index_cast %scan3A_111 : i32 to index
        %swap3A_649 = arith.constant 848 : index
        %swap3A_650 = tpu.vector_load %arg11[%swap3A_648, %swap3A_649] {strides = array<i32>} : memref<16x1024xf32, #tpu.memory_space<vmem>>, vector<16xf32>,
        tpu.vector_store %arg11[%swap3A_648, %swap3A_649], %add3A_647 {strides = array<i32>} : memref<16x1024xf32, #tpu.memory_space<vmem>>, vector<16xf32>,
        %get3A_651 = arith.index_cast %scan3A_111 : i32 to index
        %get3A_652 = arith.constant 864 : index
        %get3A_653 = tpu.vector_load %arg11[%get3A_651, %get3A_652] {strides = array<i32>} : memref<16x1024xf32, #tpu.memory_space<vmem>>, vector<16xf32>,
        %get3A_654 = arith.index_cast %scan3A_111 : i32 to index
        %get3A_655 = arith.constant 864 : index
        %get3A_656 = tpu.vector_load %arg12[%get3A_654, %get3A_655] {strides = array<i32>} : memref<16x1024xf32, #tpu.memory_space<vmem>>, vector<16xf32>,
        %add3A_657 = arith.addf %get3A_653, %get3A_656 : vector<16xf32>
        %swap3A_658 = arith.index_cast %scan3A_111 : i32 to index
        %swap3A_659 = arith.constant 864 : index
        %swap3A_660 = tpu.vector_load %arg11[%swap3A_658, %swap3A_659] {strides = array<i32>} : memref<16x1024xf32, #tpu.memory_space<vmem>>, vector<16xf32>,
        tpu.vector_store %arg11[%swap3A_658, %swap3A_659], %add3A_657 {strides = array<i32>} : memref<16x1024xf32, #tpu.memory_space<vmem>>, vector<16xf32>,
        %get3A_661 = arith.index_cast %scan3A_111 : i32 to index
        %get3A_662 = arith.constant 880 : index
        %get3A_663 = tpu.vector_load %arg11[%get3A_661, %get3A_662] {strides = array<i32>} : memref<16x1024xf32, #tpu.memory_space<vmem>>, vector<16xf32>,
        %get3A_664 = arith.index_cast %scan3A_111 : i32 to index
        %get3A_665 = arith.constant 880 : index
        %get3A_666 = tpu.vector_load %arg12[%get3A_664, %get3A_665] {strides = array<i32>} : memref<16x1024xf32, #tpu.memory_space<vmem>>, vector<16xf32>,
        %add3A_667 = arith.addf %get3A_663, %get3A_666 : vector<16xf32>
        %swap3A_668 = arith.index_cast %scan3A_111 : i32 to index
        %swap3A_669 = arith.constant 880 : index
        %swap3A_670 = tpu.vector_load %arg11[%swap3A_668, %swap3A_669] {strides = array<i32>} : memref<16x1024xf32, #tpu.memory_space<vmem>>, vector<16xf32>,
        tpu.vector_store %arg11[%swap3A_668, %swap3A_669], %add3A_667 {strides = array<i32>} : memref<16x1024xf32, #tpu.memory_space<vmem>>, vector<16xf32>,
        %get3A_671 = arith.index_cast %scan3A_111 : i32 to index
        %get3A_672 = arith.constant 896 : index
        %get3A_673 = tpu.vector_load %arg11[%get3A_671, %get3A_672] {strides = array<i32>} : memref<16x1024xf32, #tpu.memory_space<vmem>>, vector<16xf32>,
        %get3A_674 = arith.index_cast %scan3A_111 : i32 to index
        %get3A_675 = arith.constant 896 : index
        %get3A_676 = tpu.vector_load %arg12[%get3A_674, %get3A_675] {strides = array<i32>} : memref<16x1024xf32, #tpu.memory_space<vmem>>, vector<16xf32>,
        %add3A_677 = arith.addf %get3A_673, %get3A_676 : vector<16xf32>
        %swap3A_678 = arith.index_cast %scan3A_111 : i32 to index
        %swap3A_679 = arith.constant 896 : index
        %swap3A_680 = tpu.vector_load %arg11[%swap3A_678, %swap3A_679] {strides = array<i32>} : memref<16x1024xf32, #tpu.memory_space<vmem>>, vector<16xf32>,
        tpu.vector_store %arg11[%swap3A_678, %swap3A_679], %add3A_677 {strides = array<i32>} : memref<16x1024xf32, #tpu.memory_space<vmem>>, vector<16xf32>,
        %get3A_681 = arith.index_cast %scan3A_111 : i32 to index
        %get3A_682 = arith.constant 912 : index
        %get3A_683 = tpu.vector_load %arg11[%get3A_681, %get3A_682] {strides = array<i32>} : memref<16x1024xf32, #tpu.memory_space<vmem>>, vector<16xf32>,
        %get3A_684 = arith.index_cast %scan3A_111 : i32 to index
        %get3A_685 = arith.constant 912 : index
        %get3A_686 = tpu.vector_load %arg12[%get3A_684, %get3A_685] {strides = array<i32>} : memref<16x1024xf32, #tpu.memory_space<vmem>>, vector<16xf32>,
        %add3A_687 = arith.addf %get3A_683, %get3A_686 : vector<16xf32>
        %swap3A_688 = arith.index_cast %scan3A_111 : i32 to index
        %swap3A_689 = arith.constant 912 : index
        %swap3A_690 = tpu.vector_load %arg11[%swap3A_688, %swap3A_689] {strides = array<i32>} : memref<16x1024xf32, #tpu.memory_space<vmem>>, vector<16xf32>,
        tpu.vector_store %arg11[%swap3A_688, %swap3A_689], %add3A_687 {strides = array<i32>} : memref<16x1024xf32, #tpu.memory_space<vmem>>, vector<16xf32>,
        %get3A_691 = arith.index_cast %scan3A_111 : i32 to index
        %get3A_692 = arith.constant 928 : index
        %get3A_693 = tpu.vector_load %arg11[%get3A_691, %get3A_692] {strides = array<i32>} : memref<16x1024xf32, #tpu.memory_space<vmem>>, vector<16xf32>,
        %get3A_694 = arith.index_cast %scan3A_111 : i32 to index
        %get3A_695 = arith.constant 928 : index
        %get3A_696 = tpu.vector_load %arg12[%get3A_694, %get3A_695] {strides = array<i32>} : memref<16x1024xf32, #tpu.memory_space<vmem>>, vector<16xf32>,
        %add3A_697 = arith.addf %get3A_693, %get3A_696 : vector<16xf32>
        %swap3A_698 = arith.index_cast %scan3A_111 : i32 to index
        %swap3A_699 = arith.constant 928 : index
        %swap3A_700 = tpu.vector_load %arg11[%swap3A_698, %swap3A_699] {strides = array<i32>} : memref<16x1024xf32, #tpu.memory_space<vmem>>, vector<16xf32>,
        tpu.vector_store %arg11[%swap3A_698, %swap3A_699], %add3A_697 {strides = array<i32>} : memref<16x1024xf32, #tpu.memory_space<vmem>>, vector<16xf32>,
        %get3A_701 = arith.index_cast %scan3A_111 : i32 to index
        %get3A_702 = arith.constant 944 : index
        %get3A_703 = tpu.vector_load %arg11[%get3A_701, %get3A_702] {strides = array<i32>} : memref<16x1024xf32, #tpu.memory_space<vmem>>, vector<16xf32>,
        %get3A_704 = arith.index_cast %scan3A_111 : i32 to index
        %get3A_705 = arith.constant 944 : index
        %get3A_706 = tpu.vector_load %arg12[%get3A_704, %get3A_705] {strides = array<i32>} : memref<16x1024xf32, #tpu.memory_space<vmem>>, vector<16xf32>,
        %add3A_707 = arith.addf %get3A_703, %get3A_706 : vector<16xf32>
        %swap3A_708 = arith.index_cast %scan3A_111 : i32 to index
        %swap3A_709 = arith.constant 944 : index
        %swap3A_710 = tpu.vector_load %arg11[%swap3A_708, %swap3A_709] {strides = array<i32>} : memref<16x1024xf32, #tpu.memory_space<vmem>>, vector<16xf32>,
        tpu.vector_store %arg11[%swap3A_708, %swap3A_709], %add3A_707 {strides = array<i32>} : memref<16x1024xf32, #tpu.memory_space<vmem>>, vector<16xf32>,
        %get3A_711 = arith.index_cast %scan3A_111 : i32 to index
        %get3A_712 = arith.constant 960 : index
        %get3A_713 = tpu.vector_load %arg11[%get3A_711, %get3A_712] {strides = array<i32>} : memref<16x1024xf32, #tpu.memory_space<vmem>>, vector<16xf32>,
        %get3A_714 = arith.index_cast %scan3A_111 : i32 to index
        %get3A_715 = arith.constant 960 : index
        %get3A_716 = tpu.vector_load %arg12[%get3A_714, %get3A_715] {strides = array<i32>} : memref<16x1024xf32, #tpu.memory_space<vmem>>, vector<16xf32>,
        %add3A_717 = arith.addf %get3A_713, %get3A_716 : vector<16xf32>
        %swap3A_718 = arith.index_cast %scan3A_111 : i32 to index
        %swap3A_719 = arith.constant 960 : index
        %swap3A_720 = tpu.vector_load %arg11[%swap3A_718, %swap3A_719] {strides = array<i32>} : memref<16x1024xf32, #tpu.memory_space<vmem>>, vector<16xf32>,
        tpu.vector_store %arg11[%swap3A_718, %swap3A_719], %add3A_717 {strides = array<i32>} : memref<16x1024xf32, #tpu.memory_space<vmem>>, vector<16xf32>,
        %get3A_721 = arith.index_cast %scan3A_111 : i32 to index
        %get3A_722 = arith.constant 976 : index
        %get3A_723 = tpu.vector_load %arg11[%get3A_721, %get3A_722] {strides = array<i32>} : memref<16x1024xf32, #tpu.memory_space<vmem>>, vector<16xf32>,
        %get3A_724 = arith.index_cast %scan3A_111 : i32 to index
        %get3A_725 = arith.constant 976 : index
        %get3A_726 = tpu.vector_load %arg12[%get3A_724, %get3A_725] {strides = array<i32>} : memref<16x1024xf32, #tpu.memory_space<vmem>>, vector<16xf32>,
        %add3A_727 = arith.addf %get3A_723, %get3A_726 : vector<16xf32>
        %swap3A_728 = arith.index_cast %scan3A_111 : i32 to index
        %swap3A_729 = arith.constant 976 : index
        %swap3A_730 = tpu.vector_load %arg11[%swap3A_728, %swap3A_729] {strides = array<i32>} : memref<16x1024xf32, #tpu.memory_space<vmem>>, vector<16xf32>,
        tpu.vector_store %arg11[%swap3A_728, %swap3A_729], %add3A_727 {strides = array<i32>} : memref<16x1024xf32, #tpu.memory_space<vmem>>, vector<16xf32>,
        %get3A_731 = arith.index_cast %scan3A_111 : i32 to index
        %get3A_732 = arith.constant 992 : index
        %get3A_733 = tpu.vector_load %arg11[%get3A_731, %get3A_732] {strides = array<i32>} : memref<16x1024xf32, #tpu.memory_space<vmem>>, vector<16xf32>,
        %get3A_734 = arith.index_cast %scan3A_111 : i32 to index
        %get3A_735 = arith.constant 992 : index
        %get3A_736 = tpu.vector_load %arg12[%get3A_734, %get3A_735] {strides = array<i32>} : memref<16x1024xf32, #tpu.memory_space<vmem>>, vector<16xf32>,
        %add3A_737 = arith.addf %get3A_733, %get3A_736 : vector<16xf32>
        %swap3A_738 = arith.index_cast %scan3A_111 : i32 to index
        %swap3A_739 = arith.constant 992 : index
        %swap3A_740 = tpu.vector_load %arg11[%swap3A_738, %swap3A_739] {strides = array<i32>} : memref<16x1024xf32, #tpu.memory_space<vmem>>, vector<16xf32>,
        tpu.vector_store %arg11[%swap3A_738, %swap3A_739], %add3A_737 {strides = array<i32>} : memref<16x1024xf32, #tpu.memory_space<vmem>>, vector<16xf32>,
        %get3A_741 = arith.index_cast %scan3A_111 : i32 to index
        %get3A_742 = arith.constant 1008 : index
        %get3A_743 = tpu.vector_load %arg11[%get3A_741, %get3A_742] {strides = array<i32>} : memref<16x1024xf32, #tpu.memory_space<vmem>>, vector<16xf32>,
        %get3A_744 = arith.index_cast %scan3A_111 : i32 to index
        %get3A_745 = arith.constant 1008 : index
        %get3A_746 = tpu.vector_load %arg12[%get3A_744, %get3A_745] {strides = array<i32>} : memref<16x1024xf32, #tpu.memory_space<vmem>>, vector<16xf32>,
        %add3A_747 = arith.addf %get3A_743, %get3A_746 : vector<16xf32>
        %swap3A_748 = arith.index_cast %scan3A_111 : i32 to index
        %swap3A_749 = arith.constant 1008 : index
        %swap3A_750 = tpu.vector_load %arg11[%swap3A_748, %swap3A_749] {strides = array<i32>} : memref<16x1024xf32, #tpu.memory_space<vmem>>, vector<16xf32>,
        tpu.vector_store %arg11[%swap3A_748, %swap3A_749], %add3A_747 {strides = array<i32>} : memref<16x1024xf32, #tpu.memory_space<vmem>>, vector<16xf32>,
        %scan3A_751 = arith.constant 0 : i32
        scf.yield %scan3A_751 : i32
      }
      %scan3A_97 = arith.constant 16 : i32
      %dma_start3A_98 = arith.constant 0 : i32
      %dma_start3A_99 = tpu.memref_slice %arg4[%add3A_17, %dma_start3A_98] : memref<8192x1024xf32, #tpu.memory_space<hbm>> -> memref<16x1024xf32, #tpu.memory_space<hbm>>
      %dma_start3A_100 = arith.constant 0 : i32
      %dma_start3A_101 = tpu.memref_slice %arg4[%add3A_17, %dma_start3A_100] : memref<8192x1024xf32, #tpu.memory_space<hbm>> -> memref<16x1024xf32, #tpu.memory_space<hbm>>
      tpu.enqueue_dma source(%arg11 : memref<16x1024xf32, #tpu.memory_space<vmem>>) target(%dma_start3A_101 : memref<16x1024xf32, #tpu.memory_space<hbm>>) target_semaphore(%arg15 : memref<!tpu.dma_semaphore, #tpu.memory_space<semaphore_mem>>)
      %dma_wait3A_102 = arith.constant 0 : i32
      %dma_wait3A_103 = tpu.memref_slice %arg4[%add3A_15, %dma_wait3A_102] : memref<8192x1024xf32, #tpu.memory_space<hbm>> -> memref<16x1024xf32, #tpu.memory_space<hbm>>
      %dma_wait3A_104 = arith.constant 0 : i32
      %dma_wait3A_105 = tpu.memref_slice %arg4[%add3A_15, %dma_wait3A_104] : memref<8192x1024xf32, #tpu.memory_space<hbm>> -> memref<16x1024xf32, #tpu.memory_space<hbm>>
      tpu.wait_dma2 semaphore(%arg15 : memref<!tpu.dma_semaphore, #tpu.memory_space<semaphore_mem>>) src(%arg9 : memref<16x1024xf32, #tpu.memory_space<vmem>>) dst(%dma_wait3A_105 : memref<16x1024xf32, #tpu.memory_space<hbm>>)
      %dma_wait3A_106 = arith.constant 0 : i32
      %dma_wait3A_107 = tpu.memref_slice %arg4[%add3A_17, %dma_wait3A_106] : memref<8192x1024xf32, #tpu.memory_space<hbm>> -> memref<16x1024xf32, #tpu.memory_space<hbm>>
      %dma_wait3A_108 = arith.constant 0 : i32
      %dma_wait3A_109 = tpu.memref_slice %arg4[%add3A_17, %dma_wait3A_108] : memref<8192x1024xf32, #tpu.memory_space<hbm>> -> memref<16x1024xf32, #tpu.memory_space<hbm>>
      tpu.wait_dma2 semaphore(%arg15 : memref<!tpu.dma_semaphore, #tpu.memory_space<semaphore_mem>>) src(%arg11 : memref<16x1024xf32, #tpu.memory_space<vmem>>) dst(%dma_wait3A_109 : memref<16x1024xf32, #tpu.memory_space<hbm>>)
      %scan3A_110 = arith.constant 0 : i32
      scf.yield %scan3A_110 : i32
    }
    %scan3A_8 = arith.constant 8 : i32
    return
  }
}

module attributes {stable_mosaic.version = 14 : i64} {
  func.func @_router_body(%arg0: i32, %arg1: memref<512x1024xf32, #tpu.memory_space<vmem>>, %arg2: memref<64x1024xf32, #tpu.memory_space<vmem>>, %arg3: memref<2x512xi32, #tpu.memory_space<vmem>>, %arg4: memref<2x512xi32, #tpu.memory_space<vmem>>, %arg5: memref<2x512xf32, #tpu.memory_space<vmem>>, %arg6: memref<1x64xf32, #tpu.memory_space<vmem>>, %arg7: memref<1x64xf32, #tpu.memory_space<vmem>>, %arg8: memref<1x1xf32, #tpu.memory_space<vmem>>) attributes {dimension_semantics = [#tpu.dimension_semantics<arbitrary>], iteration_bounds = array<i64: 16>, scalar_prefetch = 0 : i64, scratch_operands = 0 : i64, tpu.core_type = #tpu.core_type<tc>, window_params = [{transform_indices = @transform_0, window_bounds = array<i64: 512, 1024>}, {pipeline_mode = #tpu.pipeline_mode<synchronous>, transform_indices = @transform_1, window_bounds = array<i64: 64, 1024>}, {transform_indices = @transform_2, window_bounds = array<i64: 2, 512>}, {transform_indices = @transform_3, window_bounds = array<i64: 2, 512>}, {transform_indices = @transform_4, window_bounds = array<i64: 2, 512>}, {pipeline_mode = #tpu.pipeline_mode<synchronous>, transform_indices = @transform_5, window_bounds = array<i64: 1, 64>}, {pipeline_mode = #tpu.pipeline_mode<synchronous>, transform_indices = @transform_6, window_bounds = array<i64: 1, 64>}, {pipeline_mode = #tpu.pipeline_mode<synchronous>, transform_indices = @transform_7, window_bounds = array<i64: 1, 1>}]} {
    %eq3A = arith.constant 0 : i32
    %eq3A_0 = arith.cmpi eq, %arg0, %eq3A : i32
    %convert_element_type3A = arith.extui %eq3A_0 : i1 to i32
    %cond3A = arith.constant 0 : i32
    %cond3A_1 = arith.cmpi ne, %convert_element_type3A, %cond3A : i32
    scf.if %cond3A_1 {
      %broadcast_in_dim3A_103 = arith.constant 0.000000e+00 : f32
      %broadcast_in_dim3A_104 = vector.broadcast %broadcast_in_dim3A_103 : f32 to vector<1x64xf32>
      %swap3A_105 = arith.constant 0 : index
      %swap3A_106 = arith.constant 0 : index
      %swap3A_107 = vector.load %arg6[%swap3A_105, %swap3A_106] : memref<1x64xf32, #tpu.memory_space<vmem>>, vector<1x64xf32>
      tpu.vector_store %arg6[%swap3A_105, %swap3A_106], %broadcast_in_dim3A_104 {strides = array<i32>} : memref<1x64xf32, #tpu.memory_space<vmem>>, vector<1x64xf32>,
      %broadcast_in_dim3A_108 = arith.constant 0.000000e+00 : f32
      %broadcast_in_dim3A_109 = vector.broadcast %broadcast_in_dim3A_108 : f32 to vector<1x64xf32>
      %swap3A_110 = arith.constant 0 : index
      %swap3A_111 = arith.constant 0 : index
      %swap3A_112 = vector.load %arg7[%swap3A_110, %swap3A_111] : memref<1x64xf32, #tpu.memory_space<vmem>>, vector<1x64xf32>
      tpu.vector_store %arg7[%swap3A_110, %swap3A_111], %broadcast_in_dim3A_109 {strides = array<i32>} : memref<1x64xf32, #tpu.memory_space<vmem>>, vector<1x64xf32>,
    } else {
    }
    %get3A = arith.constant 0 : index
    %get3A_2 = arith.constant 0 : index
    %get3A_3 = vector.load %arg1[%get3A, %get3A_2] : memref<512x1024xf32, #tpu.memory_space<vmem>>, vector<512x1024xf32>
    %get3A_4 = arith.constant 0 : index
    %get3A_5 = arith.constant 0 : index
    %get3A_6 = vector.load %arg2[%get3A_4, %get3A_5] : memref<64x1024xf32, #tpu.memory_space<vmem>>, vector<64x1024xf32>
    %dot_general3A = arith.constant dense<0.000000e+00> : vector<512x64xf32>
    %dot_general3A_7 = tpu.matmul %get3A_3, %get3A_6, %dot_general3A {dimension_numbers = #tpu.dot_dimension_numbers<[1], [1], [0], [0], [0, 0, 1, 0], [], []>, transpose_lhs_hint = false} : vector<512x1024xf32>, vector<64x1024xf32>, vector<512x64xf32> -> vector<512x64xf32>
    %reduce_max3A = arith.constant dense<0xFF800000> : vector<512xf32>
    %reduce_max3A_8 = vector.multi_reduction <maximumf>, %dot_general3A_7, %reduce_max3A [1] : vector<512x64xf32> to vector<512xf32>
    %broadcast_in_dim3A = vector.shape_cast %reduce_max3A_8 : vector<512xf32> to vector<512x1xf32>
    %sub3A = vector.broadcast %broadcast_in_dim3A : vector<512x1xf32> to vector<512x64xf32>
    %sub3A_9 = arith.subf %dot_general3A_7, %sub3A : vector<512x64xf32>
    %exp3A = math.exp %sub3A_9 : vector<512x64xf32>
    %reduce_sum3A = arith.constant dense<0.000000e+00> : vector<512xf32>
    %reduce_sum3A_10 = vector.multi_reduction <add>, %exp3A, %reduce_sum3A [1] : vector<512x64xf32> to vector<512xf32>
    %broadcast_in_dim3A_11 = vector.shape_cast %reduce_sum3A_10 : vector<512xf32> to vector<512x1xf32>
    %div3A = vector.broadcast %broadcast_in_dim3A_11 : vector<512x1xf32> to vector<512x64xf32>
    %div3A_12 = arith.divf %exp3A, %div3A : vector<512x64xf32>
    %iota3A = tpu.iota {dimensions = array<i32: 1>} : vector<512x64xi32>
    %argmax3A = tpu.reduce_index %div3A_12 {axis = 1 : i32, kind = #tpu.reduction_kind<arg_max>} : vector<512x64xf32> -> vector<512xi32>
    %reduce_max3A_13 = arith.constant dense<0xFF800000> : vector<512xf32>
    %reduce_max3A_14 = vector.multi_reduction <maximumf>, %div3A_12, %reduce_max3A_13 [1] : vector<512x64xf32> to vector<512xf32>
    %broadcast_in_dim3A_15 = vector.shape_cast %argmax3A : vector<512xi32> to vector<512x1xi32>
    %eq3A_16 = vector.broadcast %broadcast_in_dim3A_15 : vector<512x1xi32> to vector<512x64xi32>
    %eq3A_17 = arith.cmpi eq, %iota3A, %eq3A_16 : vector<512x64xi32>
    %jit3A = arith.constant 0xFF800000 : f32
    %broadcast_in_dim3A_18 = vector.broadcast %jit3A : f32 to vector<512x64xf32>
    %select_n3A = arith.select %eq3A_17, %broadcast_in_dim3A_18, %div3A_12 : vector<512x64xi1>, vector<512x64xf32>
    %argmax3A_19 = tpu.reduce_index %select_n3A {axis = 1 : i32, kind = #tpu.reduction_kind<arg_max>} : vector<512x64xf32> -> vector<512xi32>
    %reduce_max3A_20 = arith.constant dense<0xFF800000> : vector<512xf32>
    %reduce_max3A_21 = vector.multi_reduction <maximumf>, %select_n3A, %reduce_max3A_20 [1] : vector<512x64xf32> to vector<512xf32>
    %broadcast_in_dim3A_22 = vector.shape_cast %argmax3A_19 : vector<512xi32> to vector<512x1xi32>
    %eq3A_23 = vector.broadcast %broadcast_in_dim3A_22 : vector<512x1xi32> to vector<512x64xi32>
    %eq3A_24 = arith.cmpi eq, %iota3A, %eq3A_23 : vector<512x64xi32>
    %convert_element_type3A_25 = arith.extui %eq3A_17 : vector<512x64xi1> to vector<512x64xi32>
    %convert_element_type3A_26 = arith.sitofp %convert_element_type3A_25 : vector<512x64xi32> to vector<512x64xf32>
    %convert_element_type3A_27 = arith.extui %eq3A_24 : vector<512x64xi1> to vector<512x64xi32>
    %convert_element_type3A_28 = arith.sitofp %convert_element_type3A_27 : vector<512x64xi32> to vector<512x64xf32>
    %add3A = arith.addf %convert_element_type3A_26, %convert_element_type3A_28 : vector<512x64xf32>
    %iota3A_29 = tpu.iota {dimensions = array<i32: 0>} : vector<512x512xi32>
    %iota3A_30 = tpu.iota {dimensions = array<i32: 1>} : vector<512x512xi32>
    %lt3A = arith.cmpi slt, %iota3A_30, %iota3A_29 : vector<512x512xi32>
    %convert_element_type3A_31 = arith.extui %lt3A : vector<512x512xi1> to vector<512x512xi32>
    %convert_element_type3A_32 = arith.sitofp %convert_element_type3A_31 : vector<512x512xi32> to vector<512x512xf32>
    %dot_general3A_33 = arith.constant dense<0.000000e+00> : vector<512x64xf32>
    %dot_general3A_34 = tpu.matmul %convert_element_type3A_32, %add3A, %dot_general3A_33 {dimension_numbers = #tpu.dot_dimension_numbers<[1], [0], [0], [1], [0, 0, 1, 1], [], []>, transpose_lhs_hint = false} : vector<512x512xf32>, vector<512x64xf32>, vector<512x64xf32> -> vector<512x64xf32>
    %get3A_35 = arith.constant 0 : index
    %get3A_36 = arith.constant 0 : index
    %get3A_37 = vector.load %arg6[%get3A_35, %get3A_36] : memref<1x64xf32, #tpu.memory_space<vmem>>, vector<1x64xf32>
    %get3A_38 = vector.shape_cast %get3A_37 : vector<1x64xf32> to vector<64xf32>
    %broadcast_in_dim3A_39 = vector.shape_cast %get3A_38 : vector<64xf32> to vector<1x64xf32>
    %add3A_40 = vector.broadcast %broadcast_in_dim3A_39 : vector<1x64xf32> to vector<512x64xf32>
    %add3A_41 = arith.addf %dot_general3A_34, %add3A_40 : vector<512x64xf32>
    %mul3A = arith.mulf %add3A_41, %convert_element_type3A_26 : vector<512x64xf32>
    %reduce_sum3A_42 = arith.constant dense<0.000000e+00> : vector<512xf32>
    %reduce_sum3A_43 = vector.multi_reduction <add>, %mul3A, %reduce_sum3A_42 [1] : vector<512x64xf32> to vector<512xf32>
    %mul3A_44 = arith.mulf %add3A_41, %convert_element_type3A_28 : vector<512x64xf32>
    %reduce_sum3A_45 = arith.constant dense<0.000000e+00> : vector<512xf32>
    %reduce_sum3A_46 = vector.multi_reduction <add>, %mul3A_44, %reduce_sum3A_45 [1] : vector<512x64xf32> to vector<512xf32>
    %reduce_sum3A_47 = arith.constant dense<0.000000e+00> : vector<64xf32>
    %reduce_sum3A_48 = vector.multi_reduction <add>, %add3A, %reduce_sum3A_47 [0] : vector<512x64xf32> to vector<64xf32>
    %add3A_49 = arith.addf %get3A_38, %reduce_sum3A_48 : vector<64xf32>
    %swap3A = arith.constant 0 : index
    %swap3A_50 = arith.constant 0 : index
    %swap3A_51 = vector.load %arg6[%swap3A, %swap3A_50] : memref<1x64xf32, #tpu.memory_space<vmem>>, vector<1x64xf32>
    %swap3A_52 = vector.shape_cast %swap3A_51 : vector<1x64xf32> to vector<64xf32>
    %swap3A_53 = vector.shape_cast %add3A_49 : vector<64xf32> to vector<1x64xf32>
    tpu.vector_store %arg6[%swap3A, %swap3A_50], %swap3A_53 {strides = array<i32>} : memref<1x64xf32, #tpu.memory_space<vmem>>, vector<1x64xf32>,
    %get3A_54 = arith.constant 0 : index
    %get3A_55 = arith.constant 0 : index
    %get3A_56 = vector.load %arg7[%get3A_54, %get3A_55] : memref<1x64xf32, #tpu.memory_space<vmem>>, vector<1x64xf32>
    %get3A_57 = vector.shape_cast %get3A_56 : vector<1x64xf32> to vector<64xf32>
    %reduce_sum3A_58 = arith.constant dense<0.000000e+00> : vector<64xf32>
    %reduce_sum3A_59 = vector.multi_reduction <add>, %div3A_12, %reduce_sum3A_58 [0] : vector<512x64xf32> to vector<64xf32>
    %add3A_60 = arith.addf %get3A_57, %reduce_sum3A_59 : vector<64xf32>
    %swap3A_61 = arith.constant 0 : index
    %swap3A_62 = arith.constant 0 : index
    %swap3A_63 = vector.load %arg7[%swap3A_61, %swap3A_62] : memref<1x64xf32, #tpu.memory_space<vmem>>, vector<1x64xf32>
    %swap3A_64 = vector.shape_cast %swap3A_63 : vector<1x64xf32> to vector<64xf32>
    %swap3A_65 = vector.shape_cast %add3A_60 : vector<64xf32> to vector<1x64xf32>
    tpu.vector_store %arg7[%swap3A_61, %swap3A_62], %swap3A_65 {strides = array<i32>} : memref<1x64xf32, #tpu.memory_space<vmem>>, vector<1x64xf32>,
    %swap3A_66 = arith.constant 0 : index
    %swap3A_67 = arith.constant 0 : index
    %swap3A_68 = vector.load %arg3[%swap3A_66, %swap3A_67] : memref<2x512xi32, #tpu.memory_space<vmem>>, vector<1x512xi32>
    %swap3A_69 = vector.shape_cast %swap3A_68 : vector<1x512xi32> to vector<512xi32>
    %swap3A_70 = vector.shape_cast %argmax3A : vector<512xi32> to vector<1x512xi32>
    tpu.vector_store %arg3[%swap3A_66, %swap3A_67], %swap3A_70 {strides = array<i32>} : memref<2x512xi32, #tpu.memory_space<vmem>>, vector<1x512xi32>,
    %swap3A_71 = arith.constant 1 : index
    %swap3A_72 = arith.constant 0 : index
    %swap3A_73 = vector.load %arg3[%swap3A_71, %swap3A_72] : memref<2x512xi32, #tpu.memory_space<vmem>>, vector<1x512xi32>
    %swap3A_74 = vector.shape_cast %swap3A_73 : vector<1x512xi32> to vector<512xi32>
    %swap3A_75 = vector.shape_cast %argmax3A_19 : vector<512xi32> to vector<1x512xi32>
    tpu.vector_store %arg3[%swap3A_71, %swap3A_72], %swap3A_75 {strides = array<i32>} : memref<2x512xi32, #tpu.memory_space<vmem>>, vector<1x512xi32>,
    %convert_element_type3A_76 = arith.fptosi %reduce_sum3A_43 : vector<512xf32> to vector<512xi32>
    %swap3A_77 = arith.constant 0 : index
    %swap3A_78 = arith.constant 0 : index
    %swap3A_79 = vector.load %arg4[%swap3A_77, %swap3A_78] : memref<2x512xi32, #tpu.memory_space<vmem>>, vector<1x512xi32>
    %swap3A_80 = vector.shape_cast %swap3A_79 : vector<1x512xi32> to vector<512xi32>
    %swap3A_81 = vector.shape_cast %convert_element_type3A_76 : vector<512xi32> to vector<1x512xi32>
    tpu.vector_store %arg4[%swap3A_77, %swap3A_78], %swap3A_81 {strides = array<i32>} : memref<2x512xi32, #tpu.memory_space<vmem>>, vector<1x512xi32>,
    %convert_element_type3A_82 = arith.fptosi %reduce_sum3A_46 : vector<512xf32> to vector<512xi32>
    %swap3A_83 = arith.constant 1 : index
    %swap3A_84 = arith.constant 0 : index
    %swap3A_85 = vector.load %arg4[%swap3A_83, %swap3A_84] : memref<2x512xi32, #tpu.memory_space<vmem>>, vector<1x512xi32>
    %swap3A_86 = vector.shape_cast %swap3A_85 : vector<1x512xi32> to vector<512xi32>
    %swap3A_87 = vector.shape_cast %convert_element_type3A_82 : vector<512xi32> to vector<1x512xi32>
    tpu.vector_store %arg4[%swap3A_83, %swap3A_84], %swap3A_87 {strides = array<i32>} : memref<2x512xi32, #tpu.memory_space<vmem>>, vector<1x512xi32>,
    %swap3A_88 = arith.constant 0 : index
    %swap3A_89 = arith.constant 0 : index
    %swap3A_90 = vector.load %arg5[%swap3A_88, %swap3A_89] : memref<2x512xf32, #tpu.memory_space<vmem>>, vector<1x512xf32>
    %swap3A_91 = vector.shape_cast %swap3A_90 : vector<1x512xf32> to vector<512xf32>
    %swap3A_92 = vector.shape_cast %reduce_max3A_14 : vector<512xf32> to vector<1x512xf32>
    tpu.vector_store %arg5[%swap3A_88, %swap3A_89], %swap3A_92 {strides = array<i32>} : memref<2x512xf32, #tpu.memory_space<vmem>>, vector<1x512xf32>,
    %swap3A_93 = arith.constant 1 : index
    %swap3A_94 = arith.constant 0 : index
    %swap3A_95 = vector.load %arg5[%swap3A_93, %swap3A_94] : memref<2x512xf32, #tpu.memory_space<vmem>>, vector<1x512xf32>
    %swap3A_96 = vector.shape_cast %swap3A_95 : vector<1x512xf32> to vector<512xf32>
    %swap3A_97 = vector.shape_cast %reduce_max3A_21 : vector<512xf32> to vector<1x512xf32>
    tpu.vector_store %arg5[%swap3A_93, %swap3A_94], %swap3A_97 {strides = array<i32>} : memref<2x512xf32, #tpu.memory_space<vmem>>, vector<1x512xf32>,
    %eq3A_98 = arith.constant 15 : i32
    %eq3A_99 = arith.cmpi eq, %arg0, %eq3A_98 : i32
    %convert_element_type3A_100 = arith.extui %eq3A_99 : i1 to i32
    %cond3A_101 = arith.constant 0 : i32
    %cond3A_102 = arith.cmpi ne, %convert_element_type3A_100, %cond3A_101 : i32
    scf.if %cond3A_102 {
      %get3A_103 = arith.constant 0 : index
      %get3A_104 = arith.constant 0 : index
      %get3A_105 = vector.load %arg7[%get3A_103, %get3A_104] : memref<1x64xf32, #tpu.memory_space<vmem>>, vector<1x64xf32>
      %get3A_106 = vector.shape_cast %get3A_105 : vector<1x64xf32> to vector<64xf32>
      %mul3A_107 = arith.constant 1.22070313E-4 : f32
      %mul3A_108 = vector.broadcast %mul3A_107 : f32 to vector<64xf32>
      %mul3A_109 = arith.mulf %get3A_106, %mul3A_108 : vector<64xf32>
      %get3A_110 = arith.constant 0 : index
      %get3A_111 = arith.constant 0 : index
      %get3A_112 = vector.load %arg6[%get3A_110, %get3A_111] : memref<1x64xf32, #tpu.memory_space<vmem>>, vector<1x64xf32>
      %get3A_113 = vector.shape_cast %get3A_112 : vector<1x64xf32> to vector<64xf32>
      %mul3A_114 = arith.constant 6.10351563E-5 : f32
      %mul3A_115 = vector.broadcast %mul3A_114 : f32 to vector<64xf32>
      %mul3A_116 = arith.mulf %get3A_113, %mul3A_115 : vector<64xf32>
      %mul3A_117 = arith.mulf %mul3A_109, %mul3A_116 : vector<64xf32>
      %reduce_sum3A_118 = vector.shape_cast %mul3A_117 : vector<64xf32> to vector<1x64xf32>
      %reduce_sum3A_119 = arith.constant dense<0.000000e+00> : vector<1xf32>
      %reduce_sum3A_120 = vector.multi_reduction <add>, %reduce_sum3A_118, %reduce_sum3A_119 [1] : vector<1x64xf32> to vector<1xf32>
      %reduce_sum3A_121 = vector.shape_cast %reduce_sum3A_120 : vector<1xf32> to vector<1x1xf32>
      %reduce_sum3A_122 = vector.extract %reduce_sum3A_121[0, 0] : f32 from vector<1x1xf32>
      %mul3A_123 = arith.constant 6.400000e+01 : f32
      %mul3A_124 = arith.mulf %reduce_sum3A_122, %mul3A_123 : f32
      %reshape3A = vector.broadcast %mul3A_124 : f32 to vector<1x1xf32>
      %swap3A_125 = arith.constant 0 : index
      %swap3A_126 = arith.constant 0 : index
      %swap3A_127 = vector.load %arg8[%swap3A_125, %swap3A_126] : memref<1x1xf32, #tpu.memory_space<vmem>>, vector<1x1xf32>
      tpu.vector_store %arg8[%swap3A_125, %swap3A_126], %reshape3A {strides = array<i32>} : memref<1x1xf32, #tpu.memory_space<vmem>>, vector<1x1xf32>,
    } else {
    }
    return
  }
  func.func @transform_0(%arg0: i32) -> (i32, i32) {
    %c0_i32 = arith.constant 0 : i32
    %c0_i32_0 = arith.constant 0 : i32
    return %arg0, %c0_i32 : i32, i32
  }
  func.func @transform_1(%arg0: i32) -> (i32, i32) {
    %c0_i32 = arith.constant 0 : i32
    %c0_i32_0 = arith.constant 0 : i32
    %c0_i32_1 = arith.constant 0 : i32
    return %c0_i32, %c0_i32_0 : i32, i32
  }
  func.func @transform_2(%arg0: i32) -> (i32, i32) {
    %c0_i32 = arith.constant 0 : i32
    %c0_i32_0 = arith.constant 0 : i32
    return %c0_i32, %arg0 : i32, i32
  }
  func.func @transform_3(%arg0: i32) -> (i32, i32) {
    %c0_i32 = arith.constant 0 : i32
    %c0_i32_0 = arith.constant 0 : i32
    return %c0_i32, %arg0 : i32, i32
  }
  func.func @transform_4(%arg0: i32) -> (i32, i32) {
    %c0_i32 = arith.constant 0 : i32
    %c0_i32_0 = arith.constant 0 : i32
    return %c0_i32, %arg0 : i32, i32
  }
  func.func @transform_5(%arg0: i32) -> (i32, i32) {
    %c0_i32 = arith.constant 0 : i32
    %c0_i32_0 = arith.constant 0 : i32
    %c0_i32_1 = arith.constant 0 : i32
    return %c0_i32, %c0_i32_0 : i32, i32
  }
  func.func @transform_6(%arg0: i32) -> (i32, i32) {
    %c0_i32 = arith.constant 0 : i32
    %c0_i32_0 = arith.constant 0 : i32
    %c0_i32_1 = arith.constant 0 : i32
    return %c0_i32, %c0_i32_0 : i32, i32
  }
  func.func @transform_7(%arg0: i32) -> (i32, i32) {
    %c0_i32 = arith.constant 0 : i32
    %c0_i32_0 = arith.constant 0 : i32
    %c0_i32_1 = arith.constant 0 : i32
    return %c0_i32, %c0_i32_0 : i32, i32
  }
}

module attributes {stable_mosaic.version = 14 : i64} {
  func.func @_gmm_body(%arg0: i32, %arg1: memref<119xi32, #tpu.memory_space<smem>>, %arg2: memref<119xi32, #tpu.memory_space<smem>>, %arg3: memref<119xi32, #tpu.memory_space<smem>>, %arg4: memref<288x1024xf32, #tpu.memory_space<vmem>>, %arg5: memref<1x1024x1024xf32, #tpu.memory_space<vmem>>, %arg6: memref<1x1024x1024xf32, #tpu.memory_space<vmem>>, %arg7: memref<1x1x288xf32, #tpu.memory_space<vmem>>, %arg8: memref<288x1024xf32, #tpu.memory_space<vmem>>) attributes {dimension_semantics = [#tpu.dimension_semantics<arbitrary>], iteration_bounds = array<i64: 119>, scalar_prefetch = 3 : i64, scratch_operands = 0 : i64, tpu.core_type = #tpu.core_type<tc>, window_params = [{transform_indices = @transform_0, window_bounds = array<i64: 288, 1024>}, {transform_indices = @transform_1, window_bounds = array<i64: 1, 1024, 1024>}, {transform_indices = @transform_2, window_bounds = array<i64: 1, 1024, 1024>}, {transform_indices = @transform_3, window_bounds = array<i64: 1, 1, 288>}, {transform_indices = @transform_4, window_bounds = array<i64: 288, 1024>}]} {
    %get3A = arith.index_cast %arg0 : i32 to index
    %get3A_0 = memref.load %arg3[%get3A] : memref<119xi32, #tpu.memory_space<smem>>
    %eq3A = arith.constant 1 : i32
    %eq3A_1 = arith.cmpi eq, %get3A_0, %eq3A : i32
    %convert_element_type3A = arith.extui %eq3A_1 : i1 to i32
    %cond3A = arith.constant 0 : i32
    %cond3A_2 = arith.cmpi ne, %convert_element_type3A, %cond3A : i32
    scf.if %cond3A_2 {
      %get3A_3 = arith.constant 0 : index
      %get3A_4 = arith.constant 0 : index
      %get3A_5 = vector.load %arg4[%get3A_3, %get3A_4] : memref<288x1024xf32, #tpu.memory_space<vmem>>, vector<288x1024xf32>
      %convert_element_type3A_6 = arith.truncf %get3A_5 : vector<288x1024xf32> to vector<288x1024xbf16>
      %get3A_7 = arith.constant 0 : index
      %get3A_8 = arith.constant 0 : index
      %get3A_9 = arith.constant 0 : index
      %get3A_10 = vector.load %arg5[%get3A_7, %get3A_8, %get3A_9] : memref<1x1024x1024xf32, #tpu.memory_space<vmem>>, vector<1x1024x1024xf32>
      %get3A_11 = vector.shape_cast %get3A_10 : vector<1x1024x1024xf32> to vector<1024x1024xf32>
      %convert_element_type3A_12 = arith.truncf %get3A_11 : vector<1024x1024xf32> to vector<1024x1024xbf16>
      %dot_general3A = arith.constant dense<0.000000e+00> : vector<288x1024xf32>
      %dot_general3A_13 = tpu.matmul %convert_element_type3A_6, %convert_element_type3A_12, %dot_general3A {dimension_numbers = #tpu.dot_dimension_numbers<[1], [1], [0], [0], [0, 0, 1, 0], [], []>, transpose_lhs_hint = false} : vector<288x1024xbf16>, vector<1024x1024xbf16>, vector<288x1024xf32> -> vector<288x1024xf32>
      %logistic3A = arith.negf %dot_general3A_13 : vector<288x1024xf32>
      %logistic3A_14 = math.exp %logistic3A : vector<288x1024xf32>
      %logistic3A_15 = arith.constant 1.000000e+00 : f32
      %logistic3A_16 = vector.broadcast %logistic3A_15 : f32 to vector<288x1024xf32>
      %logistic3A_17 = arith.addf %logistic3A_16, %logistic3A_14 : vector<288x1024xf32>
      %logistic3A_18 = arith.divf %logistic3A_16, %logistic3A_17 : vector<288x1024xf32>
      %mul3A = arith.mulf %dot_general3A_13, %logistic3A_18 : vector<288x1024xf32>
      %get3A_19 = arith.constant 0 : index
      %get3A_20 = arith.constant 0 : index
      %get3A_21 = arith.constant 0 : index
      %get3A_22 = vector.load %arg7[%get3A_19, %get3A_20, %get3A_21] : memref<1x1x288xf32, #tpu.memory_space<vmem>>, vector<1x1x288xf32>
      %get3A_23 = vector.shape_cast %get3A_22 : vector<1x1x288xf32> to vector<288xf32>
      %broadcast_in_dim3A = vector.shape_cast %get3A_23 : vector<288xf32> to vector<288x1xf32>
      %mul3A_24 = vector.broadcast %broadcast_in_dim3A : vector<288x1xf32> to vector<288x1024xf32>
      %mul3A_25 = arith.mulf %mul3A, %mul3A_24 : vector<288x1024xf32>
      %convert_element_type3A_26 = arith.truncf %mul3A_25 : vector<288x1024xf32> to vector<288x1024xbf16>
      %get3A_27 = arith.constant 0 : index
      %get3A_28 = arith.constant 0 : index
      %get3A_29 = arith.constant 0 : index
      %get3A_30 = vector.load %arg6[%get3A_27, %get3A_28, %get3A_29] : memref<1x1024x1024xf32, #tpu.memory_space<vmem>>, vector<1x1024x1024xf32>
      %get3A_31 = vector.shape_cast %get3A_30 : vector<1x1024x1024xf32> to vector<1024x1024xf32>
      %convert_element_type3A_32 = arith.truncf %get3A_31 : vector<1024x1024xf32> to vector<1024x1024xbf16>
      %dot_general3A_33 = arith.constant dense<0.000000e+00> : vector<288x1024xf32>
      %dot_general3A_34 = tpu.matmul %convert_element_type3A_26, %convert_element_type3A_32, %dot_general3A_33 {dimension_numbers = #tpu.dot_dimension_numbers<[1], [1], [0], [0], [0, 0, 1, 0], [], []>, transpose_lhs_hint = false} : vector<288x1024xbf16>, vector<1024x1024xbf16>, vector<288x1024xf32> -> vector<288x1024xf32>
      %swap3A = arith.constant 0 : index
      %swap3A_35 = arith.constant 0 : index
      %swap3A_36 = vector.load %arg8[%swap3A, %swap3A_35] : memref<288x1024xf32, #tpu.memory_space<vmem>>, vector<288x1024xf32>
      tpu.vector_store %arg8[%swap3A, %swap3A_35], %dot_general3A_34 {strides = array<i32>} : memref<288x1024xf32, #tpu.memory_space<vmem>>, vector<288x1024xf32>,
    } else {
    }
    return
  }
  func.func @transform_0(%arg0: i32, %arg1: memref<119xi32, #tpu.memory_space<smem>>, %arg2: memref<119xi32, #tpu.memory_space<smem>>, %arg3: memref<119xi32, #tpu.memory_space<smem>>) -> (i32, i32) {
    %get3A = arith.index_cast %arg0 : i32 to index
    %get3A_0 = memref.load %arg2[%get3A] : memref<119xi32, #tpu.memory_space<smem>>
    %c0_i32 = arith.constant 0 : i32
    %c0_i32_1 = arith.constant 0 : i32
    return %get3A_0, %c0_i32 : i32, i32
  }
  func.func @transform_1(%arg0: i32, %arg1: memref<119xi32, #tpu.memory_space<smem>>, %arg2: memref<119xi32, #tpu.memory_space<smem>>, %arg3: memref<119xi32, #tpu.memory_space<smem>>) -> (i32, i32, i32) {
    %get3A = arith.index_cast %arg0 : i32 to index
    %get3A_0 = memref.load %arg1[%get3A] : memref<119xi32, #tpu.memory_space<smem>>
    %c0_i32 = arith.constant 0 : i32
    %c0_i32_1 = arith.constant 0 : i32
    %c0_i32_2 = arith.constant 0 : i32
    return %get3A_0, %c0_i32, %c0_i32_1 : i32, i32, i32
  }
  func.func @transform_2(%arg0: i32, %arg1: memref<119xi32, #tpu.memory_space<smem>>, %arg2: memref<119xi32, #tpu.memory_space<smem>>, %arg3: memref<119xi32, #tpu.memory_space<smem>>) -> (i32, i32, i32) {
    %get3A = arith.index_cast %arg0 : i32 to index
    %get3A_0 = memref.load %arg1[%get3A] : memref<119xi32, #tpu.memory_space<smem>>
    %c0_i32 = arith.constant 0 : i32
    %c0_i32_1 = arith.constant 0 : i32
    %c0_i32_2 = arith.constant 0 : i32
    return %get3A_0, %c0_i32, %c0_i32_1 : i32, i32, i32
  }
  func.func @transform_3(%arg0: i32, %arg1: memref<119xi32, #tpu.memory_space<smem>>, %arg2: memref<119xi32, #tpu.memory_space<smem>>, %arg3: memref<119xi32, #tpu.memory_space<smem>>) -> (i32, i32, i32) {
    %get3A = arith.index_cast %arg0 : i32 to index
    %get3A_0 = memref.load %arg2[%get3A] : memref<119xi32, #tpu.memory_space<smem>>
    %c0_i32 = arith.constant 0 : i32
    %c0_i32_1 = arith.constant 0 : i32
    %c0_i32_2 = arith.constant 0 : i32
    return %get3A_0, %c0_i32, %c0_i32_1 : i32, i32, i32
  }
  func.func @transform_4(%arg0: i32, %arg1: memref<119xi32, #tpu.memory_space<smem>>, %arg2: memref<119xi32, #tpu.memory_space<smem>>, %arg3: memref<119xi32, #tpu.memory_space<smem>>) -> (i32, i32) {
    %get3A = arith.index_cast %arg0 : i32 to index
    %get3A_0 = memref.load %arg2[%get3A] : memref<119xi32, #tpu.memory_space<smem>>
    %c0_i32 = arith.constant 0 : i32
    %c0_i32_1 = arith.constant 0 : i32
    return %get3A_0, %c0_i32 : i32, i32
  }
}

</mosaic_0001>

<sc_bundles>
// kernel: kernel.6.cloned.1.call-start
scs
__scs_entry_jumppad:
0x0: {  	(pc) =	sbr.rel $0x88, $3  }
0x1: {  	(tag) =	ssettag $0x0;
	lr =	simm.s32 $0x1  }
0x2: {  	[smem:$0x3F9D] =	sst lr;
	_ =	strace $0xD0000000  }
0x3: {  	_ = 	snop  }
0x4: {  	_ = 	snop  }
0x5: {  	_ = 	snop  }
0x6: {  	_ = 	snop  }
0x7: {  	_ = 	snop  }
__scs_overlays_trampoline_lowered:
0x8: {  	[smem:$0x3FAC] =	sst s0  }
0x9: {  	[smem:$0x3FAD] =	sst s1  }
0xa: {  	[smem:$0x3FAE] =	sst s2  }
0xb: {  	[smem:$0x3FAF] =	sst s3  }
0xc: {  	[smem:$0x3FB0] =	sst s4  }
0xd: {  	[smem:$0x3FB1] =	sst s5  }
0xe: {  	[smem:$0x3FB2] =	sst s6  }
0xf: {  	[smem:$0x3FB3] =	sst s7  }
0x10: {  	[smem:$0x3FB4] =	sst s8  }
0x11: {  	[smem:$0x3FB5] =	sst s9;
	s0 =	simm.s32 @!p0 $0x0  }
0x12: {  	s1 =	sld [smem:$0x3F9B];
	s0 =	simm.s32 @p0 $0x1  }
0x13: {  	[smem:$0x3FB6] =	sst s0;
	s0 =	simm.s32 @!p1 $0x0  }
0x14: {  	s2 =	sld [smem:$0x3F9A];
	s0 =	simm.s32 @p1 $0x1  }
0x15: {  	[smem:$0x3FB7] =	sst s0;
	s0 =	simm.s32 @!p2 $0x0  }
0x16: {  	s3 =	sld [smem:$0x3FDB];
	s0 =	simm.s32 @p2 $0x1  }
0x17: {  	s4 =	simm.s32 $0x1BF5;
	[smem:$0x3FB9] =	sst s0  }
0x18: {  	s0 =	sld [smem:$0x3F9C];
	_ =	swait.ge [sflag:s4], $0x0  }
0x19: {  	s7 =	sld [smem:$0x3F9D]  }
0x1a: {  	s8 =	sadd.s32 $0xFFFFE003, lr  }
0x1b: {  	s9 =	sadd.s32 $0xFFFFFEF7, lr;
	s5 =	simm.s32 $0xFFFFFFFF;
	p2 =	slt.u32 s8, $0xFFFFF086  }
0x1c: {  	p1 =	slt.u32 s9, $0xF7A;
	s5 =	simm.s32 @!p2 $0x0  }
0x1d: {  	s5 =	simm.s32 @p1 $0x1;
	p0 =	seq.s32 s7, s2  }
0x1e: {  	s7 =	smul.u32 @!p0 $0xF7A, s2;
	p2 =	seq.s32 @!p0 s5, $0x0  }
0x1f: {  	s9 =	smul.u32 $0xF7A, s1;
	s8 =	simm.s32 @!p0 $0x1BF5;
	p2 =	por !p2, p0  }
0x20: {  	[sflag:s8] =	ssyncset.s32 @!p0 $0xFFFFF086;
	s6 =	sadd.s32 @!p0 s3, s7;
	s7 =	simm.s32 @!p0 $0x108  }
0x21: {  	s3 =	sadd.s32 s3, s9;
	s6 =	sadd.s32 @!p0 $0x88, s6;
	s7 =	simm.s32 @p2 $0x1082  }
0x22: {  	[simem:s7], [sflag:s8] =	dma.local @!p0 [hbm:s6], $0xF7A  }
0x23: {  	s9 =	sor.u32 $0xD0000000, s2;
	s6 =	simm.s32 $0x108;
	_ =	swait.ge @!p0 [sflag:s8], $0x0  }
0x24: {  	s3 =	sadd.s32 $0x88, s3;
	s6 =	simm.s32 @!p1 $0x1082;
	[sflag:s4] =	ssyncset.s32 $0xFFFFF086  }
0x25: {  	[simem:s6], [sflag:s4] =	dma.local [hbm:s3], $0xF7A  }
0x26: {  	[smem:$0x3F9D] =	sst s1;
	(tag) =	ssettag s2;
	_ =	strace s9  }
0x27: {  	s1 =	sld [smem:$0x3FAD]  }
0x28: {  	s2 =	sld [smem:$0x3FAE]  }
0x29: {  	s4 =	sld [smem:$0x3FB0]  }
0x2a: {  	p0 =	seq.s32 s5, $0x0;
	s5 =	sld [smem:$0x3FB1]  }
0x2b: {  	s6 =	sld [smem:$0x3FB2]  }
0x2c: {  	s7 =	sld [smem:$0x3FB3]  }
0x2d: {  	s3 =	simm.s32 $0x108;
	s8 =	sld [smem:$0x3FB4]  }
0x2e: {  	s3 =	simm.s32 @!p0 $0x1082;
	s9 =	sld [smem:$0x3FB5]  }
0x2f: {  	lr =	sadd.s32 s0, s3;
	s0 =	sld [smem:$0x3FAC]  }
0x30: {  	s3 =	sld [smem:$0x3FAF]  }
0x31: {  	[smem:$0x3FB8] =	sst s10  }
0x32: {  	s10 =	sld [smem:$0x3FB6];
	_ =	sdelay $0x3  }
0x33: {  	p0 =	seq.s32 s10, $0x1;
	s10 =	sld [smem:$0x3FB8];
	_ =	sdelay $0x3  }
0x34: {  	[smem:$0x3FB8] =	sst s10  }
0x35: {  	s10 =	sld [smem:$0x3FB7];
	_ =	sdelay $0x3  }
0x36: {  	p1 =	seq.s32 s10, $0x1;
	s10 =	sld [smem:$0x3FB8];
	_ =	sdelay $0x3  }
0x37: {  	[smem:$0x3FB8] =	sst s10  }
0x38: {  	s10 =	sld [smem:$0x3FB9]  }
0x39: {  	_ = 	snop;
	(pc) =	sbr.ind lr, $3  }
0x3a: {  	_ = 	snop  }
0x3b: {  	_ = 	snop  }
0x3c: {  	p2 =	seq.s32 s10, $0x1;
	s10 =	sld [smem:$0x3FB8]  }
0x3d: {  	_ =	shalt  }
0x3e: {  	_ =	shalt  }
0x3f: {  	_ =	shalt  }
0x40: {  	_ =	shalt  }
0x41: {  	_ =	shalt  }
0x42: {  	_ =	shalt  }
0x43: {  	_ =	shalt  }
0x44: {  	_ =	shalt  }
0x45: {  	_ =	shalt  }
0x46: {  	_ =	shalt  }
0x47: {  	_ =	shalt  }
0x48: {  	_ =	shalt  }
0x49: {  	_ =	shalt  }
0x4a: {  	_ =	shalt  }
0x4b: {  	_ =	shalt  }
0x4c: {  	_ =	shalt  }
0x4d: {  	_ =	shalt  }
0x4e: {  	_ =	shalt  }
0x4f: {  	_ =	shalt  }
0x50: {  	_ =	shalt  }
0x51: {  	_ =	shalt  }
0x52: {  	_ =	shalt  }
0x53: {  	_ =	shalt  }
0x54: {  	_ =	shalt  }
0x55: {  	_ =	shalt  }
0x56: {  	_ =	shalt  }
0x57: {  	_ =	shalt  }
0x58: {  	_ =	shalt  }
0x59: {  	_ =	shalt  }
0x5a: {  	_ =	shalt  }
0x5b: {  	_ =	shalt  }
0x5c: {  	_ =	shalt  }
0x5d: {  	_ =	shalt  }
0x5e: {  	_ =	shalt  }
0x5f: {  	_ =	shalt  }
0x60: {  	_ =	shalt  }
0x61: {  	_ =	shalt  }
0x62: {  	_ =	shalt  }
0x63: {  	_ =	shalt  }
0x64: {  	_ =	shalt  }
0x65: {  	_ =	shalt  }
0x66: {  	_ =	shalt  }
0x67: {  	_ =	shalt  }
0x68: {  	_ =	shalt  }
0x69: {  	_ =	shalt  }
0x6a: {  	_ =	shalt  }
0x6b: {  	_ =	shalt  }
0x6c: {  	_ =	shalt  }
0x6d: {  	_ =	shalt  }
0x6e: {  	_ =	shalt  }
0x6f: {  	_ =	shalt  }
0x70: {  	_ =	shalt  }
0x71: {  	_ =	shalt  }
0x72: {  	_ =	shalt  }
0x73: {  	_ =	shalt  }
0x74: {  	_ =	shalt  }
0x75: {  	_ =	shalt  }
0x76: {  	_ =	shalt  }
0x77: {  	_ =	shalt  }
0x78: {  	_ =	shalt  }
0x79: {  	_ =	shalt  }
0x7a: {  	_ =	shalt  }
0x7b: {  	_ =	shalt  }
0x7c: {  	_ =	shalt  }
0x7d: {  	_ =	shalt  }
0x7e: {  	_ =	shalt  }
0x7f: {  	_ =	shalt  }
0x80: {  	_ =	shalt  }
0x81: {  	_ =	shalt  }
0x82: {  	_ =	shalt  }
0x83: {  	_ =	shalt  }
0x84: {  	_ =	shalt  }
0x85: {  	_ =	shalt  }
0x86: {  	_ =	shalt  }
0x87: {  	_ =	shalt  }
.Lfunc_end0:
.L_simem_size_0:
called_computation_lowered:
.L_overlay_start_0:
0x88: {  	s2 =	sld [smem:$0x3FD9]  }
0x89: {  	s3 =	sld [smem:$0x3FFE];
	_ =	sdelay $0x1  }
0x8a: {  	s1 =	srdreg.scid  }
0x8b: {  	s0 =	sand.u32 $0x1, s1  }
0x8c: {  	s14 =	sshll.u32 s0, $0xA;
	s2 =	sadd.s32 s3, s2  }
0x8d: {  	s2 =	sadd.s32 s2, s14  }
0x8e: {  	[smem:$0x3FC4] =	sst s2  }
0x8f: {  	_ = 	snop  }
0x90: {  	s2 =	sld [smem:$0x3FD0];
	_ =	sdelay $0x2  }
0x91: {  	s4 =	simm.s32 $0xA;
	s5 =	simm.s32 $0x10;
	s15 =	sld [smem:$0x3FC9]  }
0x92: {  	[smem:s5], [sflag:s4] =	dma.local [hbm:s2], $0x1  }
0x93: {  	_ =	swait.eq [sflag:s4], $0x1  }
0x94: {  	[sflag:s4] =	ssyncset.done $0x0  }
0x95: {  	[sflag:s4] =	ssyncadd.s32 $0xFFFFFFFF  }
0x96: {  	s16 =	sld [smem:$0x10];
	(tm) =	ssettm $0x1  }
0x97: {  	s17 =	sld [smem:$0x3FFB];
	_ =	sdelay $0x3  }
0x98: {  	_ =	strace s17  }
0x99: {  	s4 =	sld [smem:$0x3FFC];
	_ =	sdelay $0x3  }
0x9a: {  	_ =	strace s4  }
0x9b: {  	s4 =	sld [smem:$0x3FFD];
	_ =	sdelay $0x3  }
0x9c: {  	_ =	strace s4  }
0x9d: {  	_ =	strace $0x8FFFFFFF  }
0x9e: {  	s18 =	sld [smem:$0x3FDB];
	_ =	sdelay $0x1  }
0x9f: {  	s19 =	simm.s32 $_scs_section_size  }
0xa0: {  	s6 =	simm.s32 $_size__tile_overlayer_lowered;
	s7 =	simm.s32 $_tile_overlayer_lowered  }
0xa1: {  	s22 =	simm.s32 $0x1BFF;
	s21 =	sshll.u32 s7, $0x1;
	s4 =	sadd.s32 s19, s18  }
0xa2: {  	s8 =	simm.s32 $0x0;
	s20 =	sshll.u32 s6, $0x1;
	s6 =	sadd.s32 s21, s4  }
0xa3: {  	[timem:s8], [sflag:s22] =	dma.local [hbm:s6], s20  }
0xa4: {  	_ =	swait.ge [sflag:s22], s20  }
0xa5: {  	s5 =	ssub.s32 $0x0, s20;
	[sflag:s22] =	ssyncset.done $0x0  }
0xa6: {  	[sflag:s22] =	ssyncadd.s32 s5;
	_ =	sdelay $0x1  }
0xa7: {  	s23 =	simm.s32 $0x1B8B  }
0xa8: {  	_ =	swait.ge [sflag:s23], $0x1  }
0xa9: {  	[sflag:s23] =	ssyncset.done $0x0  }
0xaa: {  	s25 =	simm.s32 $0x1B8E;
	s24 =	sld [smem:$0x3FFE];
	[sflag:s23] =	ssyncadd.s32 $0xFFFFFFFF  }
0xab: {  	s26 =	simm.s32 $execute0_lowered;
	[smem:$0x3FD2] =	sst s25  }
0xac: {  	s6 =	sshll.u32 s26, $0x1;
	_ =	strace $0x80000046;
	[dreg:$0x1] =	wrdreg $0xFFFFFFFF  }
0xad: {  	s28 =	simm.s32 $_size_execute0_lowered;
	s4 =	sadd.s32 s4, s6;
	[dreg:$0x0] =	wrdreg $0x0  }
0xae: {  	s6 =	sshll.u32 s28, $0x1;
	[dreg:$0x2] =	wrdreg s4  }
0xaf: {  	[dreg:$0x3] =	wrdreg s6  }
0xb0: {  	[dreg:$0x4] =	wrdreg $0xC0  }
0xb1: {  	_ =	task [dreg:s8], $0x5FFFF  }
0xb2: {  	[dreg:$0x1] =	wrdreg $0xFFFFFFFF  }
0xb3: {  	[dreg:$0x0] =	wrdreg $0x60  }
0xb4: {  	[dreg:$0x2] =	wrdreg s15  }
0xb5: {  	[dreg:$0x3] =	wrdreg s24  }
0xb6: {  	[dreg:$0x4] =	wrdreg s16  }
0xb7: {  	[dreg:$0x5] =	wrdreg $0x9  }
0xb8: {  	_ =	task.clear_ibuf [dreg:s8], $0x6FFFF;
	_ =	strace $0x90000046  }
0xb9: {  	s29 =	simm.s32 $0x9;
	_ =	strace $0x80000048  }
0xba: {  	_ =	swait.ge [sflag:s29], $0x1  }
0xbb: {  	[sflag:s29] =	ssyncadd.s32 $0xFFFFFFFF  }
0xbc: {  	_ =	strace $0x90000048  }
0xbd: {  	_ =	sfence  }
0xbe: {  	s30 =	sld [smem:$0x0];
	_ =	sdelay $0x2  }
0xbf: {  	s31 =	sshll.u32 s1, $0xD;
	s1 =	sshrl.u32 s1, $0x2  }
0xc0: {  	s3 =	sand.u32 $0x4000, s31;
	s1 =	sadd.s32 s1, s30  }
0xc1: {  	s0 =	sor.u32 s3, s0;
	s1 =	sshll.u32 s1, $0x11  }
0xc2: {  	s0 =	sor.u32 s1, s0  }
0xc3: {  	s0 =	sadd.s32 $0x8F2B, s0  }
0xc4: {  	[sflag:s0] =	ssyncadd.remote.s32 $0x1  }
0xc5: {  	_ =	sfence.sel $0xFFFF  }
0xc6: {  	[dreg:$0x0] =	wrdreg $0xFFFFFFFF;
	(pc) =	sbr.abs _section_cstart, $3  }
0xc7: {  	[dreg:$0x1] =	wrdreg $0xFFFFFFFF  }
0xc8: {  	_ =	task.clear_ibuf [dreg:s8], $0x2FFFF;
	_ =	strace $0x9FFFFFFF  }
0xc9: {  	(tm) =	ssettm $0x7FFFFFFF  }
tec
execute0_lowered:
.L_overlay_start_1:
0x0: {  	(tag) =	ssettag $0x1  }
0x1: {  	s0 =	rddreg [dreg:$0x0]  }
0x2: {  	s6 =	rddreg [dreg:$0x1]  }
0x3: {  	s19 =	rddreg [dreg:$0x2];
	s2 =	simm.s32 $0x0;
	s7 =	srdreg.scid  }
0x4: {  	s17 =	stileid.u32;
	[smem:$0x7FF] =	sst s2;
	s1 =	sadd.s32 $0xA00, s6  }
0x5: {  	s11 =	sadd.s32 $0x1200, s6;
	_ =	strace $0x80000047;
	[dreg:$0x11] =	wrdreg s1  }
0x6: {  	s22 =	simm.s32 $0x80;
	s12 =	sadd.s32 $0x1A00, s6;
	[dreg:$0x12] =	wrdreg s11  }
0x7: {  	s24 =	simm.s32 $0x100;
	s8 =	sadd.s32 $0x2200, s6;
	[dreg:$0x13] =	wrdreg s12  }
0x8: {  	s25 =	simm.s32 $0x180;
	s26 =	simm.s32 $0x200;
	[dreg:$0xc] =	wrdreg s8  }
0x9: {  	s28 =	simm.s32 $0x8480;
	s29 =	simm.s32 $0x8500;
	[dreg:$0x4] =	wrdreg s22  }
0xa: {  	s30 =	simm.s32 $0x8580;
	s31 =	simm.s32 $0x8600;
	[dreg:$0x5] =	wrdreg s24  }
0xb: {  	s7 =	sand.u32 $0x1, s7;
	s20 =	sadd.s32 $0x43A400, s6;
	[dreg:$0x6] =	wrdreg s25  }
0xc: {  	s14 =	sshll.u32 s17, $0x9;
	s16 =	sshll.u32 s17, $0x10;
	[dreg:$0x7] =	wrdreg s26  }
0xd: {  	s18 =	sshll.u32 s17, $0xA;
	s8 =	sadd.s32 $0x2400, s6;
	[dreg:$0x8] =	wrdreg s28  }
0xe: {  	s10 =	ssub.s32 $0x2, s7;
	s15 =	sshll.u32 s7, $0x8;
	[dreg:$0x9] =	wrdreg s29  }
0xf: {  	s12 =	sadd.s32 $0x2700, s6;
	s0 =	sadd.s32 s16, s0;
	[dreg:$0xa] =	wrdreg s30  }
0x10: {  	s16 =	sshll.u32 s7, $0xF;
	s7 =	sshll.u32 s7, $0x9;
	[dreg:$0xb] =	wrdreg s31  }
0x11: {  	s25 =	simm.s32 $0x1;
	s26 =	simm.s32 $0x2;
	s11 =	sshrl.u32 s10, $0x1  }
0x12: {  	s0 =	sadd.s32 s16, s0;
	s21 =	sor.u32 s7, s18;
	s23 =	sor.u32 s15, s14  }
0x13: {  	s13 =	ssub.s32 s10, s11;
	s10 =	sadd.s32 $0x2500, s6;
	[dreg:$0xe] =	wrdreg s0  }
0x14: {  	v2 =	vlaneseq.u32;
	[dreg:$0xf] =	wrdreg s21;
	s18 =	sor.u32 $0x20, s23;
	s13 =	smax.u32 s13, $0x1  }
0x15: {  	vm0 =	vmmov $0xffff;
	v1 =	vshrl.u32 v2, $0x3;
	s11 =	sadd.s32 $0x2600, s6;
	s6 =	sshrl.u32 s18, $0x5;
	[dreg:$0xd] =	wrdreg s13  }
0x16: {  	v0 =	vand.u32 $0x7, v2;
	v2 =	vor.u32 $0x8, v2;
	v1 =	vmul.u32 $0x8, v1;
	s1 =	simm.s32 $0x0;
	s16 =	simm.s32 $0x380;
	[dreg:$0x10] =	wrdreg s6  }
.LBB2_1:
0x17: {  	[dreg:$0x14] =	wrdreg s1  }
0x18: {  	s0 =	rddreg [dreg:$0xc];
	s29 =	simm.s32 $0x3  }
0x19: {  	[tilespmem:s2], [sflag:$0x3] =	stream.linear.gather [hbm4b:s0+s2], $0x80, $0x38;
	[tilespmem:$0x10880] =	vst v63  }
0x1a: {  	_ =	swait.ge [sflag:s29], $0x80  }
0x1b: {  	s24 =	rddreg [dreg:$0x10]  }
0x1c: {  	[sflag:s29] =	ssyncset.done $0x0;
	s30 =	rddreg [dreg:$0xf]  }
0x1d: {  	s0 =	simm.s32 $0x0;
	s31 =	rddreg [dreg:$0xe];
	[sflag:s29] =	ssyncadd.s32 $0xFFFFFF80  }
.LBB2_2:
0x1e: {  	s6 =	sand.u32 $0x3F00, s30;
	s7 =	sand.u32 $0x40, s0  }
0x1f: {  	s7 =	sor.u32 s7, s6  }
0x20: {  	s5 =	rddreg [dreg:$0x11];
	s13 =	sshrl.u32 s7, $0x3  }
0x21: {  	s14 =	rddreg [dreg:$0x4];
	s17 =	sor.u32 s0, s30;
	s7 =	sadd.s32 s5, s13  }
0x22: {  	[tilespmem:s14], [sflag:$0x1] =	stream.linear.gather [hbm4b:s7+s2], $0x20, $0x38;
	[tilespmem:$0x10880] =	vst v63  }
0x23: {  	s7 =	sshrl.u32 s17, $0x3  }
0x24: {  	s15 =	rddreg [dreg:$0x5];
	s14 =	sor.u32 $0x10, s7  }
0x25: {  	s9 =	rddreg [dreg:$0x12];
	s7 =	sadd.s32 s5, s14  }
0x26: {  	[tilespmem:s15], [sflag:$0x1] =	stream.linear.gather [hbm4b:s7+s2], $0x20, $0x38;
	[tilespmem:$0x10880] =	vst v63  }
0x27: {  	s28 =	sadd.s32 s9, s13;
	s17 =	rddreg [dreg:$0x6]  }
0x28: {  	[tilespmem:s17], [sflag:$0x1] =	stream.linear.gather [hbm4b:s28+s2], $0x20, $0x38;
	[tilespmem:$0x10880] =	vst v63  }
0x29: {  	s15 =	rddreg [dreg:$0x7];
	s28 =	sadd.s32 s9, s14  }
0x2a: {  	[tilespmem:s15], [sflag:$0x1] =	stream.linear.gather [hbm4b:s28+s2], $0x20, $0x38;
	[tilespmem:$0x10880] =	vst v63  }
0x2b: {  	s28 =	rddreg [dreg:$0x13]  }
0x2c: {  	s15 =	sadd.s32 s28, s13  }
0x2d: {  	[tilespmem:s16], [sflag:$0x1] =	stream.linear.gather [hbm4b:s15+s2], $0x20, $0x38;
	[tilespmem:$0x10880] =	vst v63  }
0x2e: {  	s15 =	sadd.s32 s0, s18  }
0x2f: {  	s29 =	simm.s32 $0x400;
	s17 =	sadd.s32 s28, s14;
	s7 =	sand.u32 $0x60, s15  }
0x30: {  	[tilespmem:s29], [sflag:$0x1] =	stream.linear.gather [hbm4b:s17+s2], $0x20, $0x38;
	[tilespmem:$0x10880] =	vst v63  }
0x31: {  	s4 =	smov.u32 s20;
	s16 =	sand.u32 $0x3, s24;
	s6 =	sor.u32 s7, s6  }
0x32: {  	s20 =	simm.s32 $0x480;
	s15 =	sshll.u32 s16, $0x5;
	s6 =	sshrl.u32 s6, $0x3  }
0x33: {  	[tilespmem:s20], [sflag:$0x1] =	stream.linear.gather [hbm4b:s31+s2], $0x8000, $0x38;
	[tilespmem:$0x10880] =	vst v63  }
0x34: {  	s17 =	rddreg [dreg:$0x8];
	s15 =	sadd.s32 s15, s30;
	s16 =	sadd.s32 s5, s6  }
0x35: {  	[tilespmem:s17], [sflag:$0x1] =	stream.linear.gather [hbm4b:s16+s2], $0x20, $0x38;
	[tilespmem:$0x10880] =	vst v63  }
0x36: {  	s16 =	sshrl.u32 s15, $0x3  }
0x37: {  	s7 =	sor.u32 $0x10, s16  }
0x38: {  	s17 =	rddreg [dreg:$0x9];
	s5 =	sadd.s32 s5, s7  }
0x39: {  	[tilespmem:s17], [sflag:$0x1] =	stream.linear.gather [hbm4b:s5+s2], $0x20, $0x38;
	[tilespmem:$0x10880] =	vst v63  }
0x3a: {  	s16 =	smov.u32 s18;
	s18 =	rddreg [dreg:$0xa];
	s5 =	sadd.s32 s9, s6  }
0x3b: {  	[tilespmem:s18], [sflag:$0x1] =	stream.linear.gather [hbm4b:s5+s2], $0x20, $0x38;
	[tilespmem:$0x10880] =	vst v63  }
0x3c: {  	s17 =	rddreg [dreg:$0xb];
	s5 =	sadd.s32 s9, s7  }
0x3d: {  	[tilespmem:s17], [sflag:$0x1] =	stream.linear.gather [hbm4b:s5+s2], $0x20, $0x38;
	[tilespmem:$0x10880] =	vst v63  }
0x3e: {  	s9 =	sadd.s32 s28, s6;
	s17 =	simm.s32 $0x8780  }
0x3f: {  	[tilespmem:s17], [sflag:$0x1] =	stream.linear.gather [hbm4b:s9+s2], $0x20, $0x38;
	[tilespmem:$0x10880] =	vst v63  }
0x40: {  	s29 =	simm.s32 $0x8800;
	s5 =	sadd.s32 s28, s7  }
0x41: {  	[tilespmem:s29], [sflag:$0x1] =	stream.linear.gather [hbm4b:s5+s2], $0x20, $0x38;
	[tilespmem:$0x10880] =	vst v63  }
0x42: {  	s1 =	simm.s32 $0x8880;
	s9 =	sadd.s32 $0x1000, s31  }
0x43: {  	[tilespmem:s1], [sflag:$0x1] =	stream.linear.gather [hbm4b:s9+s2], $0x8000, $0x38;
	[tilespmem:$0x10880] =	vst v63  }
0x44: {  	_ =	swait.ge [sflag:s25], $0x20  }
0x45: {  	[sflag:s25] =	ssyncset.done $0x0  }
0x46: {  	[sflag:s25] =	ssyncadd.s32 $0xFFFFFFE0  }
0x47: {  	_ =	swait.ge [sflag:s25], $0x20  }
0x48: {  	[sflag:s25] =	ssyncset.done $0x0  }
0x49: {  	[sflag:s25] =	ssyncadd.s32 $0xFFFFFFE0  }
0x4a: {  	_ =	swait.ge [sflag:s25], $0x20  }
0x4b: {  	[sflag:s25] =	ssyncset.done $0x0  }
0x4c: {  	[sflag:s25] =	ssyncadd.s32 $0xFFFFFFE0  }
0x4d: {  	_ =	swait.ge [sflag:s25], $0x20  }
0x4e: {  	[sflag:s25] =	ssyncset.done $0x0  }
0x4f: {  	[sflag:s25] =	ssyncadd.s32 $0xFFFFFFE0  }
0x50: {  	_ =	swait.ge [sflag:s25], $0x20  }
0x51: {  	[sflag:s25] =	ssyncset.done $0x0  }
0x52: {  	[sflag:s25] =	ssyncadd.s32 $0xFFFFFFE0  }
0x53: {  	_ =	swait.ge [sflag:s25], $0x20  }
0x54: {  	[sflag:s25] =	ssyncset.done $0x0  }
0x55: {  	[sflag:s25] =	ssyncadd.s32 $0xFFFFFFE0  }
0x56: {  	_ =	swait.ge [sflag:s25], $0x8000  }
0x57: {  	[sflag:s25] =	ssyncset.done $0x0  }
0x58: {  	[sflag:s25] =	ssyncadd.s32 $0xFFFF8000  }
0x59: {  	v3 =	vld [tilespmem:$0x80];
	_ =	sdelay $0x5  }
0x5a: {  	v4 =	vld [tilespmem:$0x90]  }
0x5b: {  	v5 =	vld [tilespmem:$0x180]  }
0x5c: {  	v3 =	vld.idx.msk [tilespmem:v3+s2+$0x0], $0xffff;
	_ =	sdelay $0x4  }
0x5d: {  	v44 =	vld [tilespmem:$0x100];
	v3 =	vadd.s32 v3, v5  }
0x5e: {  	v45 =	vld [tilespmem:$0x190];
	[tilespmem:$0x280] =	vst v3  }
0x5f: {  	v3 =	vld.idx.msk [tilespmem:v4+s2+$0x0], $0xffff;
	_ =	sdelay $0x4  }
0x60: {  	v46 =	vld [tilespmem:$0x110];
	v3 =	vadd.s32 v3, v45  }
0x61: {  	v47 =	vld [tilespmem:$0x200];
	[tilespmem:$0x290] =	vst v3  }
0x62: {  	v3 =	vld.idx.msk [tilespmem:v44+s2+$0x0], $0xffff;
	_ =	sdelay $0x4  }
0x63: {  	v3 =	vadd.s32 v3, v47  }
0x64: {  	v48 =	vld [tilespmem:$0x210];
	[tilespmem:$0x300] =	vst v3  }
0x65: {  	v3 =	vld.idx.msk [tilespmem:v46+s2+$0x0], $0xffff;
	_ =	sdelay $0x4  }
0x66: {  	v3 =	vadd.s32 v3, v48  }
0x67: {  	s13 =	sadd.s32 s4, s13;
	s29 =	simm.s32 $0x280;
	[tilespmem:$0x310] =	vst v3  }
0x68: {  	[hbm4b:s13+s2] =	stream.linear.scatter [tilespmem:s29], [sflag:$0x2], $0x20, $0x38;
	[tilespmem:$0x10880] =	vst v63  }
0x69: {  	s5 =	simm.s32 $0x300;
	s1 =	sadd.s32 s4, s14  }
0x6a: {  	[hbm4b:s1+s2] =	stream.linear.scatter [tilespmem:s5], [sflag:$0x2], $0x20, $0x38;
	[tilespmem:$0x10880] =	vst v63  }
0x6b: {  	s3 =	simm.s32 $0x20;
	s18 =	smov.u32 s16;
	s16 =	simm.s32 $0x380  }
0x6c: {  	[hbm4b:s19+s3] =	stream.indirect.scatter [tilespmem:s16], [sflag:$0x2], $0x1, s29, s3, $0xb8;
	[tilespmem:$0x10880] =	vst v63  }
0x6d: {  	s9 =	simm.s32 $0x400  }
0x6e: {  	[hbm4b:s19+s3] =	stream.indirect.scatter [tilespmem:s9], [sflag:$0x2], $0x1, s5, s3, $0xb8;
	[tilespmem:$0x10880] =	vst v63  }
0x6f: {  	v3 =	vld [tilespmem:$0x280];
	_ =	sdelay $0x4  }
0x70: {  	v49 =	vshll.u32 v3, $0x3  }
0x71: {  	v3 =	vand.u32 $0x7, v3;
	v4 =	vand.u32 $0xFFFFFFC0, v49  }
0x72: {  	v3 =	vor.u32 v3, v4  }
0x73: {  	v4 =	vperm.xlane v3, v0;
	_ =	sdelay $0x1  }
0x74: {  	v4 =	vadd.s32 v1, v4;
	_ =	sdelay $0x4  }
0x75: {  	[hbm4b:s8+s2] =	stream.indirect_vreg.scatter [tilespmem:s20], [sflag:$0x2], $0x80, v4, vm0, $0xb8;
	[tilespmem:$0x10880] =	vst v63  }
0x76: {  	s13 =	simm.s32 $0xC80;
	v3 =	vperm.xlane v3, v2  }
0x77: {  	[hbm4b:s10+s2] =	stream.indirect_vreg.scatter [tilespmem:s13], [sflag:$0x2], $0x80, v4, vm0, $0xb8;
	[tilespmem:$0x10880] =	vst v63  }
0x78: {  	s14 =	simm.s32 $0x1480;
	v3 =	vadd.s32 v1, v3  }
0x79: {  	[hbm4b:s11+s2] =	stream.indirect_vreg.scatter [tilespmem:s14], [sflag:$0x2], $0x80, v4, vm0, $0xb8;
	[tilespmem:$0x10880] =	vst v63  }
0x7a: {  	s15 =	simm.s32 $0x1C80  }
0x7b: {  	[hbm4b:s12+s2] =	stream.indirect_vreg.scatter [tilespmem:s15], [sflag:$0x2], $0x80, v4, vm0, $0xb8;
	[tilespmem:$0x10880] =	vst v63  }
0x7c: {  	s21 =	simm.s32 $0x2480  }
0x7d: {  	[hbm4b:s8+s2] =	stream.indirect_vreg.scatter [tilespmem:s21], [sflag:$0x2], $0x80, v3, vm0, $0xb8;
	[tilespmem:$0x10880] =	vst v63  }
0x7e: {  	s20 =	simm.s32 $0x2C80  }
0x7f: {  	[hbm4b:s10+s2] =	stream.indirect_vreg.scatter [tilespmem:s20], [sflag:$0x2], $0x80, v3, vm0, $0xb8;
	[tilespmem:$0x10880] =	vst v63  }
0x80: {  	s22 =	simm.s32 $0x3480  }
0x81: {  	[hbm4b:s11+s2] =	stream.indirect_vreg.scatter [tilespmem:s22], [sflag:$0x2], $0x80, v3, vm0, $0xb8;
	[tilespmem:$0x10880] =	vst v63  }
0x82: {  	s22 =	simm.s32 $0x3C80  }
0x83: {  	[hbm4b:s12+s2] =	stream.indirect_vreg.scatter [tilespmem:s22], [sflag:$0x2], $0x80, v3, vm0, $0xb8;
	[tilespmem:$0x10880] =	vst v63  }
0x84: {  	v3 =	vld [tilespmem:$0x290];
	_ =	sdelay $0x4  }
0x85: {  	v50 =	vshll.u32 v3, $0x3  }
0x86: {  	v3 =	vand.u32 $0x7, v3;
	v4 =	vand.u32 $0xFFFFFFC0, v50  }
0x87: {  	v3 =	vor.u32 v3, v4  }
0x88: {  	v4 =	vperm.xlane v3, v0;
	_ =	sdelay $0x1  }
0x89: {  	v4 =	vadd.s32 v1, v4;
	_ =	sdelay $0x3  }
0x8a: {  	s23 =	simm.s32 $0x4480  }
0x8b: {  	[hbm4b:s8+s2] =	stream.indirect_vreg.scatter [tilespmem:s23], [sflag:$0x2], $0x80, v4, vm0, $0xb8;
	[tilespmem:$0x10880] =	vst v63  }
0x8c: {  	v3 =	vperm.xlane v3, v2;
	s23 =	simm.s32 $0x4C80  }
0x8d: {  	[hbm4b:s10+s2] =	stream.indirect_vreg.scatter [tilespmem:s23], [sflag:$0x2], $0x80, v4, vm0, $0xb8;
	[tilespmem:$0x10880] =	vst v63  }
0x8e: {  	s29 =	simm.s32 $0x5480;
	v3 =	vadd.s32 v1, v3  }
0x8f: {  	[hbm4b:s11+s2] =	stream.indirect_vreg.scatter [tilespmem:s29], [sflag:$0x2], $0x80, v4, vm0, $0xb8;
	[tilespmem:$0x10880] =	vst v63  }
0x90: {  	s1 =	simm.s32 $0x5C80  }
0x91: {  	[hbm4b:s12+s2] =	stream.indirect_vreg.scatter [tilespmem:s1], [sflag:$0x2], $0x80, v4, vm0, $0xb8;
	[tilespmem:$0x10880] =	vst v63  }
0x92: {  	s3 =	simm.s32 $0x6480  }
0x93: {  	[hbm4b:s8+s2] =	stream.indirect_vreg.scatter [tilespmem:s3], [sflag:$0x2], $0x80, v3, vm0, $0xb8;
	[tilespmem:$0x10880] =	vst v63  }
0x94: {  	s9 =	simm.s32 $0x6C80  }
0x95: {  	[hbm4b:s10+s2] =	stream.indirect_vreg.scatter [tilespmem:s9], [sflag:$0x2], $0x80, v3, vm0, $0xb8;
	[tilespmem:$0x10880] =	vst v63  }
0x96: {  	s5 =	simm.s32 $0x7480  }
0x97: {  	[hbm4b:s11+s2] =	stream.indirect_vreg.scatter [tilespmem:s5], [sflag:$0x2], $0x80, v3, vm0, $0xb8;
	[tilespmem:$0x10880] =	vst v63  }
0x98: {  	s29 =	simm.s32 $0x7C80  }
0x99: {  	[hbm4b:s12+s2] =	stream.indirect_vreg.scatter [tilespmem:s29], [sflag:$0x2], $0x80, v3, vm0, $0xb8;
	[tilespmem:$0x10880] =	vst v63  }
0x9a: {  	v3 =	vld [tilespmem:$0x300];
	_ =	sdelay $0x4  }
0x9b: {  	v51 =	vshll.u32 v3, $0x3  }
0x9c: {  	v3 =	vand.u32 $0x7, v3;
	v4 =	vand.u32 $0xFFFFFFC0, v51  }
0x9d: {  	v3 =	vor.u32 v3, v4  }
0x9e: {  	v4 =	vperm.xlane v3, v0;
	_ =	sdelay $0x1  }
0x9f: {  	v4 =	vadd.s32 v1, v4;
	_ =	sdelay $0x3  }
0xa0: {  	s21 =	simm.s32 $0x480  }
0xa1: {  	[hbm4b:s8+s2] =	stream.indirect_vreg.scatter [tilespmem:s21], [sflag:$0x2], $0x80, v4, vm0, $0xb8;
	[tilespmem:$0x10880] =	vst v63  }
0xa2: {  	v3 =	vperm.xlane v3, v2  }
0xa3: {  	[hbm4b:s10+s2] =	stream.indirect_vreg.scatter [tilespmem:s13], [sflag:$0x2], $0x80, v4, vm0, $0xb8;
	[tilespmem:$0x10880] =	vst v63  }
0xa4: {  	v3 =	vadd.s32 v1, v3  }
0xa5: {  	[hbm4b:s11+s2] =	stream.indirect_vreg.scatter [tilespmem:s14], [sflag:$0x2], $0x80, v4, vm0, $0xb8;
	[tilespmem:$0x10880] =	vst v63  }
0xa6: {  	_ = 	snop  }
0xa7: {  	[hbm4b:s12+s2] =	stream.indirect_vreg.scatter [tilespmem:s15], [sflag:$0x2], $0x80, v4, vm0, $0xb8;
	[tilespmem:$0x10880] =	vst v63  }
0xa8: {  	s5 =	simm.s32 $0x2480  }
0xa9: {  	[hbm4b:s8+s2] =	stream.indirect_vreg.scatter [tilespmem:s5], [sflag:$0x2], $0x80, v3, vm0, $0xb8;
	[tilespmem:$0x10880] =	vst v63  }
0xaa: {  	_ = 	snop  }
0xab: {  	[hbm4b:s10+s2] =	stream.indirect_vreg.scatter [tilespmem:s20], [sflag:$0x2], $0x80, v3, vm0, $0xb8;
	[tilespmem:$0x10880] =	vst v63  }
0xac: {  	s21 =	simm.s32 $0x3480  }
0xad: {  	[hbm4b:s11+s2] =	stream.indirect_vreg.scatter [tilespmem:s21], [sflag:$0x2], $0x80, v3, vm0, $0xb8;
	[tilespmem:$0x10880] =	vst v63  }
0xae: {  	_ = 	snop  }
0xaf: {  	[hbm4b:s12+s2] =	stream.indirect_vreg.scatter [tilespmem:s22], [sflag:$0x2], $0x80, v3, vm0, $0xb8;
	[tilespmem:$0x10880] =	vst v63  }
0xb0: {  	v3 =	vld [tilespmem:$0x310];
	_ =	sdelay $0x4  }
0xb1: {  	v52 =	vshll.u32 v3, $0x3  }
0xb2: {  	v3 =	vand.u32 $0x7, v3;
	v4 =	vand.u32 $0xFFFFFFC0, v52  }
0xb3: {  	v3 =	vor.u32 v3, v4  }
0xb4: {  	v4 =	vperm.xlane v3, v0;
	_ =	sdelay $0x1  }
0xb5: {  	v4 =	vadd.s32 v1, v4;
	_ =	sdelay $0x3  }
0xb6: {  	s5 =	simm.s32 $0x4480  }
0xb7: {  	[hbm4b:s8+s2] =	stream.indirect_vreg.scatter [tilespmem:s5], [sflag:$0x2], $0x80, v4, vm0, $0xb8;
	[tilespmem:$0x10880] =	vst v63  }
0xb8: {  	v3 =	vperm.xlane v3, v2  }
0xb9: {  	[hbm4b:s10+s2] =	stream.indirect_vreg.scatter [tilespmem:s23], [sflag:$0x2], $0x80, v4, vm0, $0xb8;
	[tilespmem:$0x10880] =	vst v63  }
0xba: {  	s21 =	simm.s32 $0x5480;
	v3 =	vadd.s32 v1, v3  }
0xbb: {  	[hbm4b:s11+s2] =	stream.indirect_vreg.scatter [tilespmem:s21], [sflag:$0x2], $0x80, v4, vm0, $0xb8;
	[tilespmem:$0x10880] =	vst v63  }
0xbc: {  	_ = 	snop  }
0xbd: {  	[hbm4b:s12+s2] =	stream.indirect_vreg.scatter [tilespmem:s1], [sflag:$0x2], $0x80, v4, vm0, $0xb8;
	[tilespmem:$0x10880] =	vst v63  }
0xbe: {  	_ = 	snop  }
0xbf: {  	[hbm4b:s8+s2] =	stream.indirect_vreg.scatter [tilespmem:s3], [sflag:$0x2], $0x80, v3, vm0, $0xb8;
	[tilespmem:$0x10880] =	vst v63  }
0xc0: {  	_ = 	snop  }
0xc1: {  	[hbm4b:s10+s2] =	stream.indirect_vreg.scatter [tilespmem:s9], [sflag:$0x2], $0x80, v3, vm0, $0xb8;
	[tilespmem:$0x10880] =	vst v63  }
0xc2: {  	s20 =	smov.u32 s4;
	s4 =	simm.s32 $0x7480  }
0xc3: {  	[hbm4b:s11+s2] =	stream.indirect_vreg.scatter [tilespmem:s4], [sflag:$0x2], $0x80, v3, vm0, $0xb8;
	[tilespmem:$0x10880] =	vst v63  }
0xc4: {  	_ = 	snop  }
0xc5: {  	[hbm4b:s12+s2] =	stream.indirect_vreg.scatter [tilespmem:s29], [sflag:$0x2], $0x80, v3, vm0, $0xb8;
	[tilespmem:$0x10880] =	vst v63  }
0xc6: {  	_ =	swait.ge [sflag:s25], $0x20  }
0xc7: {  	[sflag:s25] =	ssyncset.done $0x0  }
0xc8: {  	[sflag:s25] =	ssyncadd.s32 $0xFFFFFFE0  }
0xc9: {  	_ =	swait.ge [sflag:s25], $0x20  }
0xca: {  	[sflag:s25] =	ssyncset.done $0x0  }
0xcb: {  	[sflag:s25] =	ssyncadd.s32 $0xFFFFFFE0  }
0xcc: {  	_ =	swait.ge [sflag:s25], $0x20  }
0xcd: {  	[sflag:s25] =	ssyncset.done $0x0  }
0xce: {  	[sflag:s25] =	ssyncadd.s32 $0xFFFFFFE0  }
0xcf: {  	_ =	swait.ge [sflag:s25], $0x20  }
0xd0: {  	[sflag:s25] =	ssyncset.done $0x0  }
0xd1: {  	[sflag:s25] =	ssyncadd.s32 $0xFFFFFFE0  }
0xd2: {  	_ =	swait.ge [sflag:s25], $0x20  }
0xd3: {  	[sflag:s25] =	ssyncset.done $0x0  }
0xd4: {  	[sflag:s25] =	ssyncadd.s32 $0xFFFFFFE0  }
0xd5: {  	_ =	swait.ge [sflag:s25], $0x20  }
0xd6: {  	[sflag:s25] =	ssyncset.done $0x0  }
0xd7: {  	[sflag:s25] =	ssyncadd.s32 $0xFFFFFFE0  }
0xd8: {  	_ =	swait.ge [sflag:s25], $0x8000  }
0xd9: {  	[sflag:s25] =	ssyncset.done $0x0  }
0xda: {  	[sflag:s25] =	ssyncadd.s32 $0xFFFF8000  }
0xdb: {  	v3 =	vld [tilespmem:$0x8480];
	_ =	sdelay $0x5  }
0xdc: {  	v53 =	vld [tilespmem:$0x8490]  }
0xdd: {  	v54 =	vld [tilespmem:$0x8580]  }
0xde: {  	v3 =	vld.idx.msk [tilespmem:v3+s2+$0x0], $0xffff;
	_ =	sdelay $0x4  }
0xdf: {  	v55 =	vld [tilespmem:$0x8500];
	v3 =	vadd.s32 v3, v54  }
0xe0: {  	v56 =	vld [tilespmem:$0x8590];
	[tilespmem:$0x8680] =	vst v3  }
0xe1: {  	v3 =	vld.idx.msk [tilespmem:v53+s2+$0x0], $0xffff;
	_ =	sdelay $0x4  }
0xe2: {  	v57 =	vld [tilespmem:$0x8510];
	v3 =	vadd.s32 v3, v56  }
0xe3: {  	v58 =	vld [tilespmem:$0x8600];
	[tilespmem:$0x8690] =	vst v3  }
0xe4: {  	v3 =	vld.idx.msk [tilespmem:v55+s2+$0x0], $0xffff;
	_ =	sdelay $0x4  }
0xe5: {  	v3 =	vadd.s32 v3, v58  }
0xe6: {  	v59 =	vld [tilespmem:$0x8610];
	[tilespmem:$0x8700] =	vst v3  }
0xe7: {  	v3 =	vld.idx.msk [tilespmem:v57+s2+$0x0], $0xffff;
	_ =	sdelay $0x4  }
0xe8: {  	v3 =	vadd.s32 v3, v59  }
0xe9: {  	s6 =	sadd.s32 s20, s6;
	s4 =	simm.s32 $0x8680;
	[tilespmem:$0x8710] =	vst v3  }
0xea: {  	[hbm4b:s6+s2] =	stream.linear.scatter [tilespmem:s4], [sflag:$0x2], $0x20, $0x38;
	[tilespmem:$0x10880] =	vst v63  }
0xeb: {  	s1 =	sadd.s32 s20, s7;
	s3 =	simm.s32 $0x8700  }
0xec: {  	[hbm4b:s1+s2] =	stream.linear.scatter [tilespmem:s3], [sflag:$0x2], $0x20, $0x38;
	[tilespmem:$0x10880] =	vst v63  }
0xed: {  	s21 =	simm.s32 $0x20  }
0xee: {  	[hbm4b:s19+s21] =	stream.indirect.scatter [tilespmem:s17], [sflag:$0x2], $0x1, s4, s21, $0xb8;
	[tilespmem:$0x10880] =	vst v63  }
0xef: {  	s28 =	simm.s32 $0x8800;
	s9 =	simm.s32 $0x8700  }
0xf0: {  	[hbm4b:s19+s21] =	stream.indirect.scatter [tilespmem:s28], [sflag:$0x2], $0x1, s9, s21, $0xb8;
	[tilespmem:$0x10880] =	vst v63  }
0xf1: {  	v3 =	vld [tilespmem:$0x8680];
	_ =	sdelay $0x4  }
0xf2: {  	v60 =	vshll.u32 v3, $0x3  }
0xf3: {  	v3 =	vand.u32 $0x7, v3;
	v4 =	vand.u32 $0xFFFFFFC0, v60  }
0xf4: {  	v3 =	vor.u32 v3, v4  }
0xf5: {  	v4 =	vperm.xlane v3, v0;
	_ =	sdelay $0x1  }
0xf6: {  	v4 =	vadd.s32 v1, v4;
	_ =	sdelay $0x3  }
0xf7: {  	s1 =	simm.s32 $0x8880  }
0xf8: {  	[hbm4b:s8+s2] =	stream.indirect_vreg.scatter [tilespmem:s1], [sflag:$0x2], $0x80, v4, vm0, $0xb8;
	[tilespmem:$0x10880] =	vst v63  }
0xf9: {  	s3 =	simm.s32 $0x9080;
	v3 =	vperm.xlane v3, v2  }
0xfa: {  	[hbm4b:s10+s2] =	stream.indirect_vreg.scatter [tilespmem:s3], [sflag:$0x2], $0x80, v4, vm0, $0xb8;
	[tilespmem:$0x10880] =	vst v63  }
0xfb: {  	s4 =	simm.s32 $0x9880;
	v3 =	vadd.s32 v1, v3  }
0xfc: {  	[hbm4b:s11+s2] =	stream.indirect_vreg.scatter [tilespmem:s4], [sflag:$0x2], $0x80, v4, vm0, $0xb8;
	[tilespmem:$0x10880] =	vst v63  }
0xfd: {  	s6 =	simm.s32 $0xA080  }
0xfe: {  	[hbm4b:s12+s2] =	stream.indirect_vreg.scatter [tilespmem:s6], [sflag:$0x2], $0x80, v4, vm0, $0xb8;
	[tilespmem:$0x10880] =	vst v63  }
0xff: {  	s7 =	simm.s32 $0xA880  }
0x100: {  	[hbm4b:s8+s2] =	stream.indirect_vreg.scatter [tilespmem:s7], [sflag:$0x2], $0x80, v3, vm0, $0xb8;
	[tilespmem:$0x10880] =	vst v63  }
0x101: {  	s13 =	simm.s32 $0xB080  }
0x102: {  	[hbm4b:s10+s2] =	stream.indirect_vreg.scatter [tilespmem:s13], [sflag:$0x2], $0x80, v3, vm0, $0xb8;
	[tilespmem:$0x10880] =	vst v63  }
0x103: {  	s14 =	simm.s32 $0xB880  }
0x104: {  	[hbm4b:s11+s2] =	stream.indirect_vreg.scatter [tilespmem:s14], [sflag:$0x2], $0x80, v3, vm0, $0xb8;
	[tilespmem:$0x10880] =	vst v63  }
0x105: {  	s15 =	simm.s32 $0xC080  }
0x106: {  	[hbm4b:s12+s2] =	stream.indirect_vreg.scatter [tilespmem:s15], [sflag:$0x2], $0x80, v3, vm0, $0xb8;
	[tilespmem:$0x10880] =	vst v63  }
0x107: {  	v3 =	vld [tilespmem:$0x8690];
	_ =	sdelay $0x4  }
0x108: {  	v61 =	vshll.u32 v3, $0x3  }
0x109: {  	v3 =	vand.u32 $0x7, v3;
	v4 =	vand.u32 $0xFFFFFFC0, v61  }
0x10a: {  	v3 =	vor.u32 v3, v4  }
0x10b: {  	v4 =	vperm.xlane v3, v0;
	_ =	sdelay $0x1  }
0x10c: {  	v4 =	vadd.s32 v1, v4;
	_ =	sdelay $0x3  }
0x10d: {  	s17 =	simm.s32 $0xC880  }
0x10e: {  	[hbm4b:s8+s2] =	stream.indirect_vreg.scatter [tilespmem:s17], [sflag:$0x2], $0x80, v4, vm0, $0xb8;
	[tilespmem:$0x10880] =	vst v63  }
0x10f: {  	s9 =	simm.s32 $0xD080;
	v3 =	vperm.xlane v3, v2  }
0x110: {  	[hbm4b:s10+s2] =	stream.indirect_vreg.scatter [tilespmem:s9], [sflag:$0x2], $0x80, v4, vm0, $0xb8;
	[tilespmem:$0x10880] =	vst v63  }
0x111: {  	s22 =	simm.s32 $0xD880;
	v3 =	vadd.s32 v1, v3  }
0x112: {  	[hbm4b:s11+s2] =	stream.indirect_vreg.scatter [tilespmem:s22], [sflag:$0x2], $0x80, v4, vm0, $0xb8;
	[tilespmem:$0x10880] =	vst v63  }
0x113: {  	s23 =	simm.s32 $0xE080  }
0x114: {  	[hbm4b:s12+s2] =	stream.indirect_vreg.scatter [tilespmem:s23], [sflag:$0x2], $0x80, v4, vm0, $0xb8;
	[tilespmem:$0x10880] =	vst v63  }
0x115: {  	s5 =	simm.s32 $0xE880  }
0x116: {  	[hbm4b:s8+s2] =	stream.indirect_vreg.scatter [tilespmem:s5], [sflag:$0x2], $0x80, v3, vm0, $0xb8;
	[tilespmem:$0x10880] =	vst v63  }
0x117: {  	s29 =	simm.s32 $0xF080  }
0x118: {  	[hbm4b:s10+s2] =	stream.indirect_vreg.scatter [tilespmem:s29], [sflag:$0x2], $0x80, v3, vm0, $0xb8;
	[tilespmem:$0x10880] =	vst v63  }
0x119: {  	s28 =	simm.s32 $0xF880  }
0x11a: {  	[hbm4b:s11+s2] =	stream.indirect_vreg.scatter [tilespmem:s28], [sflag:$0x2], $0x80, v3, vm0, $0xb8;
	[tilespmem:$0x10880] =	vst v63  }
0x11b: {  	s21 =	simm.s32 $0x10080  }
0x11c: {  	[hbm4b:s12+s2] =	stream.indirect_vreg.scatter [tilespmem:s21], [sflag:$0x2], $0x80, v3, vm0, $0xb8;
	[tilespmem:$0x10880] =	vst v63  }
0x11d: {  	v3 =	vld [tilespmem:$0x8700];
	_ =	sdelay $0x4  }
0x11e: {  	v62 =	vshll.u32 v3, $0x3  }
0x11f: {  	v3 =	vand.u32 $0x7, v3;
	v4 =	vand.u32 $0xFFFFFFC0, v62  }
0x120: {  	v3 =	vor.u32 v3, v4  }
0x121: {  	v4 =	vperm.xlane v3, v0;
	_ =	sdelay $0x1  }
0x122: {  	v4 =	vadd.s32 v1, v4;
	_ =	sdelay $0x4  }
0x123: {  	[hbm4b:s8+s2] =	stream.indirect_vreg.scatter [tilespmem:s1], [sflag:$0x2], $0x80, v4, vm0, $0xb8;
	[tilespmem:$0x10880] =	vst v63  }
0x124: {  	v3 =	vperm.xlane v3, v2  }
0x125: {  	[hbm4b:s10+s2] =	stream.indirect_vreg.scatter [tilespmem:s3], [sflag:$0x2], $0x80, v4, vm0, $0xb8;
	[tilespmem:$0x10880] =	vst v63  }
0x126: {  	v3 =	vadd.s32 v1, v3  }
0x127: {  	[hbm4b:s11+s2] =	stream.indirect_vreg.scatter [tilespmem:s4], [sflag:$0x2], $0x80, v4, vm0, $0xb8;
	[tilespmem:$0x10880] =	vst v63  }
0x128: {  	_ = 	snop  }
0x129: {  	[hbm4b:s12+s2] =	stream.indirect_vreg.scatter [tilespmem:s6], [sflag:$0x2], $0x80, v4, vm0, $0xb8;
	[tilespmem:$0x10880] =	vst v63  }
0x12a: {  	_ = 	snop  }
0x12b: {  	[hbm4b:s8+s2] =	stream.indirect_vreg.scatter [tilespmem:s7], [sflag:$0x2], $0x80, v3, vm0, $0xb8;
	[tilespmem:$0x10880] =	vst v63  }
0x12c: {  	_ = 	snop  }
0x12d: {  	[hbm4b:s10+s2] =	stream.indirect_vreg.scatter [tilespmem:s13], [sflag:$0x2], $0x80, v3, vm0, $0xb8;
	[tilespmem:$0x10880] =	vst v63  }
0x12e: {  	_ = 	snop  }
0x12f: {  	[hbm4b:s11+s2] =	stream.indirect_vreg.scatter [tilespmem:s14], [sflag:$0x2], $0x80, v3, vm0, $0xb8;
	[tilespmem:$0x10880] =	vst v63  }
0x130: {  	_ = 	snop  }
0x131: {  	[hbm4b:s12+s2] =	stream.indirect_vreg.scatter [tilespmem:s15], [sflag:$0x2], $0x80, v3, vm0, $0xb8;
	[tilespmem:$0x10880] =	vst v63  }
0x132: {  	v3 =	vld [tilespmem:$0x8710];
	_ =	sdelay $0x4  }
0x133: {  	v63 =	vshll.u32 v3, $0x3  }
0x134: {  	v3 =	vand.u32 $0x7, v3;
	v4 =	vand.u32 $0xFFFFFFC0, v63  }
0x135: {  	v3 =	vor.u32 v3, v4  }
0x136: {  	v4 =	vperm.xlane v3, v0;
	_ =	sdelay $0x1  }
0x137: {  	v4 =	vadd.s32 v1, v4;
	_ =	sdelay $0x4  }
0x138: {  	[hbm4b:s8+s2] =	stream.indirect_vreg.scatter [tilespmem:s17], [sflag:$0x2], $0x80, v4, vm0, $0xb8;
	[tilespmem:$0x10880] =	vst v63  }
0x139: {  	v3 =	vperm.xlane v3, v2  }
0x13a: {  	[hbm4b:s10+s2] =	stream.indirect_vreg.scatter [tilespmem:s9], [sflag:$0x2], $0x80, v4, vm0, $0xb8;
	[tilespmem:$0x10880] =	vst v63  }
0x13b: {  	v3 =	vadd.s32 v1, v3  }
0x13c: {  	[hbm4b:s11+s2] =	stream.indirect_vreg.scatter [tilespmem:s22], [sflag:$0x2], $0x80, v4, vm0, $0xb8;
	[tilespmem:$0x10880] =	vst v63  }
0x13d: {  	_ = 	snop  }
0x13e: {  	[hbm4b:s12+s2] =	stream.indirect_vreg.scatter [tilespmem:s23], [sflag:$0x2], $0x80, v4, vm0, $0xb8;
	[tilespmem:$0x10880] =	vst v63  }
0x13f: {  	_ = 	snop  }
0x140: {  	[hbm4b:s8+s2] =	stream.indirect_vreg.scatter [tilespmem:s5], [sflag:$0x2], $0x80, v3, vm0, $0xb8;
	[tilespmem:$0x10880] =	vst v63  }
0x141: {  	_ = 	snop  }
0x142: {  	[hbm4b:s10+s2] =	stream.indirect_vreg.scatter [tilespmem:s29], [sflag:$0x2], $0x80, v3, vm0, $0xb8;
	[tilespmem:$0x10880] =	vst v63  }
0x143: {  	s28 =	simm.s32 $0xF880  }
0x144: {  	[hbm4b:s11+s2] =	stream.indirect_vreg.scatter [tilespmem:s28], [sflag:$0x2], $0x80, v3, vm0, $0xb8;
	[tilespmem:$0x10880] =	vst v63  }
0x145: {  	_ = 	snop  }
0x146: {  	[hbm4b:s12+s2] =	stream.indirect_vreg.scatter [tilespmem:s21], [sflag:$0x2], $0x80, v3, vm0, $0xb8;
	[tilespmem:$0x10880] =	vst v63  }
0x147: {  	_ =	swait.ge [sflag:s26], $0x20  }
0x148: {  	[sflag:s26] =	ssyncset.done $0x0  }
0x149: {  	[sflag:s26] =	ssyncadd.s32 $0xFFFFFFE0  }
0x14a: {  	_ =	swait.ge [sflag:s26], $0x20  }
0x14b: {  	[sflag:s26] =	ssyncset.done $0x0  }
0x14c: {  	[sflag:s26] =	ssyncadd.s32 $0xFFFFFFE0  }
0x14d: {  	_ =	swait.ge [sflag:s26], $0x20  }
0x14e: {  	[sflag:s26] =	ssyncset.done $0x0  }
0x14f: {  	[sflag:s26] =	ssyncadd.s32 $0xFFFFFFE0  }
0x150: {  	_ =	swait.ge [sflag:s26], $0x20  }
0x151: {  	[sflag:s26] =	ssyncset.done $0x0  }
0x152: {  	[sflag:s26] =	ssyncadd.s32 $0xFFFFFFE0  }
0x153: {  	_ =	swait.ge [sflag:s26], $0x8000  }
0x154: {  	[sflag:s26] =	ssyncset.done $0x0  }
0x155: {  	[sflag:s26] =	ssyncadd.s32 $0xFFFF8000  }
0x156: {  	_ =	swait.ge [sflag:s26], $0x8000  }
0x157: {  	[sflag:s26] =	ssyncset.done $0x0  }
0x158: {  	[sflag:s26] =	ssyncadd.s32 $0xFFFF8000  }
0x159: {  	_ =	swait.ge [sflag:s26], $0x20  }
0x15a: {  	[sflag:s26] =	ssyncset.done $0x0  }
0x15b: {  	[sflag:s26] =	ssyncadd.s32 $0xFFFFFFE0  }
0x15c: {  	_ =	swait.ge [sflag:s26], $0x20  }
0x15d: {  	[sflag:s26] =	ssyncset.done $0x0  }
0x15e: {  	[sflag:s26] =	ssyncadd.s32 $0xFFFFFFE0  }
0x15f: {  	_ =	swait.ge [sflag:s26], $0x20  }
0x160: {  	[sflag:s26] =	ssyncset.done $0x0  }
0x161: {  	[sflag:s26] =	ssyncadd.s32 $0xFFFFFFE0  }
0x162: {  	_ =	swait.ge [sflag:s26], $0x20  }
0x163: {  	[sflag:s26] =	ssyncset.done $0x0  }
0x164: {  	[sflag:s26] =	ssyncadd.s32 $0xFFFFFFE0  }
0x165: {  	p0 =	sne.s32 s0, $0xC0;
	_ =	swait.ge [sflag:s26], $0x8000  }
.Ltmp0:
0x166: {  	[sflag:s26] =	ssyncset.done $0x0;
	(pc) =	sbr.rel @p0 .LBB2_2-.Ltmp0, $4  }
0x167: {  	[sflag:s26] =	ssyncadd.s32 $0xFFFF8000  }
0x168: {  	_ =	swait.ge [sflag:s26], $0x8000  }
0x169: {  	s24 =	sadd.s32 $0x2, s24;
	s0 =	sadd.s32 $0x40, s0;
	[sflag:s26] =	ssyncset.done $0x0  }
0x16a: {  	s30 =	sadd.s32 $0x80, s30;
	s31 =	sadd.s32 $0x2000, s31;
	[sflag:s26] =	ssyncadd.s32 $0xFFFF8000  }
0x16b: {  	s1 =	rddreg [dreg:$0x14]  }
0x16c: {  	s0 =	rddreg [dreg:$0xd];
	s1 =	sadd.s32 $0x1, s1  }
0x16d: {  	p0 =	sne.s32 s1, s0  }
.Ltmp1:
0x16e: {  	_ = 	snop;
	(pc) =	sbr.rel @p0 .LBB2_1-.Ltmp1, $1  }
0x16f: {  	_ =	sdelay $0x3  }
0x170: {  	_ =	sfence.sel $0x180000  }
0x171: {  	[bflag:$0x0] =	sbarrier.arrive $0xFFFF  }
0x172: {  	_ =	strace $0x90000047  }
0x173: {  	s0 =	stileid.u32;
	[bflag:$0x2] =	sbarrier.arrive $0xFFFF  }
0x174: {  	p0 =	sne.s32 s0, $0x0;
	s0 =	rddreg [dreg:$0x3]  }
0x175: {  	s0 =	sadd.s32 @!p0 $0x100000, s0  }
0x176: {  	[sflag:s0] =	ssyncadd.tile.s32 @!p0 $0x1;
	_ =	shalt  }
.Lfunc_end2:
_tile_overlayer_lowered:
.L_overlay_start_2:
0x177: {  	(tag) =	ssettag $0x2  }
0x178: {  	s0 =	rddreg [dreg:$0x0];
	s2 =	stileid.u32  }
0x179: {  	s1 =	rddreg [dreg:$0x1];
	p0 =	sne.s32 s2, $0x0  }
0x17a: {  	s3 =	rddreg [dreg:$0x2];
	[bflag:$0x3] =	sbarrier.arrive $0xFFFF;
	s2 =	simm.s32 @!p0 $0x1C03  }
0x17b: {  	[timem:s3], [sflag:s2] =	dma.local @!p0 [hbm:s0], s1  }
0x17c: {  	s0 =	simm.s32 @!p0 $0x3  }
0x17d: {  	_ =	swait.ge @!p0 [sflag:s0], s1  }
0x17e: {  	s1 =	ssub.s32 @!p0 $0x0, s1;
	[sflag:s0] =	ssyncset.done @!p0 $0x0  }
0x17f: {  	[sflag:s0] =	ssyncadd.s32 @!p0 s1  }
0x180: {  	[bflag:$0x3] =	sbarrier.arrive $0xFFFF  }
0x181: {  	_ =	shalt  }

// kernel: kernel.9.cloned.1.call-start
scs
__scs_entry_jumppad:
0x0: {  	(pc) =	sbr.rel $0x88, $3  }
0x1: {  	(tag) =	ssettag $0x0;
	lr =	simm.s32 $0x1  }
0x2: {  	[smem:$0x3F9D] =	sst lr;
	_ =	strace $0xD0000000  }
0x3: {  	_ = 	snop  }
0x4: {  	_ = 	snop  }
0x5: {  	_ = 	snop  }
0x6: {  	_ = 	snop  }
0x7: {  	_ = 	snop  }
__scs_overlays_trampoline_lowered:
0x8: {  	[smem:$0x3FAC] =	sst s0  }
0x9: {  	[smem:$0x3FAD] =	sst s1  }
0xa: {  	[smem:$0x3FAE] =	sst s2  }
0xb: {  	[smem:$0x3FAF] =	sst s3  }
0xc: {  	[smem:$0x3FB0] =	sst s4  }
0xd: {  	[smem:$0x3FB1] =	sst s5  }
0xe: {  	[smem:$0x3FB2] =	sst s6  }
0xf: {  	[smem:$0x3FB3] =	sst s7  }
0x10: {  	[smem:$0x3FB4] =	sst s8  }
0x11: {  	[smem:$0x3FB5] =	sst s9;
	s0 =	simm.s32 @!p0 $0x0  }
0x12: {  	s1 =	sld [smem:$0x3F9B];
	s0 =	simm.s32 @p0 $0x1  }
0x13: {  	[smem:$0x3FB6] =	sst s0;
	s0 =	simm.s32 @!p1 $0x0  }
0x14: {  	s2 =	sld [smem:$0x3F9A];
	s0 =	simm.s32 @p1 $0x1  }
0x15: {  	[smem:$0x3FB7] =	sst s0;
	s0 =	simm.s32 @!p2 $0x0  }
0x16: {  	s3 =	sld [smem:$0x3FDB];
	s0 =	simm.s32 @p2 $0x1  }
0x17: {  	s4 =	simm.s32 $0x1BF5;
	[smem:$0x3FB9] =	sst s0  }
0x18: {  	s0 =	sld [smem:$0x3F9C];
	_ =	swait.ge [sflag:s4], $0x0  }
0x19: {  	s7 =	sld [smem:$0x3F9D]  }
0x1a: {  	s8 =	sadd.s32 $0xFFFFE003, lr  }
0x1b: {  	s9 =	sadd.s32 $0xFFFFFEF7, lr;
	s5 =	simm.s32 $0xFFFFFFFF;
	p2 =	slt.u32 s8, $0xFFFFF086  }
0x1c: {  	p1 =	slt.u32 s9, $0xF7A;
	s5 =	simm.s32 @!p2 $0x0  }
0x1d: {  	s5 =	simm.s32 @p1 $0x1;
	p0 =	seq.s32 s7, s2  }
0x1e: {  	s7 =	smul.u32 @!p0 $0xF7A, s2;
	p2 =	seq.s32 @!p0 s5, $0x0  }
0x1f: {  	s9 =	smul.u32 $0xF7A, s1;
	s8 =	simm.s32 @!p0 $0x1BF5;
	p2 =	por !p2, p0  }
0x20: {  	[sflag:s8] =	ssyncset.s32 @!p0 $0xFFFFF086;
	s6 =	sadd.s32 @!p0 s3, s7;
	s7 =	simm.s32 @!p0 $0x108  }
0x21: {  	s3 =	sadd.s32 s3, s9;
	s6 =	sadd.s32 @!p0 $0x88, s6;
	s7 =	simm.s32 @p2 $0x1082  }
0x22: {  	[simem:s7], [sflag:s8] =	dma.local @!p0 [hbm:s6], $0xF7A  }
0x23: {  	s9 =	sor.u32 $0xD0000000, s2;
	s6 =	simm.s32 $0x108;
	_ =	swait.ge @!p0 [sflag:s8], $0x0  }
0x24: {  	s3 =	sadd.s32 $0x88, s3;
	s6 =	simm.s32 @!p1 $0x1082;
	[sflag:s4] =	ssyncset.s32 $0xFFFFF086  }
0x25: {  	[simem:s6], [sflag:s4] =	dma.local [hbm:s3], $0xF7A  }
0x26: {  	[smem:$0x3F9D] =	sst s1;
	(tag) =	ssettag s2;
	_ =	strace s9  }
0x27: {  	s1 =	sld [smem:$0x3FAD]  }
0x28: {  	s2 =	sld [smem:$0x3FAE]  }
0x29: {  	s4 =	sld [smem:$0x3FB0]  }
0x2a: {  	p0 =	seq.s32 s5, $0x0;
	s5 =	sld [smem:$0x3FB1]  }
0x2b: {  	s6 =	sld [smem:$0x3FB2]  }
0x2c: {  	s7 =	sld [smem:$0x3FB3]  }
0x2d: {  	s3 =	simm.s32 $0x108;
	s8 =	sld [smem:$0x3FB4]  }
0x2e: {  	s3 =	simm.s32 @!p0 $0x1082;
	s9 =	sld [smem:$0x3FB5]  }
0x2f: {  	lr =	sadd.s32 s0, s3;
	s0 =	sld [smem:$0x3FAC]  }
0x30: {  	s3 =	sld [smem:$0x3FAF]  }
0x31: {  	[smem:$0x3FB8] =	sst s10  }
0x32: {  	s10 =	sld [smem:$0x3FB6];
	_ =	sdelay $0x3  }
0x33: {  	p0 =	seq.s32 s10, $0x1;
	s10 =	sld [smem:$0x3FB8];
	_ =	sdelay $0x3  }
0x34: {  	[smem:$0x3FB8] =	sst s10  }
0x35: {  	s10 =	sld [smem:$0x3FB7];
	_ =	sdelay $0x3  }
0x36: {  	p1 =	seq.s32 s10, $0x1;
	s10 =	sld [smem:$0x3FB8];
	_ =	sdelay $0x3  }
0x37: {  	[smem:$0x3FB8] =	sst s10  }
0x38: {  	s10 =	sld [smem:$0x3FB9]  }
0x39: {  	_ = 	snop;
	(pc) =	sbr.ind lr, $3  }
0x3a: {  	_ = 	snop  }
0x3b: {  	_ = 	snop  }
0x3c: {  	p2 =	seq.s32 s10, $0x1;
	s10 =	sld [smem:$0x3FB8]  }
0x3d: {  	_ =	shalt  }
0x3e: {  	_ =	shalt  }
0x3f: {  	_ =	shalt  }
0x40: {  	_ =	shalt  }
0x41: {  	_ =	shalt  }
0x42: {  	_ =	shalt  }
0x43: {  	_ =	shalt  }
0x44: {  	_ =	shalt  }
0x45: {  	_ =	shalt  }
0x46: {  	_ =	shalt  }
0x47: {  	_ =	shalt  }
0x48: {  	_ =	shalt  }
0x49: {  	_ =	shalt  }
0x4a: {  	_ =	shalt  }
0x4b: {  	_ =	shalt  }
0x4c: {  	_ =	shalt  }
0x4d: {  	_ =	shalt  }
0x4e: {  	_ =	shalt  }
0x4f: {  	_ =	shalt  }
0x50: {  	_ =	shalt  }
0x51: {  	_ =	shalt  }
0x52: {  	_ =	shalt  }
0x53: {  	_ =	shalt  }
0x54: {  	_ =	shalt  }
0x55: {  	_ =	shalt  }
0x56: {  	_ =	shalt  }
0x57: {  	_ =	shalt  }
0x58: {  	_ =	shalt  }
0x59: {  	_ =	shalt  }
0x5a: {  	_ =	shalt  }
0x5b: {  	_ =	shalt  }
0x5c: {  	_ =	shalt  }
0x5d: {  	_ =	shalt  }
0x5e: {  	_ =	shalt  }
0x5f: {  	_ =	shalt  }
0x60: {  	_ =	shalt  }
0x61: {  	_ =	shalt  }
0x62: {  	_ =	shalt  }
0x63: {  	_ =	shalt  }
0x64: {  	_ =	shalt  }
0x65: {  	_ =	shalt  }
0x66: {  	_ =	shalt  }
0x67: {  	_ =	shalt  }
0x68: {  	_ =	shalt  }
0x69: {  	_ =	shalt  }
0x6a: {  	_ =	shalt  }
0x6b: {  	_ =	shalt  }
0x6c: {  	_ =	shalt  }
0x6d: {  	_ =	shalt  }
0x6e: {  	_ =	shalt  }
0x6f: {  	_ =	shalt  }
0x70: {  	_ =	shalt  }
0x71: {  	_ =	shalt  }
0x72: {  	_ =	shalt  }
0x73: {  	_ =	shalt  }
0x74: {  	_ =	shalt  }
0x75: {  	_ =	shalt  }
0x76: {  	_ =	shalt  }
0x77: {  	_ =	shalt  }
0x78: {  	_ =	shalt  }
0x79: {  	_ =	shalt  }
0x7a: {  	_ =	shalt  }
0x7b: {  	_ =	shalt  }
0x7c: {  	_ =	shalt  }
0x7d: {  	_ =	shalt  }
0x7e: {  	_ =	shalt  }
0x7f: {  	_ =	shalt  }
0x80: {  	_ =	shalt  }
0x81: {  	_ =	shalt  }
0x82: {  	_ =	shalt  }
0x83: {  	_ =	shalt  }
0x84: {  	_ =	shalt  }
0x85: {  	_ =	shalt  }
0x86: {  	_ =	shalt  }
0x87: {  	_ =	shalt  }
.Lfunc_end0:
.L_simem_size_0:
called_computation.1_lowered:
.L_overlay_start_0:
0x88: {  	s2 =	sld [smem:$0x3FD9]  }
0x89: {  	s3 =	sld [smem:$0x3FFE];
	_ =	sdelay $0x1  }
0x8a: {  	s1 =	srdreg.scid  }
0x8b: {  	s0 =	sand.u32 $0x1, s1  }
0x8c: {  	s14 =	sshll.u32 s0, $0xA;
	s2 =	sadd.s32 s3, s2  }
0x8d: {  	s2 =	sadd.s32 s2, s14  }
0x8e: {  	[smem:$0x3FC4] =	sst s2  }
0x8f: {  	_ = 	snop  }
0x90: {  	s2 =	sld [smem:$0x3FD0];
	_ =	sdelay $0x2  }
0x91: {  	s15 =	simm.s32 $0xA;
	s4 =	simm.s32 $0x10  }
0x92: {  	[smem:s4], [sflag:s15] =	dma.local [hbm:s2], $0x1  }
0x93: {  	_ =	swait.eq [sflag:s15], $0x1  }
0x94: {  	[sflag:s15] =	ssyncset.done $0x0  }
0x95: {  	[sflag:s15] =	ssyncadd.s32 $0xFFFFFFFF  }
0x96: {  	s16 =	sld [smem:$0x10];
	(tm) =	ssettm $0x1  }
0x97: {  	s17 =	sld [smem:$0x3FFB];
	_ =	sdelay $0x3  }
0x98: {  	_ =	strace s17  }
0x99: {  	s3 =	sld [smem:$0x3FFC];
	_ =	sdelay $0x3  }
0x9a: {  	_ =	strace s3  }
0x9b: {  	s3 =	sld [smem:$0x3FFD];
	_ =	sdelay $0x3  }
0x9c: {  	_ =	strace s3  }
0x9d: {  	_ =	strace $0x8FFFFFFF  }
0x9e: {  	s18 =	sld [smem:$0x3FDB];
	_ =	sdelay $0x1  }
0x9f: {  	s19 =	simm.s32 $_scs_section_size  }
0xa0: {  	s5 =	simm.s32 $_size__tile_overlayer_lowered;
	s6 =	simm.s32 $_tile_overlayer_lowered  }
0xa1: {  	s22 =	simm.s32 $0x1BFF;
	s21 =	sshll.u32 s6, $0x1;
	s3 =	sadd.s32 s19, s18  }
0xa2: {  	s7 =	simm.s32 $0x0;
	s20 =	sshll.u32 s5, $0x1;
	s5 =	sadd.s32 s21, s3  }
0xa3: {  	[timem:s7], [sflag:s22] =	dma.local [hbm:s5], s20  }
0xa4: {  	_ =	swait.ge [sflag:s22], s20  }
0xa5: {  	s4 =	ssub.s32 $0x0, s20;
	[sflag:s22] =	ssyncset.done $0x0  }
0xa6: {  	[sflag:s22] =	ssyncadd.s32 s4;
	_ =	sdelay $0x1  }
0xa7: {  	s23 =	simm.s32 $0x1B8B  }
0xa8: {  	_ =	swait.ge [sflag:s23], $0x1  }
0xa9: {  	[sflag:s23] =	ssyncset.done $0x0  }
0xaa: {  	s25 =	simm.s32 $0x1B8E;
	s24 =	sld [smem:$0x3FFE];
	[sflag:s23] =	ssyncadd.s32 $0xFFFFFFFF  }
0xab: {  	s26 =	simm.s32 $execute0_lowered;
	[smem:$0x3FD2] =	sst s25  }
0xac: {  	s5 =	sshll.u32 s26, $0x1;
	_ =	strace $0x80000049;
	[dreg:$0x1] =	wrdreg $0xFFFFFFFF  }
0xad: {  	s28 =	simm.s32 $_size_execute0_lowered;
	s3 =	sadd.s32 s3, s5;
	[dreg:$0x0] =	wrdreg $0x0  }
0xae: {  	s5 =	sshll.u32 s28, $0x1;
	[dreg:$0x2] =	wrdreg s3  }
0xaf: {  	[dreg:$0x3] =	wrdreg s5  }
0xb0: {  	[dreg:$0x4] =	wrdreg $0xC0  }
0xb1: {  	_ =	task [dreg:s7], $0x5FFFF  }
0xb2: {  	[dreg:$0x1] =	wrdreg $0xFFFFFFFF  }
0xb3: {  	[dreg:$0x0] =	wrdreg $0x60  }
0xb4: {  	[dreg:$0x2] =	wrdreg s24  }
0xb5: {  	[dreg:$0x3] =	wrdreg s16  }
0xb6: {  	[dreg:$0x4] =	wrdreg $0x9  }
0xb7: {  	_ =	task.clear_ibuf [dreg:s7], $0x5FFFF;
	_ =	strace $0x90000049  }
0xb8: {  	s29 =	simm.s32 $0x9;
	_ =	strace $0x8000004B  }
0xb9: {  	_ =	swait.ge [sflag:s29], $0x1  }
0xba: {  	[sflag:s29] =	ssyncadd.s32 $0xFFFFFFFF  }
0xbb: {  	_ =	strace $0x9000004B  }
0xbc: {  	_ =	sfence  }
0xbd: {  	s30 =	sld [smem:$0x0];
	_ =	sdelay $0x2  }
0xbe: {  	s31 =	sshll.u32 s1, $0xD;
	s1 =	sshrl.u32 s1, $0x2  }
0xbf: {  	s3 =	sand.u32 $0x4000, s31;
	s1 =	sadd.s32 s1, s30  }
0xc0: {  	s0 =	sor.u32 s3, s0;
	s1 =	sshll.u32 s1, $0x11  }
0xc1: {  	s0 =	sor.u32 s1, s0  }
0xc2: {  	s0 =	sadd.s32 $0x8F2B, s0  }
0xc3: {  	[sflag:s0] =	ssyncadd.remote.s32 $0x1  }
0xc4: {  	_ =	sfence.sel $0xFFFF  }
0xc5: {  	[dreg:$0x0] =	wrdreg $0xFFFFFFFF;
	(pc) =	sbr.abs _section_cstart, $3  }
0xc6: {  	[dreg:$0x1] =	wrdreg $0xFFFFFFFF  }
0xc7: {  	_ =	task.clear_ibuf [dreg:s7], $0x2FFFF;
	_ =	strace $0x9FFFFFFF  }
0xc8: {  	(tm) =	ssettm $0x7FFFFFFF  }
0xc9: {  	_ =	shalt  }
tec
execute0_lowered:
.L_overlay_start_1:
0x0: {  	(tag) =	ssettag $0x1  }
0x1: {  	s0 =	rddreg [dreg:$0x0]  }
0x2: {  	s1 =	rddreg [dreg:$0x1];
	s3 =	simm.s32 $0x0  }
0x3: {  	s2 =	srdreg.scid;
	s7 =	stileid.u32;
	s15 =	simm.s32 $0x1  }
0x4: {  	s16 =	simm.s32 $0x200;
	s19 =	simm.s32 $0xC200;
	s20 =	simm.s32 $0xCA00  }
0x5: {  	s21 =	simm.s32 $0xD200;
	s22 =	simm.s32 $0xDA00;
	s23 =	simm.s32 $0xE200  }
0x6: {  	s24 =	simm.s32 $0xEA00;
	s25 =	simm.s32 $0xF200;
	s28 =	simm.s32 $0x2  }
0x7: {  	s29 =	simm.s32 $0x3;
	[smem:$0x7FF] =	sst s3;
	s4 =	sadd.s32 $0x43AC00, s0  }
0x8: {  	s2 =	sand.u32 $0x1, s2;
	s5 =	sadd.s32 $0x43A400, s0;
	s30 =	sshll.u32 s7, $0x9  }
0x9: {  	s7 =	sadd.s32 $0x43A410, s0;
	s8 =	sadd.s32 $0x43AD00, s0;
	s26 =	ssub.s32 $0x2, s2  }
0xa: {  	s9 =	sadd.s32 $0x43AE00, s0;
	s10 =	sadd.s32 $0x43AF00, s0;
	s6 =	sshrl.u32 s26, $0x1  }
0xb: {  	v2 =	vlaneseq.u32;
	_ =	strace $0x8000004A;
	s2 =	sshll.u32 s2, $0x8;
	s3 =	ssub.s32 s26, s6  }
0xc: {  	vm0 =	vmmov $0xffff;
	v1 =	vshrl.u32 v2, $0x3;
	s6 =	sor.u32 s2, s30;
	s26 =	simm.s32 $0xFA00;
	s31 =	smax.u32 s3, $0x1  }
0xd: {  	v0 =	vand.u32 $0x7, v2;
	v2 =	vor.u32 $0x8, v2;
	v1 =	vmul.u32 $0x8, v1;
	s2 =	simm.s32 $0x0;
	s3 =	simm.s32 $0x8200;
	[dreg:$0x3] =	wrdreg s31  }
.LBB2_1:
0xe: {  	[dreg:$0x4] =	wrdreg s2;
	s30 =	simm.s32 $0x0  }
.LBB2_2:
0xf: {  	s2 =	sshll.u32 s30, $0x5  }
0x10: {  	s0 =	sadd.s32 s6, s2  }
0x11: {  	s11 =	sshll.u32 s0, $0x1  }
0x12: {  	s17 =	sand.u32 $0x60, s2;
	s12 =	sand.u32 $0x3F00, s11  }
0x13: {  	s11 =	sor.u32 s17, s12;
	s2 =	sor.u32 s2, s12  }
0x14: {  	s31 =	sor.u32 $0x10, s0;
	s11 =	sshrl.u32 s11, $0x3;
	s2 =	sshrl.u32 s2, $0x3  }
0x15: {  	s13 =	sadd.s32 s5, s11;
	s11 =	simm.s32 $0x0;
	s2 =	sor.u32 $0x10, s2  }
0x16: {  	[tilespmem:s11], [sflag:$0x1] =	stream.linear.gather [hbm4b:s13+s11], $0x10, $0x38;
	[tilespmem:$0x10200] =	vst v63  }
0x17: {  	s18 =	simm.s32 $0x80;
	s14 =	sand.u32 $0x70, s31;
	s2 =	sadd.s32 s5, s2  }
0x18: {  	[tilespmem:s18], [sflag:$0x1] =	stream.linear.gather [hbm4b:s2+s11], $0x10, $0x38;
	[tilespmem:$0x10200] =	vst v63  }
0x19: {  	s2 =	sor.u32 s14, s12  }
0x1a: {  	s2 =	sshrl.u32 s2, $0x3  }
0x1b: {  	s18 =	simm.s32 $0x100;
	s17 =	sadd.s32 s5, s2  }
0x1c: {  	[tilespmem:s18], [sflag:$0x1] =	stream.linear.gather [hbm4b:s17+s11], $0x10, $0x38;
	[tilespmem:$0x10200] =	vst v63  }
0x1d: {  	s14 =	simm.s32 $0x180;
	s2 =	sadd.s32 s2, s7  }
0x1e: {  	[tilespmem:s14], [sflag:$0x1] =	stream.linear.gather [hbm4b:s2+s11], $0x10, $0x38;
	[tilespmem:$0x10200] =	vst v63  }
0x1f: {  	_ =	swait.ge [sflag:s15], $0x10  }
0x20: {  	[sflag:s15] =	ssyncset.done $0x0  }
0x21: {  	[sflag:s15] =	ssyncadd.s32 $0xFFFFFFF0  }
0x22: {  	_ =	swait.ge [sflag:s15], $0x10  }
0x23: {  	[sflag:s15] =	ssyncset.done $0x0  }
0x24: {  	[sflag:s15] =	ssyncadd.s32 $0xFFFFFFF0  }
0x25: {  	v3 =	vld [tilespmem:$0x0];
	_ =	sdelay $0x4  }
0x26: {  	v4 =	vshll.u32 v3, $0x3  }
0x27: {  	v3 =	vand.u32 $0x7, v3;
	v4 =	vand.u32 $0xFFFFFFC0, v4  }
0x28: {  	v3 =	vor.u32 v3, v4  }
0x29: {  	v4 =	vperm.xlane v3, v0;
	_ =	sdelay $0x1  }
0x2a: {  	v4 =	vadd.s32 v1, v4;
	_ =	sdelay $0x4  }
0x2b: {  	[tilespmem:s16], [sflag:$0x2] =	stream.indirect_vreg.gather [hbm4b:s4+s11], $0x80, v4, vm0, $0xb8;
	[tilespmem:$0x10200] =	vst v63  }
0x2c: {  	s17 =	simm.s32 $0xA00;
	v3 =	vperm.xlane v3, v2  }
0x2d: {  	[tilespmem:s17], [sflag:$0x2] =	stream.indirect_vreg.gather [hbm4b:s8+s11], $0x80, v4, vm0, $0xb8;
	[tilespmem:$0x10200] =	vst v63  }
0x2e: {  	s18 =	simm.s32 $0x1200;
	v3 =	vadd.s32 v1, v3  }
0x2f: {  	[tilespmem:s18], [sflag:$0x2] =	stream.indirect_vreg.gather [hbm4b:s9+s11], $0x80, v4, vm0, $0xb8;
	[tilespmem:$0x10200] =	vst v63  }
0x30: {  	s12 =	simm.s32 $0x1A00  }
0x31: {  	[tilespmem:s12], [sflag:$0x2] =	stream.indirect_vreg.gather [hbm4b:s10+s11], $0x80, v4, vm0, $0xb8;
	[tilespmem:$0x10200] =	vst v63  }
0x32: {  	s13 =	simm.s32 $0x2200  }
0x33: {  	[tilespmem:s13], [sflag:$0x2] =	stream.indirect_vreg.gather [hbm4b:s4+s11], $0x80, v3, vm0, $0xb8;
	[tilespmem:$0x10200] =	vst v63  }
0x34: {  	s14 =	simm.s32 $0x2A00  }
0x35: {  	[tilespmem:s14], [sflag:$0x2] =	stream.indirect_vreg.gather [hbm4b:s8+s11], $0x80, v3, vm0, $0xb8;
	[tilespmem:$0x10200] =	vst v63  }
0x36: {  	s17 =	simm.s32 $0x3200  }
0x37: {  	[tilespmem:s17], [sflag:$0x2] =	stream.indirect_vreg.gather [hbm4b:s9+s11], $0x80, v3, vm0, $0xb8;
	[tilespmem:$0x10200] =	vst v63  }
0x38: {  	s18 =	simm.s32 $0x3A00  }
0x39: {  	[tilespmem:s18], [sflag:$0x2] =	stream.indirect_vreg.gather [hbm4b:s10+s11], $0x80, v3, vm0, $0xb8;
	[tilespmem:$0x10200] =	vst v63  }
0x3a: {  	v3 =	vld [tilespmem:$0x80];
	_ =	sdelay $0x4  }
0x3b: {  	v61 =	vshll.u32 v3, $0x3  }
0x3c: {  	v3 =	vand.u32 $0x7, v3;
	v4 =	vand.u32 $0xFFFFFFC0, v61  }
0x3d: {  	v3 =	vor.u32 v3, v4  }
0x3e: {  	v4 =	vperm.xlane v3, v0;
	_ =	sdelay $0x1  }
0x3f: {  	v4 =	vadd.s32 v1, v4;
	_ =	sdelay $0x3  }
0x40: {  	s12 =	simm.s32 $0x4200  }
0x41: {  	[tilespmem:s12], [sflag:$0x2] =	stream.indirect_vreg.gather [hbm4b:s4+s11], $0x80, v4, vm0, $0xb8;
	[tilespmem:$0x10200] =	vst v63  }
0x42: {  	s13 =	simm.s32 $0x4A00;
	v3 =	vperm.xlane v3, v2  }
0x43: {  	[tilespmem:s13], [sflag:$0x2] =	stream.indirect_vreg.gather [hbm4b:s8+s11], $0x80, v4, vm0, $0xb8;
	[tilespmem:$0x10200] =	vst v63  }
0x44: {  	s14 =	simm.s32 $0x5200;
	v3 =	vadd.s32 v1, v3  }
0x45: {  	[tilespmem:s14], [sflag:$0x2] =	stream.indirect_vreg.gather [hbm4b:s9+s11], $0x80, v4, vm0, $0xb8;
	[tilespmem:$0x10200] =	vst v63  }
0x46: {  	s17 =	simm.s32 $0x5A00  }
0x47: {  	[tilespmem:s17], [sflag:$0x2] =	stream.indirect_vreg.gather [hbm4b:s10+s11], $0x80, v4, vm0, $0xb8;
	[tilespmem:$0x10200] =	vst v63  }
0x48: {  	s18 =	simm.s32 $0x6200  }
0x49: {  	[tilespmem:s18], [sflag:$0x2] =	stream.indirect_vreg.gather [hbm4b:s4+s11], $0x80, v3, vm0, $0xb8;
	[tilespmem:$0x10200] =	vst v63  }
0x4a: {  	s12 =	simm.s32 $0x6A00  }
0x4b: {  	[tilespmem:s12], [sflag:$0x2] =	stream.indirect_vreg.gather [hbm4b:s8+s11], $0x80, v3, vm0, $0xb8;
	[tilespmem:$0x10200] =	vst v63  }
0x4c: {  	s13 =	simm.s32 $0x7200  }
0x4d: {  	[tilespmem:s13], [sflag:$0x2] =	stream.indirect_vreg.gather [hbm4b:s9+s11], $0x80, v3, vm0, $0xb8;
	[tilespmem:$0x10200] =	vst v63  }
0x4e: {  	s14 =	simm.s32 $0x7A00  }
0x4f: {  	[tilespmem:s14], [sflag:$0x2] =	stream.indirect_vreg.gather [hbm4b:s10+s11], $0x80, v3, vm0, $0xb8;
	[tilespmem:$0x10200] =	vst v63  }
0x50: {  	_ =	swait.ge [sflag:s15], $0x10  }
0x51: {  	[sflag:s15] =	ssyncset.done $0x0  }
0x52: {  	[sflag:s15] =	ssyncadd.s32 $0xFFFFFFF0  }
0x53: {  	_ =	swait.ge [sflag:s15], $0x10  }
0x54: {  	[sflag:s15] =	ssyncset.done $0x0  }
0x55: {  	[sflag:s15] =	ssyncadd.s32 $0xFFFFFFF0  }
0x56: {  	v3 =	vld [tilespmem:$0x100];
	_ =	sdelay $0x4  }
0x57: {  	v62 =	vshll.u32 v3, $0x3  }
0x58: {  	v3 =	vand.u32 $0x7, v3;
	v4 =	vand.u32 $0xFFFFFFC0, v62  }
0x59: {  	v3 =	vor.u32 v3, v4  }
0x5a: {  	v4 =	vperm.xlane v3, v0;
	_ =	sdelay $0x1  }
0x5b: {  	v4 =	vadd.s32 v1, v4;
	_ =	sdelay $0x4  }
0x5c: {  	[tilespmem:s3], [sflag:$0x2] =	stream.indirect_vreg.gather [hbm4b:s4+s11], $0x80, v4, vm0, $0xb8;
	[tilespmem:$0x10200] =	vst v63  }
0x5d: {  	s17 =	simm.s32 $0x8A00;
	v3 =	vperm.xlane v3, v2  }
0x5e: {  	[tilespmem:s17], [sflag:$0x2] =	stream.indirect_vreg.gather [hbm4b:s8+s11], $0x80, v4, vm0, $0xb8;
	[tilespmem:$0x10200] =	vst v63  }
0x5f: {  	s18 =	simm.s32 $0x9200;
	v3 =	vadd.s32 v1, v3  }
0x60: {  	[tilespmem:s18], [sflag:$0x2] =	stream.indirect_vreg.gather [hbm4b:s9+s11], $0x80, v4, vm0, $0xb8;
	[tilespmem:$0x10200] =	vst v63  }
0x61: {  	s12 =	simm.s32 $0x9A00  }
0x62: {  	[tilespmem:s12], [sflag:$0x2] =	stream.indirect_vreg.gather [hbm4b:s10+s11], $0x80, v4, vm0, $0xb8;
	[tilespmem:$0x10200] =	vst v63  }
0x63: {  	s13 =	simm.s32 $0xA200  }
0x64: {  	[tilespmem:s13], [sflag:$0x2] =	stream.indirect_vreg.gather [hbm4b:s4+s11], $0x80, v3, vm0, $0xb8;
	[tilespmem:$0x10200] =	vst v63  }
0x65: {  	s14 =	simm.s32 $0xAA00  }
0x66: {  	[tilespmem:s14], [sflag:$0x2] =	stream.indirect_vreg.gather [hbm4b:s8+s11], $0x80, v3, vm0, $0xb8;
	[tilespmem:$0x10200] =	vst v63  }
0x67: {  	s17 =	simm.s32 $0xB200  }
0x68: {  	[tilespmem:s17], [sflag:$0x2] =	stream.indirect_vreg.gather [hbm4b:s9+s11], $0x80, v3, vm0, $0xb8;
	[tilespmem:$0x10200] =	vst v63  }
0x69: {  	s18 =	simm.s32 $0xBA00  }
0x6a: {  	[tilespmem:s18], [sflag:$0x2] =	stream.indirect_vreg.gather [hbm4b:s10+s11], $0x80, v3, vm0, $0xb8;
	[tilespmem:$0x10200] =	vst v63  }
0x6b: {  	v3 =	vld [tilespmem:$0x180];
	_ =	sdelay $0x4  }
0x6c: {  	v63 =	vshll.u32 v3, $0x3  }
0x6d: {  	v3 =	vand.u32 $0x7, v3;
	v4 =	vand.u32 $0xFFFFFFC0, v63  }
0x6e: {  	v3 =	vor.u32 v3, v4  }
0x6f: {  	v4 =	vperm.xlane v3, v0;
	_ =	sdelay $0x1  }
0x70: {  	v4 =	vadd.s32 v1, v4;
	_ =	sdelay $0x4  }
0x71: {  	[tilespmem:s19], [sflag:$0x2] =	stream.indirect_vreg.gather [hbm4b:s4+s11], $0x80, v4, vm0, $0xb8;
	[tilespmem:$0x10200] =	vst v63  }
0x72: {  	v3 =	vperm.xlane v3, v2  }
0x73: {  	[tilespmem:s20], [sflag:$0x2] =	stream.indirect_vreg.gather [hbm4b:s8+s11], $0x80, v4, vm0, $0xb8;
	[tilespmem:$0x10200] =	vst v63  }
0x74: {  	v3 =	vadd.s32 v1, v3  }
0x75: {  	[tilespmem:s21], [sflag:$0x2] =	stream.indirect_vreg.gather [hbm4b:s9+s11], $0x80, v4, vm0, $0xb8;
	[tilespmem:$0x10200] =	vst v63  }
0x76: {  	_ = 	snop  }
0x77: {  	[tilespmem:s22], [sflag:$0x2] =	stream.indirect_vreg.gather [hbm4b:s10+s11], $0x80, v4, vm0, $0xb8;
	[tilespmem:$0x10200] =	vst v63  }
0x78: {  	_ = 	snop  }
0x79: {  	[tilespmem:s23], [sflag:$0x2] =	stream.indirect_vreg.gather [hbm4b:s4+s11], $0x80, v3, vm0, $0xb8;
	[tilespmem:$0x10200] =	vst v63  }
0x7a: {  	_ = 	snop  }
0x7b: {  	[tilespmem:s24], [sflag:$0x2] =	stream.indirect_vreg.gather [hbm4b:s8+s11], $0x80, v3, vm0, $0xb8;
	[tilespmem:$0x10200] =	vst v63  }
0x7c: {  	_ = 	snop  }
0x7d: {  	[tilespmem:s25], [sflag:$0x2] =	stream.indirect_vreg.gather [hbm4b:s9+s11], $0x80, v3, vm0, $0xb8;
	[tilespmem:$0x10200] =	vst v63  }
0x7e: {  	_ = 	snop  }
0x7f: {  	[tilespmem:s26], [sflag:$0x2] =	stream.indirect_vreg.gather [hbm4b:s10+s11], $0x80, v3, vm0, $0xb8;
	[tilespmem:$0x10200] =	vst v63  }
0x80: {  	_ =	swait.ge [sflag:s28], $0x4000  }
0x81: {  	[sflag:s28] =	ssyncset.done $0x0  }
0x82: {  	[sflag:s28] =	ssyncadd.s32 $0xFFFFC000  }
0x83: {  	_ =	swait.ge [sflag:s28], $0x4000  }
0x84: {  	s2 =	simm.s32 $0xFFFFC000;
	[sflag:s28] =	ssyncset.done $0x0  }
0x85: {  	s12 =	simm.s32 $0x0;
	s13 =	simm.s32 $0x0;
	[sflag:s28] =	ssyncadd.s32 $0xFFFFC000  }
.LBB2_3:
0x86: {  	s14 =	sadd.s32 $0x4000, s2  }
0x87: {  	s17 =	sand.u32 $0x380, s13;
	s14 =	sand.u32 $0x2000, s14  }
0x88: {  	s14 =	sor.u32 s17, s14  }
0x89: {  	v3 =	vld [tilespmem:s14+$0x200]  }
0x8a: {  	v4 =	vld [tilespmem:s14+$0x4200]  }
0x8b: {  	v5 =	vld [tilespmem:s14+$0x210]  }
0x8c: {  	v6 =	vld [tilespmem:s14+$0x4210]  }
0x8d: {  	v7 =	vld [tilespmem:s14+$0x220]  }
0x8e: {  	v8 =	vld [tilespmem:s14+$0x4220]  }
0x8f: {  	v9 =	vld [tilespmem:s14+$0x230]  }
0x90: {  	v10 =	vld [tilespmem:s14+$0x4230]  }
0x91: {  	v11 =	vld [tilespmem:s14+$0x240]  }
0x92: {  	v12 =	vld [tilespmem:s14+$0x4240]  }
0x93: {  	v13 =	vld [tilespmem:s14+$0x250]  }
0x94: {  	v14 =	vld [tilespmem:s14+$0x4250]  }
0x95: {  	v15 =	vld [tilespmem:s14+$0x260]  }
0x96: {  	v16 =	vld [tilespmem:s14+$0x4260]  }
0x97: {  	v17 =	vld [tilespmem:s14+$0x270]  }
0x98: {  	v18 =	vld [tilespmem:s14+$0x4270]  }
0x99: {  	v19 =	vld [tilespmem:s14+$0x600]  }
0x9a: {  	v20 =	vld [tilespmem:s14+$0x4600]  }
0x9b: {  	v21 =	vld [tilespmem:s14+$0x610]  }
0x9c: {  	v22 =	vld [tilespmem:s14+$0x4610]  }
0x9d: {  	v23 =	vld [tilespmem:s14+$0x620]  }
0x9e: {  	v24 =	vld [tilespmem:s14+$0x4620]  }
0x9f: {  	v25 =	vld [tilespmem:s14+$0x630]  }
0xa0: {  	v26 =	vld [tilespmem:s14+$0x4630]  }
0xa1: {  	v27 =	vld [tilespmem:s14+$0x640]  }
0xa2: {  	v28 =	vld [tilespmem:s14+$0x4640]  }
0xa3: {  	v29 =	vld [tilespmem:s14+$0x650]  }
0xa4: {  	v30 =	vld [tilespmem:s14+$0x4650]  }
0xa5: {  	v31 =	vld [tilespmem:s14+$0x660]  }
0xa6: {  	v32 =	vld [tilespmem:s14+$0x4660]  }
0xa7: {  	v33 =	vld [tilespmem:s14+$0x670]  }
0xa8: {  	v34 =	vld [tilespmem:s14+$0x4670]  }
0xa9: {  	v35 =	vld [tilespmem:s14+$0xA00]  }
0xaa: {  	v36 =	vld [tilespmem:s14+$0x4A00]  }
0xab: {  	v37 =	vld [tilespmem:s14+$0xA10]  }
0xac: {  	v38 =	vld [tilespmem:s14+$0x4A10]  }
0xad: {  	v39 =	vld [tilespmem:s14+$0xA20]  }
0xae: {  	v40 =	vld [tilespmem:s14+$0x4A20]  }
0xaf: {  	v41 =	vld [tilespmem:s14+$0xA30]  }
0xb0: {  	v42 =	vld [tilespmem:s14+$0x4A30]  }
0xb1: {  	v43 =	vld [tilespmem:s14+$0xA40]  }
0xb2: {  	v44 =	vld [tilespmem:s14+$0x4A40]  }
0xb3: {  	v45 =	vld [tilespmem:s14+$0xA50]  }
0xb4: {  	v46 =	vld [tilespmem:s14+$0x4A50]  }
0xb5: {  	v47 =	vld [tilespmem:s14+$0xA60]  }
0xb6: {  	v48 =	vld [tilespmem:s14+$0x4A60]  }
0xb7: {  	v49 =	vld [tilespmem:s14+$0xA70]  }
0xb8: {  	v50 =	vld [tilespmem:s14+$0x4A70]  }
0xb9: {  	v51 =	vld [tilespmem:s14+$0xE00]  }
0xba: {  	v52 =	vld [tilespmem:s14+$0x4E00]  }
0xbb: {  	v53 =	vld [tilespmem:s14+$0xE10]  }
0xbc: {  	v54 =	vld [tilespmem:s14+$0x4E10]  }
0xbd: {  	v55 =	vld [tilespmem:s14+$0xE20]  }
0xbe: {  	v56 =	vld [tilespmem:s14+$0x4E20]  }
0xbf: {  	v57 =	vld [tilespmem:s14+$0xE30]  }
0xc0: {  	v58 =	vld [tilespmem:s14+$0x4E30]  }
0xc1: {  	v59 =	vld [tilespmem:s14+$0xE40]  }
0xc2: {  	v60 =	vld [tilespmem:s14+$0x4E40]  }
0xc3: {  	v61 =	vld [tilespmem:s14+$0xE50]  }
0xc4: {  	v62 =	vld [tilespmem:s14+$0x4E50]  }
0xc5: {  	v63 =	vld [tilespmem:s14+$0xE60]  }
0xc6: {  	v3 =	vadd.f32 v4, v3;
	v4 =	vld [tilespmem:s14+$0x4E60]  }
0xc7: {  	v5 =	vadd.f32 v6, v5;
	v6 =	vld [tilespmem:s14+$0xE70]  }
0xc8: {  	v14 =	vadd.f32 v14, v13;
	v13 =	vld [tilespmem:s14+$0x5220];
	[tilespmem:s14+$0x200] =	vst v3;
	v3 =	vadd.f32 v8, v7  }
0xc9: {  	v18 =	vadd.f32 v18, v17;
	v17 =	vld [tilespmem:s14+$0x5240];
	[tilespmem:s14+$0x210] =	vst v5  }
0xca: {  	v22 =	vadd.f32 v22, v21;
	v21 =	vld [tilespmem:s14+$0x5260];
	[tilespmem:s14+$0x220] =	vst v3;
	v3 =	vadd.f32 v12, v11  }
0xcb: {  	v7 =	vld [tilespmem:s14+$0x4E70];
	[tilespmem:s14+$0x250] =	vst v14  }
0xcc: {  	v8 =	vld [tilespmem:s14+$0x1200];
	[tilespmem:s14+$0x240] =	vst v3;
	v3 =	vadd.f32 v16, v15  }
0xcd: {  	v5 =	vadd.f32 v10, v9;
	v9 =	vld [tilespmem:s14+$0x5200];
	[tilespmem:s14+$0x270] =	vst v18  }
0xce: {  	v10 =	vld [tilespmem:s14+$0x1210];
	[tilespmem:s14+$0x260] =	vst v3;
	v3 =	vadd.f32 v20, v19  }
0xcf: {  	v26 =	vadd.f32 v26, v25;
	v14 =	vld [tilespmem:s14+$0x1230];
	[tilespmem:s14+$0x610] =	vst v22  }
0xd0: {  	v18 =	vld [tilespmem:s14+$0x1250];
	[tilespmem:s14+$0x600] =	vst v3;
	v3 =	vadd.f32 v24, v23  }
0xd1: {  	v30 =	vadd.f32 v30, v29;
	[tilespmem:s14+$0x630] =	vst v26;
	v22 =	vld [tilespmem:s14+$0x1270]  }
0xd2: {  	v19 =	vld [tilespmem:s14+$0x5250];
	[tilespmem:s14+$0x620] =	vst v3;
	v3 =	vadd.f32 v28, v27  }
0xd3: {  	v34 =	vadd.f32 v34, v33;
	[tilespmem:s14+$0x650] =	vst v30;
	v11 =	vld [tilespmem:s14+$0x5210]  }
0xd4: {  	v12 =	vld [tilespmem:s14+$0x1220];
	[tilespmem:s14+$0x640] =	vst v3;
	v3 =	vadd.f32 v32, v31  }
0xd5: {  	[tilespmem:s14+$0x670] =	vst v34;
	v15 =	vld [tilespmem:s14+$0x5230]  }
0xd6: {  	v16 =	vld [tilespmem:s14+$0x1240];
	[tilespmem:s14+$0x660] =	vst v3;
	v3 =	vadd.f32 v36, v35  }
0xd7: {  	[tilespmem:s14+$0x230] =	vst v5;
	v20 =	vld [tilespmem:s14+$0x1260];
	v19 =	vadd.f32 v19, v18  }
0xd8: {  	v24 =	vld [tilespmem:s14+$0x1600];
	[tilespmem:s14+$0xA00] =	vst v3;
	v3 =	vadd.f32 v40, v39  }
0xd9: {  	[tilespmem:s14+$0x1250] =	vst v19;
	v36 =	vadd.f32 v38, v37;
	v37 =	vld [tilespmem:s14+$0x5270]  }
0xda: {  	v38 =	vadd.f32 v42, v41;
	v41 =	vld [tilespmem:s14+$0x1610];
	[tilespmem:s14+$0xA20] =	vst v3;
	v3 =	vadd.f32 v44, v43  }
0xdb: {  	v42 =	vld [tilespmem:s14+$0x5610];
	[tilespmem:s14+$0xA10] =	vst v36  }
0xdc: {  	v35 =	vld [tilespmem:s14+$0x1A10];
	[tilespmem:s14+$0xA40] =	vst v3;
	v3 =	vadd.f32 v48, v47  }
0xdd: {  	v39 =	vld [tilespmem:s14+$0x5600];
	[tilespmem:s14+$0xA30] =	vst v38;
	v40 =	vadd.f32 v46, v45  }
0xde: {  	v45 =	vld [tilespmem:s14+$0x5620];
	[tilespmem:s14+$0xA60] =	vst v3;
	v3 =	vadd.f32 v52, v51  }
0xdf: {  	v46 =	vadd.f32 v54, v53;
	v53 =	vld [tilespmem:s14+$0x1650];
	[tilespmem:s14+$0xA50] =	vst v40  }
0xe0: {  	v54 =	vld [tilespmem:s14+$0x5650];
	[tilespmem:s14+$0xE00] =	vst v3;
	v3 =	vadd.f32 v56, v55  }
0xe1: {  	v36 =	vld [tilespmem:s14+$0x5A10];
	v43 =	vadd.f32 v50, v49;
	[tilespmem:s14+$0xE10] =	vst v46  }
0xe2: {  	v38 =	vld [tilespmem:s14+$0x1A20];
	[tilespmem:s14+$0xE20] =	vst v3;
	v3 =	vadd.f32 v60, v59  }
0xe3: {  	v44 =	vld [tilespmem:s14+$0x1620];
	v49 =	vadd.f32 v58, v57;
	[tilespmem:s14+$0xA70] =	vst v43  }
0xe4: {  	v50 =	vld [tilespmem:s14+$0x1640];
	[tilespmem:s14+$0xE40] =	vst v3;
	v3 =	vadd.f32 v4, v63  }
0xe5: {  	v57 =	vld [tilespmem:s14+$0x5660];
	v58 =	vadd.f32 v11, v10;
	[tilespmem:s14+$0xE30] =	vst v49  }
0xe6: {  	v46 =	vld [tilespmem:s14+$0x5A50];
	[tilespmem:s14+$0xE60] =	vst v3;
	v3 =	vadd.f32 v9, v8  }
0xe7: {  	v37 =	vadd.f32 v37, v22;
	v40 =	vadd.f32 v42, v41;
	v41 =	vld [tilespmem:s14+$0x1A30];
	[tilespmem:s14+$0x1210] =	vst v58  }
0xe8: {  	v42 =	vld [tilespmem:s14+$0x5A30];
	[tilespmem:s14+$0x1200] =	vst v3;
	v3 =	vadd.f32 v13, v12  }
0xe9: {  	v47 =	vld [tilespmem:s14+$0x1630];
	[tilespmem:s14+$0x1270] =	vst v37  }
0xea: {  	v48 =	vld [tilespmem:s14+$0x5630];
	[tilespmem:s14+$0x1220] =	vst v3;
	v3 =	vadd.f32 v17, v16  }
0xeb: {  	v49 =	vld [tilespmem:s14+$0x5A60];
	[tilespmem:s14+$0x1610] =	vst v40;
	v52 =	vadd.f32 v62, v61  }
0xec: {  	v51 =	vld [tilespmem:s14+$0x5640];
	[tilespmem:s14+$0x1240] =	vst v3;
	v3 =	vadd.f32 v21, v20  }
0xed: {  	v61 =	vadd.f32 v15, v14;
	v62 =	vld [tilespmem:s14+$0x1A00];
	[tilespmem:s14+$0xE50] =	vst v52  }
0xee: {  	v56 =	vld [tilespmem:s14+$0x1660];
	[tilespmem:s14+$0x1260] =	vst v3;
	v3 =	vadd.f32 v39, v24  }
0xef: {  	v55 =	vadd.f32 v7, v6;
	[tilespmem:s14+$0x1230] =	vst v61;
	v52 =	vld [tilespmem:s14+$0x5A70]  }
0xf0: {  	v43 =	vadd.f32 v48, v47;
	v47 =	vld [tilespmem:s14+$0x1A60];
	[tilespmem:s14+$0x1600] =	vst v3;
	v3 =	vadd.f32 v45, v44  }
0xf1: {  	[tilespmem:s14+$0xE70] =	vst v55;
	v63 =	vld [tilespmem:s14+$0x5A00]  }
0xf2: {  	v59 =	vld [tilespmem:s14+$0x1670];
	[tilespmem:s14+$0x1620] =	vst v3;
	v3 =	vadd.f32 v51, v50  }
0xf3: {  	[tilespmem:s14+$0x1630] =	vst v43;
	v4 =	vadd.f32 v54, v53;
	v39 =	vld [tilespmem:s14+$0x5A20]  }
0xf4: {  	v60 =	vld [tilespmem:s14+$0x5670];
	[tilespmem:s14+$0x1640] =	vst v3;
	v3 =	vadd.f32 v57, v56  }
0xf5: {  	v54 =	vadd.f32 v42, v41;
	[tilespmem:s14+$0x1650] =	vst v4;
	v45 =	vld [tilespmem:s14+$0x1A50]  }
0xf6: {  	v53 =	vld [tilespmem:s14+$0x5A40];
	[tilespmem:s14+$0x1660] =	vst v3;
	v3 =	vadd.f32 v63, v62  }
0xf7: {  	[tilespmem:s14+$0x1A30] =	vst v54;
	v55 =	vadd.f32 v49, v47;
	v50 =	vld [tilespmem:s14+$0x1A70]  }
0xf8: {  	v44 =	vld [tilespmem:s14+$0x1A40];
	[tilespmem:s14+$0x1A00] =	vst v3;
	v3 =	vadd.f32 v39, v38  }
0xf9: {  	v48 =	vadd.f32 v60, v59;
	[tilespmem:s14+$0x1A60] =	vst v55  }
0xfa: {  	[tilespmem:s14+$0x1A20] =	vst v3;
	v3 =	vadd.f32 v46, v45  }
0xfb: {  	s18 =	sand.u32 $0x7, s11;
	[tilespmem:s14+$0x1670] =	vst v48;
	v51 =	vadd.f32 v36, v35  }
0xfc: {  	s17 =	sshll.u32 s18, $0x7;
	[tilespmem:s14+$0x1A50] =	vst v3;
	v3 =	vadd.f32 v52, v50  }
0xfd: {  	s17 =	sadd.s32 s17, s12;
	[tilespmem:s14+$0x1A10] =	vst v51;
	v56 =	vadd.f32 v53, v44  }
0xfe: {  	s18 =	sor.u32 $0x1C00, s17;
	[tilespmem:s14+$0x1A70] =	vst v3  }
0xff: {  	[tilespmem:s14+$0x1A40] =	vst v56;
	v3 =	vld [tilespmem:s18+$0x200]  }
0x100: {  	v4 =	vld [tilespmem:s18+$0x4200];
	_ =	sdelay $0x4  }
0x101: {  	v3 =	vadd.f32 v4, v3;
	_ =	sdelay $0x1  }
0x102: {  	[tilespmem:s18+$0x200] =	vst v3;
	s18 =	sor.u32 $0x1C10, s17  }
0x103: {  	v3 =	vld [tilespmem:s18+$0x200]  }
0x104: {  	v57 =	vld [tilespmem:s18+$0x4200];
	_ =	sdelay $0x4  }
0x105: {  	v3 =	vadd.f32 v57, v3;
	_ =	sdelay $0x1  }
0x106: {  	[tilespmem:s18+$0x200] =	vst v3;
	s18 =	sor.u32 $0x1C20, s17  }
0x107: {  	v3 =	vld [tilespmem:s18+$0x200]  }
0x108: {  	v58 =	vld [tilespmem:s18+$0x4200];
	_ =	sdelay $0x4  }
0x109: {  	v3 =	vadd.f32 v58, v3;
	_ =	sdelay $0x1  }
0x10a: {  	[tilespmem:s18+$0x200] =	vst v3;
	s18 =	sor.u32 $0x1C30, s17  }
0x10b: {  	v3 =	vld [tilespmem:s18+$0x200]  }
0x10c: {  	v59 =	vld [tilespmem:s18+$0x4200];
	_ =	sdelay $0x4  }
0x10d: {  	v3 =	vadd.f32 v59, v3;
	_ =	sdelay $0x1  }
0x10e: {  	[tilespmem:s18+$0x200] =	vst v3;
	s18 =	sor.u32 $0x1C40, s17  }
0x10f: {  	v3 =	vld [tilespmem:s18+$0x200]  }
0x110: {  	v60 =	vld [tilespmem:s18+$0x4200];
	_ =	sdelay $0x4  }
0x111: {  	v3 =	vadd.f32 v60, v3;
	_ =	sdelay $0x1  }
0x112: {  	[tilespmem:s18+$0x200] =	vst v3;
	s18 =	sor.u32 $0x1C50, s17  }
0x113: {  	v3 =	vld [tilespmem:s18+$0x200]  }
0x114: {  	v61 =	vld [tilespmem:s18+$0x4200];
	_ =	sdelay $0x4  }
0x115: {  	v3 =	vadd.f32 v61, v3;
	_ =	sdelay $0x1  }
0x116: {  	[tilespmem:s18+$0x200] =	vst v3;
	s18 =	sor.u32 $0x1C60, s17  }
0x117: {  	v3 =	vld [tilespmem:s18+$0x200]  }
0x118: {  	v62 =	vld [tilespmem:s18+$0x4200];
	_ =	sdelay $0x4  }
0x119: {  	v3 =	vadd.f32 v62, v3;
	_ =	sdelay $0x1  }
0x11a: {  	[tilespmem:s18+$0x200] =	vst v3;
	s18 =	sor.u32 $0x1C70, s17  }
0x11b: {  	v3 =	vld [tilespmem:s18+$0x200]  }
0x11c: {  	v63 =	vld [tilespmem:s18+$0x4200];
	_ =	sdelay $0x1  }
0x11d: {  	p0 =	sne.s32 s13, $0x780  }
.Ltmp0:
0x11e: {  	_ = 	snop;
	(pc) =	sbr.rel @p0 .LBB2_3-.Ltmp0, $4  }
0x11f: {  	_ = 	snop  }
0x120: {  	v3 =	vadd.f32 v63, v3  }
0x121: {  	s11 =	sadd.s32 $0x1, s11  }
0x122: {  	s2 =	sadd.s32 $0x400, s2;
	s13 =	sadd.s32 $0x80, s13;
	s12 =	sadd.s32 $0x400, s12;
	[tilespmem:s18+$0x200] =	vst v3  }
0x123: {  	s0 =	sshll.u32 s0, $0x7  }
0x124: {  	s2 =	sadd.s32 s1, s0;
	s0 =	simm.s32 $0x0  }
0x125: {  	[hbm4b:s2+s0] =	stream.linear.scatter [tilespmem:s16], [sflag:$0x3], $0x4000, $0x38;
	[tilespmem:$0x10200] =	vst v63  }
0x126: {  	_ =	swait.ge [sflag:s28], $0x4000  }
0x127: {  	[sflag:s28] =	ssyncset.done $0x0  }
0x128: {  	[sflag:s28] =	ssyncadd.s32 $0xFFFFC000  }
0x129: {  	_ =	swait.ge [sflag:s28], $0x4000  }
0x12a: {  	s11 =	simm.s32 $0x0;
	[sflag:s28] =	ssyncset.done $0x0  }
0x12b: {  	s12 =	simm.s32 $0x0;
	s2 =	simm.s32 $0xFFFFC000;
	[sflag:s28] =	ssyncadd.s32 $0xFFFFC000  }
.LBB2_5:
0x12c: {  	s13 =	sadd.s32 $0x4000, s2  }
0x12d: {  	s14 =	sand.u32 $0x380, s12;
	s13 =	sand.u32 $0x2000, s13  }
0x12e: {  	s13 =	sor.u32 s14, s13  }
0x12f: {  	v3 =	vld [tilespmem:s13+$0x8200]  }
0x130: {  	v4 =	vld [tilespmem:s13+$0xC200]  }
0x131: {  	v5 =	vld [tilespmem:s13+$0x8210]  }
0x132: {  	v6 =	vld [tilespmem:s13+$0xC210]  }
0x133: {  	v7 =	vld [tilespmem:s13+$0x8220]  }
0x134: {  	v8 =	vld [tilespmem:s13+$0xC220]  }
0x135: {  	v9 =	vld [tilespmem:s13+$0x8230]  }
0x136: {  	v10 =	vld [tilespmem:s13+$0xC230]  }
0x137: {  	v11 =	vld [tilespmem:s13+$0x8240]  }
0x138: {  	v12 =	vld [tilespmem:s13+$0xC240]  }
0x139: {  	v13 =	vld [tilespmem:s13+$0x8250]  }
0x13a: {  	v14 =	vld [tilespmem:s13+$0xC250]  }
0x13b: {  	v15 =	vld [tilespmem:s13+$0x8260]  }
0x13c: {  	v16 =	vld [tilespmem:s13+$0xC260]  }
0x13d: {  	v17 =	vld [tilespmem:s13+$0x8270]  }
0x13e: {  	v18 =	vld [tilespmem:s13+$0xC270]  }
0x13f: {  	v19 =	vld [tilespmem:s13+$0x8600]  }
0x140: {  	v20 =	vld [tilespmem:s13+$0xC600]  }
0x141: {  	v21 =	vld [tilespmem:s13+$0x8610]  }
0x142: {  	v22 =	vld [tilespmem:s13+$0xC610]  }
0x143: {  	v23 =	vld [tilespmem:s13+$0x8620]  }
0x144: {  	v24 =	vld [tilespmem:s13+$0xC620]  }
0x145: {  	v25 =	vld [tilespmem:s13+$0x8630]  }
0x146: {  	v26 =	vld [tilespmem:s13+$0xC630]  }
0x147: {  	v27 =	vld [tilespmem:s13+$0x8640]  }
0x148: {  	v28 =	vld [tilespmem:s13+$0xC640]  }
0x149: {  	v29 =	vld [tilespmem:s13+$0x8650]  }
0x14a: {  	v30 =	vld [tilespmem:s13+$0xC650]  }
0x14b: {  	v31 =	vld [tilespmem:s13+$0x8660]  }
0x14c: {  	v32 =	vld [tilespmem:s13+$0xC660]  }
0x14d: {  	v33 =	vld [tilespmem:s13+$0x8670]  }
0x14e: {  	v34 =	vld [tilespmem:s13+$0xC670]  }
0x14f: {  	v35 =	vld [tilespmem:s13+$0x8A00]  }
0x150: {  	v36 =	vld [tilespmem:s13+$0xCA00]  }
0x151: {  	v37 =	vld [tilespmem:s13+$0x8A10]  }
0x152: {  	v38 =	vld [tilespmem:s13+$0xCA10]  }
0x153: {  	v39 =	vld [tilespmem:s13+$0x8A20]  }
0x154: {  	v40 =	vld [tilespmem:s13+$0xCA20]  }
0x155: {  	v41 =	vld [tilespmem:s13+$0x8A30]  }
0x156: {  	v42 =	vld [tilespmem:s13+$0xCA30]  }
0x157: {  	v43 =	vld [tilespmem:s13+$0x8A40]  }
0x158: {  	v44 =	vld [tilespmem:s13+$0xCA40]  }
0x159: {  	v45 =	vld [tilespmem:s13+$0x8A50]  }
0x15a: {  	v46 =	vld [tilespmem:s13+$0xCA50]  }
0x15b: {  	v47 =	vld [tilespmem:s13+$0x8A60]  }
0x15c: {  	v48 =	vld [tilespmem:s13+$0xCA60]  }
0x15d: {  	v49 =	vld [tilespmem:s13+$0x8A70]  }
0x15e: {  	v50 =	vld [tilespmem:s13+$0xCA70]  }
0x15f: {  	v51 =	vld [tilespmem:s13+$0x8E00]  }
0x160: {  	v52 =	vld [tilespmem:s13+$0xCE00]  }
0x161: {  	v53 =	vld [tilespmem:s13+$0x8E10]  }
0x162: {  	v54 =	vld [tilespmem:s13+$0xCE10]  }
0x163: {  	v55 =	vld [tilespmem:s13+$0x8E20]  }
0x164: {  	v56 =	vld [tilespmem:s13+$0xCE20]  }
0x165: {  	v57 =	vld [tilespmem:s13+$0x8E30]  }
0x166: {  	v58 =	vld [tilespmem:s13+$0xCE30]  }
0x167: {  	v59 =	vld [tilespmem:s13+$0x8E40]  }
0x168: {  	v60 =	vld [tilespmem:s13+$0xCE40]  }
0x169: {  	v61 =	vld [tilespmem:s13+$0x8E50]  }
0x16a: {  	v62 =	vld [tilespmem:s13+$0xCE50]  }
0x16b: {  	v63 =	vld [tilespmem:s13+$0x8E60]  }
0x16c: {  	v3 =	vadd.f32 v4, v3;
	v4 =	vld [tilespmem:s13+$0xCE60]  }
0x16d: {  	v5 =	vadd.f32 v6, v5;
	v6 =	vld [tilespmem:s13+$0x8E70]  }
0x16e: {  	v14 =	vadd.f32 v14, v13;
	v13 =	vld [tilespmem:s13+$0xD220];
	[tilespmem:s13+$0x8200] =	vst v3;
	v3 =	vadd.f32 v8, v7  }
0x16f: {  	v18 =	vadd.f32 v18, v17;
	v17 =	vld [tilespmem:s13+$0xD240];
	[tilespmem:s13+$0x8210] =	vst v5  }
0x170: {  	v22 =	vadd.f32 v22, v21;
	v21 =	vld [tilespmem:s13+$0xD260];
	[tilespmem:s13+$0x8220] =	vst v3;
	v3 =	vadd.f32 v12, v11  }
0x171: {  	v7 =	vld [tilespmem:s13+$0xCE70];
	[tilespmem:s13+$0x8250] =	vst v14  }
0x172: {  	v8 =	vld [tilespmem:s13+$0x9200];
	[tilespmem:s13+$0x8240] =	vst v3;
	v3 =	vadd.f32 v16, v15  }
0x173: {  	v5 =	vadd.f32 v10, v9;
	v9 =	vld [tilespmem:s13+$0xD200];
	[tilespmem:s13+$0x8270] =	vst v18  }
0x174: {  	v10 =	vld [tilespmem:s13+$0x9210];
	[tilespmem:s13+$0x8260] =	vst v3;
	v3 =	vadd.f32 v20, v19  }
0x175: {  	v26 =	vadd.f32 v26, v25;
	v14 =	vld [tilespmem:s13+$0x9230];
	[tilespmem:s13+$0x8610] =	vst v22  }
0x176: {  	v18 =	vld [tilespmem:s13+$0x9250];
	[tilespmem:s13+$0x8600] =	vst v3;
	v3 =	vadd.f32 v24, v23  }
0x177: {  	v30 =	vadd.f32 v30, v29;
	[tilespmem:s13+$0x8630] =	vst v26;
	v22 =	vld [tilespmem:s13+$0x9270]  }
0x178: {  	v19 =	vld [tilespmem:s13+$0xD250];
	[tilespmem:s13+$0x8620] =	vst v3;
	v3 =	vadd.f32 v28, v27  }
0x179: {  	v34 =	vadd.f32 v34, v33;
	[tilespmem:s13+$0x8650] =	vst v30;
	v11 =	vld [tilespmem:s13+$0xD210]  }
0x17a: {  	v12 =	vld [tilespmem:s13+$0x9220];
	[tilespmem:s13+$0x8640] =	vst v3;
	v3 =	vadd.f32 v32, v31  }
0x17b: {  	[tilespmem:s13+$0x8670] =	vst v34;
	v15 =	vld [tilespmem:s13+$0xD230]  }
0x17c: {  	v16 =	vld [tilespmem:s13+$0x9240];
	[tilespmem:s13+$0x8660] =	vst v3;
	v3 =	vadd.f32 v36, v35  }
0x17d: {  	[tilespmem:s13+$0x8230] =	vst v5;
	v20 =	vld [tilespmem:s13+$0x9260];
	v19 =	vadd.f32 v19, v18  }
0x17e: {  	v24 =	vld [tilespmem:s13+$0x9600];
	[tilespmem:s13+$0x8A00] =	vst v3;
	v3 =	vadd.f32 v40, v39  }
0x17f: {  	[tilespmem:s13+$0x9250] =	vst v19;
	v36 =	vadd.f32 v38, v37;
	v37 =	vld [tilespmem:s13+$0xD270]  }
0x180: {  	v38 =	vadd.f32 v42, v41;
	v41 =	vld [tilespmem:s13+$0x9610];
	[tilespmem:s13+$0x8A20] =	vst v3;
	v3 =	vadd.f32 v44, v43  }
0x181: {  	v42 =	vld [tilespmem:s13+$0xD610];
	[tilespmem:s13+$0x8A10] =	vst v36  }
0x182: {  	v35 =	vld [tilespmem:s13+$0x9A10];
	[tilespmem:s13+$0x8A40] =	vst v3;
	v3 =	vadd.f32 v48, v47  }
0x183: {  	v39 =	vld [tilespmem:s13+$0xD600];
	[tilespmem:s13+$0x8A30] =	vst v38;
	v40 =	vadd.f32 v46, v45  }
0x184: {  	v45 =	vld [tilespmem:s13+$0xD620];
	[tilespmem:s13+$0x8A60] =	vst v3;
	v3 =	vadd.f32 v52, v51  }
0x185: {  	v46 =	vadd.f32 v54, v53;
	v53 =	vld [tilespmem:s13+$0x9650];
	[tilespmem:s13+$0x8A50] =	vst v40  }
0x186: {  	v54 =	vld [tilespmem:s13+$0xD650];
	[tilespmem:s13+$0x8E00] =	vst v3;
	v3 =	vadd.f32 v56, v55  }
0x187: {  	v36 =	vld [tilespmem:s13+$0xDA10];
	v43 =	vadd.f32 v50, v49;
	[tilespmem:s13+$0x8E10] =	vst v46  }
0x188: {  	v38 =	vld [tilespmem:s13+$0x9A20];
	[tilespmem:s13+$0x8E20] =	vst v3;
	v3 =	vadd.f32 v60, v59  }
0x189: {  	v44 =	vld [tilespmem:s13+$0x9620];
	v49 =	vadd.f32 v58, v57;
	[tilespmem:s13+$0x8A70] =	vst v43  }
0x18a: {  	v50 =	vld [tilespmem:s13+$0x9640];
	[tilespmem:s13+$0x8E40] =	vst v3;
	v3 =	vadd.f32 v4, v63  }
0x18b: {  	v57 =	vld [tilespmem:s13+$0xD660];
	v58 =	vadd.f32 v11, v10;
	[tilespmem:s13+$0x8E30] =	vst v49  }
0x18c: {  	v46 =	vld [tilespmem:s13+$0xDA50];
	[tilespmem:s13+$0x8E60] =	vst v3;
	v3 =	vadd.f32 v9, v8  }
0x18d: {  	v37 =	vadd.f32 v37, v22;
	v40 =	vadd.f32 v42, v41;
	v41 =	vld [tilespmem:s13+$0x9A30];
	[tilespmem:s13+$0x9210] =	vst v58  }
0x18e: {  	v42 =	vld [tilespmem:s13+$0xDA30];
	[tilespmem:s13+$0x9200] =	vst v3;
	v3 =	vadd.f32 v13, v12  }
0x18f: {  	v47 =	vld [tilespmem:s13+$0x9630];
	[tilespmem:s13+$0x9270] =	vst v37  }
0x190: {  	v48 =	vld [tilespmem:s13+$0xD630];
	[tilespmem:s13+$0x9220] =	vst v3;
	v3 =	vadd.f32 v17, v16  }
0x191: {  	v49 =	vld [tilespmem:s13+$0xDA60];
	[tilespmem:s13+$0x9610] =	vst v40;
	v52 =	vadd.f32 v62, v61  }
0x192: {  	v51 =	vld [tilespmem:s13+$0xD640];
	[tilespmem:s13+$0x9240] =	vst v3;
	v3 =	vadd.f32 v21, v20  }
0x193: {  	v61 =	vadd.f32 v15, v14;
	v62 =	vld [tilespmem:s13+$0x9A00];
	[tilespmem:s13+$0x8E50] =	vst v52  }
0x194: {  	v56 =	vld [tilespmem:s13+$0x9660];
	[tilespmem:s13+$0x9260] =	vst v3;
	v3 =	vadd.f32 v39, v24  }
0x195: {  	v55 =	vadd.f32 v7, v6;
	[tilespmem:s13+$0x9230] =	vst v61;
	v52 =	vld [tilespmem:s13+$0xDA70]  }
0x196: {  	v43 =	vadd.f32 v48, v47;
	v47 =	vld [tilespmem:s13+$0x9A60];
	[tilespmem:s13+$0x9600] =	vst v3;
	v3 =	vadd.f32 v45, v44  }
0x197: {  	[tilespmem:s13+$0x8E70] =	vst v55;
	v63 =	vld [tilespmem:s13+$0xDA00]  }
0x198: {  	v59 =	vld [tilespmem:s13+$0x9670];
	[tilespmem:s13+$0x9620] =	vst v3;
	v3 =	vadd.f32 v51, v50  }
0x199: {  	[tilespmem:s13+$0x9630] =	vst v43;
	v4 =	vadd.f32 v54, v53;
	v39 =	vld [tilespmem:s13+$0xDA20]  }
0x19a: {  	v60 =	vld [tilespmem:s13+$0xD670];
	[tilespmem:s13+$0x9640] =	vst v3;
	v3 =	vadd.f32 v57, v56  }
0x19b: {  	v54 =	vadd.f32 v42, v41;
	[tilespmem:s13+$0x9650] =	vst v4;
	v45 =	vld [tilespmem:s13+$0x9A50]  }
0x19c: {  	v53 =	vld [tilespmem:s13+$0xDA40];
	[tilespmem:s13+$0x9660] =	vst v3;
	v3 =	vadd.f32 v63, v62  }
0x19d: {  	[tilespmem:s13+$0x9A30] =	vst v54;
	v55 =	vadd.f32 v49, v47;
	v50 =	vld [tilespmem:s13+$0x9A70]  }
0x19e: {  	v44 =	vld [tilespmem:s13+$0x9A40];
	[tilespmem:s13+$0x9A00] =	vst v3;
	v3 =	vadd.f32 v39, v38  }
0x19f: {  	v48 =	vadd.f32 v60, v59;
	[tilespmem:s13+$0x9A60] =	vst v55  }
0x1a0: {  	[tilespmem:s13+$0x9A20] =	vst v3;
	v3 =	vadd.f32 v46, v45  }
0x1a1: {  	s17 =	sand.u32 $0x7, s0;
	[tilespmem:s13+$0x9670] =	vst v48;
	v51 =	vadd.f32 v36, v35  }
0x1a2: {  	s14 =	sshll.u32 s17, $0x7;
	[tilespmem:s13+$0x9A50] =	vst v3;
	v3 =	vadd.f32 v52, v50  }
0x1a3: {  	s14 =	sadd.s32 s14, s11;
	[tilespmem:s13+$0x9A10] =	vst v51;
	v56 =	vadd.f32 v53, v44  }
0x1a4: {  	s17 =	sor.u32 $0x1C00, s14;
	[tilespmem:s13+$0x9A70] =	vst v3  }
0x1a5: {  	[tilespmem:s13+$0x9A40] =	vst v56;
	v3 =	vld [tilespmem:s17+$0x8200]  }
0x1a6: {  	v4 =	vld [tilespmem:s17+$0xC200];
	_ =	sdelay $0x4  }
0x1a7: {  	v3 =	vadd.f32 v4, v3;
	_ =	sdelay $0x1  }
0x1a8: {  	s18 =	sor.u32 $0x1C10, s14;
	[tilespmem:s17+$0x8200] =	vst v3  }
0x1a9: {  	v3 =	vld [tilespmem:s18+$0x8200]  }
0x1aa: {  	v57 =	vld [tilespmem:s18+$0xC200];
	_ =	sdelay $0x4  }
0x1ab: {  	v3 =	vadd.f32 v57, v3;
	_ =	sdelay $0x1  }
0x1ac: {  	s17 =	sor.u32 $0x1C20, s14;
	[tilespmem:s18+$0x8200] =	vst v3  }
0x1ad: {  	v3 =	vld [tilespmem:s17+$0x8200]  }
0x1ae: {  	v58 =	vld [tilespmem:s17+$0xC200];
	_ =	sdelay $0x4  }
0x1af: {  	v3 =	vadd.f32 v58, v3;
	_ =	sdelay $0x1  }
0x1b0: {  	s18 =	sor.u32 $0x1C30, s14;
	[tilespmem:s17+$0x8200] =	vst v3  }
0x1b1: {  	v3 =	vld [tilespmem:s18+$0x8200]  }
0x1b2: {  	v59 =	vld [tilespmem:s18+$0xC200];
	_ =	sdelay $0x4  }
0x1b3: {  	v3 =	vadd.f32 v59, v3;
	_ =	sdelay $0x1  }
0x1b4: {  	s17 =	sor.u32 $0x1C40, s14;
	[tilespmem:s18+$0x8200] =	vst v3  }
0x1b5: {  	v3 =	vld [tilespmem:s17+$0x8200]  }
0x1b6: {  	v60 =	vld [tilespmem:s17+$0xC200];
	_ =	sdelay $0x4  }
0x1b7: {  	v3 =	vadd.f32 v60, v3;
	_ =	sdelay $0x1  }
0x1b8: {  	s18 =	sor.u32 $0x1C50, s14;
	[tilespmem:s17+$0x8200] =	vst v3  }
0x1b9: {  	v3 =	vld [tilespmem:s18+$0x8200]  }
0x1ba: {  	v61 =	vld [tilespmem:s18+$0xC200];
	_ =	sdelay $0x4  }
0x1bb: {  	v3 =	vadd.f32 v61, v3;
	_ =	sdelay $0x1  }
0x1bc: {  	s17 =	sor.u32 $0x1C60, s14;
	[tilespmem:s18+$0x8200] =	vst v3  }
0x1bd: {  	v3 =	vld [tilespmem:s17+$0x8200]  }
0x1be: {  	v62 =	vld [tilespmem:s17+$0xC200];
	_ =	sdelay $0x4  }
0x1bf: {  	v3 =	vadd.f32 v62, v3;
	_ =	sdelay $0x1  }
0x1c0: {  	s18 =	sor.u32 $0x1C70, s14;
	[tilespmem:s17+$0x8200] =	vst v3  }
0x1c1: {  	v3 =	vld [tilespmem:s18+$0x8200]  }
0x1c2: {  	v63 =	vld [tilespmem:s18+$0xC200];
	_ =	sdelay $0x1  }
0x1c3: {  	p0 =	sne.s32 s12, $0x780  }
.Ltmp1:
0x1c4: {  	_ = 	snop;
	(pc) =	sbr.rel @p0 .LBB2_5-.Ltmp1, $4  }
0x1c5: {  	_ = 	snop  }
0x1c6: {  	v3 =	vadd.f32 v63, v3  }
0x1c7: {  	s0 =	sadd.s32 $0x1, s0  }
0x1c8: {  	s2 =	sadd.s32 $0x400, s2;
	s12 =	sadd.s32 $0x80, s12;
	s11 =	sadd.s32 $0x400, s11;
	[tilespmem:s18+$0x8200] =	vst v3  }
0x1c9: {  	s0 =	sshll.u32 s31, $0x7  }
0x1ca: {  	s2 =	simm.s32 $0x0;
	s30 =	sadd.s32 $0x1, s30;
	s0 =	sadd.s32 s1, s0  }
0x1cb: {  	[hbm4b:s0+s2] =	stream.linear.scatter [tilespmem:s3], [sflag:$0x3], $0x4000, $0x38;
	[tilespmem:$0x10200] =	vst v63  }
0x1cc: {  	p0 =	sne.s32 s30, $0x8;
	_ =	swait.ge [sflag:s29], $0x4000  }
.Ltmp2:
0x1cd: {  	[sflag:s29] =	ssyncset.done $0x0;
	(pc) =	sbr.rel @p0 .LBB2_2-.Ltmp2, $4  }
0x1ce: {  	[sflag:s29] =	ssyncadd.s32 $0xFFFFC000  }
0x1cf: {  	_ =	swait.ge [sflag:s29], $0x4000  }
0x1d0: {  	[sflag:s29] =	ssyncset.done $0x0  }
0x1d1: {  	[sflag:s29] =	ssyncadd.s32 $0xFFFFC000  }
0x1d2: {  	s2 =	rddreg [dreg:$0x4]  }
0x1d3: {  	s0 =	rddreg [dreg:$0x3];
	s2 =	sadd.s32 $0x1, s2  }
0x1d4: {  	p0 =	sne.s32 s2, s0  }
.Ltmp3:
0x1d5: {  	_ = 	snop;
	(pc) =	sbr.rel @p0 .LBB2_1-.Ltmp3, $1  }
0x1d6: {  	_ =	sdelay $0x3  }
0x1d7: {  	_ =	sfence.sel $0x180000  }
0x1d8: {  	[bflag:$0x0] =	sbarrier.arrive $0xFFFF  }
0x1d9: {  	_ =	strace $0x9000004A  }
0x1da: {  	s0 =	stileid.u32;
	[bflag:$0x2] =	sbarrier.arrive $0xFFFF  }
0x1db: {  	p0 =	sne.s32 s0, $0x0;
	s0 =	rddreg [dreg:$0x2]  }
0x1dc: {  	s0 =	sadd.s32 @!p0 $0x100000, s0  }
0x1dd: {  	[sflag:s0] =	ssyncadd.tile.s32 @!p0 $0x1;
	_ =	shalt  }
.Lfunc_end2:
_tile_overlayer_lowered:
.L_overlay_start_2:
0x1de: {  	(tag) =	ssettag $0x2  }
0x1df: {  	s0 =	rddreg [dreg:$0x0];
	s2 =	stileid.u32  }
0x1e0: {  	s1 =	rddreg [dreg:$0x1];
	p0 =	sne.s32 s2, $0x0  }
0x1e1: {  	s3 =	rddreg [dreg:$0x2];
	[bflag:$0x3] =	sbarrier.arrive $0xFFFF;
	s2 =	simm.s32 @!p0 $0x1C04  }
0x1e2: {  	[timem:s3], [sflag:s2] =	dma.local @!p0 [hbm:s0], s1  }
0x1e3: {  	s0 =	simm.s32 @!p0 $0x4  }
0x1e4: {  	_ =	swait.ge @!p0 [sflag:s0], s1  }
0x1e5: {  	s1 =	ssub.s32 @!p0 $0x0, s1;
	[sflag:s0] =	ssyncset.done @!p0 $0x0  }
0x1e6: {  	[sflag:s0] =	ssyncadd.s32 @!p0 s1  }
0x1e7: {  	[bflag:$0x3] =	sbarrier.arrive $0xFFFF  }
0x1e8: {  	_ =	shalt  }

</sc_bundles>
